<compile_context>
chip_gen: v7x
topology: tpu7x:2x2x1
jax: 0.10.2.dev20260603
libtpu: 0.0.44.dev20260713+nightly
codegen_flags: <defaults>
</compile_context>

<pallas_src>
import functools

import jax
import jax.numpy as jnp
from jax import lax
from jax.experimental import pallas as pl
from jax.experimental.pallas import tpu as pltpu
from jax.experimental.pallas import tpu_sc as plsc

EMB = 32
NT = 4
HIST = 200
BB = 128
CH = 2
LANES = 16


def _make_lookup(n_batch):
    info = plsc.get_sparse_core_info()
    nw = info.num_cores * info.num_subcores
    assert BB * nw == n_batch
    n_chunks = HIST // CH
    assert n_chunks * CH == HIST and n_chunks % 2 == 0

    mesh = plsc.VectorSubcoreMesh(core_axis_name="c", subcore_axis_name="s")

    @functools.partial(
        pl.kernel,
        out_type=jax.ShapeDtypeStruct((HIST, n_batch, EMB), jnp.float32),
        mesh=mesh,
        scratch_types=[
            pltpu.VMEM((2, CH, NT, BB), jnp.int32),
            pltpu.VMEM((2, CH, NT, BB, EMB), jnp.float32),
            pltpu.VMEM((2, CH, BB, EMB), jnp.float32),
            pltpu.SemaphoreType.DMA,
            pltpu.SemaphoreType.DMA,
            pltpu.SemaphoreType.DMA,
            pltpu.SemaphoreType.DMA,
            pltpu.SemaphoreType.DMA,
            pltpu.SemaphoreType.DMA,
        ],
        compiler_params=pltpu.CompilerParams(
            use_tc_tiling_on_sc=False, needs_layout_passes=False),
    )
    def lookup(idx_hbm, w0, w1, w2, w3, out_hbm,
               idx_v, rows_v, out_v, gs0, gs1, is0, is1, os0, os1):
        tables = (w0, w1, w2, w3)
        gsem = (gs0, gs1)
        isem = (is0, is1)
        osem = (os0, os1)
        wid = lax.axis_index("s") * info.num_cores + lax.axis_index("c")
        b0 = wid * BB
        def idx_copies(k, sp):
            return [pltpu.make_async_copy(
                idx_hbm.at[pl.ds(k * CH, CH), :, pl.ds(b0, BB)],
                idx_v.at[sp], isem[sp])]

        def gather_copies(k, sp):
            del k
            return [pltpu.make_async_copy(
                tables[t].at[idx_v.at[sp, c, t]],
                rows_v.at[sp, c, t], gsem[sp])
                for c in range(CH) for t in range(NT)]

        def out_copies(k, sp):
            return [pltpu.make_async_copy(
                out_v.at[sp],
                out_hbm.at[pl.ds(k * CH, CH), pl.ds(b0, BB), :], osem[sp])]

        for c in idx_copies(0, 0):
            c.start()
        for c in idx_copies(0, 0):
            c.wait()
        for c in gather_copies(0, 0):
            c.start()
        for c in idx_copies(1, 1):
            c.start()

        def pair_body(kk, carry):
            for s in (0, 1):
                k = 2 * kk + s
                sn = 1 - s
                for c in gather_copies(k, s):
                    c.wait()

                @pl.when(k + 2 < n_chunks)
                def _prefetch_idx():
                    for c in idx_copies(k + 2, s):
                        c.start()

                @pl.when(k + 1 < n_chunks)
                def _fire_next():
                    for c in idx_copies(k + 1, sn):
                        c.wait()
                    for c in gather_copies(k + 1, sn):
                        c.start()

                @pl.when(k >= 2)
                def _reclaim_out():
                    for c in out_copies(k - 2, s):
                        c.wait()

                for c in range(CH):
                    def b_body(j, carry2, c=c):
                        for h in (0, EMB // 2):
                            d = pl.ds(h, EMB // 2)
                            s01 = (rows_v[s, c, 0, j, d]
                                   + rows_v[s, c, 1, j, d])
                            s23 = (rows_v[s, c, 2, j, d]
                                   + rows_v[s, c, 3, j, d])
                            out_v[s, c, j, d] = (
                                (s01 + s23) * jnp.float32(0.25))
                        return carry2

                    lax.fori_loop(0, BB, b_body, 0, unroll=8)
                for c in out_copies(k, s):
                    c.start()
            return carry

        lax.fori_loop(0, n_chunks // 2, pair_body, 0)
        for c in out_copies(n_chunks - 2, 0):
            c.wait()
        for c in out_copies(n_chunks - 1, 1):
            c.wait()

    return lookup


def kernel(poi_path, W0, W1, W2, W3):
    b, h, nt = poi_path.shape
    idx_t = jnp.transpose(poi_path, (1, 2, 0))
    out = _make_lookup(b)(idx_t, W0, W1, W2, W3)
    return jnp.transpose(out, (1, 0, 2))

# --- scband reference (transcript-rebuilt; emitter-appended) ---
"""Pipeline reference for scband-poiembedding-18322330485363 (READ-ONLY COPY).

The authoritative reference and input builder live on the scoring server;
editing this copy changes nothing except your own understanding.
"""

import jax, jax.numpy as jnp
import numpy as np

LAYER_COUNTS = [100000, 100000, 100000, 100000]
EMB_DIM = 32
BATCH = 4096
HIST = 200


def setup_inputs(seed: int = 0) -> dict:
    key = jax.random.key(seed)
    ks = jax.random.split(key, 1 + len(LAYER_COUNTS))
    # poi_path: int indices, last dim = number of hierarchy levels
    poi_path = jax.random.randint(ks[0], (BATCH, HIST, len(LAYER_COUNTS)), 0, LAYER_COUNTS[0], dtype=jnp.int32)
    inp = {"poi_path": poi_path}
    for i, lc in enumerate(LAYER_COUNTS):
        W = jax.random.normal(ks[1 + i], (lc + 1, EMB_DIM), dtype=jnp.float32) * 0.02
        # padding_idx row (index lc) is zero-initialized, matching nn.Embedding(padding_idx=lc)
        W = W.at[lc].set(0.0)
        inp[f"W{i}"] = W
    return inp


def reference(poi_path, W0, W1, W2, W3):
    tables = [W0, W1, W2, W3]
    n = len(tables)
    chunks = jnp.split(poi_path, n, axis=-1)
    emb_result = None
    for i in range(n):
        idx = jnp.squeeze(chunks[i], axis=-1)
        emb = jnp.take(tables[i], idx, axis=0)
        emb_result = emb if emb_result is None else emb_result + emb
    return emb_result / n

if __name__ == "__main__":
    import jax
    _d = setup_inputs()
    print(jax.jit(kernel)(*tuple(_d.values())))

</pallas_src>

<mosaic_0001>
#map = affine_map<(d0, d1) -> (0, 0, 0)>
#map1 = affine_map<(d0, d1) -> (0, 0)>
module attributes {stable_mosaic.version = 14 : i64} {
  func.func @lookup(%arg0: i32, %arg1: i32, %arg2: memref<200x4x4096xi32, #tpu.memory_space<hbm>>, %arg3: memref<100001x32xf32, #tpu.memory_space<hbm>>, %arg4: memref<100001x32xf32, #tpu.memory_space<hbm>>, %arg5: memref<100001x32xf32, #tpu.memory_space<hbm>>, %arg6: memref<100001x32xf32, #tpu.memory_space<hbm>>, %arg7: memref<200x4096x32xf32, #tpu.memory_space<hbm>>, %arg8: memref<2x2x4x128xi32, #tpu.memory_space<vmem>>, %arg9: memref<2x2x4x128x32xf32, #tpu.memory_space<vmem>>, %arg10: memref<2x2x128x32xf32, #tpu.memory_space<vmem>>, %arg11: memref<!tpu.dma_semaphore, #tpu.memory_space<semaphore_mem>>, %arg12: memref<!tpu.dma_semaphore, #tpu.memory_space<semaphore_mem>>, %arg13: memref<!tpu.dma_semaphore, #tpu.memory_space<semaphore_mem>>, %arg14: memref<!tpu.dma_semaphore, #tpu.memory_space<semaphore_mem>>, %arg15: memref<!tpu.dma_semaphore, #tpu.memory_space<semaphore_mem>>, %arg16: memref<!tpu.dma_semaphore, #tpu.memory_space<semaphore_mem>>) attributes {dimension_semantics = [#tpu.dimension_semantics<core_parallel>, #tpu.dimension_semantics<subcore_parallel>], iteration_bounds = array<i64: 2, 16>, scalar_prefetch = 0 : i64, scratch_operands = 9 : i64, tpu.core_type = #tpu.core_type<sc_vector_subcore>, window_params = [{transform_indices = #map}, {transform_indices = #map1}, {transform_indices = #map1}, {transform_indices = #map1}, {transform_indices = #map1}, {transform_indices = #map}]} {
    %mul3A = arith.constant 2 : i32
    %mul3A_0 = arith.muli %arg1, %mul3A : i32
    %add3A = arith.addi %mul3A_0, %arg0 : i32
    %mul3A_1 = arith.constant 128 : i32
    %mul3A_2 = arith.muli %add3A, %mul3A_1 : i32
    %dma_start3A = arith.constant 0 : i32
    %dma_start3A_3 = arith.constant 0 : i32
    %dma_start3A_4 = arith.constant 0 : i32
    %dma_start3A_5 = arith.constant 0 : i32
    %dma_start3A_6 = tpu.memref_slice %arg8[%dma_start3A, %dma_start3A_3, %dma_start3A_4, %dma_start3A_5] : memref<2x2x4x128xi32, #tpu.memory_space<vmem>> -> memref<1x2x4x128xi32, #tpu.memory_space<vmem>>
    %dma_start3A_7 = tpu.memref_squeeze %dma_start3A_6 : memref<1x2x4x128xi32, #tpu.memory_space<vmem>> -> memref<2x4x128xi32, #tpu.memory_space<vmem>>
    %dma_start3A_8 = arith.constant 0 : i32
    %dma_start3A_9 = arith.constant 0 : i32
    %dma_start3A_10 = tpu.memref_slice %arg2[%dma_start3A_8, %dma_start3A_9, %mul3A_2] : memref<200x4x4096xi32, #tpu.memory_space<hbm>> -> memref<2x4x128xi32, #tpu.memory_space<hbm>>
    %dma_start3A_11 = arith.constant 0 : i32
    %dma_start3A_12 = arith.constant 0 : i32
    %dma_start3A_13 = arith.constant 0 : i32
    %dma_start3A_14 = tpu.memref_slice %arg8[%dma_start3A, %dma_start3A_11, %dma_start3A_12, %dma_start3A_13] : memref<2x2x4x128xi32, #tpu.memory_space<vmem>> -> memref<1x2x4x128xi32, #tpu.memory_space<vmem>>
    %dma_start3A_15 = tpu.memref_squeeze %dma_start3A_14 : memref<1x2x4x128xi32, #tpu.memory_space<vmem>> -> memref<2x4x128xi32, #tpu.memory_space<vmem>>
    %dma_start3A_16 = arith.constant 0 : i32
    %dma_start3A_17 = arith.constant 0 : i32
    %dma_start3A_18 = tpu.memref_slice %arg2[%dma_start3A_16, %dma_start3A_17, %mul3A_2] : memref<200x4x4096xi32, #tpu.memory_space<hbm>> -> memref<2x4x128xi32, #tpu.memory_space<hbm>>
    tpu.enqueue_dma source(%dma_start3A_18 : memref<2x4x128xi32, #tpu.memory_space<hbm>>) target(%dma_start3A_15 : memref<2x4x128xi32, #tpu.memory_space<vmem>>) target_semaphore(%arg13 : memref<!tpu.dma_semaphore, #tpu.memory_space<semaphore_mem>>)
    %dma_wait3A = arith.constant 0 : i32
    %dma_wait3A_19 = arith.constant 0 : i32
    %dma_wait3A_20 = arith.constant 0 : i32
    %dma_wait3A_21 = arith.constant 0 : i32
    %dma_wait3A_22 = tpu.memref_slice %arg8[%dma_wait3A, %dma_wait3A_19, %dma_wait3A_20, %dma_wait3A_21] : memref<2x2x4x128xi32, #tpu.memory_space<vmem>> -> memref<1x2x4x128xi32, #tpu.memory_space<vmem>>
    %dma_wait3A_23 = tpu.memref_squeeze %dma_wait3A_22 : memref<1x2x4x128xi32, #tpu.memory_space<vmem>> -> memref<2x4x128xi32, #tpu.memory_space<vmem>>
    %dma_wait3A_24 = arith.constant 0 : i32
    %dma_wait3A_25 = arith.constant 0 : i32
    %dma_wait3A_26 = tpu.memref_slice %arg2[%dma_wait3A_24, %dma_wait3A_25, %mul3A_2] : memref<200x4x4096xi32, #tpu.memory_space<hbm>> -> memref<2x4x128xi32, #tpu.memory_space<hbm>>
    %dma_wait3A_27 = arith.constant 0 : i32
    %dma_wait3A_28 = arith.constant 0 : i32
    %dma_wait3A_29 = arith.constant 0 : i32
    %dma_wait3A_30 = tpu.memref_slice %arg8[%dma_wait3A, %dma_wait3A_27, %dma_wait3A_28, %dma_wait3A_29] : memref<2x2x4x128xi32, #tpu.memory_space<vmem>> -> memref<1x2x4x128xi32, #tpu.memory_space<vmem>>
    %dma_wait3A_31 = tpu.memref_squeeze %dma_wait3A_30 : memref<1x2x4x128xi32, #tpu.memory_space<vmem>> -> memref<2x4x128xi32, #tpu.memory_space<vmem>>
    %dma_wait3A_32 = arith.constant 0 : i32
    %dma_wait3A_33 = arith.constant 0 : i32
    %dma_wait3A_34 = tpu.memref_slice %arg2[%dma_wait3A_32, %dma_wait3A_33, %mul3A_2] : memref<200x4x4096xi32, #tpu.memory_space<hbm>> -> memref<2x4x128xi32, #tpu.memory_space<hbm>>
    tpu.wait_dma2 semaphore(%arg13 : memref<!tpu.dma_semaphore, #tpu.memory_space<semaphore_mem>>) src(%dma_wait3A_34 : memref<2x4x128xi32, #tpu.memory_space<hbm>>) dst(%dma_wait3A_31 : memref<2x4x128xi32, #tpu.memory_space<vmem>>)
    %dma_start3A_35 = arith.constant 0 : i32
    %dma_start3A_36 = arith.constant 0 : i32
    %dma_start3A_37 = arith.constant 0 : i32
    %dma_start3A_38 = arith.constant 0 : i32
    %dma_start3A_39 = arith.constant 0 : i32
    %dma_start3A_40 = arith.constant 0 : i32
    %dma_start3A_41 = arith.constant 0 : i32
    %dma_start3A_42 = arith.constant 0 : i32
    %dma_start3A_43 = tpu.memref_slice %arg9[%dma_start3A_38, %dma_start3A_39, %dma_start3A_40, %dma_start3A_41, %dma_start3A_42] : memref<2x2x4x128x32xf32, #tpu.memory_space<vmem>> -> memref<1x1x1x128x32xf32, #tpu.memory_space<vmem>>
    %dma_start3A_44 = tpu.memref_squeeze %dma_start3A_43 : memref<1x1x1x128x32xf32, #tpu.memory_space<vmem>> -> memref<128x32xf32, #tpu.memory_space<vmem>>
    %dma_start3A_45 = arith.constant 0 : i32
    %dma_start3A_46 = tpu.memref_slice %arg8[%dma_start3A_35, %dma_start3A_36, %dma_start3A_37, %dma_start3A_45] : memref<2x2x4x128xi32, #tpu.memory_space<vmem>> -> memref<1x1x1x128xi32, #tpu.memory_space<vmem>>
    %dma_start3A_47 = tpu.memref_squeeze %dma_start3A_46 : memref<1x1x1x128xi32, #tpu.memory_space<vmem>> -> memref<128xi32, #tpu.memory_space<vmem>>
    %dma_start3A_48 = arith.constant 0 : i32
    %dma_start3A_49 = arith.constant 0 : i32
    %dma_start3A_50 = tpu.memref_slice %arg3[%dma_start3A_48, %dma_start3A_49] : memref<100001x32xf32, #tpu.memory_space<hbm>> -> memref<100001x32xf32, #tpu.memory_space<hbm>>
    tpu.enqueue_indirect_dma source(%dma_start3A_50 : memref<100001x32xf32, #tpu.memory_space<hbm>>) target(%dma_start3A_44 : memref<128x32xf32, #tpu.memory_space<vmem>>) offsets(%dma_start3A_47 : memref<128xi32, #tpu.memory_space<vmem>>) semaphore(%arg11 : memref<!tpu.dma_semaphore, #tpu.memory_space<semaphore_mem>>)
    %dma_start3A_51 = arith.constant 0 : i32
    %dma_start3A_52 = arith.constant 0 : i32
    %dma_start3A_53 = arith.constant 1 : i32
    %dma_start3A_54 = arith.constant 0 : i32
    %dma_start3A_55 = arith.constant 0 : i32
    %dma_start3A_56 = arith.constant 1 : i32
    %dma_start3A_57 = arith.constant 0 : i32
    %dma_start3A_58 = arith.constant 0 : i32
    %dma_start3A_59 = tpu.memref_slice %arg9[%dma_start3A_54, %dma_start3A_55, %dma_start3A_56, %dma_start3A_57, %dma_start3A_58] : memref<2x2x4x128x32xf32, #tpu.memory_space<vmem>> -> memref<1x1x1x128x32xf32, #tpu.memory_space<vmem>>
    %dma_start3A_60 = tpu.memref_squeeze %dma_start3A_59 : memref<1x1x1x128x32xf32, #tpu.memory_space<vmem>> -> memref<128x32xf32, #tpu.memory_space<vmem>>
    %dma_start3A_61 = arith.constant 0 : i32
    %dma_start3A_62 = tpu.memref_slice %arg8[%dma_start3A_51, %dma_start3A_52, %dma_start3A_53, %dma_start3A_61] : memref<2x2x4x128xi32, #tpu.memory_space<vmem>> -> memref<1x1x1x128xi32, #tpu.memory_space<vmem>>
    %dma_start3A_63 = tpu.memref_squeeze %dma_start3A_62 : memref<1x1x1x128xi32, #tpu.memory_space<vmem>> -> memref<128xi32, #tpu.memory_space<vmem>>
    %dma_start3A_64 = arith.constant 0 : i32
    %dma_start3A_65 = arith.constant 0 : i32
    %dma_start3A_66 = tpu.memref_slice %arg4[%dma_start3A_64, %dma_start3A_65] : memref<100001x32xf32, #tpu.memory_space<hbm>> -> memref<100001x32xf32, #tpu.memory_space<hbm>>
    tpu.enqueue_indirect_dma source(%dma_start3A_66 : memref<100001x32xf32, #tpu.memory_space<hbm>>) target(%dma_start3A_60 : memref<128x32xf32, #tpu.memory_space<vmem>>) offsets(%dma_start3A_63 : memref<128xi32, #tpu.memory_space<vmem>>) semaphore(%arg11 : memref<!tpu.dma_semaphore, #tpu.memory_space<semaphore_mem>>)
    %dma_start3A_67 = arith.constant 0 : i32
    %dma_start3A_68 = arith.constant 0 : i32
    %dma_start3A_69 = arith.constant 2 : i32
    %dma_start3A_70 = arith.constant 0 : i32
    %dma_start3A_71 = arith.constant 0 : i32
    %dma_start3A_72 = arith.constant 2 : i32
    %dma_start3A_73 = arith.constant 0 : i32
    %dma_start3A_74 = arith.constant 0 : i32
    %dma_start3A_75 = tpu.memref_slice %arg9[%dma_start3A_70, %dma_start3A_71, %dma_start3A_72, %dma_start3A_73, %dma_start3A_74] : memref<2x2x4x128x32xf32, #tpu.memory_space<vmem>> -> memref<1x1x1x128x32xf32, #tpu.memory_space<vmem>>
    %dma_start3A_76 = tpu.memref_squeeze %dma_start3A_75 : memref<1x1x1x128x32xf32, #tpu.memory_space<vmem>> -> memref<128x32xf32, #tpu.memory_space<vmem>>
    %dma_start3A_77 = arith.constant 0 : i32
    %dma_start3A_78 = tpu.memref_slice %arg8[%dma_start3A_67, %dma_start3A_68, %dma_start3A_69, %dma_start3A_77] : memref<2x2x4x128xi32, #tpu.memory_space<vmem>> -> memref<1x1x1x128xi32, #tpu.memory_space<vmem>>
    %dma_start3A_79 = tpu.memref_squeeze %dma_start3A_78 : memref<1x1x1x128xi32, #tpu.memory_space<vmem>> -> memref<128xi32, #tpu.memory_space<vmem>>
    %dma_start3A_80 = arith.constant 0 : i32
    %dma_start3A_81 = arith.constant 0 : i32
    %dma_start3A_82 = tpu.memref_slice %arg5[%dma_start3A_80, %dma_start3A_81] : memref<100001x32xf32, #tpu.memory_space<hbm>> -> memref<100001x32xf32, #tpu.memory_space<hbm>>
    tpu.enqueue_indirect_dma source(%dma_start3A_82 : memref<100001x32xf32, #tpu.memory_space<hbm>>) target(%dma_start3A_76 : memref<128x32xf32, #tpu.memory_space<vmem>>) offsets(%dma_start3A_79 : memref<128xi32, #tpu.memory_space<vmem>>) semaphore(%arg11 : memref<!tpu.dma_semaphore, #tpu.memory_space<semaphore_mem>>)
    %dma_start3A_83 = arith.constant 0 : i32
    %dma_start3A_84 = arith.constant 0 : i32
    %dma_start3A_85 = arith.constant 3 : i32
    %dma_start3A_86 = arith.constant 0 : i32
    %dma_start3A_87 = arith.constant 0 : i32
    %dma_start3A_88 = arith.constant 3 : i32
    %dma_start3A_89 = arith.constant 0 : i32
    %dma_start3A_90 = arith.constant 0 : i32
    %dma_start3A_91 = tpu.memref_slice %arg9[%dma_start3A_86, %dma_start3A_87, %dma_start3A_88, %dma_start3A_89, %dma_start3A_90] : memref<2x2x4x128x32xf32, #tpu.memory_space<vmem>> -> memref<1x1x1x128x32xf32, #tpu.memory_space<vmem>>
    %dma_start3A_92 = tpu.memref_squeeze %dma_start3A_91 : memref<1x1x1x128x32xf32, #tpu.memory_space<vmem>> -> memref<128x32xf32, #tpu.memory_space<vmem>>
    %dma_start3A_93 = arith.constant 0 : i32
    %dma_start3A_94 = tpu.memref_slice %arg8[%dma_start3A_83, %dma_start3A_84, %dma_start3A_85, %dma_start3A_93] : memref<2x2x4x128xi32, #tpu.memory_space<vmem>> -> memref<1x1x1x128xi32, #tpu.memory_space<vmem>>
    %dma_start3A_95 = tpu.memref_squeeze %dma_start3A_94 : memref<1x1x1x128xi32, #tpu.memory_space<vmem>> -> memref<128xi32, #tpu.memory_space<vmem>>
    %dma_start3A_96 = arith.constant 0 : i32
    %dma_start3A_97 = arith.constant 0 : i32
    %dma_start3A_98 = tpu.memref_slice %arg6[%dma_start3A_96, %dma_start3A_97] : memref<100001x32xf32, #tpu.memory_space<hbm>> -> memref<100001x32xf32, #tpu.memory_space<hbm>>
    tpu.enqueue_indirect_dma source(%dma_start3A_98 : memref<100001x32xf32, #tpu.memory_space<hbm>>) target(%dma_start3A_92 : memref<128x32xf32, #tpu.memory_space<vmem>>) offsets(%dma_start3A_95 : memref<128xi32, #tpu.memory_space<vmem>>) semaphore(%arg11 : memref<!tpu.dma_semaphore, #tpu.memory_space<semaphore_mem>>)
    %dma_start3A_99 = arith.constant 0 : i32
    %dma_start3A_100 = arith.constant 1 : i32
    %dma_start3A_101 = arith.constant 0 : i32
    %dma_start3A_102 = arith.constant 0 : i32
    %dma_start3A_103 = arith.constant 1 : i32
    %dma_start3A_104 = arith.constant 0 : i32
    %dma_start3A_105 = arith.constant 0 : i32
    %dma_start3A_106 = arith.constant 0 : i32
    %dma_start3A_107 = tpu.memref_slice %arg9[%dma_start3A_102, %dma_start3A_103, %dma_start3A_104, %dma_start3A_105, %dma_start3A_106] : memref<2x2x4x128x32xf32, #tpu.memory_space<vmem>> -> memref<1x1x1x128x32xf32, #tpu.memory_space<vmem>>
    %dma_start3A_108 = tpu.memref_squeeze %dma_start3A_107 : memref<1x1x1x128x32xf32, #tpu.memory_space<vmem>> -> memref<128x32xf32, #tpu.memory_space<vmem>>
    %dma_start3A_109 = arith.constant 0 : i32
    %dma_start3A_110 = tpu.memref_slice %arg8[%dma_start3A_99, %dma_start3A_100, %dma_start3A_101, %dma_start3A_109] : memref<2x2x4x128xi32, #tpu.memory_space<vmem>> -> memref<1x1x1x128xi32, #tpu.memory_space<vmem>>
    %dma_start3A_111 = tpu.memref_squeeze %dma_start3A_110 : memref<1x1x1x128xi32, #tpu.memory_space<vmem>> -> memref<128xi32, #tpu.memory_space<vmem>>
    %dma_start3A_112 = arith.constant 0 : i32
    %dma_start3A_113 = arith.constant 0 : i32
    %dma_start3A_114 = tpu.memref_slice %arg3[%dma_start3A_112, %dma_start3A_113] : memref<100001x32xf32, #tpu.memory_space<hbm>> -> memref<100001x32xf32, #tpu.memory_space<hbm>>
    tpu.enqueue_indirect_dma source(%dma_start3A_114 : memref<100001x32xf32, #tpu.memory_space<hbm>>) target(%dma_start3A_108 : memref<128x32xf32, #tpu.memory_space<vmem>>) offsets(%dma_start3A_111 : memref<128xi32, #tpu.memory_space<vmem>>) semaphore(%arg11 : memref<!tpu.dma_semaphore, #tpu.memory_space<semaphore_mem>>)
    %dma_start3A_115 = arith.constant 0 : i32
    %dma_start3A_116 = arith.constant 1 : i32
    %dma_start3A_117 = arith.constant 1 : i32
    %dma_start3A_118 = arith.constant 0 : i32
    %dma_start3A_119 = arith.constant 1 : i32
    %dma_start3A_120 = arith.constant 1 : i32
    %dma_start3A_121 = arith.constant 0 : i32
    %dma_start3A_122 = arith.constant 0 : i32
    %dma_start3A_123 = tpu.memref_slice %arg9[%dma_start3A_118, %dma_start3A_119, %dma_start3A_120, %dma_start3A_121, %dma_start3A_122] : memref<2x2x4x128x32xf32, #tpu.memory_space<vmem>> -> memref<1x1x1x128x32xf32, #tpu.memory_space<vmem>>
    %dma_start3A_124 = tpu.memref_squeeze %dma_start3A_123 : memref<1x1x1x128x32xf32, #tpu.memory_space<vmem>> -> memref<128x32xf32, #tpu.memory_space<vmem>>
    %dma_start3A_125 = arith.constant 0 : i32
    %dma_start3A_126 = tpu.memref_slice %arg8[%dma_start3A_115, %dma_start3A_116, %dma_start3A_117, %dma_start3A_125] : memref<2x2x4x128xi32, #tpu.memory_space<vmem>> -> memref<1x1x1x128xi32, #tpu.memory_space<vmem>>
    %dma_start3A_127 = tpu.memref_squeeze %dma_start3A_126 : memref<1x1x1x128xi32, #tpu.memory_space<vmem>> -> memref<128xi32, #tpu.memory_space<vmem>>
    %dma_start3A_128 = arith.constant 0 : i32
    %dma_start3A_129 = arith.constant 0 : i32
    %dma_start3A_130 = tpu.memref_slice %arg4[%dma_start3A_128, %dma_start3A_129] : memref<100001x32xf32, #tpu.memory_space<hbm>> -> memref<100001x32xf32, #tpu.memory_space<hbm>>
    tpu.enqueue_indirect_dma source(%dma_start3A_130 : memref<100001x32xf32, #tpu.memory_space<hbm>>) target(%dma_start3A_124 : memref<128x32xf32, #tpu.memory_space<vmem>>) offsets(%dma_start3A_127 : memref<128xi32, #tpu.memory_space<vmem>>) semaphore(%arg11 : memref<!tpu.dma_semaphore, #tpu.memory_space<semaphore_mem>>)
    %dma_start3A_131 = arith.constant 0 : i32
    %dma_start3A_132 = arith.constant 1 : i32
    %dma_start3A_133 = arith.constant 2 : i32
    %dma_start3A_134 = arith.constant 0 : i32
    %dma_start3A_135 = arith.constant 1 : i32
    %dma_start3A_136 = arith.constant 2 : i32
    %dma_start3A_137 = arith.constant 0 : i32
    %dma_start3A_138 = arith.constant 0 : i32
    %dma_start3A_139 = tpu.memref_slice %arg9[%dma_start3A_134, %dma_start3A_135, %dma_start3A_136, %dma_start3A_137, %dma_start3A_138] : memref<2x2x4x128x32xf32, #tpu.memory_space<vmem>> -> memref<1x1x1x128x32xf32, #tpu.memory_space<vmem>>
    %dma_start3A_140 = tpu.memref_squeeze %dma_start3A_139 : memref<1x1x1x128x32xf32, #tpu.memory_space<vmem>> -> memref<128x32xf32, #tpu.memory_space<vmem>>
    %dma_start3A_141 = arith.constant 0 : i32
    %dma_start3A_142 = tpu.memref_slice %arg8[%dma_start3A_131, %dma_start3A_132, %dma_start3A_133, %dma_start3A_141] : memref<2x2x4x128xi32, #tpu.memory_space<vmem>> -> memref<1x1x1x128xi32, #tpu.memory_space<vmem>>
    %dma_start3A_143 = tpu.memref_squeeze %dma_start3A_142 : memref<1x1x1x128xi32, #tpu.memory_space<vmem>> -> memref<128xi32, #tpu.memory_space<vmem>>
    %dma_start3A_144 = arith.constant 0 : i32
    %dma_start3A_145 = arith.constant 0 : i32
    %dma_start3A_146 = tpu.memref_slice %arg5[%dma_start3A_144, %dma_start3A_145] : memref<100001x32xf32, #tpu.memory_space<hbm>> -> memref<100001x32xf32, #tpu.memory_space<hbm>>
    tpu.enqueue_indirect_dma source(%dma_start3A_146 : memref<100001x32xf32, #tpu.memory_space<hbm>>) target(%dma_start3A_140 : memref<128x32xf32, #tpu.memory_space<vmem>>) offsets(%dma_start3A_143 : memref<128xi32, #tpu.memory_space<vmem>>) semaphore(%arg11 : memref<!tpu.dma_semaphore, #tpu.memory_space<semaphore_mem>>)
    %dma_start3A_147 = arith.constant 0 : i32
    %dma_start3A_148 = arith.constant 1 : i32
    %dma_start3A_149 = arith.constant 3 : i32
    %dma_start3A_150 = arith.constant 0 : i32
    %dma_start3A_151 = arith.constant 1 : i32
    %dma_start3A_152 = arith.constant 3 : i32
    %dma_start3A_153 = arith.constant 0 : i32
    %dma_start3A_154 = arith.constant 0 : i32
    %dma_start3A_155 = tpu.memref_slice %arg9[%dma_start3A_150, %dma_start3A_151, %dma_start3A_152, %dma_start3A_153, %dma_start3A_154] : memref<2x2x4x128x32xf32, #tpu.memory_space<vmem>> -> memref<1x1x1x128x32xf32, #tpu.memory_space<vmem>>
    %dma_start3A_156 = tpu.memref_squeeze %dma_start3A_155 : memref<1x1x1x128x32xf32, #tpu.memory_space<vmem>> -> memref<128x32xf32, #tpu.memory_space<vmem>>
    %dma_start3A_157 = arith.constant 0 : i32
    %dma_start3A_158 = tpu.memref_slice %arg8[%dma_start3A_147, %dma_start3A_148, %dma_start3A_149, %dma_start3A_157] : memref<2x2x4x128xi32, #tpu.memory_space<vmem>> -> memref<1x1x1x128xi32, #tpu.memory_space<vmem>>
    %dma_start3A_159 = tpu.memref_squeeze %dma_start3A_158 : memref<1x1x1x128xi32, #tpu.memory_space<vmem>> -> memref<128xi32, #tpu.memory_space<vmem>>
    %dma_start3A_160 = arith.constant 0 : i32
    %dma_start3A_161 = arith.constant 0 : i32
    %dma_start3A_162 = tpu.memref_slice %arg6[%dma_start3A_160, %dma_start3A_161] : memref<100001x32xf32, #tpu.memory_space<hbm>> -> memref<100001x32xf32, #tpu.memory_space<hbm>>
    tpu.enqueue_indirect_dma source(%dma_start3A_162 : memref<100001x32xf32, #tpu.memory_space<hbm>>) target(%dma_start3A_156 : memref<128x32xf32, #tpu.memory_space<vmem>>) offsets(%dma_start3A_159 : memref<128xi32, #tpu.memory_space<vmem>>) semaphore(%arg11 : memref<!tpu.dma_semaphore, #tpu.memory_space<semaphore_mem>>)
    %dma_start3A_163 = arith.constant 1 : i32
    %dma_start3A_164 = arith.constant 0 : i32
    %dma_start3A_165 = arith.constant 0 : i32
    %dma_start3A_166 = arith.constant 0 : i32
    %dma_start3A_167 = tpu.memref_slice %arg8[%dma_start3A_163, %dma_start3A_164, %dma_start3A_165, %dma_start3A_166] : memref<2x2x4x128xi32, #tpu.memory_space<vmem>> -> memref<1x2x4x128xi32, #tpu.memory_space<vmem>>
    %dma_start3A_168 = tpu.memref_squeeze %dma_start3A_167 : memref<1x2x4x128xi32, #tpu.memory_space<vmem>> -> memref<2x4x128xi32, #tpu.memory_space<vmem>>
    %dma_start3A_169 = arith.constant 2 : i32
    %dma_start3A_170 = arith.constant 0 : i32
    %dma_start3A_171 = tpu.memref_slice %arg2[%dma_start3A_169, %dma_start3A_170, %mul3A_2] : memref<200x4x4096xi32, #tpu.memory_space<hbm>> -> memref<2x4x128xi32, #tpu.memory_space<hbm>>
    %dma_start3A_172 = arith.constant 0 : i32
    %dma_start3A_173 = arith.constant 0 : i32
    %dma_start3A_174 = arith.constant 0 : i32
    %dma_start3A_175 = tpu.memref_slice %arg8[%dma_start3A_163, %dma_start3A_172, %dma_start3A_173, %dma_start3A_174] : memref<2x2x4x128xi32, #tpu.memory_space<vmem>> -> memref<1x2x4x128xi32, #tpu.memory_space<vmem>>
    %dma_start3A_176 = tpu.memref_squeeze %dma_start3A_175 : memref<1x2x4x128xi32, #tpu.memory_space<vmem>> -> memref<2x4x128xi32, #tpu.memory_space<vmem>>
    %dma_start3A_177 = arith.constant 2 : i32
    %dma_start3A_178 = arith.constant 0 : i32
    %dma_start3A_179 = tpu.memref_slice %arg2[%dma_start3A_177, %dma_start3A_178, %mul3A_2] : memref<200x4x4096xi32, #tpu.memory_space<hbm>> -> memref<2x4x128xi32, #tpu.memory_space<hbm>>
    tpu.enqueue_dma source(%dma_start3A_179 : memref<2x4x128xi32, #tpu.memory_space<hbm>>) target(%dma_start3A_176 : memref<2x4x128xi32, #tpu.memory_space<vmem>>) target_semaphore(%arg14 : memref<!tpu.dma_semaphore, #tpu.memory_space<semaphore_mem>>)
    %scan3A = arith.constant 0 : i32
    %scan3A_180 = arith.constant 0 : i32
    %scan3A_181 = arith.constant 50 : i32
    %scan3A_182 = arith.addi %scan3A_180, %scan3A_181 : i32
    %scan3A_183 = arith.constant 1 : i32
    scf.for %scan3A_219 = %scan3A_180 to %scan3A_182 step %scan3A_183  : i32 {
      %mul3A_220 = arith.constant 2 : i32
      %mul3A_221 = arith.muli %mul3A_220, %scan3A_219 : i32
      %add3A_222 = arith.constant 0 : i32
      %add3A_223 = arith.addi %mul3A_221, %add3A_222 : i32
      %dma_wait3A_224 = arith.constant 0 : i32
      %dma_wait3A_225 = arith.constant 0 : i32
      %dma_wait3A_226 = arith.constant 0 : i32
      %dma_wait3A_227 = arith.constant 0 : i32
      %dma_wait3A_228 = arith.constant 0 : i32
      %dma_wait3A_229 = arith.constant 0 : i32
      %dma_wait3A_230 = arith.constant 0 : i32
      %dma_wait3A_231 = arith.constant 0 : i32
      %dma_wait3A_232 = tpu.memref_slice %arg9[%dma_wait3A_227, %dma_wait3A_228, %dma_wait3A_229, %dma_wait3A_230, %dma_wait3A_231] : memref<2x2x4x128x32xf32, #tpu.memory_space<vmem>> -> memref<1x1x1x128x32xf32, #tpu.memory_space<vmem>>
      %dma_wait3A_233 = tpu.memref_squeeze %dma_wait3A_232 : memref<1x1x1x128x32xf32, #tpu.memory_space<vmem>> -> memref<128x32xf32, #tpu.memory_space<vmem>>
      %dma_wait3A_234 = arith.constant 0 : i32
      %dma_wait3A_235 = tpu.memref_slice %arg8[%dma_wait3A_224, %dma_wait3A_225, %dma_wait3A_226, %dma_wait3A_234] : memref<2x2x4x128xi32, #tpu.memory_space<vmem>> -> memref<1x1x1x128xi32, #tpu.memory_space<vmem>>
      %dma_wait3A_236 = tpu.memref_squeeze %dma_wait3A_235 : memref<1x1x1x128xi32, #tpu.memory_space<vmem>> -> memref<128xi32, #tpu.memory_space<vmem>>
      %dma_wait3A_237 = arith.constant 0 : i32
      %dma_wait3A_238 = arith.constant 0 : i32
      %dma_wait3A_239 = tpu.memref_slice %arg3[%dma_wait3A_237, %dma_wait3A_238] : memref<100001x32xf32, #tpu.memory_space<hbm>> -> memref<100001x32xf32, #tpu.memory_space<hbm>>
      tpu.wait_indirect_dma semaphore(%arg11 : memref<!tpu.dma_semaphore, #tpu.memory_space<semaphore_mem>>) src(%dma_wait3A_239 : memref<100001x32xf32, #tpu.memory_space<hbm>>) dst(%dma_wait3A_233 : memref<128x32xf32, #tpu.memory_space<vmem>>)
      %dma_wait3A_240 = arith.constant 0 : i32
      %dma_wait3A_241 = arith.constant 0 : i32
      %dma_wait3A_242 = arith.constant 1 : i32
      %dma_wait3A_243 = arith.constant 0 : i32
      %dma_wait3A_244 = arith.constant 0 : i32
      %dma_wait3A_245 = arith.constant 1 : i32
      %dma_wait3A_246 = arith.constant 0 : i32
      %dma_wait3A_247 = arith.constant 0 : i32
      %dma_wait3A_248 = tpu.memref_slice %arg9[%dma_wait3A_243, %dma_wait3A_244, %dma_wait3A_245, %dma_wait3A_246, %dma_wait3A_247] : memref<2x2x4x128x32xf32, #tpu.memory_space<vmem>> -> memref<1x1x1x128x32xf32, #tpu.memory_space<vmem>>
      %dma_wait3A_249 = tpu.memref_squeeze %dma_wait3A_248 : memref<1x1x1x128x32xf32, #tpu.memory_space<vmem>> -> memref<128x32xf32, #tpu.memory_space<vmem>>
      %dma_wait3A_250 = arith.constant 0 : i32
      %dma_wait3A_251 = tpu.memref_slice %arg8[%dma_wait3A_240, %dma_wait3A_241, %dma_wait3A_242, %dma_wait3A_250] : memref<2x2x4x128xi32, #tpu.memory_space<vmem>> -> memref<1x1x1x128xi32, #tpu.memory_space<vmem>>
      %dma_wait3A_252 = tpu.memref_squeeze %dma_wait3A_251 : memref<1x1x1x128xi32, #tpu.memory_space<vmem>> -> memref<128xi32, #tpu.memory_space<vmem>>
      %dma_wait3A_253 = arith.constant 0 : i32
      %dma_wait3A_254 = arith.constant 0 : i32
      %dma_wait3A_255 = tpu.memref_slice %arg4[%dma_wait3A_253, %dma_wait3A_254] : memref<100001x32xf32, #tpu.memory_space<hbm>> -> memref<100001x32xf32, #tpu.memory_space<hbm>>
      tpu.wait_indirect_dma semaphore(%arg11 : memref<!tpu.dma_semaphore, #tpu.memory_space<semaphore_mem>>) src(%dma_wait3A_255 : memref<100001x32xf32, #tpu.memory_space<hbm>>) dst(%dma_wait3A_249 : memref<128x32xf32, #tpu.memory_space<vmem>>)
      %dma_wait3A_256 = arith.constant 0 : i32
      %dma_wait3A_257 = arith.constant 0 : i32
      %dma_wait3A_258 = arith.constant 2 : i32
      %dma_wait3A_259 = arith.constant 0 : i32
      %dma_wait3A_260 = arith.constant 0 : i32
      %dma_wait3A_261 = arith.constant 2 : i32
      %dma_wait3A_262 = arith.constant 0 : i32
      %dma_wait3A_263 = arith.constant 0 : i32
      %dma_wait3A_264 = tpu.memref_slice %arg9[%dma_wait3A_259, %dma_wait3A_260, %dma_wait3A_261, %dma_wait3A_262, %dma_wait3A_263] : memref<2x2x4x128x32xf32, #tpu.memory_space<vmem>> -> memref<1x1x1x128x32xf32, #tpu.memory_space<vmem>>
      %dma_wait3A_265 = tpu.memref_squeeze %dma_wait3A_264 : memref<1x1x1x128x32xf32, #tpu.memory_space<vmem>> -> memref<128x32xf32, #tpu.memory_space<vmem>>
      %dma_wait3A_266 = arith.constant 0 : i32
      %dma_wait3A_267 = tpu.memref_slice %arg8[%dma_wait3A_256, %dma_wait3A_257, %dma_wait3A_258, %dma_wait3A_266] : memref<2x2x4x128xi32, #tpu.memory_space<vmem>> -> memref<1x1x1x128xi32, #tpu.memory_space<vmem>>
      %dma_wait3A_268 = tpu.memref_squeeze %dma_wait3A_267 : memref<1x1x1x128xi32, #tpu.memory_space<vmem>> -> memref<128xi32, #tpu.memory_space<vmem>>
      %dma_wait3A_269 = arith.constant 0 : i32
      %dma_wait3A_270 = arith.constant 0 : i32
      %dma_wait3A_271 = tpu.memref_slice %arg5[%dma_wait3A_269, %dma_wait3A_270] : memref<100001x32xf32, #tpu.memory_space<hbm>> -> memref<100001x32xf32, #tpu.memory_space<hbm>>
      tpu.wait_indirect_dma semaphore(%arg11 : memref<!tpu.dma_semaphore, #tpu.memory_space<semaphore_mem>>) src(%dma_wait3A_271 : memref<100001x32xf32, #tpu.memory_space<hbm>>) dst(%dma_wait3A_265 : memref<128x32xf32, #tpu.memory_space<vmem>>)
      %dma_wait3A_272 = arith.constant 0 : i32
      %dma_wait3A_273 = arith.constant 0 : i32
      %dma_wait3A_274 = arith.constant 3 : i32
      %dma_wait3A_275 = arith.constant 0 : i32
      %dma_wait3A_276 = arith.constant 0 : i32
      %dma_wait3A_277 = arith.constant 3 : i32
      %dma_wait3A_278 = arith.constant 0 : i32
      %dma_wait3A_279 = arith.constant 0 : i32
      %dma_wait3A_280 = tpu.memref_slice %arg9[%dma_wait3A_275, %dma_wait3A_276, %dma_wait3A_277, %dma_wait3A_278, %dma_wait3A_279] : memref<2x2x4x128x32xf32, #tpu.memory_space<vmem>> -> memref<1x1x1x128x32xf32, #tpu.memory_space<vmem>>
      %dma_wait3A_281 = tpu.memref_squeeze %dma_wait3A_280 : memref<1x1x1x128x32xf32, #tpu.memory_space<vmem>> -> memref<128x32xf32, #tpu.memory_space<vmem>>
      %dma_wait3A_282 = arith.constant 0 : i32
      %dma_wait3A_283 = tpu.memref_slice %arg8[%dma_wait3A_272, %dma_wait3A_273, %dma_wait3A_274, %dma_wait3A_282] : memref<2x2x4x128xi32, #tpu.memory_space<vmem>> -> memref<1x1x1x128xi32, #tpu.memory_space<vmem>>
      %dma_wait3A_284 = tpu.memref_squeeze %dma_wait3A_283 : memref<1x1x1x128xi32, #tpu.memory_space<vmem>> -> memref<128xi32, #tpu.memory_space<vmem>>
      %dma_wait3A_285 = arith.constant 0 : i32
      %dma_wait3A_286 = arith.constant 0 : i32
      %dma_wait3A_287 = tpu.memref_slice %arg6[%dma_wait3A_285, %dma_wait3A_286] : memref<100001x32xf32, #tpu.memory_space<hbm>> -> memref<100001x32xf32, #tpu.memory_space<hbm>>
      tpu.wait_indirect_dma semaphore(%arg11 : memref<!tpu.dma_semaphore, #tpu.memory_space<semaphore_mem>>) src(%dma_wait3A_287 : memref<100001x32xf32, #tpu.memory_space<hbm>>) dst(%dma_wait3A_281 : memref<128x32xf32, #tpu.memory_space<vmem>>)
      %dma_wait3A_288 = arith.constant 0 : i32
      %dma_wait3A_289 = arith.constant 1 : i32
      %dma_wait3A_290 = arith.constant 0 : i32
      %dma_wait3A_291 = arith.constant 0 : i32
      %dma_wait3A_292 = arith.constant 1 : i32
      %dma_wait3A_293 = arith.constant 0 : i32
      %dma_wait3A_294 = arith.constant 0 : i32
      %dma_wait3A_295 = arith.constant 0 : i32
      %dma_wait3A_296 = tpu.memref_slice %arg9[%dma_wait3A_291, %dma_wait3A_292, %dma_wait3A_293, %dma_wait3A_294, %dma_wait3A_295] : memref<2x2x4x128x32xf32, #tpu.memory_space<vmem>> -> memref<1x1x1x128x32xf32, #tpu.memory_space<vmem>>
      %dma_wait3A_297 = tpu.memref_squeeze %dma_wait3A_296 : memref<1x1x1x128x32xf32, #tpu.memory_space<vmem>> -> memref<128x32xf32, #tpu.memory_space<vmem>>
      %dma_wait3A_298 = arith.constant 0 : i32
      %dma_wait3A_299 = tpu.memref_slice %arg8[%dma_wait3A_288, %dma_wait3A_289, %dma_wait3A_290, %dma_wait3A_298] : memref<2x2x4x128xi32, #tpu.memory_space<vmem>> -> memref<1x1x1x128xi32, #tpu.memory_space<vmem>>
      %dma_wait3A_300 = tpu.memref_squeeze %dma_wait3A_299 : memref<1x1x1x128xi32, #tpu.memory_space<vmem>> -> memref<128xi32, #tpu.memory_space<vmem>>
      %dma_wait3A_301 = arith.constant 0 : i32
      %dma_wait3A_302 = arith.constant 0 : i32
      %dma_wait3A_303 = tpu.memref_slice %arg3[%dma_wait3A_301, %dma_wait3A_302] : memref<100001x32xf32, #tpu.memory_space<hbm>> -> memref<100001x32xf32, #tpu.memory_space<hbm>>
      tpu.wait_indirect_dma semaphore(%arg11 : memref<!tpu.dma_semaphore, #tpu.memory_space<semaphore_mem>>) src(%dma_wait3A_303 : memref<100001x32xf32, #tpu.memory_space<hbm>>) dst(%dma_wait3A_297 : memref<128x32xf32, #tpu.memory_space<vmem>>)
      %dma_wait3A_304 = arith.constant 0 : i32
      %dma_wait3A_305 = arith.constant 1 : i32
      %dma_wait3A_306 = arith.constant 1 : i32
      %dma_wait3A_307 = arith.constant 0 : i32
      %dma_wait3A_308 = arith.constant 1 : i32
      %dma_wait3A_309 = arith.constant 1 : i32
      %dma_wait3A_310 = arith.constant 0 : i32
      %dma_wait3A_311 = arith.constant 0 : i32
      %dma_wait3A_312 = tpu.memref_slice %arg9[%dma_wait3A_307, %dma_wait3A_308, %dma_wait3A_309, %dma_wait3A_310, %dma_wait3A_311] : memref<2x2x4x128x32xf32, #tpu.memory_space<vmem>> -> memref<1x1x1x128x32xf32, #tpu.memory_space<vmem>>
      %dma_wait3A_313 = tpu.memref_squeeze %dma_wait3A_312 : memref<1x1x1x128x32xf32, #tpu.memory_space<vmem>> -> memref<128x32xf32, #tpu.memory_space<vmem>>
      %dma_wait3A_314 = arith.constant 0 : i32
      %dma_wait3A_315 = tpu.memref_slice %arg8[%dma_wait3A_304, %dma_wait3A_305, %dma_wait3A_306, %dma_wait3A_314] : memref<2x2x4x128xi32, #tpu.memory_space<vmem>> -> memref<1x1x1x128xi32, #tpu.memory_space<vmem>>
      %dma_wait3A_316 = tpu.memref_squeeze %dma_wait3A_315 : memref<1x1x1x128xi32, #tpu.memory_space<vmem>> -> memref<128xi32, #tpu.memory_space<vmem>>
      %dma_wait3A_317 = arith.constant 0 : i32
      %dma_wait3A_318 = arith.constant 0 : i32
      %dma_wait3A_319 = tpu.memref_slice %arg4[%dma_wait3A_317, %dma_wait3A_318] : memref<100001x32xf32, #tpu.memory_space<hbm>> -> memref<100001x32xf32, #tpu.memory_space<hbm>>
      tpu.wait_indirect_dma semaphore(%arg11 : memref<!tpu.dma_semaphore, #tpu.memory_space<semaphore_mem>>) src(%dma_wait3A_319 : memref<100001x32xf32, #tpu.memory_space<hbm>>) dst(%dma_wait3A_313 : memref<128x32xf32, #tpu.memory_space<vmem>>)
      %dma_wait3A_320 = arith.constant 0 : i32
      %dma_wait3A_321 = arith.constant 1 : i32
      %dma_wait3A_322 = arith.constant 2 : i32
      %dma_wait3A_323 = arith.constant 0 : i32
      %dma_wait3A_324 = arith.constant 1 : i32
      %dma_wait3A_325 = arith.constant 2 : i32
      %dma_wait3A_326 = arith.constant 0 : i32
      %dma_wait3A_327 = arith.constant 0 : i32
      %dma_wait3A_328 = tpu.memref_slice %arg9[%dma_wait3A_323, %dma_wait3A_324, %dma_wait3A_325, %dma_wait3A_326, %dma_wait3A_327] : memref<2x2x4x128x32xf32, #tpu.memory_space<vmem>> -> memref<1x1x1x128x32xf32, #tpu.memory_space<vmem>>
      %dma_wait3A_329 = tpu.memref_squeeze %dma_wait3A_328 : memref<1x1x1x128x32xf32, #tpu.memory_space<vmem>> -> memref<128x32xf32, #tpu.memory_space<vmem>>
      %dma_wait3A_330 = arith.constant 0 : i32
      %dma_wait3A_331 = tpu.memref_slice %arg8[%dma_wait3A_320, %dma_wait3A_321, %dma_wait3A_322, %dma_wait3A_330] : memref<2x2x4x128xi32, #tpu.memory_space<vmem>> -> memref<1x1x1x128xi32, #tpu.memory_space<vmem>>
      %dma_wait3A_332 = tpu.memref_squeeze %dma_wait3A_331 : memref<1x1x1x128xi32, #tpu.memory_space<vmem>> -> memref<128xi32, #tpu.memory_space<vmem>>
      %dma_wait3A_333 = arith.constant 0 : i32
      %dma_wait3A_334 = arith.constant 0 : i32
      %dma_wait3A_335 = tpu.memref_slice %arg5[%dma_wait3A_333, %dma_wait3A_334] : memref<100001x32xf32, #tpu.memory_space<hbm>> -> memref<100001x32xf32, #tpu.memory_space<hbm>>
      tpu.wait_indirect_dma semaphore(%arg11 : memref<!tpu.dma_semaphore, #tpu.memory_space<semaphore_mem>>) src(%dma_wait3A_335 : memref<100001x32xf32, #tpu.memory_space<hbm>>) dst(%dma_wait3A_329 : memref<128x32xf32, #tpu.memory_space<vmem>>)
      %dma_wait3A_336 = arith.constant 0 : i32
      %dma_wait3A_337 = arith.constant 1 : i32
      %dma_wait3A_338 = arith.constant 3 : i32
      %dma_wait3A_339 = arith.constant 0 : i32
      %dma_wait3A_340 = arith.constant 1 : i32
      %dma_wait3A_341 = arith.constant 3 : i32
      %dma_wait3A_342 = arith.constant 0 : i32
      %dma_wait3A_343 = arith.constant 0 : i32
      %dma_wait3A_344 = tpu.memref_slice %arg9[%dma_wait3A_339, %dma_wait3A_340, %dma_wait3A_341, %dma_wait3A_342, %dma_wait3A_343] : memref<2x2x4x128x32xf32, #tpu.memory_space<vmem>> -> memref<1x1x1x128x32xf32, #tpu.memory_space<vmem>>
      %dma_wait3A_345 = tpu.memref_squeeze %dma_wait3A_344 : memref<1x1x1x128x32xf32, #tpu.memory_space<vmem>> -> memref<128x32xf32, #tpu.memory_space<vmem>>
      %dma_wait3A_346 = arith.constant 0 : i32
      %dma_wait3A_347 = tpu.memref_slice %arg8[%dma_wait3A_336, %dma_wait3A_337, %dma_wait3A_338, %dma_wait3A_346] : memref<2x2x4x128xi32, #tpu.memory_space<vmem>> -> memref<1x1x1x128xi32, #tpu.memory_space<vmem>>
      %dma_wait3A_348 = tpu.memref_squeeze %dma_wait3A_347 : memref<1x1x1x128xi32, #tpu.memory_space<vmem>> -> memref<128xi32, #tpu.memory_space<vmem>>
      %dma_wait3A_349 = arith.constant 0 : i32
      %dma_wait3A_350 = arith.constant 0 : i32
      %dma_wait3A_351 = tpu.memref_slice %arg6[%dma_wait3A_349, %dma_wait3A_350] : memref<100001x32xf32, #tpu.memory_space<hbm>> -> memref<100001x32xf32, #tpu.memory_space<hbm>>
      tpu.wait_indirect_dma semaphore(%arg11 : memref<!tpu.dma_semaphore, #tpu.memory_space<semaphore_mem>>) src(%dma_wait3A_351 : memref<100001x32xf32, #tpu.memory_space<hbm>>) dst(%dma_wait3A_345 : memref<128x32xf32, #tpu.memory_space<vmem>>)
      %add3A_352 = arith.constant 2 : i32
      %add3A_353 = arith.addi %add3A_223, %add3A_352 : i32
      %lt3A = arith.constant 100 : i32
      %lt3A_354 = arith.cmpi slt, %add3A_353, %lt3A : i32
      %convert_element_type3A = arith.extui %lt3A_354 : i1 to i32
      %cond3A = arith.constant 0 : i32
      %cond3A_355 = arith.cmpi ne, %convert_element_type3A, %cond3A : i32
      scf.if %cond3A_355 {
        %add3A_576 = arith.constant 2 : i32
        %add3A_577 = arith.addi %add3A_223, %add3A_576 : i32
        %mul3A_578 = arith.constant 2 : i32
        %mul3A_579 = arith.muli %add3A_577, %mul3A_578 : i32
        %dma_start3A_580 = arith.constant 0 : i32
        %dma_start3A_581 = arith.constant 0 : i32
        %dma_start3A_582 = arith.constant 0 : i32
        %dma_start3A_583 = arith.constant 0 : i32
        %dma_start3A_584 = tpu.memref_slice %arg8[%dma_start3A_580, %dma_start3A_581, %dma_start3A_582, %dma_start3A_583] : memref<2x2x4x128xi32, #tpu.memory_space<vmem>> -> memref<1x2x4x128xi32, #tpu.memory_space<vmem>>
        %dma_start3A_585 = tpu.memref_squeeze %dma_start3A_584 : memref<1x2x4x128xi32, #tpu.memory_space<vmem>> -> memref<2x4x128xi32, #tpu.memory_space<vmem>>
        %dma_start3A_586 = arith.constant 0 : i32
        %dma_start3A_587 = tpu.memref_slice %arg2[%mul3A_579, %dma_start3A_586, %mul3A_2] : memref<200x4x4096xi32, #tpu.memory_space<hbm>> -> memref<2x4x128xi32, #tpu.memory_space<hbm>>
        %dma_start3A_588 = arith.constant 0 : i32
        %dma_start3A_589 = arith.constant 0 : i32
        %dma_start3A_590 = arith.constant 0 : i32
        %dma_start3A_591 = tpu.memref_slice %arg8[%dma_start3A_580, %dma_start3A_588, %dma_start3A_589, %dma_start3A_590] : memref<2x2x4x128xi32, #tpu.memory_space<vmem>> -> memref<1x2x4x128xi32, #tpu.memory_space<vmem>>
        %dma_start3A_592 = tpu.memref_squeeze %dma_start3A_591 : memref<1x2x4x128xi32, #tpu.memory_space<vmem>> -> memref<2x4x128xi32, #tpu.memory_space<vmem>>
        %dma_start3A_593 = arith.constant 0 : i32
        %dma_start3A_594 = tpu.memref_slice %arg2[%mul3A_579, %dma_start3A_593, %mul3A_2] : memref<200x4x4096xi32, #tpu.memory_space<hbm>> -> memref<2x4x128xi32, #tpu.memory_space<hbm>>
        tpu.enqueue_dma source(%dma_start3A_594 : memref<2x4x128xi32, #tpu.memory_space<hbm>>) target(%dma_start3A_592 : memref<2x4x128xi32, #tpu.memory_space<vmem>>) target_semaphore(%arg13 : memref<!tpu.dma_semaphore, #tpu.memory_space<semaphore_mem>>)
      } else {
      }
      %add3A_356 = arith.constant 1 : i32
      %add3A_357 = arith.addi %add3A_223, %add3A_356 : i32
      %lt3A_358 = arith.constant 100 : i32
      %lt3A_359 = arith.cmpi slt, %add3A_357, %lt3A_358 : i32
      %convert_element_type3A_360 = arith.extui %lt3A_359 : i1 to i32
      %cond3A_361 = arith.constant 0 : i32
      %cond3A_362 = arith.cmpi ne, %convert_element_type3A_360, %cond3A_361 : i32
      scf.if %cond3A_362 {
        %add3A_576 = arith.constant 1 : i32
        %add3A_577 = arith.addi %add3A_223, %add3A_576 : i32
        %mul3A_578 = arith.constant 2 : i32
        %mul3A_579 = arith.muli %add3A_577, %mul3A_578 : i32
        %dma_wait3A_580 = arith.constant 1 : i32
        %dma_wait3A_581 = arith.constant 0 : i32
        %dma_wait3A_582 = arith.constant 0 : i32
        %dma_wait3A_583 = arith.constant 0 : i32
        %dma_wait3A_584 = tpu.memref_slice %arg8[%dma_wait3A_580, %dma_wait3A_581, %dma_wait3A_582, %dma_wait3A_583] : memref<2x2x4x128xi32, #tpu.memory_space<vmem>> -> memref<1x2x4x128xi32, #tpu.memory_space<vmem>>
        %dma_wait3A_585 = tpu.memref_squeeze %dma_wait3A_584 : memref<1x2x4x128xi32, #tpu.memory_space<vmem>> -> memref<2x4x128xi32, #tpu.memory_space<vmem>>
        %dma_wait3A_586 = arith.constant 0 : i32
        %dma_wait3A_587 = tpu.memref_slice %arg2[%mul3A_579, %dma_wait3A_586, %mul3A_2] : memref<200x4x4096xi32, #tpu.memory_space<hbm>> -> memref<2x4x128xi32, #tpu.memory_space<hbm>>
        %dma_wait3A_588 = arith.constant 0 : i32
        %dma_wait3A_589 = arith.constant 0 : i32
        %dma_wait3A_590 = arith.constant 0 : i32
        %dma_wait3A_591 = tpu.memref_slice %arg8[%dma_wait3A_580, %dma_wait3A_588, %dma_wait3A_589, %dma_wait3A_590] : memref<2x2x4x128xi32, #tpu.memory_space<vmem>> -> memref<1x2x4x128xi32, #tpu.memory_space<vmem>>
        %dma_wait3A_592 = tpu.memref_squeeze %dma_wait3A_591 : memref<1x2x4x128xi32, #tpu.memory_space<vmem>> -> memref<2x4x128xi32, #tpu.memory_space<vmem>>
        %dma_wait3A_593 = arith.constant 0 : i32
        %dma_wait3A_594 = tpu.memref_slice %arg2[%mul3A_579, %dma_wait3A_593, %mul3A_2] : memref<200x4x4096xi32, #tpu.memory_space<hbm>> -> memref<2x4x128xi32, #tpu.memory_space<hbm>>
        tpu.wait_dma2 semaphore(%arg14 : memref<!tpu.dma_semaphore, #tpu.memory_space<semaphore_mem>>) src(%dma_wait3A_594 : memref<2x4x128xi32, #tpu.memory_space<hbm>>) dst(%dma_wait3A_592 : memref<2x4x128xi32, #tpu.memory_space<vmem>>)
        %add3A_595 = arith.constant 1 : i32
        %add3A_596 = arith.addi %add3A_223, %add3A_595 : i32
        %dma_start3A_597 = arith.constant 1 : i32
        %dma_start3A_598 = arith.constant 0 : i32
        %dma_start3A_599 = arith.constant 0 : i32
        %dma_start3A_600 = arith.constant 1 : i32
        %dma_start3A_601 = arith.constant 0 : i32
        %dma_start3A_602 = arith.constant 0 : i32
        %dma_start3A_603 = arith.constant 0 : i32
        %dma_start3A_604 = arith.constant 0 : i32
        %dma_start3A_605 = tpu.memref_slice %arg9[%dma_start3A_600, %dma_start3A_601, %dma_start3A_602, %dma_start3A_603, %dma_start3A_604] : memref<2x2x4x128x32xf32, #tpu.memory_space<vmem>> -> memref<1x1x1x128x32xf32, #tpu.memory_space<vmem>>
        %dma_start3A_606 = tpu.memref_squeeze %dma_start3A_605 : memref<1x1x1x128x32xf32, #tpu.memory_space<vmem>> -> memref<128x32xf32, #tpu.memory_space<vmem>>
        %dma_start3A_607 = arith.constant 0 : i32
        %dma_start3A_608 = tpu.memref_slice %arg8[%dma_start3A_597, %dma_start3A_598, %dma_start3A_599, %dma_start3A_607] : memref<2x2x4x128xi32, #tpu.memory_space<vmem>> -> memref<1x1x1x128xi32, #tpu.memory_space<vmem>>
        %dma_start3A_609 = tpu.memref_squeeze %dma_start3A_608 : memref<1x1x1x128xi32, #tpu.memory_space<vmem>> -> memref<128xi32, #tpu.memory_space<vmem>>
        %dma_start3A_610 = arith.constant 0 : i32
        %dma_start3A_611 = arith.constant 0 : i32
        %dma_start3A_612 = tpu.memref_slice %arg3[%dma_start3A_610, %dma_start3A_611] : memref<100001x32xf32, #tpu.memory_space<hbm>> -> memref<100001x32xf32, #tpu.memory_space<hbm>>
        tpu.enqueue_indirect_dma source(%dma_start3A_612 : memref<100001x32xf32, #tpu.memory_space<hbm>>) target(%dma_start3A_606 : memref<128x32xf32, #tpu.memory_space<vmem>>) offsets(%dma_start3A_609 : memref<128xi32, #tpu.memory_space<vmem>>) semaphore(%arg12 : memref<!tpu.dma_semaphore, #tpu.memory_space<semaphore_mem>>)
        %dma_start3A_613 = arith.constant 1 : i32
        %dma_start3A_614 = arith.constant 0 : i32
        %dma_start3A_615 = arith.constant 1 : i32
        %dma_start3A_616 = arith.constant 1 : i32
        %dma_start3A_617 = arith.constant 0 : i32
        %dma_start3A_618 = arith.constant 1 : i32
        %dma_start3A_619 = arith.constant 0 : i32
        %dma_start3A_620 = arith.constant 0 : i32
        %dma_start3A_621 = tpu.memref_slice %arg9[%dma_start3A_616, %dma_start3A_617, %dma_start3A_618, %dma_start3A_619, %dma_start3A_620] : memref<2x2x4x128x32xf32, #tpu.memory_space<vmem>> -> memref<1x1x1x128x32xf32, #tpu.memory_space<vmem>>
        %dma_start3A_622 = tpu.memref_squeeze %dma_start3A_621 : memref<1x1x1x128x32xf32, #tpu.memory_space<vmem>> -> memref<128x32xf32, #tpu.memory_space<vmem>>
        %dma_start3A_623 = arith.constant 0 : i32
        %dma_start3A_624 = tpu.memref_slice %arg8[%dma_start3A_613, %dma_start3A_614, %dma_start3A_615, %dma_start3A_623] : memref<2x2x4x128xi32, #tpu.memory_space<vmem>> -> memref<1x1x1x128xi32, #tpu.memory_space<vmem>>
        %dma_start3A_625 = tpu.memref_squeeze %dma_start3A_624 : memref<1x1x1x128xi32, #tpu.memory_space<vmem>> -> memref<128xi32, #tpu.memory_space<vmem>>
        %dma_start3A_626 = arith.constant 0 : i32
        %dma_start3A_627 = arith.constant 0 : i32
        %dma_start3A_628 = tpu.memref_slice %arg4[%dma_start3A_626, %dma_start3A_627] : memref<100001x32xf32, #tpu.memory_space<hbm>> -> memref<100001x32xf32, #tpu.memory_space<hbm>>
        tpu.enqueue_indirect_dma source(%dma_start3A_628 : memref<100001x32xf32, #tpu.memory_space<hbm>>) target(%dma_start3A_622 : memref<128x32xf32, #tpu.memory_space<vmem>>) offsets(%dma_start3A_625 : memref<128xi32, #tpu.memory_space<vmem>>) semaphore(%arg12 : memref<!tpu.dma_semaphore, #tpu.memory_space<semaphore_mem>>)
        %dma_start3A_629 = arith.constant 1 : i32
        %dma_start3A_630 = arith.constant 0 : i32
        %dma_start3A_631 = arith.constant 2 : i32
        %dma_start3A_632 = arith.constant 1 : i32
        %dma_start3A_633 = arith.constant 0 : i32
        %dma_start3A_634 = arith.constant 2 : i32
        %dma_start3A_635 = arith.constant 0 : i32
        %dma_start3A_636 = arith.constant 0 : i32
        %dma_start3A_637 = tpu.memref_slice %arg9[%dma_start3A_632, %dma_start3A_633, %dma_start3A_634, %dma_start3A_635, %dma_start3A_636] : memref<2x2x4x128x32xf32, #tpu.memory_space<vmem>> -> memref<1x1x1x128x32xf32, #tpu.memory_space<vmem>>
        %dma_start3A_638 = tpu.memref_squeeze %dma_start3A_637 : memref<1x1x1x128x32xf32, #tpu.memory_space<vmem>> -> memref<128x32xf32, #tpu.memory_space<vmem>>
        %dma_start3A_639 = arith.constant 0 : i32
        %dma_start3A_640 = tpu.memref_slice %arg8[%dma_start3A_629, %dma_start3A_630, %dma_start3A_631, %dma_start3A_639] : memref<2x2x4x128xi32, #tpu.memory_space<vmem>> -> memref<1x1x1x128xi32, #tpu.memory_space<vmem>>
        %dma_start3A_641 = tpu.memref_squeeze %dma_start3A_640 : memref<1x1x1x128xi32, #tpu.memory_space<vmem>> -> memref<128xi32, #tpu.memory_space<vmem>>
        %dma_start3A_642 = arith.constant 0 : i32
        %dma_start3A_643 = arith.constant 0 : i32
        %dma_start3A_644 = tpu.memref_slice %arg5[%dma_start3A_642, %dma_start3A_643] : memref<100001x32xf32, #tpu.memory_space<hbm>> -> memref<100001x32xf32, #tpu.memory_space<hbm>>
        tpu.enqueue_indirect_dma source(%dma_start3A_644 : memref<100001x32xf32, #tpu.memory_space<hbm>>) target(%dma_start3A_638 : memref<128x32xf32, #tpu.memory_space<vmem>>) offsets(%dma_start3A_641 : memref<128xi32, #tpu.memory_space<vmem>>) semaphore(%arg12 : memref<!tpu.dma_semaphore, #tpu.memory_space<semaphore_mem>>)
        %dma_start3A_645 = arith.constant 1 : i32
        %dma_start3A_646 = arith.constant 0 : i32
        %dma_start3A_647 = arith.constant 3 : i32
        %dma_start3A_648 = arith.constant 1 : i32
        %dma_start3A_649 = arith.constant 0 : i32
        %dma_start3A_650 = arith.constant 3 : i32
        %dma_start3A_651 = arith.constant 0 : i32
        %dma_start3A_652 = arith.constant 0 : i32
        %dma_start3A_653 = tpu.memref_slice %arg9[%dma_start3A_648, %dma_start3A_649, %dma_start3A_650, %dma_start3A_651, %dma_start3A_652] : memref<2x2x4x128x32xf32, #tpu.memory_space<vmem>> -> memref<1x1x1x128x32xf32, #tpu.memory_space<vmem>>
        %dma_start3A_654 = tpu.memref_squeeze %dma_start3A_653 : memref<1x1x1x128x32xf32, #tpu.memory_space<vmem>> -> memref<128x32xf32, #tpu.memory_space<vmem>>
        %dma_start3A_655 = arith.constant 0 : i32
        %dma_start3A_656 = tpu.memref_slice %arg8[%dma_start3A_645, %dma_start3A_646, %dma_start3A_647, %dma_start3A_655] : memref<2x2x4x128xi32, #tpu.memory_space<vmem>> -> memref<1x1x1x128xi32, #tpu.memory_space<vmem>>
        %dma_start3A_657 = tpu.memref_squeeze %dma_start3A_656 : memref<1x1x1x128xi32, #tpu.memory_space<vmem>> -> memref<128xi32, #tpu.memory_space<vmem>>
        %dma_start3A_658 = arith.constant 0 : i32
        %dma_start3A_659 = arith.constant 0 : i32
        %dma_start3A_660 = tpu.memref_slice %arg6[%dma_start3A_658, %dma_start3A_659] : memref<100001x32xf32, #tpu.memory_space<hbm>> -> memref<100001x32xf32, #tpu.memory_space<hbm>>
        tpu.enqueue_indirect_dma source(%dma_start3A_660 : memref<100001x32xf32, #tpu.memory_space<hbm>>) target(%dma_start3A_654 : memref<128x32xf32, #tpu.memory_space<vmem>>) offsets(%dma_start3A_657 : memref<128xi32, #tpu.memory_space<vmem>>) semaphore(%arg12 : memref<!tpu.dma_semaphore, #tpu.memory_space<semaphore_mem>>)
        %dma_start3A_661 = arith.constant 1 : i32
        %dma_start3A_662 = arith.constant 1 : i32
        %dma_start3A_663 = arith.constant 0 : i32
        %dma_start3A_664 = arith.constant 1 : i32
        %dma_start3A_665 = arith.constant 1 : i32
        %dma_start3A_666 = arith.constant 0 : i32
        %dma_start3A_667 = arith.constant 0 : i32
        %dma_start3A_668 = arith.constant 0 : i32
        %dma_start3A_669 = tpu.memref_slice %arg9[%dma_start3A_664, %dma_start3A_665, %dma_start3A_666, %dma_start3A_667, %dma_start3A_668] : memref<2x2x4x128x32xf32, #tpu.memory_space<vmem>> -> memref<1x1x1x128x32xf32, #tpu.memory_space<vmem>>
        %dma_start3A_670 = tpu.memref_squeeze %dma_start3A_669 : memref<1x1x1x128x32xf32, #tpu.memory_space<vmem>> -> memref<128x32xf32, #tpu.memory_space<vmem>>
        %dma_start3A_671 = arith.constant 0 : i32
        %dma_start3A_672 = tpu.memref_slice %arg8[%dma_start3A_661, %dma_start3A_662, %dma_start3A_663, %dma_start3A_671] : memref<2x2x4x128xi32, #tpu.memory_space<vmem>> -> memref<1x1x1x128xi32, #tpu.memory_space<vmem>>
        %dma_start3A_673 = tpu.memref_squeeze %dma_start3A_672 : memref<1x1x1x128xi32, #tpu.memory_space<vmem>> -> memref<128xi32, #tpu.memory_space<vmem>>
        %dma_start3A_674 = arith.constant 0 : i32
        %dma_start3A_675 = arith.constant 0 : i32
        %dma_start3A_676 = tpu.memref_slice %arg3[%dma_start3A_674, %dma_start3A_675] : memref<100001x32xf32, #tpu.memory_space<hbm>> -> memref<100001x32xf32, #tpu.memory_space<hbm>>
        tpu.enqueue_indirect_dma source(%dma_start3A_676 : memref<100001x32xf32, #tpu.memory_space<hbm>>) target(%dma_start3A_670 : memref<128x32xf32, #tpu.memory_space<vmem>>) offsets(%dma_start3A_673 : memref<128xi32, #tpu.memory_space<vmem>>) semaphore(%arg12 : memref<!tpu.dma_semaphore, #tpu.memory_space<semaphore_mem>>)
        %dma_start3A_677 = arith.constant 1 : i32
        %dma_start3A_678 = arith.constant 1 : i32
        %dma_start3A_679 = arith.constant 1 : i32
        %dma_start3A_680 = arith.constant 1 : i32
        %dma_start3A_681 = arith.constant 1 : i32
        %dma_start3A_682 = arith.constant 1 : i32
        %dma_start3A_683 = arith.constant 0 : i32
        %dma_start3A_684 = arith.constant 0 : i32
        %dma_start3A_685 = tpu.memref_slice %arg9[%dma_start3A_680, %dma_start3A_681, %dma_start3A_682, %dma_start3A_683, %dma_start3A_684] : memref<2x2x4x128x32xf32, #tpu.memory_space<vmem>> -> memref<1x1x1x128x32xf32, #tpu.memory_space<vmem>>
        %dma_start3A_686 = tpu.memref_squeeze %dma_start3A_685 : memref<1x1x1x128x32xf32, #tpu.memory_space<vmem>> -> memref<128x32xf32, #tpu.memory_space<vmem>>
        %dma_start3A_687 = arith.constant 0 : i32
        %dma_start3A_688 = tpu.memref_slice %arg8[%dma_start3A_677, %dma_start3A_678, %dma_start3A_679, %dma_start3A_687] : memref<2x2x4x128xi32, #tpu.memory_space<vmem>> -> memref<1x1x1x128xi32, #tpu.memory_space<vmem>>
        %dma_start3A_689 = tpu.memref_squeeze %dma_start3A_688 : memref<1x1x1x128xi32, #tpu.memory_space<vmem>> -> memref<128xi32, #tpu.memory_space<vmem>>
        %dma_start3A_690 = arith.constant 0 : i32
        %dma_start3A_691 = arith.constant 0 : i32
        %dma_start3A_692 = tpu.memref_slice %arg4[%dma_start3A_690, %dma_start3A_691] : memref<100001x32xf32, #tpu.memory_space<hbm>> -> memref<100001x32xf32, #tpu.memory_space<hbm>>
        tpu.enqueue_indirect_dma source(%dma_start3A_692 : memref<100001x32xf32, #tpu.memory_space<hbm>>) target(%dma_start3A_686 : memref<128x32xf32, #tpu.memory_space<vmem>>) offsets(%dma_start3A_689 : memref<128xi32, #tpu.memory_space<vmem>>) semaphore(%arg12 : memref<!tpu.dma_semaphore, #tpu.memory_space<semaphore_mem>>)
        %dma_start3A_693 = arith.constant 1 : i32
        %dma_start3A_694 = arith.constant 1 : i32
        %dma_start3A_695 = arith.constant 2 : i32
        %dma_start3A_696 = arith.constant 1 : i32
        %dma_start3A_697 = arith.constant 1 : i32
        %dma_start3A_698 = arith.constant 2 : i32
        %dma_start3A_699 = arith.constant 0 : i32
        %dma_start3A_700 = arith.constant 0 : i32
        %dma_start3A_701 = tpu.memref_slice %arg9[%dma_start3A_696, %dma_start3A_697, %dma_start3A_698, %dma_start3A_699, %dma_start3A_700] : memref<2x2x4x128x32xf32, #tpu.memory_space<vmem>> -> memref<1x1x1x128x32xf32, #tpu.memory_space<vmem>>
        %dma_start3A_702 = tpu.memref_squeeze %dma_start3A_701 : memref<1x1x1x128x32xf32, #tpu.memory_space<vmem>> -> memref<128x32xf32, #tpu.memory_space<vmem>>
        %dma_start3A_703 = arith.constant 0 : i32
        %dma_start3A_704 = tpu.memref_slice %arg8[%dma_start3A_693, %dma_start3A_694, %dma_start3A_695, %dma_start3A_703] : memref<2x2x4x128xi32, #tpu.memory_space<vmem>> -> memref<1x1x1x128xi32, #tpu.memory_space<vmem>>
        %dma_start3A_705 = tpu.memref_squeeze %dma_start3A_704 : memref<1x1x1x128xi32, #tpu.memory_space<vmem>> -> memref<128xi32, #tpu.memory_space<vmem>>
        %dma_start3A_706 = arith.constant 0 : i32
        %dma_start3A_707 = arith.constant 0 : i32
        %dma_start3A_708 = tpu.memref_slice %arg5[%dma_start3A_706, %dma_start3A_707] : memref<100001x32xf32, #tpu.memory_space<hbm>> -> memref<100001x32xf32, #tpu.memory_space<hbm>>
        tpu.enqueue_indirect_dma source(%dma_start3A_708 : memref<100001x32xf32, #tpu.memory_space<hbm>>) target(%dma_start3A_702 : memref<128x32xf32, #tpu.memory_space<vmem>>) offsets(%dma_start3A_705 : memref<128xi32, #tpu.memory_space<vmem>>) semaphore(%arg12 : memref<!tpu.dma_semaphore, #tpu.memory_space<semaphore_mem>>)
        %dma_start3A_709 = arith.constant 1 : i32
        %dma_start3A_710 = arith.constant 1 : i32
        %dma_start3A_711 = arith.constant 3 : i32
        %dma_start3A_712 = arith.constant 1 : i32
        %dma_start3A_713 = arith.constant 1 : i32
        %dma_start3A_714 = arith.constant 3 : i32
        %dma_start3A_715 = arith.constant 0 : i32
        %dma_start3A_716 = arith.constant 0 : i32
        %dma_start3A_717 = tpu.memref_slice %arg9[%dma_start3A_712, %dma_start3A_713, %dma_start3A_714, %dma_start3A_715, %dma_start3A_716] : memref<2x2x4x128x32xf32, #tpu.memory_space<vmem>> -> memref<1x1x1x128x32xf32, #tpu.memory_space<vmem>>
        %dma_start3A_718 = tpu.memref_squeeze %dma_start3A_717 : memref<1x1x1x128x32xf32, #tpu.memory_space<vmem>> -> memref<128x32xf32, #tpu.memory_space<vmem>>
        %dma_start3A_719 = arith.constant 0 : i32
        %dma_start3A_720 = tpu.memref_slice %arg8[%dma_start3A_709, %dma_start3A_710, %dma_start3A_711, %dma_start3A_719] : memref<2x2x4x128xi32, #tpu.memory_space<vmem>> -> memref<1x1x1x128xi32, #tpu.memory_space<vmem>>
        %dma_start3A_721 = tpu.memref_squeeze %dma_start3A_720 : memref<1x1x1x128xi32, #tpu.memory_space<vmem>> -> memref<128xi32, #tpu.memory_space<vmem>>
        %dma_start3A_722 = arith.constant 0 : i32
        %dma_start3A_723 = arith.constant 0 : i32
        %dma_start3A_724 = tpu.memref_slice %arg6[%dma_start3A_722, %dma_start3A_723] : memref<100001x32xf32, #tpu.memory_space<hbm>> -> memref<100001x32xf32, #tpu.memory_space<hbm>>
        tpu.enqueue_indirect_dma source(%dma_start3A_724 : memref<100001x32xf32, #tpu.memory_space<hbm>>) target(%dma_start3A_718 : memref<128x32xf32, #tpu.memory_space<vmem>>) offsets(%dma_start3A_721 : memref<128xi32, #tpu.memory_space<vmem>>) semaphore(%arg12 : memref<!tpu.dma_semaphore, #tpu.memory_space<semaphore_mem>>)
      } else {
      }
      %ge3A = arith.constant 2 : i32
      %ge3A_363 = arith.cmpi sge, %add3A_223, %ge3A : i32
      %convert_element_type3A_364 = arith.extui %ge3A_363 : i1 to i32
      %cond3A_365 = arith.constant 0 : i32
      %cond3A_366 = arith.cmpi ne, %convert_element_type3A_364, %cond3A_365 : i32
      scf.if %cond3A_366 {
        %sub3A = arith.constant 2 : i32
        %sub3A_576 = arith.subi %add3A_223, %sub3A : i32
        %mul3A_577 = arith.constant 2 : i32
        %mul3A_578 = arith.muli %sub3A_576, %mul3A_577 : i32
        %dma_wait3A_579 = arith.constant 0 : i32
        %dma_wait3A_580 = arith.constant 0 : i32
        %dma_wait3A_581 = arith.constant 0 : i32
        %dma_wait3A_582 = arith.constant 0 : i32
        %dma_wait3A_583 = tpu.memref_slice %arg10[%dma_wait3A_579, %dma_wait3A_580, %dma_wait3A_581, %dma_wait3A_582] : memref<2x2x128x32xf32, #tpu.memory_space<vmem>> -> memref<1x2x128x32xf32, #tpu.memory_space<vmem>>
        %dma_wait3A_584 = tpu.memref_squeeze %dma_wait3A_583 : memref<1x2x128x32xf32, #tpu.memory_space<vmem>> -> memref<2x128x32xf32, #tpu.memory_space<vmem>>
        %dma_wait3A_585 = arith.constant 0 : i32
        %dma_wait3A_586 = tpu.memref_slice %arg7[%mul3A_578, %mul3A_2, %dma_wait3A_585] : memref<200x4096x32xf32, #tpu.memory_space<hbm>> -> memref<2x128x32xf32, #tpu.memory_space<hbm>>
        %dma_wait3A_587 = arith.constant 0 : i32
        %dma_wait3A_588 = tpu.memref_slice %arg7[%mul3A_578, %mul3A_2, %dma_wait3A_587] : memref<200x4096x32xf32, #tpu.memory_space<hbm>> -> memref<2x128x32xf32, #tpu.memory_space<hbm>>
        %dma_wait3A_589 = arith.constant 0 : i32
        %dma_wait3A_590 = arith.constant 0 : i32
        %dma_wait3A_591 = arith.constant 0 : i32
        %dma_wait3A_592 = tpu.memref_slice %arg10[%dma_wait3A_579, %dma_wait3A_589, %dma_wait3A_590, %dma_wait3A_591] : memref<2x2x128x32xf32, #tpu.memory_space<vmem>> -> memref<1x2x128x32xf32, #tpu.memory_space<vmem>>
        %dma_wait3A_593 = tpu.memref_squeeze %dma_wait3A_592 : memref<1x2x128x32xf32, #tpu.memory_space<vmem>> -> memref<2x128x32xf32, #tpu.memory_space<vmem>>
        tpu.wait_dma2 semaphore(%arg15 : memref<!tpu.dma_semaphore, #tpu.memory_space<semaphore_mem>>) src(%dma_wait3A_593 : memref<2x128x32xf32, #tpu.memory_space<vmem>>) dst(%dma_wait3A_588 : memref<2x128x32xf32, #tpu.memory_space<hbm>>)
      } else {
      }
      %scan3A_367 = arith.constant 0 : i32
      %scan3A_368 = arith.constant 0 : i32
      %scan3A_369 = arith.constant 128 : i32
      %scan3A_370 = arith.addi %scan3A_368, %scan3A_369 : i32
      %scan3A_371 = arith.constant 8 : i32
      scf.for %scan3A_576 = %scan3A_368 to %scan3A_370 step %scan3A_371  : i32 {
        %get3A = arith.constant 0 : i32
        %get3A_577 = arith.constant 0 : i32
        %get3A_578 = arith.constant 0 : i32
        %get3A_579 = arith.index_cast %get3A : i32 to index
        %get3A_580 = arith.index_cast %get3A_577 : i32 to index
        %get3A_581 = arith.index_cast %get3A_578 : i32 to index
        %get3A_582 = arith.index_cast %scan3A_576 : i32 to index
        %get3A_583 = arith.constant 0 : index
        %get3A_584 = tpu.vector_load %arg9[%get3A_579, %get3A_580, %get3A_581, %get3A_582, %get3A_583] {strides = array<i32>} : memref<2x2x4x128x32xf32, #tpu.memory_space<vmem>>, vector<16xf32>,
        %get3A_585 = arith.constant 0 : i32
        %get3A_586 = arith.constant 0 : i32
        %get3A_587 = arith.constant 1 : i32
        %get3A_588 = arith.index_cast %get3A_585 : i32 to index
        %get3A_589 = arith.index_cast %get3A_586 : i32 to index
        %get3A_590 = arith.index_cast %get3A_587 : i32 to index
        %get3A_591 = arith.index_cast %scan3A_576 : i32 to index
        %get3A_592 = arith.constant 0 : index
        %get3A_593 = tpu.vector_load %arg9[%get3A_588, %get3A_589, %get3A_590, %get3A_591, %get3A_592] {strides = array<i32>} : memref<2x2x4x128x32xf32, #tpu.memory_space<vmem>>, vector<16xf32>,
        %add3A_594 = arith.addf %get3A_584, %get3A_593 : vector<16xf32>
        %get3A_595 = arith.constant 0 : i32
        %get3A_596 = arith.constant 0 : i32
        %get3A_597 = arith.constant 2 : i32
        %get3A_598 = arith.index_cast %get3A_595 : i32 to index
        %get3A_599 = arith.index_cast %get3A_596 : i32 to index
        %get3A_600 = arith.index_cast %get3A_597 : i32 to index
        %get3A_601 = arith.index_cast %scan3A_576 : i32 to index
        %get3A_602 = arith.constant 0 : index
        %get3A_603 = tpu.vector_load %arg9[%get3A_598, %get3A_599, %get3A_600, %get3A_601, %get3A_602] {strides = array<i32>} : memref<2x2x4x128x32xf32, #tpu.memory_space<vmem>>, vector<16xf32>,
        %get3A_604 = arith.constant 0 : i32
        %get3A_605 = arith.constant 0 : i32
        %get3A_606 = arith.constant 3 : i32
        %get3A_607 = arith.index_cast %get3A_604 : i32 to index
        %get3A_608 = arith.index_cast %get3A_605 : i32 to index
        %get3A_609 = arith.index_cast %get3A_606 : i32 to index
        %get3A_610 = arith.index_cast %scan3A_576 : i32 to index
        %get3A_611 = arith.constant 0 : index
        %get3A_612 = tpu.vector_load %arg9[%get3A_607, %get3A_608, %get3A_609, %get3A_610, %get3A_611] {strides = array<i32>} : memref<2x2x4x128x32xf32, #tpu.memory_space<vmem>>, vector<16xf32>,
        %add3A_613 = arith.addf %get3A_603, %get3A_612 : vector<16xf32>
        %add3A_614 = arith.addf %add3A_594, %add3A_613 : vector<16xf32>
        %mul3A_615 = arith.constant 2.500000e-01 : f32
        %mul3A_616 = vector.broadcast %mul3A_615 : f32 to vector<16xf32>
        %mul3A_617 = arith.mulf %add3A_614, %mul3A_616 : vector<16xf32>
        %swap3A = arith.constant 0 : i32
        %swap3A_618 = arith.constant 0 : i32
        %swap3A_619 = arith.index_cast %swap3A : i32 to index
        %swap3A_620 = arith.index_cast %swap3A_618 : i32 to index
        %swap3A_621 = arith.index_cast %scan3A_576 : i32 to index
        %swap3A_622 = arith.constant 0 : index
        %swap3A_623 = tpu.vector_load %arg10[%swap3A_619, %swap3A_620, %swap3A_621, %swap3A_622] {strides = array<i32>} : memref<2x2x128x32xf32, #tpu.memory_space<vmem>>, vector<16xf32>,
        tpu.vector_store %arg10[%swap3A_619, %swap3A_620, %swap3A_621, %swap3A_622], %mul3A_617 {strides = array<i32>} : memref<2x2x128x32xf32, #tpu.memory_space<vmem>>, vector<16xf32>,
        %get3A_624 = arith.constant 0 : i32
        %get3A_625 = arith.constant 0 : i32
        %get3A_626 = arith.constant 0 : i32
        %get3A_627 = arith.index_cast %get3A_624 : i32 to index
        %get3A_628 = arith.index_cast %get3A_625 : i32 to index
        %get3A_629 = arith.index_cast %get3A_626 : i32 to index
        %get3A_630 = arith.index_cast %scan3A_576 : i32 to index
        %get3A_631 = arith.constant 16 : index
        %get3A_632 = tpu.vector_load %arg9[%get3A_627, %get3A_628, %get3A_629, %get3A_630, %get3A_631] {strides = array<i32>} : memref<2x2x4x128x32xf32, #tpu.memory_space<vmem>>, vector<16xf32>,
        %get3A_633 = arith.constant 0 : i32
        %get3A_634 = arith.constant 0 : i32
        %get3A_635 = arith.constant 1 : i32
        %get3A_636 = arith.index_cast %get3A_633 : i32 to index
        %get3A_637 = arith.index_cast %get3A_634 : i32 to index
        %get3A_638 = arith.index_cast %get3A_635 : i32 to index
        %get3A_639 = arith.index_cast %scan3A_576 : i32 to index
        %get3A_640 = arith.constant 16 : index
        %get3A_641 = tpu.vector_load %arg9[%get3A_636, %get3A_637, %get3A_638, %get3A_639, %get3A_640] {strides = array<i32>} : memref<2x2x4x128x32xf32, #tpu.memory_space<vmem>>, vector<16xf32>,
        %add3A_642 = arith.addf %get3A_632, %get3A_641 : vector<16xf32>
        %get3A_643 = arith.constant 0 : i32
        %get3A_644 = arith.constant 0 : i32
        %get3A_645 = arith.constant 2 : i32
        %get3A_646 = arith.index_cast %get3A_643 : i32 to index
        %get3A_647 = arith.index_cast %get3A_644 : i32 to index
        %get3A_648 = arith.index_cast %get3A_645 : i32 to index
        %get3A_649 = arith.index_cast %scan3A_576 : i32 to index
        %get3A_650 = arith.constant 16 : index
        %get3A_651 = tpu.vector_load %arg9[%get3A_646, %get3A_647, %get3A_648, %get3A_649, %get3A_650] {strides = array<i32>} : memref<2x2x4x128x32xf32, #tpu.memory_space<vmem>>, vector<16xf32>,
        %get3A_652 = arith.constant 0 : i32
        %get3A_653 = arith.constant 0 : i32
        %get3A_654 = arith.constant 3 : i32
        %get3A_655 = arith.index_cast %get3A_652 : i32 to index
        %get3A_656 = arith.index_cast %get3A_653 : i32 to index
        %get3A_657 = arith.index_cast %get3A_654 : i32 to index
        %get3A_658 = arith.index_cast %scan3A_576 : i32 to index
        %get3A_659 = arith.constant 16 : index
        %get3A_660 = tpu.vector_load %arg9[%get3A_655, %get3A_656, %get3A_657, %get3A_658, %get3A_659] {strides = array<i32>} : memref<2x2x4x128x32xf32, #tpu.memory_space<vmem>>, vector<16xf32>,
        %add3A_661 = arith.addf %get3A_651, %get3A_660 : vector<16xf32>
        %add3A_662 = arith.addf %add3A_642, %add3A_661 : vector<16xf32>
        %mul3A_663 = arith.constant 2.500000e-01 : f32
        %mul3A_664 = vector.broadcast %mul3A_663 : f32 to vector<16xf32>
        %mul3A_665 = arith.mulf %add3A_662, %mul3A_664 : vector<16xf32>
        %swap3A_666 = arith.constant 0 : i32
        %swap3A_667 = arith.constant 0 : i32
        %swap3A_668 = arith.index_cast %swap3A_666 : i32 to index
        %swap3A_669 = arith.index_cast %swap3A_667 : i32 to index
        %swap3A_670 = arith.index_cast %scan3A_576 : i32 to index
        %swap3A_671 = arith.constant 16 : index
        %swap3A_672 = tpu.vector_load %arg10[%swap3A_668, %swap3A_669, %swap3A_670, %swap3A_671] {strides = array<i32>} : memref<2x2x128x32xf32, #tpu.memory_space<vmem>>, vector<16xf32>,
        tpu.vector_store %arg10[%swap3A_668, %swap3A_669, %swap3A_670, %swap3A_671], %mul3A_665 {strides = array<i32>} : memref<2x2x128x32xf32, #tpu.memory_space<vmem>>, vector<16xf32>,
        %scan3A_673 = arith.constant 1 : i32
        %scan3A_674 = arith.addi %scan3A_576, %scan3A_673 : i32
        %get3A_675 = arith.constant 0 : i32
        %get3A_676 = arith.constant 0 : i32
        %get3A_677 = arith.constant 0 : i32
        %get3A_678 = arith.index_cast %get3A_675 : i32 to index
        %get3A_679 = arith.index_cast %get3A_676 : i32 to index
        %get3A_680 = arith.index_cast %get3A_677 : i32 to index
        %get3A_681 = arith.index_cast %scan3A_674 : i32 to index
        %get3A_682 = arith.constant 0 : index
        %get3A_683 = tpu.vector_load %arg9[%get3A_678, %get3A_679, %get3A_680, %get3A_681, %get3A_682] {strides = array<i32>} : memref<2x2x4x128x32xf32, #tpu.memory_space<vmem>>, vector<16xf32>,
        %get3A_684 = arith.constant 0 : i32
        %get3A_685 = arith.constant 0 : i32
        %get3A_686 = arith.constant 1 : i32
        %get3A_687 = arith.index_cast %get3A_684 : i32 to index
        %get3A_688 = arith.index_cast %get3A_685 : i32 to index
        %get3A_689 = arith.index_cast %get3A_686 : i32 to index
        %get3A_690 = arith.index_cast %scan3A_674 : i32 to index
        %get3A_691 = arith.constant 0 : index
        %get3A_692 = tpu.vector_load %arg9[%get3A_687, %get3A_688, %get3A_689, %get3A_690, %get3A_691] {strides = array<i32>} : memref<2x2x4x128x32xf32, #tpu.memory_space<vmem>>, vector<16xf32>,
        %add3A_693 = arith.addf %get3A_683, %get3A_692 : vector<16xf32>
        %get3A_694 = arith.constant 0 : i32
        %get3A_695 = arith.constant 0 : i32
        %get3A_696 = arith.constant 2 : i32
        %get3A_697 = arith.index_cast %get3A_694 : i32 to index
        %get3A_698 = arith.index_cast %get3A_695 : i32 to index
        %get3A_699 = arith.index_cast %get3A_696 : i32 to index
        %get3A_700 = arith.index_cast %scan3A_674 : i32 to index
        %get3A_701 = arith.constant 0 : index
        %get3A_702 = tpu.vector_load %arg9[%get3A_697, %get3A_698, %get3A_699, %get3A_700, %get3A_701] {strides = array<i32>} : memref<2x2x4x128x32xf32, #tpu.memory_space<vmem>>, vector<16xf32>,
        %get3A_703 = arith.constant 0 : i32
        %get3A_704 = arith.constant 0 : i32
        %get3A_705 = arith.constant 3 : i32
        %get3A_706 = arith.index_cast %get3A_703 : i32 to index
        %get3A_707 = arith.index_cast %get3A_704 : i32 to index
        %get3A_708 = arith.index_cast %get3A_705 : i32 to index
        %get3A_709 = arith.index_cast %scan3A_674 : i32 to index
        %get3A_710 = arith.constant 0 : index
        %get3A_711 = tpu.vector_load %arg9[%get3A_706, %get3A_707, %get3A_708, %get3A_709, %get3A_710] {strides = array<i32>} : memref<2x2x4x128x32xf32, #tpu.memory_space<vmem>>, vector<16xf32>,
        %add3A_712 = arith.addf %get3A_702, %get3A_711 : vector<16xf32>
        %add3A_713 = arith.addf %add3A_693, %add3A_712 : vector<16xf32>
        %mul3A_714 = arith.constant 2.500000e-01 : f32
        %mul3A_715 = vector.broadcast %mul3A_714 : f32 to vector<16xf32>
        %mul3A_716 = arith.mulf %add3A_713, %mul3A_715 : vector<16xf32>
        %swap3A_717 = arith.constant 0 : i32
        %swap3A_718 = arith.constant 0 : i32
        %swap3A_719 = arith.index_cast %swap3A_717 : i32 to index
        %swap3A_720 = arith.index_cast %swap3A_718 : i32 to index
        %swap3A_721 = arith.index_cast %scan3A_674 : i32 to index
        %swap3A_722 = arith.constant 0 : index
        %swap3A_723 = tpu.vector_load %arg10[%swap3A_719, %swap3A_720, %swap3A_721, %swap3A_722] {strides = array<i32>} : memref<2x2x128x32xf32, #tpu.memory_space<vmem>>, vector<16xf32>,
        tpu.vector_store %arg10[%swap3A_719, %swap3A_720, %swap3A_721, %swap3A_722], %mul3A_716 {strides = array<i32>} : memref<2x2x128x32xf32, #tpu.memory_space<vmem>>, vector<16xf32>,
        %get3A_724 = arith.constant 0 : i32
        %get3A_725 = arith.constant 0 : i32
        %get3A_726 = arith.constant 0 : i32
        %get3A_727 = arith.index_cast %get3A_724 : i32 to index
        %get3A_728 = arith.index_cast %get3A_725 : i32 to index
        %get3A_729 = arith.index_cast %get3A_726 : i32 to index
        %get3A_730 = arith.index_cast %scan3A_674 : i32 to index
        %get3A_731 = arith.constant 16 : index
        %get3A_732 = tpu.vector_load %arg9[%get3A_727, %get3A_728, %get3A_729, %get3A_730, %get3A_731] {strides = array<i32>} : memref<2x2x4x128x32xf32, #tpu.memory_space<vmem>>, vector<16xf32>,
        %get3A_733 = arith.constant 0 : i32
        %get3A_734 = arith.constant 0 : i32
        %get3A_735 = arith.constant 1 : i32
        %get3A_736 = arith.index_cast %get3A_733 : i32 to index
        %get3A_737 = arith.index_cast %get3A_734 : i32 to index
        %get3A_738 = arith.index_cast %get3A_735 : i32 to index
        %get3A_739 = arith.index_cast %scan3A_674 : i32 to index
        %get3A_740 = arith.constant 16 : index
        %get3A_741 = tpu.vector_load %arg9[%get3A_736, %get3A_737, %get3A_738, %get3A_739, %get3A_740] {strides = array<i32>} : memref<2x2x4x128x32xf32, #tpu.memory_space<vmem>>, vector<16xf32>,
        %add3A_742 = arith.addf %get3A_732, %get3A_741 : vector<16xf32>
        %get3A_743 = arith.constant 0 : i32
        %get3A_744 = arith.constant 0 : i32
        %get3A_745 = arith.constant 2 : i32
        %get3A_746 = arith.index_cast %get3A_743 : i32 to index
        %get3A_747 = arith.index_cast %get3A_744 : i32 to index
        %get3A_748 = arith.index_cast %get3A_745 : i32 to index
        %get3A_749 = arith.index_cast %scan3A_674 : i32 to index
        %get3A_750 = arith.constant 16 : index
        %get3A_751 = tpu.vector_load %arg9[%get3A_746, %get3A_747, %get3A_748, %get3A_749, %get3A_750] {strides = array<i32>} : memref<2x2x4x128x32xf32, #tpu.memory_space<vmem>>, vector<16xf32>,
        %get3A_752 = arith.constant 0 : i32
        %get3A_753 = arith.constant 0 : i32
        %get3A_754 = arith.constant 3 : i32
        %get3A_755 = arith.index_cast %get3A_752 : i32 to index
        %get3A_756 = arith.index_cast %get3A_753 : i32 to index
        %get3A_757 = arith.index_cast %get3A_754 : i32 to index
        %get3A_758 = arith.index_cast %scan3A_674 : i32 to index
        %get3A_759 = arith.constant 16 : index
        %get3A_760 = tpu.vector_load %arg9[%get3A_755, %get3A_756, %get3A_757, %get3A_758, %get3A_759] {strides = array<i32>} : memref<2x2x4x128x32xf32, #tpu.memory_space<vmem>>, vector<16xf32>,
        %add3A_761 = arith.addf %get3A_751, %get3A_760 : vector<16xf32>
        %add3A_762 = arith.addf %add3A_742, %add3A_761 : vector<16xf32>
        %mul3A_763 = arith.constant 2.500000e-01 : f32
        %mul3A_764 = vector.broadcast %mul3A_763 : f32 to vector<16xf32>
        %mul3A_765 = arith.mulf %add3A_762, %mul3A_764 : vector<16xf32>
        %swap3A_766 = arith.constant 0 : i32
        %swap3A_767 = arith.constant 0 : i32
        %swap3A_768 = arith.index_cast %swap3A_766 : i32 to index
        %swap3A_769 = arith.index_cast %swap3A_767 : i32 to index
        %swap3A_770 = arith.index_cast %scan3A_674 : i32 to index
        %swap3A_771 = arith.constant 16 : index
        %swap3A_772 = tpu.vector_load %arg10[%swap3A_768, %swap3A_769, %swap3A_770, %swap3A_771] {strides = array<i32>} : memref<2x2x128x32xf32, #tpu.memory_space<vmem>>, vector<16xf32>,
        tpu.vector_store %arg10[%swap3A_768, %swap3A_769, %swap3A_770, %swap3A_771], %mul3A_765 {strides = array<i32>} : memref<2x2x128x32xf32, #tpu.memory_space<vmem>>, vector<16xf32>,
        %scan3A_773 = arith.constant 2 : i32
        %scan3A_774 = arith.addi %scan3A_576, %scan3A_773 : i32
        %get3A_775 = arith.constant 0 : i32
        %get3A_776 = arith.constant 0 : i32
        %get3A_777 = arith.constant 0 : i32
        %get3A_778 = arith.index_cast %get3A_775 : i32 to index
        %get3A_779 = arith.index_cast %get3A_776 : i32 to index
        %get3A_780 = arith.index_cast %get3A_777 : i32 to index
        %get3A_781 = arith.index_cast %scan3A_774 : i32 to index
        %get3A_782 = arith.constant 0 : index
        %get3A_783 = tpu.vector_load %arg9[%get3A_778, %get3A_779, %get3A_780, %get3A_781, %get3A_782] {strides = array<i32>} : memref<2x2x4x128x32xf32, #tpu.memory_space<vmem>>, vector<16xf32>,
        %get3A_784 = arith.constant 0 : i32
        %get3A_785 = arith.constant 0 : i32
        %get3A_786 = arith.constant 1 : i32
        %get3A_787 = arith.index_cast %get3A_784 : i32 to index
        %get3A_788 = arith.index_cast %get3A_785 : i32 to index
        %get3A_789 = arith.index_cast %get3A_786 : i32 to index
        %get3A_790 = arith.index_cast %scan3A_774 : i32 to index
        %get3A_791 = arith.constant 0 : index
        %get3A_792 = tpu.vector_load %arg9[%get3A_787, %get3A_788, %get3A_789, %get3A_790, %get3A_791] {strides = array<i32>} : memref<2x2x4x128x32xf32, #tpu.memory_space<vmem>>, vector<16xf32>,
        %add3A_793 = arith.addf %get3A_783, %get3A_792 : vector<16xf32>
        %get3A_794 = arith.constant 0 : i32
        %get3A_795 = arith.constant 0 : i32
        %get3A_796 = arith.constant 2 : i32
        %get3A_797 = arith.index_cast %get3A_794 : i32 to index
        %get3A_798 = arith.index_cast %get3A_795 : i32 to index
        %get3A_799 = arith.index_cast %get3A_796 : i32 to index
        %get3A_800 = arith.index_cast %scan3A_774 : i32 to index
        %get3A_801 = arith.constant 0 : index
        %get3A_802 = tpu.vector_load %arg9[%get3A_797, %get3A_798, %get3A_799, %get3A_800, %get3A_801] {strides = array<i32>} : memref<2x2x4x128x32xf32, #tpu.memory_space<vmem>>, vector<16xf32>,
        %get3A_803 = arith.constant 0 : i32
        %get3A_804 = arith.constant 0 : i32
        %get3A_805 = arith.constant 3 : i32
        %get3A_806 = arith.index_cast %get3A_803 : i32 to index
        %get3A_807 = arith.index_cast %get3A_804 : i32 to index
        %get3A_808 = arith.index_cast %get3A_805 : i32 to index
        %get3A_809 = arith.index_cast %scan3A_774 : i32 to index
        %get3A_810 = arith.constant 0 : index
        %get3A_811 = tpu.vector_load %arg9[%get3A_806, %get3A_807, %get3A_808, %get3A_809, %get3A_810] {strides = array<i32>} : memref<2x2x4x128x32xf32, #tpu.memory_space<vmem>>, vector<16xf32>,
        %add3A_812 = arith.addf %get3A_802, %get3A_811 : vector<16xf32>
        %add3A_813 = arith.addf %add3A_793, %add3A_812 : vector<16xf32>
        %mul3A_814 = arith.constant 2.500000e-01 : f32
        %mul3A_815 = vector.broadcast %mul3A_814 : f32 to vector<16xf32>
        %mul3A_816 = arith.mulf %add3A_813, %mul3A_815 : vector<16xf32>
        %swap3A_817 = arith.constant 0 : i32
        %swap3A_818 = arith.constant 0 : i32
        %swap3A_819 = arith.index_cast %swap3A_817 : i32 to index
        %swap3A_820 = arith.index_cast %swap3A_818 : i32 to index
        %swap3A_821 = arith.index_cast %scan3A_774 : i32 to index
        %swap3A_822 = arith.constant 0 : index
        %swap3A_823 = tpu.vector_load %arg10[%swap3A_819, %swap3A_820, %swap3A_821, %swap3A_822] {strides = array<i32>} : memref<2x2x128x32xf32, #tpu.memory_space<vmem>>, vector<16xf32>,
        tpu.vector_store %arg10[%swap3A_819, %swap3A_820, %swap3A_821, %swap3A_822], %mul3A_816 {strides = array<i32>} : memref<2x2x128x32xf32, #tpu.memory_space<vmem>>, vector<16xf32>,
        %get3A_824 = arith.constant 0 : i32
        %get3A_825 = arith.constant 0 : i32
        %get3A_826 = arith.constant 0 : i32
        %get3A_827 = arith.index_cast %get3A_824 : i32 to index
        %get3A_828 = arith.index_cast %get3A_825 : i32 to index
        %get3A_829 = arith.index_cast %get3A_826 : i32 to index
        %get3A_830 = arith.index_cast %scan3A_774 : i32 to index
        %get3A_831 = arith.constant 16 : index
        %get3A_832 = tpu.vector_load %arg9[%get3A_827, %get3A_828, %get3A_829, %get3A_830, %get3A_831] {strides = array<i32>} : memref<2x2x4x128x32xf32, #tpu.memory_space<vmem>>, vector<16xf32>,
        %get3A_833 = arith.constant 0 : i32
        %get3A_834 = arith.constant 0 : i32
        %get3A_835 = arith.constant 1 : i32
        %get3A_836 = arith.index_cast %get3A_833 : i32 to index
        %get3A_837 = arith.index_cast %get3A_834 : i32 to index
        %get3A_838 = arith.index_cast %get3A_835 : i32 to index
        %get3A_839 = arith.index_cast %scan3A_774 : i32 to index
        %get3A_840 = arith.constant 16 : index
        %get3A_841 = tpu.vector_load %arg9[%get3A_836, %get3A_837, %get3A_838, %get3A_839, %get3A_840] {strides = array<i32>} : memref<2x2x4x128x32xf32, #tpu.memory_space<vmem>>, vector<16xf32>,
        %add3A_842 = arith.addf %get3A_832, %get3A_841 : vector<16xf32>
        %get3A_843 = arith.constant 0 : i32
        %get3A_844 = arith.constant 0 : i32
        %get3A_845 = arith.constant 2 : i32
        %get3A_846 = arith.index_cast %get3A_843 : i32 to index
        %get3A_847 = arith.index_cast %get3A_844 : i32 to index
        %get3A_848 = arith.index_cast %get3A_845 : i32 to index
        %get3A_849 = arith.index_cast %scan3A_774 : i32 to index
        %get3A_850 = arith.constant 16 : index
        %get3A_851 = tpu.vector_load %arg9[%get3A_846, %get3A_847, %get3A_848, %get3A_849, %get3A_850] {strides = array<i32>} : memref<2x2x4x128x32xf32, #tpu.memory_space<vmem>>, vector<16xf32>,
        %get3A_852 = arith.constant 0 : i32
        %get3A_853 = arith.constant 0 : i32
        %get3A_854 = arith.constant 3 : i32
        %get3A_855 = arith.index_cast %get3A_852 : i32 to index
        %get3A_856 = arith.index_cast %get3A_853 : i32 to index
        %get3A_857 = arith.index_cast %get3A_854 : i32 to index
        %get3A_858 = arith.index_cast %scan3A_774 : i32 to index
        %get3A_859 = arith.constant 16 : index
        %get3A_860 = tpu.vector_load %arg9[%get3A_855, %get3A_856, %get3A_857, %get3A_858, %get3A_859] {strides = array<i32>} : memref<2x2x4x128x32xf32, #tpu.memory_space<vmem>>, vector<16xf32>,
        %add3A_861 = arith.addf %get3A_851, %get3A_860 : vector<16xf32>
        %add3A_862 = arith.addf %add3A_842, %add3A_861 : vector<16xf32>
        %mul3A_863 = arith.constant 2.500000e-01 : f32
        %mul3A_864 = vector.broadcast %mul3A_863 : f32 to vector<16xf32>
        %mul3A_865 = arith.mulf %add3A_862, %mul3A_864 : vector<16xf32>
        %swap3A_866 = arith.constant 0 : i32
        %swap3A_867 = arith.constant 0 : i32
        %swap3A_868 = arith.index_cast %swap3A_866 : i32 to index
        %swap3A_869 = arith.index_cast %swap3A_867 : i32 to index
        %swap3A_870 = arith.index_cast %scan3A_774 : i32 to index
        %swap3A_871 = arith.constant 16 : index
        %swap3A_872 = tpu.vector_load %arg10[%swap3A_868, %swap3A_869, %swap3A_870, %swap3A_871] {strides = array<i32>} : memref<2x2x128x32xf32, #tpu.memory_space<vmem>>, vector<16xf32>,
        tpu.vector_store %arg10[%swap3A_868, %swap3A_869, %swap3A_870, %swap3A_871], %mul3A_865 {strides = array<i32>} : memref<2x2x128x32xf32, #tpu.memory_space<vmem>>, vector<16xf32>,
        %scan3A_873 = arith.constant 3 : i32
        %scan3A_874 = arith.addi %scan3A_576, %scan3A_873 : i32
        %get3A_875 = arith.constant 0 : i32
        %get3A_876 = arith.constant 0 : i32
        %get3A_877 = arith.constant 0 : i32
        %get3A_878 = arith.index_cast %get3A_875 : i32 to index
        %get3A_879 = arith.index_cast %get3A_876 : i32 to index
        %get3A_880 = arith.index_cast %get3A_877 : i32 to index
        %get3A_881 = arith.index_cast %scan3A_874 : i32 to index
        %get3A_882 = arith.constant 0 : index
        %get3A_883 = tpu.vector_load %arg9[%get3A_878, %get3A_879, %get3A_880, %get3A_881, %get3A_882] {strides = array<i32>} : memref<2x2x4x128x32xf32, #tpu.memory_space<vmem>>, vector<16xf32>,
        %get3A_884 = arith.constant 0 : i32
        %get3A_885 = arith.constant 0 : i32
        %get3A_886 = arith.constant 1 : i32
        %get3A_887 = arith.index_cast %get3A_884 : i32 to index
        %get3A_888 = arith.index_cast %get3A_885 : i32 to index
        %get3A_889 = arith.index_cast %get3A_886 : i32 to index
        %get3A_890 = arith.index_cast %scan3A_874 : i32 to index
        %get3A_891 = arith.constant 0 : index
        %get3A_892 = tpu.vector_load %arg9[%get3A_887, %get3A_888, %get3A_889, %get3A_890, %get3A_891] {strides = array<i32>} : memref<2x2x4x128x32xf32, #tpu.memory_space<vmem>>, vector<16xf32>,
        %add3A_893 = arith.addf %get3A_883, %get3A_892 : vector<16xf32>
        %get3A_894 = arith.constant 0 : i32
        %get3A_895 = arith.constant 0 : i32
        %get3A_896 = arith.constant 2 : i32
        %get3A_897 = arith.index_cast %get3A_894 : i32 to index
        %get3A_898 = arith.index_cast %get3A_895 : i32 to index
        %get3A_899 = arith.index_cast %get3A_896 : i32 to index
        %get3A_900 = arith.index_cast %scan3A_874 : i32 to index
        %get3A_901 = arith.constant 0 : index
        %get3A_902 = tpu.vector_load %arg9[%get3A_897, %get3A_898, %get3A_899, %get3A_900, %get3A_901] {strides = array<i32>} : memref<2x2x4x128x32xf32, #tpu.memory_space<vmem>>, vector<16xf32>,
        %get3A_903 = arith.constant 0 : i32
        %get3A_904 = arith.constant 0 : i32
        %get3A_905 = arith.constant 3 : i32
        %get3A_906 = arith.index_cast %get3A_903 : i32 to index
        %get3A_907 = arith.index_cast %get3A_904 : i32 to index
        %get3A_908 = arith.index_cast %get3A_905 : i32 to index
        %get3A_909 = arith.index_cast %scan3A_874 : i32 to index
        %get3A_910 = arith.constant 0 : index
        %get3A_911 = tpu.vector_load %arg9[%get3A_906, %get3A_907, %get3A_908, %get3A_909, %get3A_910] {strides = array<i32>} : memref<2x2x4x128x32xf32, #tpu.memory_space<vmem>>, vector<16xf32>,
        %add3A_912 = arith.addf %get3A_902, %get3A_911 : vector<16xf32>
        %add3A_913 = arith.addf %add3A_893, %add3A_912 : vector<16xf32>
        %mul3A_914 = arith.constant 2.500000e-01 : f32
        %mul3A_915 = vector.broadcast %mul3A_914 : f32 to vector<16xf32>
        %mul3A_916 = arith.mulf %add3A_913, %mul3A_915 : vector<16xf32>
        %swap3A_917 = arith.constant 0 : i32
        %swap3A_918 = arith.constant 0 : i32
        %swap3A_919 = arith.index_cast %swap3A_917 : i32 to index
        %swap3A_920 = arith.index_cast %swap3A_918 : i32 to index
        %swap3A_921 = arith.index_cast %scan3A_874 : i32 to index
        %swap3A_922 = arith.constant 0 : index
        %swap3A_923 = tpu.vector_load %arg10[%swap3A_919, %swap3A_920, %swap3A_921, %swap3A_922] {strides = array<i32>} : memref<2x2x128x32xf32, #tpu.memory_space<vmem>>, vector<16xf32>,
        tpu.vector_store %arg10[%swap3A_919, %swap3A_920, %swap3A_921, %swap3A_922], %mul3A_916 {strides = array<i32>} : memref<2x2x128x32xf32, #tpu.memory_space<vmem>>, vector<16xf32>,
        %get3A_924 = arith.constant 0 : i32
        %get3A_925 = arith.constant 0 : i32
        %get3A_926 = arith.constant 0 : i32
        %get3A_927 = arith.index_cast %get3A_924 : i32 to index
        %get3A_928 = arith.index_cast %get3A_925 : i32 to index
        %get3A_929 = arith.index_cast %get3A_926 : i32 to index
        %get3A_930 = arith.index_cast %scan3A_874 : i32 to index
        %get3A_931 = arith.constant 16 : index
        %get3A_932 = tpu.vector_load %arg9[%get3A_927, %get3A_928, %get3A_929, %get3A_930, %get3A_931] {strides = array<i32>} : memref<2x2x4x128x32xf32, #tpu.memory_space<vmem>>, vector<16xf32>,
        %get3A_933 = arith.constant 0 : i32
        %get3A_934 = arith.constant 0 : i32
        %get3A_935 = arith.constant 1 : i32
        %get3A_936 = arith.index_cast %get3A_933 : i32 to index
        %get3A_937 = arith.index_cast %get3A_934 : i32 to index
        %get3A_938 = arith.index_cast %get3A_935 : i32 to index
        %get3A_939 = arith.index_cast %scan3A_874 : i32 to index
        %get3A_940 = arith.constant 16 : index
        %get3A_941 = tpu.vector_load %arg9[%get3A_936, %get3A_937, %get3A_938, %get3A_939, %get3A_940] {strides = array<i32>} : memref<2x2x4x128x32xf32, #tpu.memory_space<vmem>>, vector<16xf32>,
        %add3A_942 = arith.addf %get3A_932, %get3A_941 : vector<16xf32>
        %get3A_943 = arith.constant 0 : i32
        %get3A_944 = arith.constant 0 : i32
        %get3A_945 = arith.constant 2 : i32
        %get3A_946 = arith.index_cast %get3A_943 : i32 to index
        %get3A_947 = arith.index_cast %get3A_944 : i32 to index
        %get3A_948 = arith.index_cast %get3A_945 : i32 to index
        %get3A_949 = arith.index_cast %scan3A_874 : i32 to index
        %get3A_950 = arith.constant 16 : index
        %get3A_951 = tpu.vector_load %arg9[%get3A_946, %get3A_947, %get3A_948, %get3A_949, %get3A_950] {strides = array<i32>} : memref<2x2x4x128x32xf32, #tpu.memory_space<vmem>>, vector<16xf32>,
        %get3A_952 = arith.constant 0 : i32
        %get3A_953 = arith.constant 0 : i32
        %get3A_954 = arith.constant 3 : i32
        %get3A_955 = arith.index_cast %get3A_952 : i32 to index
        %get3A_956 = arith.index_cast %get3A_953 : i32 to index
        %get3A_957 = arith.index_cast %get3A_954 : i32 to index
        %get3A_958 = arith.index_cast %scan3A_874 : i32 to index
        %get3A_959 = arith.constant 16 : index
        %get3A_960 = tpu.vector_load %arg9[%get3A_955, %get3A_956, %get3A_957, %get3A_958, %get3A_959] {strides = array<i32>} : memref<2x2x4x128x32xf32, #tpu.memory_space<vmem>>, vector<16xf32>,
        %add3A_961 = arith.addf %get3A_951, %get3A_960 : vector<16xf32>
        %add3A_962 = arith.addf %add3A_942, %add3A_961 : vector<16xf32>
        %mul3A_963 = arith.constant 2.500000e-01 : f32
        %mul3A_964 = vector.broadcast %mul3A_963 : f32 to vector<16xf32>
        %mul3A_965 = arith.mulf %add3A_962, %mul3A_964 : vector<16xf32>
        %swap3A_966 = arith.constant 0 : i32
        %swap3A_967 = arith.constant 0 : i32
        %swap3A_968 = arith.index_cast %swap3A_966 : i32 to index
        %swap3A_969 = arith.index_cast %swap3A_967 : i32 to index
        %swap3A_970 = arith.index_cast %scan3A_874 : i32 to index
        %swap3A_971 = arith.constant 16 : index
        %swap3A_972 = tpu.vector_load %arg10[%swap3A_968, %swap3A_969, %swap3A_970, %swap3A_971] {strides = array<i32>} : memref<2x2x128x32xf32, #tpu.memory_space<vmem>>, vector<16xf32>,
        tpu.vector_store %arg10[%swap3A_968, %swap3A_969, %swap3A_970, %swap3A_971], %mul3A_965 {strides = array<i32>} : memref<2x2x128x32xf32, #tpu.memory_space<vmem>>, vector<16xf32>,
        %scan3A_973 = arith.constant 4 : i32
        %scan3A_974 = arith.addi %scan3A_576, %scan3A_973 : i32
        %get3A_975 = arith.constant 0 : i32
        %get3A_976 = arith.constant 0 : i32
        %get3A_977 = arith.constant 0 : i32
        %get3A_978 = arith.index_cast %get3A_975 : i32 to index
        %get3A_979 = arith.index_cast %get3A_976 : i32 to index
        %get3A_980 = arith.index_cast %get3A_977 : i32 to index
        %get3A_981 = arith.index_cast %scan3A_974 : i32 to index
        %get3A_982 = arith.constant 0 : index
        %get3A_983 = tpu.vector_load %arg9[%get3A_978, %get3A_979, %get3A_980, %get3A_981, %get3A_982] {strides = array<i32>} : memref<2x2x4x128x32xf32, #tpu.memory_space<vmem>>, vector<16xf32>,
        %get3A_984 = arith.constant 0 : i32
        %get3A_985 = arith.constant 0 : i32
        %get3A_986 = arith.constant 1 : i32
        %get3A_987 = arith.index_cast %get3A_984 : i32 to index
        %get3A_988 = arith.index_cast %get3A_985 : i32 to index
        %get3A_989 = arith.index_cast %get3A_986 : i32 to index
        %get3A_990 = arith.index_cast %scan3A_974 : i32 to index
        %get3A_991 = arith.constant 0 : index
        %get3A_992 = tpu.vector_load %arg9[%get3A_987, %get3A_988, %get3A_989, %get3A_990, %get3A_991] {strides = array<i32>} : memref<2x2x4x128x32xf32, #tpu.memory_space<vmem>>, vector<16xf32>,
        %add3A_993 = arith.addf %get3A_983, %get3A_992 : vector<16xf32>
        %get3A_994 = arith.constant 0 : i32
        %get3A_995 = arith.constant 0 : i32
        %get3A_996 = arith.constant 2 : i32
        %get3A_997 = arith.index_cast %get3A_994 : i32 to index
        %get3A_998 = arith.index_cast %get3A_995 : i32 to index
        %get3A_999 = arith.index_cast %get3A_996 : i32 to index
        %get3A_1000 = arith.index_cast %scan3A_974 : i32 to index
        %get3A_1001 = arith.constant 0 : index
        %get3A_1002 = tpu.vector_load %arg9[%get3A_997, %get3A_998, %get3A_999, %get3A_1000, %get3A_1001] {strides = array<i32>} : memref<2x2x4x128x32xf32, #tpu.memory_space<vmem>>, vector<16xf32>,
        %get3A_1003 = arith.constant 0 : i32
        %get3A_1004 = arith.constant 0 : i32
        %get3A_1005 = arith.constant 3 : i32
        %get3A_1006 = arith.index_cast %get3A_1003 : i32 to index
        %get3A_1007 = arith.index_cast %get3A_1004 : i32 to index
        %get3A_1008 = arith.index_cast %get3A_1005 : i32 to index
        %get3A_1009 = arith.index_cast %scan3A_974 : i32 to index
        %get3A_1010 = arith.constant 0 : index
        %get3A_1011 = tpu.vector_load %arg9[%get3A_1006, %get3A_1007, %get3A_1008, %get3A_1009, %get3A_1010] {strides = array<i32>} : memref<2x2x4x128x32xf32, #tpu.memory_space<vmem>>, vector<16xf32>,
        %add3A_1012 = arith.addf %get3A_1002, %get3A_1011 : vector<16xf32>
        %add3A_1013 = arith.addf %add3A_993, %add3A_1012 : vector<16xf32>
        %mul3A_1014 = arith.constant 2.500000e-01 : f32
        %mul3A_1015 = vector.broadcast %mul3A_1014 : f32 to vector<16xf32>
        %mul3A_1016 = arith.mulf %add3A_1013, %mul3A_1015 : vector<16xf32>
        %swap3A_1017 = arith.constant 0 : i32
        %swap3A_1018 = arith.constant 0 : i32
        %swap3A_1019 = arith.index_cast %swap3A_1017 : i32 to index
        %swap3A_1020 = arith.index_cast %swap3A_1018 : i32 to index
        %swap3A_1021 = arith.index_cast %scan3A_974 : i32 to index
        %swap3A_1022 = arith.constant 0 : index
        %swap3A_1023 = tpu.vector_load %arg10[%swap3A_1019, %swap3A_1020, %swap3A_1021, %swap3A_1022] {strides = array<i32>} : memref<2x2x128x32xf32, #tpu.memory_space<vmem>>, vector<16xf32>,
        tpu.vector_store %arg10[%swap3A_1019, %swap3A_1020, %swap3A_1021, %swap3A_1022], %mul3A_1016 {strides = array<i32>} : memref<2x2x128x32xf32, #tpu.memory_space<vmem>>, vector<16xf32>,
        %get3A_1024 = arith.constant 0 : i32
        %get3A_1025 = arith.constant 0 : i32
        %get3A_1026 = arith.constant 0 : i32
        %get3A_1027 = arith.index_cast %get3A_1024 : i32 to index
        %get3A_1028 = arith.index_cast %get3A_1025 : i32 to index
        %get3A_1029 = arith.index_cast %get3A_1026 : i32 to index
        %get3A_1030 = arith.index_cast %scan3A_974 : i32 to index
        %get3A_1031 = arith.constant 16 : index
        %get3A_1032 = tpu.vector_load %arg9[%get3A_1027, %get3A_1028, %get3A_1029, %get3A_1030, %get3A_1031] {strides = array<i32>} : memref<2x2x4x128x32xf32, #tpu.memory_space<vmem>>, vector<16xf32>,
        %get3A_1033 = arith.constant 0 : i32
        %get3A_1034 = arith.constant 0 : i32
        %get3A_1035 = arith.constant 1 : i32
        %get3A_1036 = arith.index_cast %get3A_1033 : i32 to index
        %get3A_1037 = arith.index_cast %get3A_1034 : i32 to index
        %get3A_1038 = arith.index_cast %get3A_1035 : i32 to index
        %get3A_1039 = arith.index_cast %scan3A_974 : i32 to index
        %get3A_1040 = arith.constant 16 : index
        %get3A_1041 = tpu.vector_load %arg9[%get3A_1036, %get3A_1037, %get3A_1038, %get3A_1039, %get3A_1040] {strides = array<i32>} : memref<2x2x4x128x32xf32, #tpu.memory_space<vmem>>, vector<16xf32>,
        %add3A_1042 = arith.addf %get3A_1032, %get3A_1041 : vector<16xf32>
        %get3A_1043 = arith.constant 0 : i32
        %get3A_1044 = arith.constant 0 : i32
        %get3A_1045 = arith.constant 2 : i32
        %get3A_1046 = arith.index_cast %get3A_1043 : i32 to index
        %get3A_1047 = arith.index_cast %get3A_1044 : i32 to index
        %get3A_1048 = arith.index_cast %get3A_1045 : i32 to index
        %get3A_1049 = arith.index_cast %scan3A_974 : i32 to index
        %get3A_1050 = arith.constant 16 : index
        %get3A_1051 = tpu.vector_load %arg9[%get3A_1046, %get3A_1047, %get3A_1048, %get3A_1049, %get3A_1050] {strides = array<i32>} : memref<2x2x4x128x32xf32, #tpu.memory_space<vmem>>, vector<16xf32>,
        %get3A_1052 = arith.constant 0 : i32
        %get3A_1053 = arith.constant 0 : i32
        %get3A_1054 = arith.constant 3 : i32
        %get3A_1055 = arith.index_cast %get3A_1052 : i32 to index
        %get3A_1056 = arith.index_cast %get3A_1053 : i32 to index
        %get3A_1057 = arith.index_cast %get3A_1054 : i32 to index
        %get3A_1058 = arith.index_cast %scan3A_974 : i32 to index
        %get3A_1059 = arith.constant 16 : index
        %get3A_1060 = tpu.vector_load %arg9[%get3A_1055, %get3A_1056, %get3A_1057, %get3A_1058, %get3A_1059] {strides = array<i32>} : memref<2x2x4x128x32xf32, #tpu.memory_space<vmem>>, vector<16xf32>,
        %add3A_1061 = arith.addf %get3A_1051, %get3A_1060 : vector<16xf32>
        %add3A_1062 = arith.addf %add3A_1042, %add3A_1061 : vector<16xf32>
        %mul3A_1063 = arith.constant 2.500000e-01 : f32
        %mul3A_1064 = vector.broadcast %mul3A_1063 : f32 to vector<16xf32>
        %mul3A_1065 = arith.mulf %add3A_1062, %mul3A_1064 : vector<16xf32>
        %swap3A_1066 = arith.constant 0 : i32
        %swap3A_1067 = arith.constant 0 : i32
        %swap3A_1068 = arith.index_cast %swap3A_1066 : i32 to index
        %swap3A_1069 = arith.index_cast %swap3A_1067 : i32 to index
        %swap3A_1070 = arith.index_cast %scan3A_974 : i32 to index
        %swap3A_1071 = arith.constant 16 : index
        %swap3A_1072 = tpu.vector_load %arg10[%swap3A_1068, %swap3A_1069, %swap3A_1070, %swap3A_1071] {strides = array<i32>} : memref<2x2x128x32xf32, #tpu.memory_space<vmem>>, vector<16xf32>,
        tpu.vector_store %arg10[%swap3A_1068, %swap3A_1069, %swap3A_1070, %swap3A_1071], %mul3A_1065 {strides = array<i32>} : memref<2x2x128x32xf32, #tpu.memory_space<vmem>>, vector<16xf32>,
        %scan3A_1073 = arith.constant 5 : i32
        %scan3A_1074 = arith.addi %scan3A_576, %scan3A_1073 : i32
        %get3A_1075 = arith.constant 0 : i32
        %get3A_1076 = arith.constant 0 : i32
        %get3A_1077 = arith.constant 0 : i32
        %get3A_1078 = arith.index_cast %get3A_1075 : i32 to index
        %get3A_1079 = arith.index_cast %get3A_1076 : i32 to index
        %get3A_1080 = arith.index_cast %get3A_1077 : i32 to index
        %get3A_1081 = arith.index_cast %scan3A_1074 : i32 to index
        %get3A_1082 = arith.constant 0 : index
        %get3A_1083 = tpu.vector_load %arg9[%get3A_1078, %get3A_1079, %get3A_1080, %get3A_1081, %get3A_1082] {strides = array<i32>} : memref<2x2x4x128x32xf32, #tpu.memory_space<vmem>>, vector<16xf32>,
        %get3A_1084 = arith.constant 0 : i32
        %get3A_1085 = arith.constant 0 : i32
        %get3A_1086 = arith.constant 1 : i32
        %get3A_1087 = arith.index_cast %get3A_1084 : i32 to index
        %get3A_1088 = arith.index_cast %get3A_1085 : i32 to index
        %get3A_1089 = arith.index_cast %get3A_1086 : i32 to index
        %get3A_1090 = arith.index_cast %scan3A_1074 : i32 to index
        %get3A_1091 = arith.constant 0 : index
        %get3A_1092 = tpu.vector_load %arg9[%get3A_1087, %get3A_1088, %get3A_1089, %get3A_1090, %get3A_1091] {strides = array<i32>} : memref<2x2x4x128x32xf32, #tpu.memory_space<vmem>>, vector<16xf32>,
        %add3A_1093 = arith.addf %get3A_1083, %get3A_1092 : vector<16xf32>
        %get3A_1094 = arith.constant 0 : i32
        %get3A_1095 = arith.constant 0 : i32
        %get3A_1096 = arith.constant 2 : i32
        %get3A_1097 = arith.index_cast %get3A_1094 : i32 to index
        %get3A_1098 = arith.index_cast %get3A_1095 : i32 to index
        %get3A_1099 = arith.index_cast %get3A_1096 : i32 to index
        %get3A_1100 = arith.index_cast %scan3A_1074 : i32 to index
        %get3A_1101 = arith.constant 0 : index
        %get3A_1102 = tpu.vector_load %arg9[%get3A_1097, %get3A_1098, %get3A_1099, %get3A_1100, %get3A_1101] {strides = array<i32>} : memref<2x2x4x128x32xf32, #tpu.memory_space<vmem>>, vector<16xf32>,
        %get3A_1103 = arith.constant 0 : i32
        %get3A_1104 = arith.constant 0 : i32
        %get3A_1105 = arith.constant 3 : i32
        %get3A_1106 = arith.index_cast %get3A_1103 : i32 to index
        %get3A_1107 = arith.index_cast %get3A_1104 : i32 to index
        %get3A_1108 = arith.index_cast %get3A_1105 : i32 to index
        %get3A_1109 = arith.index_cast %scan3A_1074 : i32 to index
        %get3A_1110 = arith.constant 0 : index
        %get3A_1111 = tpu.vector_load %arg9[%get3A_1106, %get3A_1107, %get3A_1108, %get3A_1109, %get3A_1110] {strides = array<i32>} : memref<2x2x4x128x32xf32, #tpu.memory_space<vmem>>, vector<16xf32>,
        %add3A_1112 = arith.addf %get3A_1102, %get3A_1111 : vector<16xf32>
        %add3A_1113 = arith.addf %add3A_1093, %add3A_1112 : vector<16xf32>
        %mul3A_1114 = arith.constant 2.500000e-01 : f32
        %mul3A_1115 = vector.broadcast %mul3A_1114 : f32 to vector<16xf32>
        %mul3A_1116 = arith.mulf %add3A_1113, %mul3A_1115 : vector<16xf32>
        %swap3A_1117 = arith.constant 0 : i32
        %swap3A_1118 = arith.constant 0 : i32
        %swap3A_1119 = arith.index_cast %swap3A_1117 : i32 to index
        %swap3A_1120 = arith.index_cast %swap3A_1118 : i32 to index
        %swap3A_1121 = arith.index_cast %scan3A_1074 : i32 to index
        %swap3A_1122 = arith.constant 0 : index
        %swap3A_1123 = tpu.vector_load %arg10[%swap3A_1119, %swap3A_1120, %swap3A_1121, %swap3A_1122] {strides = array<i32>} : memref<2x2x128x32xf32, #tpu.memory_space<vmem>>, vector<16xf32>,
        tpu.vector_store %arg10[%swap3A_1119, %swap3A_1120, %swap3A_1121, %swap3A_1122], %mul3A_1116 {strides = array<i32>} : memref<2x2x128x32xf32, #tpu.memory_space<vmem>>, vector<16xf32>,
        %get3A_1124 = arith.constant 0 : i32
        %get3A_1125 = arith.constant 0 : i32
        %get3A_1126 = arith.constant 0 : i32
        %get3A_1127 = arith.index_cast %get3A_1124 : i32 to index
        %get3A_1128 = arith.index_cast %get3A_1125 : i32 to index
        %get3A_1129 = arith.index_cast %get3A_1126 : i32 to index
        %get3A_1130 = arith.index_cast %scan3A_1074 : i32 to index
        %get3A_1131 = arith.constant 16 : index
        %get3A_1132 = tpu.vector_load %arg9[%get3A_1127, %get3A_1128, %get3A_1129, %get3A_1130, %get3A_1131] {strides = array<i32>} : memref<2x2x4x128x32xf32, #tpu.memory_space<vmem>>, vector<16xf32>,
        %get3A_1133 = arith.constant 0 : i32
        %get3A_1134 = arith.constant 0 : i32
        %get3A_1135 = arith.constant 1 : i32
        %get3A_1136 = arith.index_cast %get3A_1133 : i32 to index
        %get3A_1137 = arith.index_cast %get3A_1134 : i32 to index
        %get3A_1138 = arith.index_cast %get3A_1135 : i32 to index
        %get3A_1139 = arith.index_cast %scan3A_1074 : i32 to index
        %get3A_1140 = arith.constant 16 : index
        %get3A_1141 = tpu.vector_load %arg9[%get3A_1136, %get3A_1137, %get3A_1138, %get3A_1139, %get3A_1140] {strides = array<i32>} : memref<2x2x4x128x32xf32, #tpu.memory_space<vmem>>, vector<16xf32>,
        %add3A_1142 = arith.addf %get3A_1132, %get3A_1141 : vector<16xf32>
        %get3A_1143 = arith.constant 0 : i32
        %get3A_1144 = arith.constant 0 : i32
        %get3A_1145 = arith.constant 2 : i32
        %get3A_1146 = arith.index_cast %get3A_1143 : i32 to index
        %get3A_1147 = arith.index_cast %get3A_1144 : i32 to index
        %get3A_1148 = arith.index_cast %get3A_1145 : i32 to index
        %get3A_1149 = arith.index_cast %scan3A_1074 : i32 to index
        %get3A_1150 = arith.constant 16 : index
        %get3A_1151 = tpu.vector_load %arg9[%get3A_1146, %get3A_1147, %get3A_1148, %get3A_1149, %get3A_1150] {strides = array<i32>} : memref<2x2x4x128x32xf32, #tpu.memory_space<vmem>>, vector<16xf32>,
        %get3A_1152 = arith.constant 0 : i32
        %get3A_1153 = arith.constant 0 : i32
        %get3A_1154 = arith.constant 3 : i32
        %get3A_1155 = arith.index_cast %get3A_1152 : i32 to index
        %get3A_1156 = arith.index_cast %get3A_1153 : i32 to index
        %get3A_1157 = arith.index_cast %get3A_1154 : i32 to index
        %get3A_1158 = arith.index_cast %scan3A_1074 : i32 to index
        %get3A_1159 = arith.constant 16 : index
        %get3A_1160 = tpu.vector_load %arg9[%get3A_1155, %get3A_1156, %get3A_1157, %get3A_1158, %get3A_1159] {strides = array<i32>} : memref<2x2x4x128x32xf32, #tpu.memory_space<vmem>>, vector<16xf32>,
        %add3A_1161 = arith.addf %get3A_1151, %get3A_1160 : vector<16xf32>
        %add3A_1162 = arith.addf %add3A_1142, %add3A_1161 : vector<16xf32>
        %mul3A_1163 = arith.constant 2.500000e-01 : f32
        %mul3A_1164 = vector.broadcast %mul3A_1163 : f32 to vector<16xf32>
        %mul3A_1165 = arith.mulf %add3A_1162, %mul3A_1164 : vector<16xf32>
        %swap3A_1166 = arith.constant 0 : i32
        %swap3A_1167 = arith.constant 0 : i32
        %swap3A_1168 = arith.index_cast %swap3A_1166 : i32 to index
        %swap3A_1169 = arith.index_cast %swap3A_1167 : i32 to index
        %swap3A_1170 = arith.index_cast %scan3A_1074 : i32 to index
        %swap3A_1171 = arith.constant 16 : index
        %swap3A_1172 = tpu.vector_load %arg10[%swap3A_1168, %swap3A_1169, %swap3A_1170, %swap3A_1171] {strides = array<i32>} : memref<2x2x128x32xf32, #tpu.memory_space<vmem>>, vector<16xf32>,
        tpu.vector_store %arg10[%swap3A_1168, %swap3A_1169, %swap3A_1170, %swap3A_1171], %mul3A_1165 {strides = array<i32>} : memref<2x2x128x32xf32, #tpu.memory_space<vmem>>, vector<16xf32>,
        %scan3A_1173 = arith.constant 6 : i32
        %scan3A_1174 = arith.addi %scan3A_576, %scan3A_1173 : i32
        %get3A_1175 = arith.constant 0 : i32
        %get3A_1176 = arith.constant 0 : i32
        %get3A_1177 = arith.constant 0 : i32
        %get3A_1178 = arith.index_cast %get3A_1175 : i32 to index
        %get3A_1179 = arith.index_cast %get3A_1176 : i32 to index
        %get3A_1180 = arith.index_cast %get3A_1177 : i32 to index
        %get3A_1181 = arith.index_cast %scan3A_1174 : i32 to index
        %get3A_1182 = arith.constant 0 : index
        %get3A_1183 = tpu.vector_load %arg9[%get3A_1178, %get3A_1179, %get3A_1180, %get3A_1181, %get3A_1182] {strides = array<i32>} : memref<2x2x4x128x32xf32, #tpu.memory_space<vmem>>, vector<16xf32>,
        %get3A_1184 = arith.constant 0 : i32
        %get3A_1185 = arith.constant 0 : i32
        %get3A_1186 = arith.constant 1 : i32
        %get3A_1187 = arith.index_cast %get3A_1184 : i32 to index
        %get3A_1188 = arith.index_cast %get3A_1185 : i32 to index
        %get3A_1189 = arith.index_cast %get3A_1186 : i32 to index
        %get3A_1190 = arith.index_cast %scan3A_1174 : i32 to index
        %get3A_1191 = arith.constant 0 : index
        %get3A_1192 = tpu.vector_load %arg9[%get3A_1187, %get3A_1188, %get3A_1189, %get3A_1190, %get3A_1191] {strides = array<i32>} : memref<2x2x4x128x32xf32, #tpu.memory_space<vmem>>, vector<16xf32>,
        %add3A_1193 = arith.addf %get3A_1183, %get3A_1192 : vector<16xf32>
        %get3A_1194 = arith.constant 0 : i32
        %get3A_1195 = arith.constant 0 : i32
        %get3A_1196 = arith.constant 2 : i32
        %get3A_1197 = arith.index_cast %get3A_1194 : i32 to index
        %get3A_1198 = arith.index_cast %get3A_1195 : i32 to index
        %get3A_1199 = arith.index_cast %get3A_1196 : i32 to index
        %get3A_1200 = arith.index_cast %scan3A_1174 : i32 to index
        %get3A_1201 = arith.constant 0 : index
        %get3A_1202 = tpu.vector_load %arg9[%get3A_1197, %get3A_1198, %get3A_1199, %get3A_1200, %get3A_1201] {strides = array<i32>} : memref<2x2x4x128x32xf32, #tpu.memory_space<vmem>>, vector<16xf32>,
        %get3A_1203 = arith.constant 0 : i32
        %get3A_1204 = arith.constant 0 : i32
        %get3A_1205 = arith.constant 3 : i32
        %get3A_1206 = arith.index_cast %get3A_1203 : i32 to index
        %get3A_1207 = arith.index_cast %get3A_1204 : i32 to index
        %get3A_1208 = arith.index_cast %get3A_1205 : i32 to index
        %get3A_1209 = arith.index_cast %scan3A_1174 : i32 to index
        %get3A_1210 = arith.constant 0 : index
        %get3A_1211 = tpu.vector_load %arg9[%get3A_1206, %get3A_1207, %get3A_1208, %get3A_1209, %get3A_1210] {strides = array<i32>} : memref<2x2x4x128x32xf32, #tpu.memory_space<vmem>>, vector<16xf32>,
        %add3A_1212 = arith.addf %get3A_1202, %get3A_1211 : vector<16xf32>
        %add3A_1213 = arith.addf %add3A_1193, %add3A_1212 : vector<16xf32>
        %mul3A_1214 = arith.constant 2.500000e-01 : f32
        %mul3A_1215 = vector.broadcast %mul3A_1214 : f32 to vector<16xf32>
        %mul3A_1216 = arith.mulf %add3A_1213, %mul3A_1215 : vector<16xf32>
        %swap3A_1217 = arith.constant 0 : i32
        %swap3A_1218 = arith.constant 0 : i32
        %swap3A_1219 = arith.index_cast %swap3A_1217 : i32 to index
        %swap3A_1220 = arith.index_cast %swap3A_1218 : i32 to index
        %swap3A_1221 = arith.index_cast %scan3A_1174 : i32 to index
        %swap3A_1222 = arith.constant 0 : index
        %swap3A_1223 = tpu.vector_load %arg10[%swap3A_1219, %swap3A_1220, %swap3A_1221, %swap3A_1222] {strides = array<i32>} : memref<2x2x128x32xf32, #tpu.memory_space<vmem>>, vector<16xf32>,
        tpu.vector_store %arg10[%swap3A_1219, %swap3A_1220, %swap3A_1221, %swap3A_1222], %mul3A_1216 {strides = array<i32>} : memref<2x2x128x32xf32, #tpu.memory_space<vmem>>, vector<16xf32>,
        %get3A_1224 = arith.constant 0 : i32
        %get3A_1225 = arith.constant 0 : i32
        %get3A_1226 = arith.constant 0 : i32
        %get3A_1227 = arith.index_cast %get3A_1224 : i32 to index
        %get3A_1228 = arith.index_cast %get3A_1225 : i32 to index
        %get3A_1229 = arith.index_cast %get3A_1226 : i32 to index
        %get3A_1230 = arith.index_cast %scan3A_1174 : i32 to index
        %get3A_1231 = arith.constant 16 : index
        %get3A_1232 = tpu.vector_load %arg9[%get3A_1227, %get3A_1228, %get3A_1229, %get3A_1230, %get3A_1231] {strides = array<i32>} : memref<2x2x4x128x32xf32, #tpu.memory_space<vmem>>, vector<16xf32>,
        %get3A_1233 = arith.constant 0 : i32
        %get3A_1234 = arith.constant 0 : i32
        %get3A_1235 = arith.constant 1 : i32
        %get3A_1236 = arith.index_cast %get3A_1233 : i32 to index
        %get3A_1237 = arith.index_cast %get3A_1234 : i32 to index
        %get3A_1238 = arith.index_cast %get3A_1235 : i32 to index
        %get3A_1239 = arith.index_cast %scan3A_1174 : i32 to index
        %get3A_1240 = arith.constant 16 : index
        %get3A_1241 = tpu.vector_load %arg9[%get3A_1236, %get3A_1237, %get3A_1238, %get3A_1239, %get3A_1240] {strides = array<i32>} : memref<2x2x4x128x32xf32, #tpu.memory_space<vmem>>, vector<16xf32>,
        %add3A_1242 = arith.addf %get3A_1232, %get3A_1241 : vector<16xf32>
        %get3A_1243 = arith.constant 0 : i32
        %get3A_1244 = arith.constant 0 : i32
        %get3A_1245 = arith.constant 2 : i32
        %get3A_1246 = arith.index_cast %get3A_1243 : i32 to index
        %get3A_1247 = arith.index_cast %get3A_1244 : i32 to index
        %get3A_1248 = arith.index_cast %get3A_1245 : i32 to index
        %get3A_1249 = arith.index_cast %scan3A_1174 : i32 to index
        %get3A_1250 = arith.constant 16 : index
        %get3A_1251 = tpu.vector_load %arg9[%get3A_1246, %get3A_1247, %get3A_1248, %get3A_1249, %get3A_1250] {strides = array<i32>} : memref<2x2x4x128x32xf32, #tpu.memory_space<vmem>>, vector<16xf32>,
        %get3A_1252 = arith.constant 0 : i32
        %get3A_1253 = arith.constant 0 : i32
        %get3A_1254 = arith.constant 3 : i32
        %get3A_1255 = arith.index_cast %get3A_1252 : i32 to index
        %get3A_1256 = arith.index_cast %get3A_1253 : i32 to index
        %get3A_1257 = arith.index_cast %get3A_1254 : i32 to index
        %get3A_1258 = arith.index_cast %scan3A_1174 : i32 to index
        %get3A_1259 = arith.constant 16 : index
        %get3A_1260 = tpu.vector_load %arg9[%get3A_1255, %get3A_1256, %get3A_1257, %get3A_1258, %get3A_1259] {strides = array<i32>} : memref<2x2x4x128x32xf32, #tpu.memory_space<vmem>>, vector<16xf32>,
        %add3A_1261 = arith.addf %get3A_1251, %get3A_1260 : vector<16xf32>
        %add3A_1262 = arith.addf %add3A_1242, %add3A_1261 : vector<16xf32>
        %mul3A_1263 = arith.constant 2.500000e-01 : f32
        %mul3A_1264 = vector.broadcast %mul3A_1263 : f32 to vector<16xf32>
        %mul3A_1265 = arith.mulf %add3A_1262, %mul3A_1264 : vector<16xf32>
        %swap3A_1266 = arith.constant 0 : i32
        %swap3A_1267 = arith.constant 0 : i32
        %swap3A_1268 = arith.index_cast %swap3A_1266 : i32 to index
        %swap3A_1269 = arith.index_cast %swap3A_1267 : i32 to index
        %swap3A_1270 = arith.index_cast %scan3A_1174 : i32 to index
        %swap3A_1271 = arith.constant 16 : index
        %swap3A_1272 = tpu.vector_load %arg10[%swap3A_1268, %swap3A_1269, %swap3A_1270, %swap3A_1271] {strides = array<i32>} : memref<2x2x128x32xf32, #tpu.memory_space<vmem>>, vector<16xf32>,
        tpu.vector_store %arg10[%swap3A_1268, %swap3A_1269, %swap3A_1270, %swap3A_1271], %mul3A_1265 {strides = array<i32>} : memref<2x2x128x32xf32, #tpu.memory_space<vmem>>, vector<16xf32>,
        %scan3A_1273 = arith.constant 7 : i32
        %scan3A_1274 = arith.addi %scan3A_576, %scan3A_1273 : i32
        %get3A_1275 = arith.constant 0 : i32
        %get3A_1276 = arith.constant 0 : i32
        %get3A_1277 = arith.constant 0 : i32
        %get3A_1278 = arith.index_cast %get3A_1275 : i32 to index
        %get3A_1279 = arith.index_cast %get3A_1276 : i32 to index
        %get3A_1280 = arith.index_cast %get3A_1277 : i32 to index
        %get3A_1281 = arith.index_cast %scan3A_1274 : i32 to index
        %get3A_1282 = arith.constant 0 : index
        %get3A_1283 = tpu.vector_load %arg9[%get3A_1278, %get3A_1279, %get3A_1280, %get3A_1281, %get3A_1282] {strides = array<i32>} : memref<2x2x4x128x32xf32, #tpu.memory_space<vmem>>, vector<16xf32>,
        %get3A_1284 = arith.constant 0 : i32
        %get3A_1285 = arith.constant 0 : i32
        %get3A_1286 = arith.constant 1 : i32
        %get3A_1287 = arith.index_cast %get3A_1284 : i32 to index
        %get3A_1288 = arith.index_cast %get3A_1285 : i32 to index
        %get3A_1289 = arith.index_cast %get3A_1286 : i32 to index
        %get3A_1290 = arith.index_cast %scan3A_1274 : i32 to index
        %get3A_1291 = arith.constant 0 : index
        %get3A_1292 = tpu.vector_load %arg9[%get3A_1287, %get3A_1288, %get3A_1289, %get3A_1290, %get3A_1291] {strides = array<i32>} : memref<2x2x4x128x32xf32, #tpu.memory_space<vmem>>, vector<16xf32>,
        %add3A_1293 = arith.addf %get3A_1283, %get3A_1292 : vector<16xf32>
        %get3A_1294 = arith.constant 0 : i32
        %get3A_1295 = arith.constant 0 : i32
        %get3A_1296 = arith.constant 2 : i32
        %get3A_1297 = arith.index_cast %get3A_1294 : i32 to index
        %get3A_1298 = arith.index_cast %get3A_1295 : i32 to index
        %get3A_1299 = arith.index_cast %get3A_1296 : i32 to index
        %get3A_1300 = arith.index_cast %scan3A_1274 : i32 to index
        %get3A_1301 = arith.constant 0 : index
        %get3A_1302 = tpu.vector_load %arg9[%get3A_1297, %get3A_1298, %get3A_1299, %get3A_1300, %get3A_1301] {strides = array<i32>} : memref<2x2x4x128x32xf32, #tpu.memory_space<vmem>>, vector<16xf32>,
        %get3A_1303 = arith.constant 0 : i32
        %get3A_1304 = arith.constant 0 : i32
        %get3A_1305 = arith.constant 3 : i32
        %get3A_1306 = arith.index_cast %get3A_1303 : i32 to index
        %get3A_1307 = arith.index_cast %get3A_1304 : i32 to index
        %get3A_1308 = arith.index_cast %get3A_1305 : i32 to index
        %get3A_1309 = arith.index_cast %scan3A_1274 : i32 to index
        %get3A_1310 = arith.constant 0 : index
        %get3A_1311 = tpu.vector_load %arg9[%get3A_1306, %get3A_1307, %get3A_1308, %get3A_1309, %get3A_1310] {strides = array<i32>} : memref<2x2x4x128x32xf32, #tpu.memory_space<vmem>>, vector<16xf32>,
        %add3A_1312 = arith.addf %get3A_1302, %get3A_1311 : vector<16xf32>
        %add3A_1313 = arith.addf %add3A_1293, %add3A_1312 : vector<16xf32>
        %mul3A_1314 = arith.constant 2.500000e-01 : f32
        %mul3A_1315 = vector.broadcast %mul3A_1314 : f32 to vector<16xf32>
        %mul3A_1316 = arith.mulf %add3A_1313, %mul3A_1315 : vector<16xf32>
        %swap3A_1317 = arith.constant 0 : i32
        %swap3A_1318 = arith.constant 0 : i32
        %swap3A_1319 = arith.index_cast %swap3A_1317 : i32 to index
        %swap3A_1320 = arith.index_cast %swap3A_1318 : i32 to index
        %swap3A_1321 = arith.index_cast %scan3A_1274 : i32 to index
        %swap3A_1322 = arith.constant 0 : index
        %swap3A_1323 = tpu.vector_load %arg10[%swap3A_1319, %swap3A_1320, %swap3A_1321, %swap3A_1322] {strides = array<i32>} : memref<2x2x128x32xf32, #tpu.memory_space<vmem>>, vector<16xf32>,
        tpu.vector_store %arg10[%swap3A_1319, %swap3A_1320, %swap3A_1321, %swap3A_1322], %mul3A_1316 {strides = array<i32>} : memref<2x2x128x32xf32, #tpu.memory_space<vmem>>, vector<16xf32>,
        %get3A_1324 = arith.constant 0 : i32
        %get3A_1325 = arith.constant 0 : i32
        %get3A_1326 = arith.constant 0 : i32
        %get3A_1327 = arith.index_cast %get3A_1324 : i32 to index
        %get3A_1328 = arith.index_cast %get3A_1325 : i32 to index
        %get3A_1329 = arith.index_cast %get3A_1326 : i32 to index
        %get3A_1330 = arith.index_cast %scan3A_1274 : i32 to index
        %get3A_1331 = arith.constant 16 : index
        %get3A_1332 = tpu.vector_load %arg9[%get3A_1327, %get3A_1328, %get3A_1329, %get3A_1330, %get3A_1331] {strides = array<i32>} : memref<2x2x4x128x32xf32, #tpu.memory_space<vmem>>, vector<16xf32>,
        %get3A_1333 = arith.constant 0 : i32
        %get3A_1334 = arith.constant 0 : i32
        %get3A_1335 = arith.constant 1 : i32
        %get3A_1336 = arith.index_cast %get3A_1333 : i32 to index
        %get3A_1337 = arith.index_cast %get3A_1334 : i32 to index
        %get3A_1338 = arith.index_cast %get3A_1335 : i32 to index
        %get3A_1339 = arith.index_cast %scan3A_1274 : i32 to index
        %get3A_1340 = arith.constant 16 : index
        %get3A_1341 = tpu.vector_load %arg9[%get3A_1336, %get3A_1337, %get3A_1338, %get3A_1339, %get3A_1340] {strides = array<i32>} : memref<2x2x4x128x32xf32, #tpu.memory_space<vmem>>, vector<16xf32>,
        %add3A_1342 = arith.addf %get3A_1332, %get3A_1341 : vector<16xf32>
        %get3A_1343 = arith.constant 0 : i32
        %get3A_1344 = arith.constant 0 : i32
        %get3A_1345 = arith.constant 2 : i32
        %get3A_1346 = arith.index_cast %get3A_1343 : i32 to index
        %get3A_1347 = arith.index_cast %get3A_1344 : i32 to index
        %get3A_1348 = arith.index_cast %get3A_1345 : i32 to index
        %get3A_1349 = arith.index_cast %scan3A_1274 : i32 to index
        %get3A_1350 = arith.constant 16 : index
        %get3A_1351 = tpu.vector_load %arg9[%get3A_1346, %get3A_1347, %get3A_1348, %get3A_1349, %get3A_1350] {strides = array<i32>} : memref<2x2x4x128x32xf32, #tpu.memory_space<vmem>>, vector<16xf32>,
        %get3A_1352 = arith.constant 0 : i32
        %get3A_1353 = arith.constant 0 : i32
        %get3A_1354 = arith.constant 3 : i32
        %get3A_1355 = arith.index_cast %get3A_1352 : i32 to index
        %get3A_1356 = arith.index_cast %get3A_1353 : i32 to index
        %get3A_1357 = arith.index_cast %get3A_1354 : i32 to index
        %get3A_1358 = arith.index_cast %scan3A_1274 : i32 to index
        %get3A_1359 = arith.constant 16 : index
        %get3A_1360 = tpu.vector_load %arg9[%get3A_1355, %get3A_1356, %get3A_1357, %get3A_1358, %get3A_1359] {strides = array<i32>} : memref<2x2x4x128x32xf32, #tpu.memory_space<vmem>>, vector<16xf32>,
        %add3A_1361 = arith.addf %get3A_1351, %get3A_1360 : vector<16xf32>
        %add3A_1362 = arith.addf %add3A_1342, %add3A_1361 : vector<16xf32>
        %mul3A_1363 = arith.constant 2.500000e-01 : f32
        %mul3A_1364 = vector.broadcast %mul3A_1363 : f32 to vector<16xf32>
        %mul3A_1365 = arith.mulf %add3A_1362, %mul3A_1364 : vector<16xf32>
        %swap3A_1366 = arith.constant 0 : i32
        %swap3A_1367 = arith.constant 0 : i32
        %swap3A_1368 = arith.index_cast %swap3A_1366 : i32 to index
        %swap3A_1369 = arith.index_cast %swap3A_1367 : i32 to index
        %swap3A_1370 = arith.index_cast %scan3A_1274 : i32 to index
        %swap3A_1371 = arith.constant 16 : index
        %swap3A_1372 = tpu.vector_load %arg10[%swap3A_1368, %swap3A_1369, %swap3A_1370, %swap3A_1371] {strides = array<i32>} : memref<2x2x128x32xf32, #tpu.memory_space<vmem>>, vector<16xf32>,
        tpu.vector_store %arg10[%swap3A_1368, %swap3A_1369, %swap3A_1370, %swap3A_1371], %mul3A_1365 {strides = array<i32>} : memref<2x2x128x32xf32, #tpu.memory_space<vmem>>, vector<16xf32>,
      }
      %scan3A_372 = arith.constant 128 : i32
      %scan3A_373 = arith.constant 0 : i32
      %scan3A_374 = arith.constant 0 : i32
      %scan3A_375 = arith.constant 128 : i32
      %scan3A_376 = arith.addi %scan3A_374, %scan3A_375 : i32
      %scan3A_377 = arith.constant 8 : i32
      scf.for %scan3A_576 = %scan3A_374 to %scan3A_376 step %scan3A_377  : i32 {
        %get3A = arith.constant 0 : i32
        %get3A_577 = arith.constant 1 : i32
        %get3A_578 = arith.constant 0 : i32
        %get3A_579 = arith.index_cast %get3A : i32 to index
        %get3A_580 = arith.index_cast %get3A_577 : i32 to index
        %get3A_581 = arith.index_cast %get3A_578 : i32 to index
        %get3A_582 = arith.index_cast %scan3A_576 : i32 to index
        %get3A_583 = arith.constant 0 : index
        %get3A_584 = tpu.vector_load %arg9[%get3A_579, %get3A_580, %get3A_581, %get3A_582, %get3A_583] {strides = array<i32>} : memref<2x2x4x128x32xf32, #tpu.memory_space<vmem>>, vector<16xf32>,
        %get3A_585 = arith.constant 0 : i32
        %get3A_586 = arith.constant 1 : i32
        %get3A_587 = arith.constant 1 : i32
        %get3A_588 = arith.index_cast %get3A_585 : i32 to index
        %get3A_589 = arith.index_cast %get3A_586 : i32 to index
        %get3A_590 = arith.index_cast %get3A_587 : i32 to index
        %get3A_591 = arith.index_cast %scan3A_576 : i32 to index
        %get3A_592 = arith.constant 0 : index
        %get3A_593 = tpu.vector_load %arg9[%get3A_588, %get3A_589, %get3A_590, %get3A_591, %get3A_592] {strides = array<i32>} : memref<2x2x4x128x32xf32, #tpu.memory_space<vmem>>, vector<16xf32>,
        %add3A_594 = arith.addf %get3A_584, %get3A_593 : vector<16xf32>
        %get3A_595 = arith.constant 0 : i32
        %get3A_596 = arith.constant 1 : i32
        %get3A_597 = arith.constant 2 : i32
        %get3A_598 = arith.index_cast %get3A_595 : i32 to index
        %get3A_599 = arith.index_cast %get3A_596 : i32 to index
        %get3A_600 = arith.index_cast %get3A_597 : i32 to index
        %get3A_601 = arith.index_cast %scan3A_576 : i32 to index
        %get3A_602 = arith.constant 0 : index
        %get3A_603 = tpu.vector_load %arg9[%get3A_598, %get3A_599, %get3A_600, %get3A_601, %get3A_602] {strides = array<i32>} : memref<2x2x4x128x32xf32, #tpu.memory_space<vmem>>, vector<16xf32>,
        %get3A_604 = arith.constant 0 : i32
        %get3A_605 = arith.constant 1 : i32
        %get3A_606 = arith.constant 3 : i32
        %get3A_607 = arith.index_cast %get3A_604 : i32 to index
        %get3A_608 = arith.index_cast %get3A_605 : i32 to index
        %get3A_609 = arith.index_cast %get3A_606 : i32 to index
        %get3A_610 = arith.index_cast %scan3A_576 : i32 to index
        %get3A_611 = arith.constant 0 : index
        %get3A_612 = tpu.vector_load %arg9[%get3A_607, %get3A_608, %get3A_609, %get3A_610, %get3A_611] {strides = array<i32>} : memref<2x2x4x128x32xf32, #tpu.memory_space<vmem>>, vector<16xf32>,
        %add3A_613 = arith.addf %get3A_603, %get3A_612 : vector<16xf32>
        %add3A_614 = arith.addf %add3A_594, %add3A_613 : vector<16xf32>
        %mul3A_615 = arith.constant 2.500000e-01 : f32
        %mul3A_616 = vector.broadcast %mul3A_615 : f32 to vector<16xf32>
        %mul3A_617 = arith.mulf %add3A_614, %mul3A_616 : vector<16xf32>
        %swap3A = arith.constant 0 : i32
        %swap3A_618 = arith.constant 1 : i32
        %swap3A_619 = arith.index_cast %swap3A : i32 to index
        %swap3A_620 = arith.index_cast %swap3A_618 : i32 to index
        %swap3A_621 = arith.index_cast %scan3A_576 : i32 to index
        %swap3A_622 = arith.constant 0 : index
        %swap3A_623 = tpu.vector_load %arg10[%swap3A_619, %swap3A_620, %swap3A_621, %swap3A_622] {strides = array<i32>} : memref<2x2x128x32xf32, #tpu.memory_space<vmem>>, vector<16xf32>,
        tpu.vector_store %arg10[%swap3A_619, %swap3A_620, %swap3A_621, %swap3A_622], %mul3A_617 {strides = array<i32>} : memref<2x2x128x32xf32, #tpu.memory_space<vmem>>, vector<16xf32>,
        %get3A_624 = arith.constant 0 : i32
        %get3A_625 = arith.constant 1 : i32
        %get3A_626 = arith.constant 0 : i32
        %get3A_627 = arith.index_cast %get3A_624 : i32 to index
        %get3A_628 = arith.index_cast %get3A_625 : i32 to index
        %get3A_629 = arith.index_cast %get3A_626 : i32 to index
        %get3A_630 = arith.index_cast %scan3A_576 : i32 to index
        %get3A_631 = arith.constant 16 : index
        %get3A_632 = tpu.vector_load %arg9[%get3A_627, %get3A_628, %get3A_629, %get3A_630, %get3A_631] {strides = array<i32>} : memref<2x2x4x128x32xf32, #tpu.memory_space<vmem>>, vector<16xf32>,
        %get3A_633 = arith.constant 0 : i32
        %get3A_634 = arith.constant 1 : i32
        %get3A_635 = arith.constant 1 : i32
        %get3A_636 = arith.index_cast %get3A_633 : i32 to index
        %get3A_637 = arith.index_cast %get3A_634 : i32 to index
        %get3A_638 = arith.index_cast %get3A_635 : i32 to index
        %get3A_639 = arith.index_cast %scan3A_576 : i32 to index
        %get3A_640 = arith.constant 16 : index
        %get3A_641 = tpu.vector_load %arg9[%get3A_636, %get3A_637, %get3A_638, %get3A_639, %get3A_640] {strides = array<i32>} : memref<2x2x4x128x32xf32, #tpu.memory_space<vmem>>, vector<16xf32>,
        %add3A_642 = arith.addf %get3A_632, %get3A_641 : vector<16xf32>
        %get3A_643 = arith.constant 0 : i32
        %get3A_644 = arith.constant 1 : i32
        %get3A_645 = arith.constant 2 : i32
        %get3A_646 = arith.index_cast %get3A_643 : i32 to index
        %get3A_647 = arith.index_cast %get3A_644 : i32 to index
        %get3A_648 = arith.index_cast %get3A_645 : i32 to index
        %get3A_649 = arith.index_cast %scan3A_576 : i32 to index
        %get3A_650 = arith.constant 16 : index
        %get3A_651 = tpu.vector_load %arg9[%get3A_646, %get3A_647, %get3A_648, %get3A_649, %get3A_650] {strides = array<i32>} : memref<2x2x4x128x32xf32, #tpu.memory_space<vmem>>, vector<16xf32>,
        %get3A_652 = arith.constant 0 : i32
        %get3A_653 = arith.constant 1 : i32
        %get3A_654 = arith.constant 3 : i32
        %get3A_655 = arith.index_cast %get3A_652 : i32 to index
        %get3A_656 = arith.index_cast %get3A_653 : i32 to index
        %get3A_657 = arith.index_cast %get3A_654 : i32 to index
        %get3A_658 = arith.index_cast %scan3A_576 : i32 to index
        %get3A_659 = arith.constant 16 : index
        %get3A_660 = tpu.vector_load %arg9[%get3A_655, %get3A_656, %get3A_657, %get3A_658, %get3A_659] {strides = array<i32>} : memref<2x2x4x128x32xf32, #tpu.memory_space<vmem>>, vector<16xf32>,
        %add3A_661 = arith.addf %get3A_651, %get3A_660 : vector<16xf32>
        %add3A_662 = arith.addf %add3A_642, %add3A_661 : vector<16xf32>
        %mul3A_663 = arith.constant 2.500000e-01 : f32
        %mul3A_664 = vector.broadcast %mul3A_663 : f32 to vector<16xf32>
        %mul3A_665 = arith.mulf %add3A_662, %mul3A_664 : vector<16xf32>
        %swap3A_666 = arith.constant 0 : i32
        %swap3A_667 = arith.constant 1 : i32
        %swap3A_668 = arith.index_cast %swap3A_666 : i32 to index
        %swap3A_669 = arith.index_cast %swap3A_667 : i32 to index
        %swap3A_670 = arith.index_cast %scan3A_576 : i32 to index
        %swap3A_671 = arith.constant 16 : index
        %swap3A_672 = tpu.vector_load %arg10[%swap3A_668, %swap3A_669, %swap3A_670, %swap3A_671] {strides = array<i32>} : memref<2x2x128x32xf32, #tpu.memory_space<vmem>>, vector<16xf32>,
        tpu.vector_store %arg10[%swap3A_668, %swap3A_669, %swap3A_670, %swap3A_671], %mul3A_665 {strides = array<i32>} : memref<2x2x128x32xf32, #tpu.memory_space<vmem>>, vector<16xf32>,
        %scan3A_673 = arith.constant 1 : i32
        %scan3A_674 = arith.addi %scan3A_576, %scan3A_673 : i32
        %get3A_675 = arith.constant 0 : i32
        %get3A_676 = arith.constant 1 : i32
        %get3A_677 = arith.constant 0 : i32
        %get3A_678 = arith.index_cast %get3A_675 : i32 to index
        %get3A_679 = arith.index_cast %get3A_676 : i32 to index
        %get3A_680 = arith.index_cast %get3A_677 : i32 to index
        %get3A_681 = arith.index_cast %scan3A_674 : i32 to index
        %get3A_682 = arith.constant 0 : index
        %get3A_683 = tpu.vector_load %arg9[%get3A_678, %get3A_679, %get3A_680, %get3A_681, %get3A_682] {strides = array<i32>} : memref<2x2x4x128x32xf32, #tpu.memory_space<vmem>>, vector<16xf32>,
        %get3A_684 = arith.constant 0 : i32
        %get3A_685 = arith.constant 1 : i32
        %get3A_686 = arith.constant 1 : i32
        %get3A_687 = arith.index_cast %get3A_684 : i32 to index
        %get3A_688 = arith.index_cast %get3A_685 : i32 to index
        %get3A_689 = arith.index_cast %get3A_686 : i32 to index
        %get3A_690 = arith.index_cast %scan3A_674 : i32 to index
        %get3A_691 = arith.constant 0 : index
        %get3A_692 = tpu.vector_load %arg9[%get3A_687, %get3A_688, %get3A_689, %get3A_690, %get3A_691] {strides = array<i32>} : memref<2x2x4x128x32xf32, #tpu.memory_space<vmem>>, vector<16xf32>,
        %add3A_693 = arith.addf %get3A_683, %get3A_692 : vector<16xf32>
        %get3A_694 = arith.constant 0 : i32
        %get3A_695 = arith.constant 1 : i32
        %get3A_696 = arith.constant 2 : i32
        %get3A_697 = arith.index_cast %get3A_694 : i32 to index
        %get3A_698 = arith.index_cast %get3A_695 : i32 to index
        %get3A_699 = arith.index_cast %get3A_696 : i32 to index
        %get3A_700 = arith.index_cast %scan3A_674 : i32 to index
        %get3A_701 = arith.constant 0 : index
        %get3A_702 = tpu.vector_load %arg9[%get3A_697, %get3A_698, %get3A_699, %get3A_700, %get3A_701] {strides = array<i32>} : memref<2x2x4x128x32xf32, #tpu.memory_space<vmem>>, vector<16xf32>,
        %get3A_703 = arith.constant 0 : i32
        %get3A_704 = arith.constant 1 : i32
        %get3A_705 = arith.constant 3 : i32
        %get3A_706 = arith.index_cast %get3A_703 : i32 to index
        %get3A_707 = arith.index_cast %get3A_704 : i32 to index
        %get3A_708 = arith.index_cast %get3A_705 : i32 to index
        %get3A_709 = arith.index_cast %scan3A_674 : i32 to index
        %get3A_710 = arith.constant 0 : index
        %get3A_711 = tpu.vector_load %arg9[%get3A_706, %get3A_707, %get3A_708, %get3A_709, %get3A_710] {strides = array<i32>} : memref<2x2x4x128x32xf32, #tpu.memory_space<vmem>>, vector<16xf32>,
        %add3A_712 = arith.addf %get3A_702, %get3A_711 : vector<16xf32>
        %add3A_713 = arith.addf %add3A_693, %add3A_712 : vector<16xf32>
        %mul3A_714 = arith.constant 2.500000e-01 : f32
        %mul3A_715 = vector.broadcast %mul3A_714 : f32 to vector<16xf32>
        %mul3A_716 = arith.mulf %add3A_713, %mul3A_715 : vector<16xf32>
        %swap3A_717 = arith.constant 0 : i32
        %swap3A_718 = arith.constant 1 : i32
        %swap3A_719 = arith.index_cast %swap3A_717 : i32 to index
        %swap3A_720 = arith.index_cast %swap3A_718 : i32 to index
        %swap3A_721 = arith.index_cast %scan3A_674 : i32 to index
        %swap3A_722 = arith.constant 0 : index
        %swap3A_723 = tpu.vector_load %arg10[%swap3A_719, %swap3A_720, %swap3A_721, %swap3A_722] {strides = array<i32>} : memref<2x2x128x32xf32, #tpu.memory_space<vmem>>, vector<16xf32>,
        tpu.vector_store %arg10[%swap3A_719, %swap3A_720, %swap3A_721, %swap3A_722], %mul3A_716 {strides = array<i32>} : memref<2x2x128x32xf32, #tpu.memory_space<vmem>>, vector<16xf32>,
        %get3A_724 = arith.constant 0 : i32
        %get3A_725 = arith.constant 1 : i32
        %get3A_726 = arith.constant 0 : i32
        %get3A_727 = arith.index_cast %get3A_724 : i32 to index
        %get3A_728 = arith.index_cast %get3A_725 : i32 to index
        %get3A_729 = arith.index_cast %get3A_726 : i32 to index
        %get3A_730 = arith.index_cast %scan3A_674 : i32 to index
        %get3A_731 = arith.constant 16 : index
        %get3A_732 = tpu.vector_load %arg9[%get3A_727, %get3A_728, %get3A_729, %get3A_730, %get3A_731] {strides = array<i32>} : memref<2x2x4x128x32xf32, #tpu.memory_space<vmem>>, vector<16xf32>,
        %get3A_733 = arith.constant 0 : i32
        %get3A_734 = arith.constant 1 : i32
        %get3A_735 = arith.constant 1 : i32
        %get3A_736 = arith.index_cast %get3A_733 : i32 to index
        %get3A_737 = arith.index_cast %get3A_734 : i32 to index
        %get3A_738 = arith.index_cast %get3A_735 : i32 to index
        %get3A_739 = arith.index_cast %scan3A_674 : i32 to index
        %get3A_740 = arith.constant 16 : index
        %get3A_741 = tpu.vector_load %arg9[%get3A_736, %get3A_737, %get3A_738, %get3A_739, %get3A_740] {strides = array<i32>} : memref<2x2x4x128x32xf32, #tpu.memory_space<vmem>>, vector<16xf32>,
        %add3A_742 = arith.addf %get3A_732, %get3A_741 : vector<16xf32>
        %get3A_743 = arith.constant 0 : i32
        %get3A_744 = arith.constant 1 : i32
        %get3A_745 = arith.constant 2 : i32
        %get3A_746 = arith.index_cast %get3A_743 : i32 to index
        %get3A_747 = arith.index_cast %get3A_744 : i32 to index
        %get3A_748 = arith.index_cast %get3A_745 : i32 to index
        %get3A_749 = arith.index_cast %scan3A_674 : i32 to index
        %get3A_750 = arith.constant 16 : index
        %get3A_751 = tpu.vector_load %arg9[%get3A_746, %get3A_747, %get3A_748, %get3A_749, %get3A_750] {strides = array<i32>} : memref<2x2x4x128x32xf32, #tpu.memory_space<vmem>>, vector<16xf32>,
        %get3A_752 = arith.constant 0 : i32
        %get3A_753 = arith.constant 1 : i32
        %get3A_754 = arith.constant 3 : i32
        %get3A_755 = arith.index_cast %get3A_752 : i32 to index
        %get3A_756 = arith.index_cast %get3A_753 : i32 to index
        %get3A_757 = arith.index_cast %get3A_754 : i32 to index
        %get3A_758 = arith.index_cast %scan3A_674 : i32 to index
        %get3A_759 = arith.constant 16 : index
        %get3A_760 = tpu.vector_load %arg9[%get3A_755, %get3A_756, %get3A_757, %get3A_758, %get3A_759] {strides = array<i32>} : memref<2x2x4x128x32xf32, #tpu.memory_space<vmem>>, vector<16xf32>,
        %add3A_761 = arith.addf %get3A_751, %get3A_760 : vector<16xf32>
        %add3A_762 = arith.addf %add3A_742, %add3A_761 : vector<16xf32>
        %mul3A_763 = arith.constant 2.500000e-01 : f32
        %mul3A_764 = vector.broadcast %mul3A_763 : f32 to vector<16xf32>
        %mul3A_765 = arith.mulf %add3A_762, %mul3A_764 : vector<16xf32>
        %swap3A_766 = arith.constant 0 : i32
        %swap3A_767 = arith.constant 1 : i32
        %swap3A_768 = arith.index_cast %swap3A_766 : i32 to index
        %swap3A_769 = arith.index_cast %swap3A_767 : i32 to index
        %swap3A_770 = arith.index_cast %scan3A_674 : i32 to index
        %swap3A_771 = arith.constant 16 : index
        %swap3A_772 = tpu.vector_load %arg10[%swap3A_768, %swap3A_769, %swap3A_770, %swap3A_771] {strides = array<i32>} : memref<2x2x128x32xf32, #tpu.memory_space<vmem>>, vector<16xf32>,
        tpu.vector_store %arg10[%swap3A_768, %swap3A_769, %swap3A_770, %swap3A_771], %mul3A_765 {strides = array<i32>} : memref<2x2x128x32xf32, #tpu.memory_space<vmem>>, vector<16xf32>,
        %scan3A_773 = arith.constant 2 : i32
        %scan3A_774 = arith.addi %scan3A_576, %scan3A_773 : i32
        %get3A_775 = arith.constant 0 : i32
        %get3A_776 = arith.constant 1 : i32
        %get3A_777 = arith.constant 0 : i32
        %get3A_778 = arith.index_cast %get3A_775 : i32 to index
        %get3A_779 = arith.index_cast %get3A_776 : i32 to index
        %get3A_780 = arith.index_cast %get3A_777 : i32 to index
        %get3A_781 = arith.index_cast %scan3A_774 : i32 to index
        %get3A_782 = arith.constant 0 : index
        %get3A_783 = tpu.vector_load %arg9[%get3A_778, %get3A_779, %get3A_780, %get3A_781, %get3A_782] {strides = array<i32>} : memref<2x2x4x128x32xf32, #tpu.memory_space<vmem>>, vector<16xf32>,
        %get3A_784 = arith.constant 0 : i32
        %get3A_785 = arith.constant 1 : i32
        %get3A_786 = arith.constant 1 : i32
        %get3A_787 = arith.index_cast %get3A_784 : i32 to index
        %get3A_788 = arith.index_cast %get3A_785 : i32 to index
        %get3A_789 = arith.index_cast %get3A_786 : i32 to index
        %get3A_790 = arith.index_cast %scan3A_774 : i32 to index
        %get3A_791 = arith.constant 0 : index
        %get3A_792 = tpu.vector_load %arg9[%get3A_787, %get3A_788, %get3A_789, %get3A_790, %get3A_791] {strides = array<i32>} : memref<2x2x4x128x32xf32, #tpu.memory_space<vmem>>, vector<16xf32>,
        %add3A_793 = arith.addf %get3A_783, %get3A_792 : vector<16xf32>
        %get3A_794 = arith.constant 0 : i32
        %get3A_795 = arith.constant 1 : i32
        %get3A_796 = arith.constant 2 : i32
        %get3A_797 = arith.index_cast %get3A_794 : i32 to index
        %get3A_798 = arith.index_cast %get3A_795 : i32 to index
        %get3A_799 = arith.index_cast %get3A_796 : i32 to index
        %get3A_800 = arith.index_cast %scan3A_774 : i32 to index
        %get3A_801 = arith.constant 0 : index
        %get3A_802 = tpu.vector_load %arg9[%get3A_797, %get3A_798, %get3A_799, %get3A_800, %get3A_801] {strides = array<i32>} : memref<2x2x4x128x32xf32, #tpu.memory_space<vmem>>, vector<16xf32>,
        %get3A_803 = arith.constant 0 : i32
        %get3A_804 = arith.constant 1 : i32
        %get3A_805 = arith.constant 3 : i32
        %get3A_806 = arith.index_cast %get3A_803 : i32 to index
        %get3A_807 = arith.index_cast %get3A_804 : i32 to index
        %get3A_808 = arith.index_cast %get3A_805 : i32 to index
        %get3A_809 = arith.index_cast %scan3A_774 : i32 to index
        %get3A_810 = arith.constant 0 : index
        %get3A_811 = tpu.vector_load %arg9[%get3A_806, %get3A_807, %get3A_808, %get3A_809, %get3A_810] {strides = array<i32>} : memref<2x2x4x128x32xf32, #tpu.memory_space<vmem>>, vector<16xf32>,
        %add3A_812 = arith.addf %get3A_802, %get3A_811 : vector<16xf32>
        %add3A_813 = arith.addf %add3A_793, %add3A_812 : vector<16xf32>
        %mul3A_814 = arith.constant 2.500000e-01 : f32
        %mul3A_815 = vector.broadcast %mul3A_814 : f32 to vector<16xf32>
        %mul3A_816 = arith.mulf %add3A_813, %mul3A_815 : vector<16xf32>
        %swap3A_817 = arith.constant 0 : i32
        %swap3A_818 = arith.constant 1 : i32
        %swap3A_819 = arith.index_cast %swap3A_817 : i32 to index
        %swap3A_820 = arith.index_cast %swap3A_818 : i32 to index
        %swap3A_821 = arith.index_cast %scan3A_774 : i32 to index
        %swap3A_822 = arith.constant 0 : index
        %swap3A_823 = tpu.vector_load %arg10[%swap3A_819, %swap3A_820, %swap3A_821, %swap3A_822] {strides = array<i32>} : memref<2x2x128x32xf32, #tpu.memory_space<vmem>>, vector<16xf32>,
        tpu.vector_store %arg10[%swap3A_819, %swap3A_820, %swap3A_821, %swap3A_822], %mul3A_816 {strides = array<i32>} : memref<2x2x128x32xf32, #tpu.memory_space<vmem>>, vector<16xf32>,
        %get3A_824 = arith.constant 0 : i32
        %get3A_825 = arith.constant 1 : i32
        %get3A_826 = arith.constant 0 : i32
        %get3A_827 = arith.index_cast %get3A_824 : i32 to index
        %get3A_828 = arith.index_cast %get3A_825 : i32 to index
        %get3A_829 = arith.index_cast %get3A_826 : i32 to index
        %get3A_830 = arith.index_cast %scan3A_774 : i32 to index
        %get3A_831 = arith.constant 16 : index
        %get3A_832 = tpu.vector_load %arg9[%get3A_827, %get3A_828, %get3A_829, %get3A_830, %get3A_831] {strides = array<i32>} : memref<2x2x4x128x32xf32, #tpu.memory_space<vmem>>, vector<16xf32>,
        %get3A_833 = arith.constant 0 : i32
        %get3A_834 = arith.constant 1 : i32
        %get3A_835 = arith.constant 1 : i32
        %get3A_836 = arith.index_cast %get3A_833 : i32 to index
        %get3A_837 = arith.index_cast %get3A_834 : i32 to index
        %get3A_838 = arith.index_cast %get3A_835 : i32 to index
        %get3A_839 = arith.index_cast %scan3A_774 : i32 to index
        %get3A_840 = arith.constant 16 : index
        %get3A_841 = tpu.vector_load %arg9[%get3A_836, %get3A_837, %get3A_838, %get3A_839, %get3A_840] {strides = array<i32>} : memref<2x2x4x128x32xf32, #tpu.memory_space<vmem>>, vector<16xf32>,
        %add3A_842 = arith.addf %get3A_832, %get3A_841 : vector<16xf32>
        %get3A_843 = arith.constant 0 : i32
        %get3A_844 = arith.constant 1 : i32
        %get3A_845 = arith.constant 2 : i32
        %get3A_846 = arith.index_cast %get3A_843 : i32 to index
        %get3A_847 = arith.index_cast %get3A_844 : i32 to index
        %get3A_848 = arith.index_cast %get3A_845 : i32 to index
        %get3A_849 = arith.index_cast %scan3A_774 : i32 to index
        %get3A_850 = arith.constant 16 : index
        %get3A_851 = tpu.vector_load %arg9[%get3A_846, %get3A_847, %get3A_848, %get3A_849, %get3A_850] {strides = array<i32>} : memref<2x2x4x128x32xf32, #tpu.memory_space<vmem>>, vector<16xf32>,
        %get3A_852 = arith.constant 0 : i32
        %get3A_853 = arith.constant 1 : i32
        %get3A_854 = arith.constant 3 : i32
        %get3A_855 = arith.index_cast %get3A_852 : i32 to index
        %get3A_856 = arith.index_cast %get3A_853 : i32 to index
        %get3A_857 = arith.index_cast %get3A_854 : i32 to index
        %get3A_858 = arith.index_cast %scan3A_774 : i32 to index
        %get3A_859 = arith.constant 16 : index
        %get3A_860 = tpu.vector_load %arg9[%get3A_855, %get3A_856, %get3A_857, %get3A_858, %get3A_859] {strides = array<i32>} : memref<2x2x4x128x32xf32, #tpu.memory_space<vmem>>, vector<16xf32>,
        %add3A_861 = arith.addf %get3A_851, %get3A_860 : vector<16xf32>
        %add3A_862 = arith.addf %add3A_842, %add3A_861 : vector<16xf32>
        %mul3A_863 = arith.constant 2.500000e-01 : f32
        %mul3A_864 = vector.broadcast %mul3A_863 : f32 to vector<16xf32>
        %mul3A_865 = arith.mulf %add3A_862, %mul3A_864 : vector<16xf32>
        %swap3A_866 = arith.constant 0 : i32
        %swap3A_867 = arith.constant 1 : i32
        %swap3A_868 = arith.index_cast %swap3A_866 : i32 to index
        %swap3A_869 = arith.index_cast %swap3A_867 : i32 to index
        %swap3A_870 = arith.index_cast %scan3A_774 : i32 to index
        %swap3A_871 = arith.constant 16 : index
        %swap3A_872 = tpu.vector_load %arg10[%swap3A_868, %swap3A_869, %swap3A_870, %swap3A_871] {strides = array<i32>} : memref<2x2x128x32xf32, #tpu.memory_space<vmem>>, vector<16xf32>,
        tpu.vector_store %arg10[%swap3A_868, %swap3A_869, %swap3A_870, %swap3A_871], %mul3A_865 {strides = array<i32>} : memref<2x2x128x32xf32, #tpu.memory_space<vmem>>, vector<16xf32>,
        %scan3A_873 = arith.constant 3 : i32
        %scan3A_874 = arith.addi %scan3A_576, %scan3A_873 : i32
        %get3A_875 = arith.constant 0 : i32
        %get3A_876 = arith.constant 1 : i32
        %get3A_877 = arith.constant 0 : i32
        %get3A_878 = arith.index_cast %get3A_875 : i32 to index
        %get3A_879 = arith.index_cast %get3A_876 : i32 to index
        %get3A_880 = arith.index_cast %get3A_877 : i32 to index
        %get3A_881 = arith.index_cast %scan3A_874 : i32 to index
        %get3A_882 = arith.constant 0 : index
        %get3A_883 = tpu.vector_load %arg9[%get3A_878, %get3A_879, %get3A_880, %get3A_881, %get3A_882] {strides = array<i32>} : memref<2x2x4x128x32xf32, #tpu.memory_space<vmem>>, vector<16xf32>,
        %get3A_884 = arith.constant 0 : i32
        %get3A_885 = arith.constant 1 : i32
        %get3A_886 = arith.constant 1 : i32
        %get3A_887 = arith.index_cast %get3A_884 : i32 to index
        %get3A_888 = arith.index_cast %get3A_885 : i32 to index
        %get3A_889 = arith.index_cast %get3A_886 : i32 to index
        %get3A_890 = arith.index_cast %scan3A_874 : i32 to index
        %get3A_891 = arith.constant 0 : index
        %get3A_892 = tpu.vector_load %arg9[%get3A_887, %get3A_888, %get3A_889, %get3A_890, %get3A_891] {strides = array<i32>} : memref<2x2x4x128x32xf32, #tpu.memory_space<vmem>>, vector<16xf32>,
        %add3A_893 = arith.addf %get3A_883, %get3A_892 : vector<16xf32>
        %get3A_894 = arith.constant 0 : i32
        %get3A_895 = arith.constant 1 : i32
        %get3A_896 = arith.constant 2 : i32
        %get3A_897 = arith.index_cast %get3A_894 : i32 to index
        %get3A_898 = arith.index_cast %get3A_895 : i32 to index
        %get3A_899 = arith.index_cast %get3A_896 : i32 to index
        %get3A_900 = arith.index_cast %scan3A_874 : i32 to index
        %get3A_901 = arith.constant 0 : index
        %get3A_902 = tpu.vector_load %arg9[%get3A_897, %get3A_898, %get3A_899, %get3A_900, %get3A_901] {strides = array<i32>} : memref<2x2x4x128x32xf32, #tpu.memory_space<vmem>>, vector<16xf32>,
        %get3A_903 = arith.constant 0 : i32
        %get3A_904 = arith.constant 1 : i32
        %get3A_905 = arith.constant 3 : i32
        %get3A_906 = arith.index_cast %get3A_903 : i32 to index
        %get3A_907 = arith.index_cast %get3A_904 : i32 to index
        %get3A_908 = arith.index_cast %get3A_905 : i32 to index
        %get3A_909 = arith.index_cast %scan3A_874 : i32 to index
        %get3A_910 = arith.constant 0 : index
        %get3A_911 = tpu.vector_load %arg9[%get3A_906, %get3A_907, %get3A_908, %get3A_909, %get3A_910] {strides = array<i32>} : memref<2x2x4x128x32xf32, #tpu.memory_space<vmem>>, vector<16xf32>,
        %add3A_912 = arith.addf %get3A_902, %get3A_911 : vector<16xf32>
        %add3A_913 = arith.addf %add3A_893, %add3A_912 : vector<16xf32>
        %mul3A_914 = arith.constant 2.500000e-01 : f32
        %mul3A_915 = vector.broadcast %mul3A_914 : f32 to vector<16xf32>
        %mul3A_916 = arith.mulf %add3A_913, %mul3A_915 : vector<16xf32>
        %swap3A_917 = arith.constant 0 : i32
        %swap3A_918 = arith.constant 1 : i32
        %swap3A_919 = arith.index_cast %swap3A_917 : i32 to index
        %swap3A_920 = arith.index_cast %swap3A_918 : i32 to index
        %swap3A_921 = arith.index_cast %scan3A_874 : i32 to index
        %swap3A_922 = arith.constant 0 : index
        %swap3A_923 = tpu.vector_load %arg10[%swap3A_919, %swap3A_920, %swap3A_921, %swap3A_922] {strides = array<i32>} : memref<2x2x128x32xf32, #tpu.memory_space<vmem>>, vector<16xf32>,
        tpu.vector_store %arg10[%swap3A_919, %swap3A_920, %swap3A_921, %swap3A_922], %mul3A_916 {strides = array<i32>} : memref<2x2x128x32xf32, #tpu.memory_space<vmem>>, vector<16xf32>,
        %get3A_924 = arith.constant 0 : i32
        %get3A_925 = arith.constant 1 : i32
        %get3A_926 = arith.constant 0 : i32
        %get3A_927 = arith.index_cast %get3A_924 : i32 to index
        %get3A_928 = arith.index_cast %get3A_925 : i32 to index
        %get3A_929 = arith.index_cast %get3A_926 : i32 to index
        %get3A_930 = arith.index_cast %scan3A_874 : i32 to index
        %get3A_931 = arith.constant 16 : index
        %get3A_932 = tpu.vector_load %arg9[%get3A_927, %get3A_928, %get3A_929, %get3A_930, %get3A_931] {strides = array<i32>} : memref<2x2x4x128x32xf32, #tpu.memory_space<vmem>>, vector<16xf32>,
        %get3A_933 = arith.constant 0 : i32
        %get3A_934 = arith.constant 1 : i32
        %get3A_935 = arith.constant 1 : i32
        %get3A_936 = arith.index_cast %get3A_933 : i32 to index
        %get3A_937 = arith.index_cast %get3A_934 : i32 to index
        %get3A_938 = arith.index_cast %get3A_935 : i32 to index
        %get3A_939 = arith.index_cast %scan3A_874 : i32 to index
        %get3A_940 = arith.constant 16 : index
        %get3A_941 = tpu.vector_load %arg9[%get3A_936, %get3A_937, %get3A_938, %get3A_939, %get3A_940] {strides = array<i32>} : memref<2x2x4x128x32xf32, #tpu.memory_space<vmem>>, vector<16xf32>,
        %add3A_942 = arith.addf %get3A_932, %get3A_941 : vector<16xf32>
        %get3A_943 = arith.constant 0 : i32
        %get3A_944 = arith.constant 1 : i32
        %get3A_945 = arith.constant 2 : i32
        %get3A_946 = arith.index_cast %get3A_943 : i32 to index
        %get3A_947 = arith.index_cast %get3A_944 : i32 to index
        %get3A_948 = arith.index_cast %get3A_945 : i32 to index
        %get3A_949 = arith.index_cast %scan3A_874 : i32 to index
        %get3A_950 = arith.constant 16 : index
        %get3A_951 = tpu.vector_load %arg9[%get3A_946, %get3A_947, %get3A_948, %get3A_949, %get3A_950] {strides = array<i32>} : memref<2x2x4x128x32xf32, #tpu.memory_space<vmem>>, vector<16xf32>,
        %get3A_952 = arith.constant 0 : i32
        %get3A_953 = arith.constant 1 : i32
        %get3A_954 = arith.constant 3 : i32
        %get3A_955 = arith.index_cast %get3A_952 : i32 to index
        %get3A_956 = arith.index_cast %get3A_953 : i32 to index
        %get3A_957 = arith.index_cast %get3A_954 : i32 to index
        %get3A_958 = arith.index_cast %scan3A_874 : i32 to index
        %get3A_959 = arith.constant 16 : index
        %get3A_960 = tpu.vector_load %arg9[%get3A_955, %get3A_956, %get3A_957, %get3A_958, %get3A_959] {strides = array<i32>} : memref<2x2x4x128x32xf32, #tpu.memory_space<vmem>>, vector<16xf32>,
        %add3A_961 = arith.addf %get3A_951, %get3A_960 : vector<16xf32>
        %add3A_962 = arith.addf %add3A_942, %add3A_961 : vector<16xf32>
        %mul3A_963 = arith.constant 2.500000e-01 : f32
        %mul3A_964 = vector.broadcast %mul3A_963 : f32 to vector<16xf32>
        %mul3A_965 = arith.mulf %add3A_962, %mul3A_964 : vector<16xf32>
        %swap3A_966 = arith.constant 0 : i32
        %swap3A_967 = arith.constant 1 : i32
        %swap3A_968 = arith.index_cast %swap3A_966 : i32 to index
        %swap3A_969 = arith.index_cast %swap3A_967 : i32 to index
        %swap3A_970 = arith.index_cast %scan3A_874 : i32 to index
        %swap3A_971 = arith.constant 16 : index
        %swap3A_972 = tpu.vector_load %arg10[%swap3A_968, %swap3A_969, %swap3A_970, %swap3A_971] {strides = array<i32>} : memref<2x2x128x32xf32, #tpu.memory_space<vmem>>, vector<16xf32>,
        tpu.vector_store %arg10[%swap3A_968, %swap3A_969, %swap3A_970, %swap3A_971], %mul3A_965 {strides = array<i32>} : memref<2x2x128x32xf32, #tpu.memory_space<vmem>>, vector<16xf32>,
        %scan3A_973 = arith.constant 4 : i32
        %scan3A_974 = arith.addi %scan3A_576, %scan3A_973 : i32
        %get3A_975 = arith.constant 0 : i32
        %get3A_976 = arith.constant 1 : i32
        %get3A_977 = arith.constant 0 : i32
        %get3A_978 = arith.index_cast %get3A_975 : i32 to index
        %get3A_979 = arith.index_cast %get3A_976 : i32 to index
        %get3A_980 = arith.index_cast %get3A_977 : i32 to index
        %get3A_981 = arith.index_cast %scan3A_974 : i32 to index
        %get3A_982 = arith.constant 0 : index
        %get3A_983 = tpu.vector_load %arg9[%get3A_978, %get3A_979, %get3A_980, %get3A_981, %get3A_982] {strides = array<i32>} : memref<2x2x4x128x32xf32, #tpu.memory_space<vmem>>, vector<16xf32>,
        %get3A_984 = arith.constant 0 : i32
        %get3A_985 = arith.constant 1 : i32
        %get3A_986 = arith.constant 1 : i32
        %get3A_987 = arith.index_cast %get3A_984 : i32 to index
        %get3A_988 = arith.index_cast %get3A_985 : i32 to index
        %get3A_989 = arith.index_cast %get3A_986 : i32 to index
        %get3A_990 = arith.index_cast %scan3A_974 : i32 to index
        %get3A_991 = arith.constant 0 : index
        %get3A_992 = tpu.vector_load %arg9[%get3A_987, %get3A_988, %get3A_989, %get3A_990, %get3A_991] {strides = array<i32>} : memref<2x2x4x128x32xf32, #tpu.memory_space<vmem>>, vector<16xf32>,
        %add3A_993 = arith.addf %get3A_983, %get3A_992 : vector<16xf32>
        %get3A_994 = arith.constant 0 : i32
        %get3A_995 = arith.constant 1 : i32
        %get3A_996 = arith.constant 2 : i32
        %get3A_997 = arith.index_cast %get3A_994 : i32 to index
        %get3A_998 = arith.index_cast %get3A_995 : i32 to index
        %get3A_999 = arith.index_cast %get3A_996 : i32 to index
        %get3A_1000 = arith.index_cast %scan3A_974 : i32 to index
        %get3A_1001 = arith.constant 0 : index
        %get3A_1002 = tpu.vector_load %arg9[%get3A_997, %get3A_998, %get3A_999, %get3A_1000, %get3A_1001] {strides = array<i32>} : memref<2x2x4x128x32xf32, #tpu.memory_space<vmem>>, vector<16xf32>,
        %get3A_1003 = arith.constant 0 : i32
        %get3A_1004 = arith.constant 1 : i32
        %get3A_1005 = arith.constant 3 : i32
        %get3A_1006 = arith.index_cast %get3A_1003 : i32 to index
        %get3A_1007 = arith.index_cast %get3A_1004 : i32 to index
        %get3A_1008 = arith.index_cast %get3A_1005 : i32 to index
        %get3A_1009 = arith.index_cast %scan3A_974 : i32 to index
        %get3A_1010 = arith.constant 0 : index
        %get3A_1011 = tpu.vector_load %arg9[%get3A_1006, %get3A_1007, %get3A_1008, %get3A_1009, %get3A_1010] {strides = array<i32>} : memref<2x2x4x128x32xf32, #tpu.memory_space<vmem>>, vector<16xf32>,
        %add3A_1012 = arith.addf %get3A_1002, %get3A_1011 : vector<16xf32>
        %add3A_1013 = arith.addf %add3A_993, %add3A_1012 : vector<16xf32>
        %mul3A_1014 = arith.constant 2.500000e-01 : f32
        %mul3A_1015 = vector.broadcast %mul3A_1014 : f32 to vector<16xf32>
        %mul3A_1016 = arith.mulf %add3A_1013, %mul3A_1015 : vector<16xf32>
        %swap3A_1017 = arith.constant 0 : i32
        %swap3A_1018 = arith.constant 1 : i32
        %swap3A_1019 = arith.index_cast %swap3A_1017 : i32 to index
        %swap3A_1020 = arith.index_cast %swap3A_1018 : i32 to index
        %swap3A_1021 = arith.index_cast %scan3A_974 : i32 to index
        %swap3A_1022 = arith.constant 0 : index
        %swap3A_1023 = tpu.vector_load %arg10[%swap3A_1019, %swap3A_1020, %swap3A_1021, %swap3A_1022] {strides = array<i32>} : memref<2x2x128x32xf32, #tpu.memory_space<vmem>>, vector<16xf32>,
        tpu.vector_store %arg10[%swap3A_1019, %swap3A_1020, %swap3A_1021, %swap3A_1022], %mul3A_1016 {strides = array<i32>} : memref<2x2x128x32xf32, #tpu.memory_space<vmem>>, vector<16xf32>,
        %get3A_1024 = arith.constant 0 : i32
        %get3A_1025 = arith.constant 1 : i32
        %get3A_1026 = arith.constant 0 : i32
        %get3A_1027 = arith.index_cast %get3A_1024 : i32 to index
        %get3A_1028 = arith.index_cast %get3A_1025 : i32 to index
        %get3A_1029 = arith.index_cast %get3A_1026 : i32 to index
        %get3A_1030 = arith.index_cast %scan3A_974 : i32 to index
        %get3A_1031 = arith.constant 16 : index
        %get3A_1032 = tpu.vector_load %arg9[%get3A_1027, %get3A_1028, %get3A_1029, %get3A_1030, %get3A_1031] {strides = array<i32>} : memref<2x2x4x128x32xf32, #tpu.memory_space<vmem>>, vector<16xf32>,
        %get3A_1033 = arith.constant 0 : i32
        %get3A_1034 = arith.constant 1 : i32
        %get3A_1035 = arith.constant 1 : i32
        %get3A_1036 = arith.index_cast %get3A_1033 : i32 to index
        %get3A_1037 = arith.index_cast %get3A_1034 : i32 to index
        %get3A_1038 = arith.index_cast %get3A_1035 : i32 to index
        %get3A_1039 = arith.index_cast %scan3A_974 : i32 to index
        %get3A_1040 = arith.constant 16 : index
        %get3A_1041 = tpu.vector_load %arg9[%get3A_1036, %get3A_1037, %get3A_1038, %get3A_1039, %get3A_1040] {strides = array<i32>} : memref<2x2x4x128x32xf32, #tpu.memory_space<vmem>>, vector<16xf32>,
        %add3A_1042 = arith.addf %get3A_1032, %get3A_1041 : vector<16xf32>
        %get3A_1043 = arith.constant 0 : i32
        %get3A_1044 = arith.constant 1 : i32
        %get3A_1045 = arith.constant 2 : i32
        %get3A_1046 = arith.index_cast %get3A_1043 : i32 to index
        %get3A_1047 = arith.index_cast %get3A_1044 : i32 to index
        %get3A_1048 = arith.index_cast %get3A_1045 : i32 to index
        %get3A_1049 = arith.index_cast %scan3A_974 : i32 to index
        %get3A_1050 = arith.constant 16 : index
        %get3A_1051 = tpu.vector_load %arg9[%get3A_1046, %get3A_1047, %get3A_1048, %get3A_1049, %get3A_1050] {strides = array<i32>} : memref<2x2x4x128x32xf32, #tpu.memory_space<vmem>>, vector<16xf32>,
        %get3A_1052 = arith.constant 0 : i32
        %get3A_1053 = arith.constant 1 : i32
        %get3A_1054 = arith.constant 3 : i32
        %get3A_1055 = arith.index_cast %get3A_1052 : i32 to index
        %get3A_1056 = arith.index_cast %get3A_1053 : i32 to index
        %get3A_1057 = arith.index_cast %get3A_1054 : i32 to index
        %get3A_1058 = arith.index_cast %scan3A_974 : i32 to index
        %get3A_1059 = arith.constant 16 : index
        %get3A_1060 = tpu.vector_load %arg9[%get3A_1055, %get3A_1056, %get3A_1057, %get3A_1058, %get3A_1059] {strides = array<i32>} : memref<2x2x4x128x32xf32, #tpu.memory_space<vmem>>, vector<16xf32>,
        %add3A_1061 = arith.addf %get3A_1051, %get3A_1060 : vector<16xf32>
        %add3A_1062 = arith.addf %add3A_1042, %add3A_1061 : vector<16xf32>
        %mul3A_1063 = arith.constant 2.500000e-01 : f32
        %mul3A_1064 = vector.broadcast %mul3A_1063 : f32 to vector<16xf32>
        %mul3A_1065 = arith.mulf %add3A_1062, %mul3A_1064 : vector<16xf32>
        %swap3A_1066 = arith.constant 0 : i32
        %swap3A_1067 = arith.constant 1 : i32
        %swap3A_1068 = arith.index_cast %swap3A_1066 : i32 to index
        %swap3A_1069 = arith.index_cast %swap3A_1067 : i32 to index
        %swap3A_1070 = arith.index_cast %scan3A_974 : i32 to index
        %swap3A_1071 = arith.constant 16 : index
        %swap3A_1072 = tpu.vector_load %arg10[%swap3A_1068, %swap3A_1069, %swap3A_1070, %swap3A_1071] {strides = array<i32>} : memref<2x2x128x32xf32, #tpu.memory_space<vmem>>, vector<16xf32>,
        tpu.vector_store %arg10[%swap3A_1068, %swap3A_1069, %swap3A_1070, %swap3A_1071], %mul3A_1065 {strides = array<i32>} : memref<2x2x128x32xf32, #tpu.memory_space<vmem>>, vector<16xf32>,
        %scan3A_1073 = arith.constant 5 : i32
        %scan3A_1074 = arith.addi %scan3A_576, %scan3A_1073 : i32
        %get3A_1075 = arith.constant 0 : i32
        %get3A_1076 = arith.constant 1 : i32
        %get3A_1077 = arith.constant 0 : i32
        %get3A_1078 = arith.index_cast %get3A_1075 : i32 to index
        %get3A_1079 = arith.index_cast %get3A_1076 : i32 to index
        %get3A_1080 = arith.index_cast %get3A_1077 : i32 to index
        %get3A_1081 = arith.index_cast %scan3A_1074 : i32 to index
        %get3A_1082 = arith.constant 0 : index
        %get3A_1083 = tpu.vector_load %arg9[%get3A_1078, %get3A_1079, %get3A_1080, %get3A_1081, %get3A_1082] {strides = array<i32>} : memref<2x2x4x128x32xf32, #tpu.memory_space<vmem>>, vector<16xf32>,
        %get3A_1084 = arith.constant 0 : i32
        %get3A_1085 = arith.constant 1 : i32
        %get3A_1086 = arith.constant 1 : i32
        %get3A_1087 = arith.index_cast %get3A_1084 : i32 to index
        %get3A_1088 = arith.index_cast %get3A_1085 : i32 to index
        %get3A_1089 = arith.index_cast %get3A_1086 : i32 to index
        %get3A_1090 = arith.index_cast %scan3A_1074 : i32 to index
        %get3A_1091 = arith.constant 0 : index
        %get3A_1092 = tpu.vector_load %arg9[%get3A_1087, %get3A_1088, %get3A_1089, %get3A_1090, %get3A_1091] {strides = array<i32>} : memref<2x2x4x128x32xf32, #tpu.memory_space<vmem>>, vector<16xf32>,
        %add3A_1093 = arith.addf %get3A_1083, %get3A_1092 : vector<16xf32>
        %get3A_1094 = arith.constant 0 : i32
        %get3A_1095 = arith.constant 1 : i32
        %get3A_1096 = arith.constant 2 : i32
        %get3A_1097 = arith.index_cast %get3A_1094 : i32 to index
        %get3A_1098 = arith.index_cast %get3A_1095 : i32 to index
        %get3A_1099 = arith.index_cast %get3A_1096 : i32 to index
        %get3A_1100 = arith.index_cast %scan3A_1074 : i32 to index
        %get3A_1101 = arith.constant 0 : index
        %get3A_1102 = tpu.vector_load %arg9[%get3A_1097, %get3A_1098, %get3A_1099, %get3A_1100, %get3A_1101] {strides = array<i32>} : memref<2x2x4x128x32xf32, #tpu.memory_space<vmem>>, vector<16xf32>,
        %get3A_1103 = arith.constant 0 : i32
        %get3A_1104 = arith.constant 1 : i32
        %get3A_1105 = arith.constant 3 : i32
        %get3A_1106 = arith.index_cast %get3A_1103 : i32 to index
        %get3A_1107 = arith.index_cast %get3A_1104 : i32 to index
        %get3A_1108 = arith.index_cast %get3A_1105 : i32 to index
        %get3A_1109 = arith.index_cast %scan3A_1074 : i32 to index
        %get3A_1110 = arith.constant 0 : index
        %get3A_1111 = tpu.vector_load %arg9[%get3A_1106, %get3A_1107, %get3A_1108, %get3A_1109, %get3A_1110] {strides = array<i32>} : memref<2x2x4x128x32xf32, #tpu.memory_space<vmem>>, vector<16xf32>,
        %add3A_1112 = arith.addf %get3A_1102, %get3A_1111 : vector<16xf32>
        %add3A_1113 = arith.addf %add3A_1093, %add3A_1112 : vector<16xf32>
        %mul3A_1114 = arith.constant 2.500000e-01 : f32
        %mul3A_1115 = vector.broadcast %mul3A_1114 : f32 to vector<16xf32>
        %mul3A_1116 = arith.mulf %add3A_1113, %mul3A_1115 : vector<16xf32>
        %swap3A_1117 = arith.constant 0 : i32
        %swap3A_1118 = arith.constant 1 : i32
        %swap3A_1119 = arith.index_cast %swap3A_1117 : i32 to index
        %swap3A_1120 = arith.index_cast %swap3A_1118 : i32 to index
        %swap3A_1121 = arith.index_cast %scan3A_1074 : i32 to index
        %swap3A_1122 = arith.constant 0 : index
        %swap3A_1123 = tpu.vector_load %arg10[%swap3A_1119, %swap3A_1120, %swap3A_1121, %swap3A_1122] {strides = array<i32>} : memref<2x2x128x32xf32, #tpu.memory_space<vmem>>, vector<16xf32>,
        tpu.vector_store %arg10[%swap3A_1119, %swap3A_1120, %swap3A_1121, %swap3A_1122], %mul3A_1116 {strides = array<i32>} : memref<2x2x128x32xf32, #tpu.memory_space<vmem>>, vector<16xf32>,
        %get3A_1124 = arith.constant 0 : i32
        %get3A_1125 = arith.constant 1 : i32
        %get3A_1126 = arith.constant 0 : i32
        %get3A_1127 = arith.index_cast %get3A_1124 : i32 to index
        %get3A_1128 = arith.index_cast %get3A_1125 : i32 to index
        %get3A_1129 = arith.index_cast %get3A_1126 : i32 to index
        %get3A_1130 = arith.index_cast %scan3A_1074 : i32 to index
        %get3A_1131 = arith.constant 16 : index
        %get3A_1132 = tpu.vector_load %arg9[%get3A_1127, %get3A_1128, %get3A_1129, %get3A_1130, %get3A_1131] {strides = array<i32>} : memref<2x2x4x128x32xf32, #tpu.memory_space<vmem>>, vector<16xf32>,
        %get3A_1133 = arith.constant 0 : i32
        %get3A_1134 = arith.constant 1 : i32
        %get3A_1135 = arith.constant 1 : i32
        %get3A_1136 = arith.index_cast %get3A_1133 : i32 to index
        %get3A_1137 = arith.index_cast %get3A_1134 : i32 to index
        %get3A_1138 = arith.index_cast %get3A_1135 : i32 to index
        %get3A_1139 = arith.index_cast %scan3A_1074 : i32 to index
        %get3A_1140 = arith.constant 16 : index
        %get3A_1141 = tpu.vector_load %arg9[%get3A_1136, %get3A_1137, %get3A_1138, %get3A_1139, %get3A_1140] {strides = array<i32>} : memref<2x2x4x128x32xf32, #tpu.memory_space<vmem>>, vector<16xf32>,
        %add3A_1142 = arith.addf %get3A_1132, %get3A_1141 : vector<16xf32>
        %get3A_1143 = arith.constant 0 : i32
        %get3A_1144 = arith.constant 1 : i32
        %get3A_1145 = arith.constant 2 : i32
        %get3A_1146 = arith.index_cast %get3A_1143 : i32 to index
        %get3A_1147 = arith.index_cast %get3A_1144 : i32 to index
        %get3A_1148 = arith.index_cast %get3A_1145 : i32 to index
        %get3A_1149 = arith.index_cast %scan3A_1074 : i32 to index
        %get3A_1150 = arith.constant 16 : index
        %get3A_1151 = tpu.vector_load %arg9[%get3A_1146, %get3A_1147, %get3A_1148, %get3A_1149, %get3A_1150] {strides = array<i32>} : memref<2x2x4x128x32xf32, #tpu.memory_space<vmem>>, vector<16xf32>,
        %get3A_1152 = arith.constant 0 : i32
        %get3A_1153 = arith.constant 1 : i32
        %get3A_1154 = arith.constant 3 : i32
        %get3A_1155 = arith.index_cast %get3A_1152 : i32 to index
        %get3A_1156 = arith.index_cast %get3A_1153 : i32 to index
        %get3A_1157 = arith.index_cast %get3A_1154 : i32 to index
        %get3A_1158 = arith.index_cast %scan3A_1074 : i32 to index
        %get3A_1159 = arith.constant 16 : index
        %get3A_1160 = tpu.vector_load %arg9[%get3A_1155, %get3A_1156, %get3A_1157, %get3A_1158, %get3A_1159] {strides = array<i32>} : memref<2x2x4x128x32xf32, #tpu.memory_space<vmem>>, vector<16xf32>,
        %add3A_1161 = arith.addf %get3A_1151, %get3A_1160 : vector<16xf32>
        %add3A_1162 = arith.addf %add3A_1142, %add3A_1161 : vector<16xf32>
        %mul3A_1163 = arith.constant 2.500000e-01 : f32
        %mul3A_1164 = vector.broadcast %mul3A_1163 : f32 to vector<16xf32>
        %mul3A_1165 = arith.mulf %add3A_1162, %mul3A_1164 : vector<16xf32>
        %swap3A_1166 = arith.constant 0 : i32
        %swap3A_1167 = arith.constant 1 : i32
        %swap3A_1168 = arith.index_cast %swap3A_1166 : i32 to index
        %swap3A_1169 = arith.index_cast %swap3A_1167 : i32 to index
        %swap3A_1170 = arith.index_cast %scan3A_1074 : i32 to index
        %swap3A_1171 = arith.constant 16 : index
        %swap3A_1172 = tpu.vector_load %arg10[%swap3A_1168, %swap3A_1169, %swap3A_1170, %swap3A_1171] {strides = array<i32>} : memref<2x2x128x32xf32, #tpu.memory_space<vmem>>, vector<16xf32>,
        tpu.vector_store %arg10[%swap3A_1168, %swap3A_1169, %swap3A_1170, %swap3A_1171], %mul3A_1165 {strides = array<i32>} : memref<2x2x128x32xf32, #tpu.memory_space<vmem>>, vector<16xf32>,
        %scan3A_1173 = arith.constant 6 : i32
        %scan3A_1174 = arith.addi %scan3A_576, %scan3A_1173 : i32
        %get3A_1175 = arith.constant 0 : i32
        %get3A_1176 = arith.constant 1 : i32
        %get3A_1177 = arith.constant 0 : i32
        %get3A_1178 = arith.index_cast %get3A_1175 : i32 to index
        %get3A_1179 = arith.index_cast %get3A_1176 : i32 to index
        %get3A_1180 = arith.index_cast %get3A_1177 : i32 to index
        %get3A_1181 = arith.index_cast %scan3A_1174 : i32 to index
        %get3A_1182 = arith.constant 0 : index
        %get3A_1183 = tpu.vector_load %arg9[%get3A_1178, %get3A_1179, %get3A_1180, %get3A_1181, %get3A_1182] {strides = array<i32>} : memref<2x2x4x128x32xf32, #tpu.memory_space<vmem>>, vector<16xf32>,
        %get3A_1184 = arith.constant 0 : i32
        %get3A_1185 = arith.constant 1 : i32
        %get3A_1186 = arith.constant 1 : i32
        %get3A_1187 = arith.index_cast %get3A_1184 : i32 to index
        %get3A_1188 = arith.index_cast %get3A_1185 : i32 to index
        %get3A_1189 = arith.index_cast %get3A_1186 : i32 to index
        %get3A_1190 = arith.index_cast %scan3A_1174 : i32 to index
        %get3A_1191 = arith.constant 0 : index
        %get3A_1192 = tpu.vector_load %arg9[%get3A_1187, %get3A_1188, %get3A_1189, %get3A_1190, %get3A_1191] {strides = array<i32>} : memref<2x2x4x128x32xf32, #tpu.memory_space<vmem>>, vector<16xf32>,
        %add3A_1193 = arith.addf %get3A_1183, %get3A_1192 : vector<16xf32>
        %get3A_1194 = arith.constant 0 : i32
        %get3A_1195 = arith.constant 1 : i32
        %get3A_1196 = arith.constant 2 : i32
        %get3A_1197 = arith.index_cast %get3A_1194 : i32 to index
        %get3A_1198 = arith.index_cast %get3A_1195 : i32 to index
        %get3A_1199 = arith.index_cast %get3A_1196 : i32 to index
        %get3A_1200 = arith.index_cast %scan3A_1174 : i32 to index
        %get3A_1201 = arith.constant 0 : index
        %get3A_1202 = tpu.vector_load %arg9[%get3A_1197, %get3A_1198, %get3A_1199, %get3A_1200, %get3A_1201] {strides = array<i32>} : memref<2x2x4x128x32xf32, #tpu.memory_space<vmem>>, vector<16xf32>,
        %get3A_1203 = arith.constant 0 : i32
        %get3A_1204 = arith.constant 1 : i32
        %get3A_1205 = arith.constant 3 : i32
        %get3A_1206 = arith.index_cast %get3A_1203 : i32 to index
        %get3A_1207 = arith.index_cast %get3A_1204 : i32 to index
        %get3A_1208 = arith.index_cast %get3A_1205 : i32 to index
        %get3A_1209 = arith.index_cast %scan3A_1174 : i32 to index
        %get3A_1210 = arith.constant 0 : index
        %get3A_1211 = tpu.vector_load %arg9[%get3A_1206, %get3A_1207, %get3A_1208, %get3A_1209, %get3A_1210] {strides = array<i32>} : memref<2x2x4x128x32xf32, #tpu.memory_space<vmem>>, vector<16xf32>,
        %add3A_1212 = arith.addf %get3A_1202, %get3A_1211 : vector<16xf32>
        %add3A_1213 = arith.addf %add3A_1193, %add3A_1212 : vector<16xf32>
        %mul3A_1214 = arith.constant 2.500000e-01 : f32
        %mul3A_1215 = vector.broadcast %mul3A_1214 : f32 to vector<16xf32>
        %mul3A_1216 = arith.mulf %add3A_1213, %mul3A_1215 : vector<16xf32>
        %swap3A_1217 = arith.constant 0 : i32
        %swap3A_1218 = arith.constant 1 : i32
        %swap3A_1219 = arith.index_cast %swap3A_1217 : i32 to index
        %swap3A_1220 = arith.index_cast %swap3A_1218 : i32 to index
        %swap3A_1221 = arith.index_cast %scan3A_1174 : i32 to index
        %swap3A_1222 = arith.constant 0 : index
        %swap3A_1223 = tpu.vector_load %arg10[%swap3A_1219, %swap3A_1220, %swap3A_1221, %swap3A_1222] {strides = array<i32>} : memref<2x2x128x32xf32, #tpu.memory_space<vmem>>, vector<16xf32>,
        tpu.vector_store %arg10[%swap3A_1219, %swap3A_1220, %swap3A_1221, %swap3A_1222], %mul3A_1216 {strides = array<i32>} : memref<2x2x128x32xf32, #tpu.memory_space<vmem>>, vector<16xf32>,
        %get3A_1224 = arith.constant 0 : i32
        %get3A_1225 = arith.constant 1 : i32
        %get3A_1226 = arith.constant 0 : i32
        %get3A_1227 = arith.index_cast %get3A_1224 : i32 to index
        %get3A_1228 = arith.index_cast %get3A_1225 : i32 to index
        %get3A_1229 = arith.index_cast %get3A_1226 : i32 to index
        %get3A_1230 = arith.index_cast %scan3A_1174 : i32 to index
        %get3A_1231 = arith.constant 16 : index
        %get3A_1232 = tpu.vector_load %arg9[%get3A_1227, %get3A_1228, %get3A_1229, %get3A_1230, %get3A_1231] {strides = array<i32>} : memref<2x2x4x128x32xf32, #tpu.memory_space<vmem>>, vector<16xf32>,
        %get3A_1233 = arith.constant 0 : i32
        %get3A_1234 = arith.constant 1 : i32
        %get3A_1235 = arith.constant 1 : i32
        %get3A_1236 = arith.index_cast %get3A_1233 : i32 to index
        %get3A_1237 = arith.index_cast %get3A_1234 : i32 to index
        %get3A_1238 = arith.index_cast %get3A_1235 : i32 to index
        %get3A_1239 = arith.index_cast %scan3A_1174 : i32 to index
        %get3A_1240 = arith.constant 16 : index
        %get3A_1241 = tpu.vector_load %arg9[%get3A_1236, %get3A_1237, %get3A_1238, %get3A_1239, %get3A_1240] {strides = array<i32>} : memref<2x2x4x128x32xf32, #tpu.memory_space<vmem>>, vector<16xf32>,
        %add3A_1242 = arith.addf %get3A_1232, %get3A_1241 : vector<16xf32>
        %get3A_1243 = arith.constant 0 : i32
        %get3A_1244 = arith.constant 1 : i32
        %get3A_1245 = arith.constant 2 : i32
        %get3A_1246 = arith.index_cast %get3A_1243 : i32 to index
        %get3A_1247 = arith.index_cast %get3A_1244 : i32 to index
        %get3A_1248 = arith.index_cast %get3A_1245 : i32 to index
        %get3A_1249 = arith.index_cast %scan3A_1174 : i32 to index
        %get3A_1250 = arith.constant 16 : index
        %get3A_1251 = tpu.vector_load %arg9[%get3A_1246, %get3A_1247, %get3A_1248, %get3A_1249, %get3A_1250] {strides = array<i32>} : memref<2x2x4x128x32xf32, #tpu.memory_space<vmem>>, vector<16xf32>,
        %get3A_1252 = arith.constant 0 : i32
        %get3A_1253 = arith.constant 1 : i32
        %get3A_1254 = arith.constant 3 : i32
        %get3A_1255 = arith.index_cast %get3A_1252 : i32 to index
        %get3A_1256 = arith.index_cast %get3A_1253 : i32 to index
        %get3A_1257 = arith.index_cast %get3A_1254 : i32 to index
        %get3A_1258 = arith.index_cast %scan3A_1174 : i32 to index
        %get3A_1259 = arith.constant 16 : index
        %get3A_1260 = tpu.vector_load %arg9[%get3A_1255, %get3A_1256, %get3A_1257, %get3A_1258, %get3A_1259] {strides = array<i32>} : memref<2x2x4x128x32xf32, #tpu.memory_space<vmem>>, vector<16xf32>,
        %add3A_1261 = arith.addf %get3A_1251, %get3A_1260 : vector<16xf32>
        %add3A_1262 = arith.addf %add3A_1242, %add3A_1261 : vector<16xf32>
        %mul3A_1263 = arith.constant 2.500000e-01 : f32
        %mul3A_1264 = vector.broadcast %mul3A_1263 : f32 to vector<16xf32>
        %mul3A_1265 = arith.mulf %add3A_1262, %mul3A_1264 : vector<16xf32>
        %swap3A_1266 = arith.constant 0 : i32
        %swap3A_1267 = arith.constant 1 : i32
        %swap3A_1268 = arith.index_cast %swap3A_1266 : i32 to index
        %swap3A_1269 = arith.index_cast %swap3A_1267 : i32 to index
        %swap3A_1270 = arith.index_cast %scan3A_1174 : i32 to index
        %swap3A_1271 = arith.constant 16 : index
        %swap3A_1272 = tpu.vector_load %arg10[%swap3A_1268, %swap3A_1269, %swap3A_1270, %swap3A_1271] {strides = array<i32>} : memref<2x2x128x32xf32, #tpu.memory_space<vmem>>, vector<16xf32>,
        tpu.vector_store %arg10[%swap3A_1268, %swap3A_1269, %swap3A_1270, %swap3A_1271], %mul3A_1265 {strides = array<i32>} : memref<2x2x128x32xf32, #tpu.memory_space<vmem>>, vector<16xf32>,
        %scan3A_1273 = arith.constant 7 : i32
        %scan3A_1274 = arith.addi %scan3A_576, %scan3A_1273 : i32
        %get3A_1275 = arith.constant 0 : i32
        %get3A_1276 = arith.constant 1 : i32
        %get3A_1277 = arith.constant 0 : i32
        %get3A_1278 = arith.index_cast %get3A_1275 : i32 to index
        %get3A_1279 = arith.index_cast %get3A_1276 : i32 to index
        %get3A_1280 = arith.index_cast %get3A_1277 : i32 to index
        %get3A_1281 = arith.index_cast %scan3A_1274 : i32 to index
        %get3A_1282 = arith.constant 0 : index
        %get3A_1283 = tpu.vector_load %arg9[%get3A_1278, %get3A_1279, %get3A_1280, %get3A_1281, %get3A_1282] {strides = array<i32>} : memref<2x2x4x128x32xf32, #tpu.memory_space<vmem>>, vector<16xf32>,
        %get3A_1284 = arith.constant 0 : i32
        %get3A_1285 = arith.constant 1 : i32
        %get3A_1286 = arith.constant 1 : i32
        %get3A_1287 = arith.index_cast %get3A_1284 : i32 to index
        %get3A_1288 = arith.index_cast %get3A_1285 : i32 to index
        %get3A_1289 = arith.index_cast %get3A_1286 : i32 to index
        %get3A_1290 = arith.index_cast %scan3A_1274 : i32 to index
        %get3A_1291 = arith.constant 0 : index
        %get3A_1292 = tpu.vector_load %arg9[%get3A_1287, %get3A_1288, %get3A_1289, %get3A_1290, %get3A_1291] {strides = array<i32>} : memref<2x2x4x128x32xf32, #tpu.memory_space<vmem>>, vector<16xf32>,
        %add3A_1293 = arith.addf %get3A_1283, %get3A_1292 : vector<16xf32>
        %get3A_1294 = arith.constant 0 : i32
        %get3A_1295 = arith.constant 1 : i32
        %get3A_1296 = arith.constant 2 : i32
        %get3A_1297 = arith.index_cast %get3A_1294 : i32 to index
        %get3A_1298 = arith.index_cast %get3A_1295 : i32 to index
        %get3A_1299 = arith.index_cast %get3A_1296 : i32 to index
        %get3A_1300 = arith.index_cast %scan3A_1274 : i32 to index
        %get3A_1301 = arith.constant 0 : index
        %get3A_1302 = tpu.vector_load %arg9[%get3A_1297, %get3A_1298, %get3A_1299, %get3A_1300, %get3A_1301] {strides = array<i32>} : memref<2x2x4x128x32xf32, #tpu.memory_space<vmem>>, vector<16xf32>,
        %get3A_1303 = arith.constant 0 : i32
        %get3A_1304 = arith.constant 1 : i32
        %get3A_1305 = arith.constant 3 : i32
        %get3A_1306 = arith.index_cast %get3A_1303 : i32 to index
        %get3A_1307 = arith.index_cast %get3A_1304 : i32 to index
        %get3A_1308 = arith.index_cast %get3A_1305 : i32 to index
        %get3A_1309 = arith.index_cast %scan3A_1274 : i32 to index
        %get3A_1310 = arith.constant 0 : index
        %get3A_1311 = tpu.vector_load %arg9[%get3A_1306, %get3A_1307, %get3A_1308, %get3A_1309, %get3A_1310] {strides = array<i32>} : memref<2x2x4x128x32xf32, #tpu.memory_space<vmem>>, vector<16xf32>,
        %add3A_1312 = arith.addf %get3A_1302, %get3A_1311 : vector<16xf32>
        %add3A_1313 = arith.addf %add3A_1293, %add3A_1312 : vector<16xf32>
        %mul3A_1314 = arith.constant 2.500000e-01 : f32
        %mul3A_1315 = vector.broadcast %mul3A_1314 : f32 to vector<16xf32>
        %mul3A_1316 = arith.mulf %add3A_1313, %mul3A_1315 : vector<16xf32>
        %swap3A_1317 = arith.constant 0 : i32
        %swap3A_1318 = arith.constant 1 : i32
        %swap3A_1319 = arith.index_cast %swap3A_1317 : i32 to index
        %swap3A_1320 = arith.index_cast %swap3A_1318 : i32 to index
        %swap3A_1321 = arith.index_cast %scan3A_1274 : i32 to index
        %swap3A_1322 = arith.constant 0 : index
        %swap3A_1323 = tpu.vector_load %arg10[%swap3A_1319, %swap3A_1320, %swap3A_1321, %swap3A_1322] {strides = array<i32>} : memref<2x2x128x32xf32, #tpu.memory_space<vmem>>, vector<16xf32>,
        tpu.vector_store %arg10[%swap3A_1319, %swap3A_1320, %swap3A_1321, %swap3A_1322], %mul3A_1316 {strides = array<i32>} : memref<2x2x128x32xf32, #tpu.memory_space<vmem>>, vector<16xf32>,
        %get3A_1324 = arith.constant 0 : i32
        %get3A_1325 = arith.constant 1 : i32
        %get3A_1326 = arith.constant 0 : i32
        %get3A_1327 = arith.index_cast %get3A_1324 : i32 to index
        %get3A_1328 = arith.index_cast %get3A_1325 : i32 to index
        %get3A_1329 = arith.index_cast %get3A_1326 : i32 to index
        %get3A_1330 = arith.index_cast %scan3A_1274 : i32 to index
        %get3A_1331 = arith.constant 16 : index
        %get3A_1332 = tpu.vector_load %arg9[%get3A_1327, %get3A_1328, %get3A_1329, %get3A_1330, %get3A_1331] {strides = array<i32>} : memref<2x2x4x128x32xf32, #tpu.memory_space<vmem>>, vector<16xf32>,
        %get3A_1333 = arith.constant 0 : i32
        %get3A_1334 = arith.constant 1 : i32
        %get3A_1335 = arith.constant 1 : i32
        %get3A_1336 = arith.index_cast %get3A_1333 : i32 to index
        %get3A_1337 = arith.index_cast %get3A_1334 : i32 to index
        %get3A_1338 = arith.index_cast %get3A_1335 : i32 to index
        %get3A_1339 = arith.index_cast %scan3A_1274 : i32 to index
        %get3A_1340 = arith.constant 16 : index
        %get3A_1341 = tpu.vector_load %arg9[%get3A_1336, %get3A_1337, %get3A_1338, %get3A_1339, %get3A_1340] {strides = array<i32>} : memref<2x2x4x128x32xf32, #tpu.memory_space<vmem>>, vector<16xf32>,
        %add3A_1342 = arith.addf %get3A_1332, %get3A_1341 : vector<16xf32>
        %get3A_1343 = arith.constant 0 : i32
        %get3A_1344 = arith.constant 1 : i32
        %get3A_1345 = arith.constant 2 : i32
        %get3A_1346 = arith.index_cast %get3A_1343 : i32 to index
        %get3A_1347 = arith.index_cast %get3A_1344 : i32 to index
        %get3A_1348 = arith.index_cast %get3A_1345 : i32 to index
        %get3A_1349 = arith.index_cast %scan3A_1274 : i32 to index
        %get3A_1350 = arith.constant 16 : index
        %get3A_1351 = tpu.vector_load %arg9[%get3A_1346, %get3A_1347, %get3A_1348, %get3A_1349, %get3A_1350] {strides = array<i32>} : memref<2x2x4x128x32xf32, #tpu.memory_space<vmem>>, vector<16xf32>,
        %get3A_1352 = arith.constant 0 : i32
        %get3A_1353 = arith.constant 1 : i32
        %get3A_1354 = arith.constant 3 : i32
        %get3A_1355 = arith.index_cast %get3A_1352 : i32 to index
        %get3A_1356 = arith.index_cast %get3A_1353 : i32 to index
        %get3A_1357 = arith.index_cast %get3A_1354 : i32 to index
        %get3A_1358 = arith.index_cast %scan3A_1274 : i32 to index
        %get3A_1359 = arith.constant 16 : index
        %get3A_1360 = tpu.vector_load %arg9[%get3A_1355, %get3A_1356, %get3A_1357, %get3A_1358, %get3A_1359] {strides = array<i32>} : memref<2x2x4x128x32xf32, #tpu.memory_space<vmem>>, vector<16xf32>,
        %add3A_1361 = arith.addf %get3A_1351, %get3A_1360 : vector<16xf32>
        %add3A_1362 = arith.addf %add3A_1342, %add3A_1361 : vector<16xf32>
        %mul3A_1363 = arith.constant 2.500000e-01 : f32
        %mul3A_1364 = vector.broadcast %mul3A_1363 : f32 to vector<16xf32>
        %mul3A_1365 = arith.mulf %add3A_1362, %mul3A_1364 : vector<16xf32>
        %swap3A_1366 = arith.constant 0 : i32
        %swap3A_1367 = arith.constant 1 : i32
        %swap3A_1368 = arith.index_cast %swap3A_1366 : i32 to index
        %swap3A_1369 = arith.index_cast %swap3A_1367 : i32 to index
        %swap3A_1370 = arith.index_cast %scan3A_1274 : i32 to index
        %swap3A_1371 = arith.constant 16 : index
        %swap3A_1372 = tpu.vector_load %arg10[%swap3A_1368, %swap3A_1369, %swap3A_1370, %swap3A_1371] {strides = array<i32>} : memref<2x2x128x32xf32, #tpu.memory_space<vmem>>, vector<16xf32>,
        tpu.vector_store %arg10[%swap3A_1368, %swap3A_1369, %swap3A_1370, %swap3A_1371], %mul3A_1365 {strides = array<i32>} : memref<2x2x128x32xf32, #tpu.memory_space<vmem>>, vector<16xf32>,
      }
      %scan3A_378 = arith.constant 128 : i32
      %mul3A_379 = arith.constant 2 : i32
      %mul3A_380 = arith.muli %add3A_223, %mul3A_379 : i32
      %dma_start3A_381 = arith.constant 0 : i32
      %dma_start3A_382 = arith.constant 0 : i32
      %dma_start3A_383 = arith.constant 0 : i32
      %dma_start3A_384 = arith.constant 0 : i32
      %dma_start3A_385 = tpu.memref_slice %arg10[%dma_start3A_381, %dma_start3A_382, %dma_start3A_383, %dma_start3A_384] : memref<2x2x128x32xf32, #tpu.memory_space<vmem>> -> memref<1x2x128x32xf32, #tpu.memory_space<vmem>>
      %dma_start3A_386 = tpu.memref_squeeze %dma_start3A_385 : memref<1x2x128x32xf32, #tpu.memory_space<vmem>> -> memref<2x128x32xf32, #tpu.memory_space<vmem>>
      %dma_start3A_387 = arith.constant 0 : i32
      %dma_start3A_388 = tpu.memref_slice %arg7[%mul3A_380, %mul3A_2, %dma_start3A_387] : memref<200x4096x32xf32, #tpu.memory_space<hbm>> -> memref<2x128x32xf32, #tpu.memory_space<hbm>>
      %dma_start3A_389 = arith.constant 0 : i32
      %dma_start3A_390 = tpu.memref_slice %arg7[%mul3A_380, %mul3A_2, %dma_start3A_389] : memref<200x4096x32xf32, #tpu.memory_space<hbm>> -> memref<2x128x32xf32, #tpu.memory_space<hbm>>
      %dma_start3A_391 = arith.constant 0 : i32
      %dma_start3A_392 = arith.constant 0 : i32
      %dma_start3A_393 = arith.constant 0 : i32
      %dma_start3A_394 = tpu.memref_slice %arg10[%dma_start3A_381, %dma_start3A_391, %dma_start3A_392, %dma_start3A_393] : memref<2x2x128x32xf32, #tpu.memory_space<vmem>> -> memref<1x2x128x32xf32, #tpu.memory_space<vmem>>
      %dma_start3A_395 = tpu.memref_squeeze %dma_start3A_394 : memref<1x2x128x32xf32, #tpu.memory_space<vmem>> -> memref<2x128x32xf32, #tpu.memory_space<vmem>>
      tpu.enqueue_dma source(%dma_start3A_395 : memref<2x128x32xf32, #tpu.memory_space<vmem>>) target(%dma_start3A_390 : memref<2x128x32xf32, #tpu.memory_space<hbm>>) target_semaphore(%arg15 : memref<!tpu.dma_semaphore, #tpu.memory_space<semaphore_mem>>)
      %mul3A_396 = arith.constant 2 : i32
      %mul3A_397 = arith.muli %mul3A_396, %scan3A_219 : i32
      %add3A_398 = arith.constant 1 : i32
      %add3A_399 = arith.addi %mul3A_397, %add3A_398 : i32
      %dma_wait3A_400 = arith.constant 1 : i32
      %dma_wait3A_401 = arith.constant 0 : i32
      %dma_wait3A_402 = arith.constant 0 : i32
      %dma_wait3A_403 = arith.constant 1 : i32
      %dma_wait3A_404 = arith.constant 0 : i32
      %dma_wait3A_405 = arith.constant 0 : i32
      %dma_wait3A_406 = arith.constant 0 : i32
      %dma_wait3A_407 = arith.constant 0 : i32
      %dma_wait3A_408 = tpu.memref_slice %arg9[%dma_wait3A_403, %dma_wait3A_404, %dma_wait3A_405, %dma_wait3A_406, %dma_wait3A_407] : memref<2x2x4x128x32xf32, #tpu.memory_space<vmem>> -> memref<1x1x1x128x32xf32, #tpu.memory_space<vmem>>
      %dma_wait3A_409 = tpu.memref_squeeze %dma_wait3A_408 : memref<1x1x1x128x32xf32, #tpu.memory_space<vmem>> -> memref<128x32xf32, #tpu.memory_space<vmem>>
      %dma_wait3A_410 = arith.constant 0 : i32
      %dma_wait3A_411 = tpu.memref_slice %arg8[%dma_wait3A_400, %dma_wait3A_401, %dma_wait3A_402, %dma_wait3A_410] : memref<2x2x4x128xi32, #tpu.memory_space<vmem>> -> memref<1x1x1x128xi32, #tpu.memory_space<vmem>>
      %dma_wait3A_412 = tpu.memref_squeeze %dma_wait3A_411 : memref<1x1x1x128xi32, #tpu.memory_space<vmem>> -> memref<128xi32, #tpu.memory_space<vmem>>
      %dma_wait3A_413 = arith.constant 0 : i32
      %dma_wait3A_414 = arith.constant 0 : i32
      %dma_wait3A_415 = tpu.memref_slice %arg3[%dma_wait3A_413, %dma_wait3A_414] : memref<100001x32xf32, #tpu.memory_space<hbm>> -> memref<100001x32xf32, #tpu.memory_space<hbm>>
      tpu.wait_indirect_dma semaphore(%arg12 : memref<!tpu.dma_semaphore, #tpu.memory_space<semaphore_mem>>) src(%dma_wait3A_415 : memref<100001x32xf32, #tpu.memory_space<hbm>>) dst(%dma_wait3A_409 : memref<128x32xf32, #tpu.memory_space<vmem>>)
      %dma_wait3A_416 = arith.constant 1 : i32
      %dma_wait3A_417 = arith.constant 0 : i32
      %dma_wait3A_418 = arith.constant 1 : i32
      %dma_wait3A_419 = arith.constant 1 : i32
      %dma_wait3A_420 = arith.constant 0 : i32
      %dma_wait3A_421 = arith.constant 1 : i32
      %dma_wait3A_422 = arith.constant 0 : i32
      %dma_wait3A_423 = arith.constant 0 : i32
      %dma_wait3A_424 = tpu.memref_slice %arg9[%dma_wait3A_419, %dma_wait3A_420, %dma_wait3A_421, %dma_wait3A_422, %dma_wait3A_423] : memref<2x2x4x128x32xf32, #tpu.memory_space<vmem>> -> memref<1x1x1x128x32xf32, #tpu.memory_space<vmem>>
      %dma_wait3A_425 = tpu.memref_squeeze %dma_wait3A_424 : memref<1x1x1x128x32xf32, #tpu.memory_space<vmem>> -> memref<128x32xf32, #tpu.memory_space<vmem>>
      %dma_wait3A_426 = arith.constant 0 : i32
      %dma_wait3A_427 = tpu.memref_slice %arg8[%dma_wait3A_416, %dma_wait3A_417, %dma_wait3A_418, %dma_wait3A_426] : memref<2x2x4x128xi32, #tpu.memory_space<vmem>> -> memref<1x1x1x128xi32, #tpu.memory_space<vmem>>
      %dma_wait3A_428 = tpu.memref_squeeze %dma_wait3A_427 : memref<1x1x1x128xi32, #tpu.memory_space<vmem>> -> memref<128xi32, #tpu.memory_space<vmem>>
      %dma_wait3A_429 = arith.constant 0 : i32
      %dma_wait3A_430 = arith.constant 0 : i32
      %dma_wait3A_431 = tpu.memref_slice %arg4[%dma_wait3A_429, %dma_wait3A_430] : memref<100001x32xf32, #tpu.memory_space<hbm>> -> memref<100001x32xf32, #tpu.memory_space<hbm>>
      tpu.wait_indirect_dma semaphore(%arg12 : memref<!tpu.dma_semaphore, #tpu.memory_space<semaphore_mem>>) src(%dma_wait3A_431 : memref<100001x32xf32, #tpu.memory_space<hbm>>) dst(%dma_wait3A_425 : memref<128x32xf32, #tpu.memory_space<vmem>>)
      %dma_wait3A_432 = arith.constant 1 : i32
      %dma_wait3A_433 = arith.constant 0 : i32
      %dma_wait3A_434 = arith.constant 2 : i32
      %dma_wait3A_435 = arith.constant 1 : i32
      %dma_wait3A_436 = arith.constant 0 : i32
      %dma_wait3A_437 = arith.constant 2 : i32
      %dma_wait3A_438 = arith.constant 0 : i32
      %dma_wait3A_439 = arith.constant 0 : i32
      %dma_wait3A_440 = tpu.memref_slice %arg9[%dma_wait3A_435, %dma_wait3A_436, %dma_wait3A_437, %dma_wait3A_438, %dma_wait3A_439] : memref<2x2x4x128x32xf32, #tpu.memory_space<vmem>> -> memref<1x1x1x128x32xf32, #tpu.memory_space<vmem>>
      %dma_wait3A_441 = tpu.memref_squeeze %dma_wait3A_440 : memref<1x1x1x128x32xf32, #tpu.memory_space<vmem>> -> memref<128x32xf32, #tpu.memory_space<vmem>>
      %dma_wait3A_442 = arith.constant 0 : i32
      %dma_wait3A_443 = tpu.memref_slice %arg8[%dma_wait3A_432, %dma_wait3A_433, %dma_wait3A_434, %dma_wait3A_442] : memref<2x2x4x128xi32, #tpu.memory_space<vmem>> -> memref<1x1x1x128xi32, #tpu.memory_space<vmem>>
      %dma_wait3A_444 = tpu.memref_squeeze %dma_wait3A_443 : memref<1x1x1x128xi32, #tpu.memory_space<vmem>> -> memref<128xi32, #tpu.memory_space<vmem>>
      %dma_wait3A_445 = arith.constant 0 : i32
      %dma_wait3A_446 = arith.constant 0 : i32
      %dma_wait3A_447 = tpu.memref_slice %arg5[%dma_wait3A_445, %dma_wait3A_446] : memref<100001x32xf32, #tpu.memory_space<hbm>> -> memref<100001x32xf32, #tpu.memory_space<hbm>>
      tpu.wait_indirect_dma semaphore(%arg12 : memref<!tpu.dma_semaphore, #tpu.memory_space<semaphore_mem>>) src(%dma_wait3A_447 : memref<100001x32xf32, #tpu.memory_space<hbm>>) dst(%dma_wait3A_441 : memref<128x32xf32, #tpu.memory_space<vmem>>)
      %dma_wait3A_448 = arith.constant 1 : i32
      %dma_wait3A_449 = arith.constant 0 : i32
      %dma_wait3A_450 = arith.constant 3 : i32
      %dma_wait3A_451 = arith.constant 1 : i32
      %dma_wait3A_452 = arith.constant 0 : i32
      %dma_wait3A_453 = arith.constant 3 : i32
      %dma_wait3A_454 = arith.constant 0 : i32
      %dma_wait3A_455 = arith.constant 0 : i32
      %dma_wait3A_456 = tpu.memref_slice %arg9[%dma_wait3A_451, %dma_wait3A_452, %dma_wait3A_453, %dma_wait3A_454, %dma_wait3A_455] : memref<2x2x4x128x32xf32, #tpu.memory_space<vmem>> -> memref<1x1x1x128x32xf32, #tpu.memory_space<vmem>>
      %dma_wait3A_457 = tpu.memref_squeeze %dma_wait3A_456 : memref<1x1x1x128x32xf32, #tpu.memory_space<vmem>> -> memref<128x32xf32, #tpu.memory_space<vmem>>
      %dma_wait3A_458 = arith.constant 0 : i32
      %dma_wait3A_459 = tpu.memref_slice %arg8[%dma_wait3A_448, %dma_wait3A_449, %dma_wait3A_450, %dma_wait3A_458] : memref<2x2x4x128xi32, #tpu.memory_space<vmem>> -> memref<1x1x1x128xi32, #tpu.memory_space<vmem>>
      %dma_wait3A_460 = tpu.memref_squeeze %dma_wait3A_459 : memref<1x1x1x128xi32, #tpu.memory_space<vmem>> -> memref<128xi32, #tpu.memory_space<vmem>>
      %dma_wait3A_461 = arith.constant 0 : i32
      %dma_wait3A_462 = arith.constant 0 : i32
      %dma_wait3A_463 = tpu.memref_slice %arg6[%dma_wait3A_461, %dma_wait3A_462] : memref<100001x32xf32, #tpu.memory_space<hbm>> -> memref<100001x32xf32, #tpu.memory_space<hbm>>
      tpu.wait_indirect_dma semaphore(%arg12 : memref<!tpu.dma_semaphore, #tpu.memory_space<semaphore_mem>>) src(%dma_wait3A_463 : memref<100001x32xf32, #tpu.memory_space<hbm>>) dst(%dma_wait3A_457 : memref<128x32xf32, #tpu.memory_space<vmem>>)
      %dma_wait3A_464 = arith.constant 1 : i32
      %dma_wait3A_465 = arith.constant 1 : i32
      %dma_wait3A_466 = arith.constant 0 : i32
      %dma_wait3A_467 = arith.constant 1 : i32
      %dma_wait3A_468 = arith.constant 1 : i32
      %dma_wait3A_469 = arith.constant 0 : i32
      %dma_wait3A_470 = arith.constant 0 : i32
      %dma_wait3A_471 = arith.constant 0 : i32
      %dma_wait3A_472 = tpu.memref_slice %arg9[%dma_wait3A_467, %dma_wait3A_468, %dma_wait3A_469, %dma_wait3A_470, %dma_wait3A_471] : memref<2x2x4x128x32xf32, #tpu.memory_space<vmem>> -> memref<1x1x1x128x32xf32, #tpu.memory_space<vmem>>
      %dma_wait3A_473 = tpu.memref_squeeze %dma_wait3A_472 : memref<1x1x1x128x32xf32, #tpu.memory_space<vmem>> -> memref<128x32xf32, #tpu.memory_space<vmem>>
      %dma_wait3A_474 = arith.constant 0 : i32
      %dma_wait3A_475 = tpu.memref_slice %arg8[%dma_wait3A_464, %dma_wait3A_465, %dma_wait3A_466, %dma_wait3A_474] : memref<2x2x4x128xi32, #tpu.memory_space<vmem>> -> memref<1x1x1x128xi32, #tpu.memory_space<vmem>>
      %dma_wait3A_476 = tpu.memref_squeeze %dma_wait3A_475 : memref<1x1x1x128xi32, #tpu.memory_space<vmem>> -> memref<128xi32, #tpu.memory_space<vmem>>
      %dma_wait3A_477 = arith.constant 0 : i32
      %dma_wait3A_478 = arith.constant 0 : i32
      %dma_wait3A_479 = tpu.memref_slice %arg3[%dma_wait3A_477, %dma_wait3A_478] : memref<100001x32xf32, #tpu.memory_space<hbm>> -> memref<100001x32xf32, #tpu.memory_space<hbm>>
      tpu.wait_indirect_dma semaphore(%arg12 : memref<!tpu.dma_semaphore, #tpu.memory_space<semaphore_mem>>) src(%dma_wait3A_479 : memref<100001x32xf32, #tpu.memory_space<hbm>>) dst(%dma_wait3A_473 : memref<128x32xf32, #tpu.memory_space<vmem>>)
      %dma_wait3A_480 = arith.constant 1 : i32
      %dma_wait3A_481 = arith.constant 1 : i32
      %dma_wait3A_482 = arith.constant 1 : i32
      %dma_wait3A_483 = arith.constant 1 : i32
      %dma_wait3A_484 = arith.constant 1 : i32
      %dma_wait3A_485 = arith.constant 1 : i32
      %dma_wait3A_486 = arith.constant 0 : i32
      %dma_wait3A_487 = arith.constant 0 : i32
      %dma_wait3A_488 = tpu.memref_slice %arg9[%dma_wait3A_483, %dma_wait3A_484, %dma_wait3A_485, %dma_wait3A_486, %dma_wait3A_487] : memref<2x2x4x128x32xf32, #tpu.memory_space<vmem>> -> memref<1x1x1x128x32xf32, #tpu.memory_space<vmem>>
      %dma_wait3A_489 = tpu.memref_squeeze %dma_wait3A_488 : memref<1x1x1x128x32xf32, #tpu.memory_space<vmem>> -> memref<128x32xf32, #tpu.memory_space<vmem>>
      %dma_wait3A_490 = arith.constant 0 : i32
      %dma_wait3A_491 = tpu.memref_slice %arg8[%dma_wait3A_480, %dma_wait3A_481, %dma_wait3A_482, %dma_wait3A_490] : memref<2x2x4x128xi32, #tpu.memory_space<vmem>> -> memref<1x1x1x128xi32, #tpu.memory_space<vmem>>
      %dma_wait3A_492 = tpu.memref_squeeze %dma_wait3A_491 : memref<1x1x1x128xi32, #tpu.memory_space<vmem>> -> memref<128xi32, #tpu.memory_space<vmem>>
      %dma_wait3A_493 = arith.constant 0 : i32
      %dma_wait3A_494 = arith.constant 0 : i32
      %dma_wait3A_495 = tpu.memref_slice %arg4[%dma_wait3A_493, %dma_wait3A_494] : memref<100001x32xf32, #tpu.memory_space<hbm>> -> memref<100001x32xf32, #tpu.memory_space<hbm>>
      tpu.wait_indirect_dma semaphore(%arg12 : memref<!tpu.dma_semaphore, #tpu.memory_space<semaphore_mem>>) src(%dma_wait3A_495 : memref<100001x32xf32, #tpu.memory_space<hbm>>) dst(%dma_wait3A_489 : memref<128x32xf32, #tpu.memory_space<vmem>>)
      %dma_wait3A_496 = arith.constant 1 : i32
      %dma_wait3A_497 = arith.constant 1 : i32
      %dma_wait3A_498 = arith.constant 2 : i32
      %dma_wait3A_499 = arith.constant 1 : i32
      %dma_wait3A_500 = arith.constant 1 : i32
      %dma_wait3A_501 = arith.constant 2 : i32
      %dma_wait3A_502 = arith.constant 0 : i32
      %dma_wait3A_503 = arith.constant 0 : i32
      %dma_wait3A_504 = tpu.memref_slice %arg9[%dma_wait3A_499, %dma_wait3A_500, %dma_wait3A_501, %dma_wait3A_502, %dma_wait3A_503] : memref<2x2x4x128x32xf32, #tpu.memory_space<vmem>> -> memref<1x1x1x128x32xf32, #tpu.memory_space<vmem>>
      %dma_wait3A_505 = tpu.memref_squeeze %dma_wait3A_504 : memref<1x1x1x128x32xf32, #tpu.memory_space<vmem>> -> memref<128x32xf32, #tpu.memory_space<vmem>>
      %dma_wait3A_506 = arith.constant 0 : i32
      %dma_wait3A_507 = tpu.memref_slice %arg8[%dma_wait3A_496, %dma_wait3A_497, %dma_wait3A_498, %dma_wait3A_506] : memref<2x2x4x128xi32, #tpu.memory_space<vmem>> -> memref<1x1x1x128xi32, #tpu.memory_space<vmem>>
      %dma_wait3A_508 = tpu.memref_squeeze %dma_wait3A_507 : memref<1x1x1x128xi32, #tpu.memory_space<vmem>> -> memref<128xi32, #tpu.memory_space<vmem>>
      %dma_wait3A_509 = arith.constant 0 : i32
      %dma_wait3A_510 = arith.constant 0 : i32
      %dma_wait3A_511 = tpu.memref_slice %arg5[%dma_wait3A_509, %dma_wait3A_510] : memref<100001x32xf32, #tpu.memory_space<hbm>> -> memref<100001x32xf32, #tpu.memory_space<hbm>>
      tpu.wait_indirect_dma semaphore(%arg12 : memref<!tpu.dma_semaphore, #tpu.memory_space<semaphore_mem>>) src(%dma_wait3A_511 : memref<100001x32xf32, #tpu.memory_space<hbm>>) dst(%dma_wait3A_505 : memref<128x32xf32, #tpu.memory_space<vmem>>)
      %dma_wait3A_512 = arith.constant 1 : i32
      %dma_wait3A_513 = arith.constant 1 : i32
      %dma_wait3A_514 = arith.constant 3 : i32
      %dma_wait3A_515 = arith.constant 1 : i32
      %dma_wait3A_516 = arith.constant 1 : i32
      %dma_wait3A_517 = arith.constant 3 : i32
      %dma_wait3A_518 = arith.constant 0 : i32
      %dma_wait3A_519 = arith.constant 0 : i32
      %dma_wait3A_520 = tpu.memref_slice %arg9[%dma_wait3A_515, %dma_wait3A_516, %dma_wait3A_517, %dma_wait3A_518, %dma_wait3A_519] : memref<2x2x4x128x32xf32, #tpu.memory_space<vmem>> -> memref<1x1x1x128x32xf32, #tpu.memory_space<vmem>>
      %dma_wait3A_521 = tpu.memref_squeeze %dma_wait3A_520 : memref<1x1x1x128x32xf32, #tpu.memory_space<vmem>> -> memref<128x32xf32, #tpu.memory_space<vmem>>
      %dma_wait3A_522 = arith.constant 0 : i32
      %dma_wait3A_523 = tpu.memref_slice %arg8[%dma_wait3A_512, %dma_wait3A_513, %dma_wait3A_514, %dma_wait3A_522] : memref<2x2x4x128xi32, #tpu.memory_space<vmem>> -> memref<1x1x1x128xi32, #tpu.memory_space<vmem>>
      %dma_wait3A_524 = tpu.memref_squeeze %dma_wait3A_523 : memref<1x1x1x128xi32, #tpu.memory_space<vmem>> -> memref<128xi32, #tpu.memory_space<vmem>>
      %dma_wait3A_525 = arith.constant 0 : i32
      %dma_wait3A_526 = arith.constant 0 : i32
      %dma_wait3A_527 = tpu.memref_slice %arg6[%dma_wait3A_525, %dma_wait3A_526] : memref<100001x32xf32, #tpu.memory_space<hbm>> -> memref<100001x32xf32, #tpu.memory_space<hbm>>
      tpu.wait_indirect_dma semaphore(%arg12 : memref<!tpu.dma_semaphore, #tpu.memory_space<semaphore_mem>>) src(%dma_wait3A_527 : memref<100001x32xf32, #tpu.memory_space<hbm>>) dst(%dma_wait3A_521 : memref<128x32xf32, #tpu.memory_space<vmem>>)
      %add3A_528 = arith.constant 2 : i32
      %add3A_529 = arith.addi %add3A_399, %add3A_528 : i32
      %lt3A_530 = arith.constant 100 : i32
      %lt3A_531 = arith.cmpi slt, %add3A_529, %lt3A_530 : i32
      %convert_element_type3A_532 = arith.extui %lt3A_531 : i1 to i32
      %cond3A_533 = arith.constant 0 : i32
      %cond3A_534 = arith.cmpi ne, %convert_element_type3A_532, %cond3A_533 : i32
      scf.if %cond3A_534 {
        %add3A_576 = arith.constant 2 : i32
        %add3A_577 = arith.addi %add3A_399, %add3A_576 : i32
        %mul3A_578 = arith.constant 2 : i32
        %mul3A_579 = arith.muli %add3A_577, %mul3A_578 : i32
        %dma_start3A_580 = arith.constant 1 : i32
        %dma_start3A_581 = arith.constant 0 : i32
        %dma_start3A_582 = arith.constant 0 : i32
        %dma_start3A_583 = arith.constant 0 : i32
        %dma_start3A_584 = tpu.memref_slice %arg8[%dma_start3A_580, %dma_start3A_581, %dma_start3A_582, %dma_start3A_583] : memref<2x2x4x128xi32, #tpu.memory_space<vmem>> -> memref<1x2x4x128xi32, #tpu.memory_space<vmem>>
        %dma_start3A_585 = tpu.memref_squeeze %dma_start3A_584 : memref<1x2x4x128xi32, #tpu.memory_space<vmem>> -> memref<2x4x128xi32, #tpu.memory_space<vmem>>
        %dma_start3A_586 = arith.constant 0 : i32
        %dma_start3A_587 = tpu.memref_slice %arg2[%mul3A_579, %dma_start3A_586, %mul3A_2] : memref<200x4x4096xi32, #tpu.memory_space<hbm>> -> memref<2x4x128xi32, #tpu.memory_space<hbm>>
        %dma_start3A_588 = arith.constant 0 : i32
        %dma_start3A_589 = arith.constant 0 : i32
        %dma_start3A_590 = arith.constant 0 : i32
        %dma_start3A_591 = tpu.memref_slice %arg8[%dma_start3A_580, %dma_start3A_588, %dma_start3A_589, %dma_start3A_590] : memref<2x2x4x128xi32, #tpu.memory_space<vmem>> -> memref<1x2x4x128xi32, #tpu.memory_space<vmem>>
        %dma_start3A_592 = tpu.memref_squeeze %dma_start3A_591 : memref<1x2x4x128xi32, #tpu.memory_space<vmem>> -> memref<2x4x128xi32, #tpu.memory_space<vmem>>
        %dma_start3A_593 = arith.constant 0 : i32
        %dma_start3A_594 = tpu.memref_slice %arg2[%mul3A_579, %dma_start3A_593, %mul3A_2] : memref<200x4x4096xi32, #tpu.memory_space<hbm>> -> memref<2x4x128xi32, #tpu.memory_space<hbm>>
        tpu.enqueue_dma source(%dma_start3A_594 : memref<2x4x128xi32, #tpu.memory_space<hbm>>) target(%dma_start3A_592 : memref<2x4x128xi32, #tpu.memory_space<vmem>>) target_semaphore(%arg14 : memref<!tpu.dma_semaphore, #tpu.memory_space<semaphore_mem>>)
      } else {
      }
      %add3A_535 = arith.constant 1 : i32
      %add3A_536 = arith.addi %add3A_399, %add3A_535 : i32
      %lt3A_537 = arith.constant 100 : i32
      %lt3A_538 = arith.cmpi slt, %add3A_536, %lt3A_537 : i32
      %convert_element_type3A_539 = arith.extui %lt3A_538 : i1 to i32
      %cond3A_540 = arith.constant 0 : i32
      %cond3A_541 = arith.cmpi ne, %convert_element_type3A_539, %cond3A_540 : i32
      scf.if %cond3A_541 {
        %add3A_576 = arith.constant 1 : i32
        %add3A_577 = arith.addi %add3A_399, %add3A_576 : i32
        %mul3A_578 = arith.constant 2 : i32
        %mul3A_579 = arith.muli %add3A_577, %mul3A_578 : i32
        %dma_wait3A_580 = arith.constant 0 : i32
        %dma_wait3A_581 = arith.constant 0 : i32
        %dma_wait3A_582 = arith.constant 0 : i32
        %dma_wait3A_583 = arith.constant 0 : i32
        %dma_wait3A_584 = tpu.memref_slice %arg8[%dma_wait3A_580, %dma_wait3A_581, %dma_wait3A_582, %dma_wait3A_583] : memref<2x2x4x128xi32, #tpu.memory_space<vmem>> -> memref<1x2x4x128xi32, #tpu.memory_space<vmem>>
        %dma_wait3A_585 = tpu.memref_squeeze %dma_wait3A_584 : memref<1x2x4x128xi32, #tpu.memory_space<vmem>> -> memref<2x4x128xi32, #tpu.memory_space<vmem>>
        %dma_wait3A_586 = arith.constant 0 : i32
        %dma_wait3A_587 = tpu.memref_slice %arg2[%mul3A_579, %dma_wait3A_586, %mul3A_2] : memref<200x4x4096xi32, #tpu.memory_space<hbm>> -> memref<2x4x128xi32, #tpu.memory_space<hbm>>
        %dma_wait3A_588 = arith.constant 0 : i32
        %dma_wait3A_589 = arith.constant 0 : i32
        %dma_wait3A_590 = arith.constant 0 : i32
        %dma_wait3A_591 = tpu.memref_slice %arg8[%dma_wait3A_580, %dma_wait3A_588, %dma_wait3A_589, %dma_wait3A_590] : memref<2x2x4x128xi32, #tpu.memory_space<vmem>> -> memref<1x2x4x128xi32, #tpu.memory_space<vmem>>
        %dma_wait3A_592 = tpu.memref_squeeze %dma_wait3A_591 : memref<1x2x4x128xi32, #tpu.memory_space<vmem>> -> memref<2x4x128xi32, #tpu.memory_space<vmem>>
        %dma_wait3A_593 = arith.constant 0 : i32
        %dma_wait3A_594 = tpu.memref_slice %arg2[%mul3A_579, %dma_wait3A_593, %mul3A_2] : memref<200x4x4096xi32, #tpu.memory_space<hbm>> -> memref<2x4x128xi32, #tpu.memory_space<hbm>>
        tpu.wait_dma2 semaphore(%arg13 : memref<!tpu.dma_semaphore, #tpu.memory_space<semaphore_mem>>) src(%dma_wait3A_594 : memref<2x4x128xi32, #tpu.memory_space<hbm>>) dst(%dma_wait3A_592 : memref<2x4x128xi32, #tpu.memory_space<vmem>>)
        %add3A_595 = arith.constant 1 : i32
        %add3A_596 = arith.addi %add3A_399, %add3A_595 : i32
        %dma_start3A_597 = arith.constant 0 : i32
        %dma_start3A_598 = arith.constant 0 : i32
        %dma_start3A_599 = arith.constant 0 : i32
        %dma_start3A_600 = arith.constant 0 : i32
        %dma_start3A_601 = arith.constant 0 : i32
        %dma_start3A_602 = arith.constant 0 : i32
        %dma_start3A_603 = arith.constant 0 : i32
        %dma_start3A_604 = arith.constant 0 : i32
        %dma_start3A_605 = tpu.memref_slice %arg9[%dma_start3A_600, %dma_start3A_601, %dma_start3A_602, %dma_start3A_603, %dma_start3A_604] : memref<2x2x4x128x32xf32, #tpu.memory_space<vmem>> -> memref<1x1x1x128x32xf32, #tpu.memory_space<vmem>>
        %dma_start3A_606 = tpu.memref_squeeze %dma_start3A_605 : memref<1x1x1x128x32xf32, #tpu.memory_space<vmem>> -> memref<128x32xf32, #tpu.memory_space<vmem>>
        %dma_start3A_607 = arith.constant 0 : i32
        %dma_start3A_608 = tpu.memref_slice %arg8[%dma_start3A_597, %dma_start3A_598, %dma_start3A_599, %dma_start3A_607] : memref<2x2x4x128xi32, #tpu.memory_space<vmem>> -> memref<1x1x1x128xi32, #tpu.memory_space<vmem>>
        %dma_start3A_609 = tpu.memref_squeeze %dma_start3A_608 : memref<1x1x1x128xi32, #tpu.memory_space<vmem>> -> memref<128xi32, #tpu.memory_space<vmem>>
        %dma_start3A_610 = arith.constant 0 : i32
        %dma_start3A_611 = arith.constant 0 : i32
        %dma_start3A_612 = tpu.memref_slice %arg3[%dma_start3A_610, %dma_start3A_611] : memref<100001x32xf32, #tpu.memory_space<hbm>> -> memref<100001x32xf32, #tpu.memory_space<hbm>>
        tpu.enqueue_indirect_dma source(%dma_start3A_612 : memref<100001x32xf32, #tpu.memory_space<hbm>>) target(%dma_start3A_606 : memref<128x32xf32, #tpu.memory_space<vmem>>) offsets(%dma_start3A_609 : memref<128xi32, #tpu.memory_space<vmem>>) semaphore(%arg11 : memref<!tpu.dma_semaphore, #tpu.memory_space<semaphore_mem>>)
        %dma_start3A_613 = arith.constant 0 : i32
        %dma_start3A_614 = arith.constant 0 : i32
        %dma_start3A_615 = arith.constant 1 : i32
        %dma_start3A_616 = arith.constant 0 : i32
        %dma_start3A_617 = arith.constant 0 : i32
        %dma_start3A_618 = arith.constant 1 : i32
        %dma_start3A_619 = arith.constant 0 : i32
        %dma_start3A_620 = arith.constant 0 : i32
        %dma_start3A_621 = tpu.memref_slice %arg9[%dma_start3A_616, %dma_start3A_617, %dma_start3A_618, %dma_start3A_619, %dma_start3A_620] : memref<2x2x4x128x32xf32, #tpu.memory_space<vmem>> -> memref<1x1x1x128x32xf32, #tpu.memory_space<vmem>>
        %dma_start3A_622 = tpu.memref_squeeze %dma_start3A_621 : memref<1x1x1x128x32xf32, #tpu.memory_space<vmem>> -> memref<128x32xf32, #tpu.memory_space<vmem>>
        %dma_start3A_623 = arith.constant 0 : i32
        %dma_start3A_624 = tpu.memref_slice %arg8[%dma_start3A_613, %dma_start3A_614, %dma_start3A_615, %dma_start3A_623] : memref<2x2x4x128xi32, #tpu.memory_space<vmem>> -> memref<1x1x1x128xi32, #tpu.memory_space<vmem>>
        %dma_start3A_625 = tpu.memref_squeeze %dma_start3A_624 : memref<1x1x1x128xi32, #tpu.memory_space<vmem>> -> memref<128xi32, #tpu.memory_space<vmem>>
        %dma_start3A_626 = arith.constant 0 : i32
        %dma_start3A_627 = arith.constant 0 : i32
        %dma_start3A_628 = tpu.memref_slice %arg4[%dma_start3A_626, %dma_start3A_627] : memref<100001x32xf32, #tpu.memory_space<hbm>> -> memref<100001x32xf32, #tpu.memory_space<hbm>>
        tpu.enqueue_indirect_dma source(%dma_start3A_628 : memref<100001x32xf32, #tpu.memory_space<hbm>>) target(%dma_start3A_622 : memref<128x32xf32, #tpu.memory_space<vmem>>) offsets(%dma_start3A_625 : memref<128xi32, #tpu.memory_space<vmem>>) semaphore(%arg11 : memref<!tpu.dma_semaphore, #tpu.memory_space<semaphore_mem>>)
        %dma_start3A_629 = arith.constant 0 : i32
        %dma_start3A_630 = arith.constant 0 : i32
        %dma_start3A_631 = arith.constant 2 : i32
        %dma_start3A_632 = arith.constant 0 : i32
        %dma_start3A_633 = arith.constant 0 : i32
        %dma_start3A_634 = arith.constant 2 : i32
        %dma_start3A_635 = arith.constant 0 : i32
        %dma_start3A_636 = arith.constant 0 : i32
        %dma_start3A_637 = tpu.memref_slice %arg9[%dma_start3A_632, %dma_start3A_633, %dma_start3A_634, %dma_start3A_635, %dma_start3A_636] : memref<2x2x4x128x32xf32, #tpu.memory_space<vmem>> -> memref<1x1x1x128x32xf32, #tpu.memory_space<vmem>>
        %dma_start3A_638 = tpu.memref_squeeze %dma_start3A_637 : memref<1x1x1x128x32xf32, #tpu.memory_space<vmem>> -> memref<128x32xf32, #tpu.memory_space<vmem>>
        %dma_start3A_639 = arith.constant 0 : i32
        %dma_start3A_640 = tpu.memref_slice %arg8[%dma_start3A_629, %dma_start3A_630, %dma_start3A_631, %dma_start3A_639] : memref<2x2x4x128xi32, #tpu.memory_space<vmem>> -> memref<1x1x1x128xi32, #tpu.memory_space<vmem>>
        %dma_start3A_641 = tpu.memref_squeeze %dma_start3A_640 : memref<1x1x1x128xi32, #tpu.memory_space<vmem>> -> memref<128xi32, #tpu.memory_space<vmem>>
        %dma_start3A_642 = arith.constant 0 : i32
        %dma_start3A_643 = arith.constant 0 : i32
        %dma_start3A_644 = tpu.memref_slice %arg5[%dma_start3A_642, %dma_start3A_643] : memref<100001x32xf32, #tpu.memory_space<hbm>> -> memref<100001x32xf32, #tpu.memory_space<hbm>>
        tpu.enqueue_indirect_dma source(%dma_start3A_644 : memref<100001x32xf32, #tpu.memory_space<hbm>>) target(%dma_start3A_638 : memref<128x32xf32, #tpu.memory_space<vmem>>) offsets(%dma_start3A_641 : memref<128xi32, #tpu.memory_space<vmem>>) semaphore(%arg11 : memref<!tpu.dma_semaphore, #tpu.memory_space<semaphore_mem>>)
        %dma_start3A_645 = arith.constant 0 : i32
        %dma_start3A_646 = arith.constant 0 : i32
        %dma_start3A_647 = arith.constant 3 : i32
        %dma_start3A_648 = arith.constant 0 : i32
        %dma_start3A_649 = arith.constant 0 : i32
        %dma_start3A_650 = arith.constant 3 : i32
        %dma_start3A_651 = arith.constant 0 : i32
        %dma_start3A_652 = arith.constant 0 : i32
        %dma_start3A_653 = tpu.memref_slice %arg9[%dma_start3A_648, %dma_start3A_649, %dma_start3A_650, %dma_start3A_651, %dma_start3A_652] : memref<2x2x4x128x32xf32, #tpu.memory_space<vmem>> -> memref<1x1x1x128x32xf32, #tpu.memory_space<vmem>>
        %dma_start3A_654 = tpu.memref_squeeze %dma_start3A_653 : memref<1x1x1x128x32xf32, #tpu.memory_space<vmem>> -> memref<128x32xf32, #tpu.memory_space<vmem>>
        %dma_start3A_655 = arith.constant 0 : i32
        %dma_start3A_656 = tpu.memref_slice %arg8[%dma_start3A_645, %dma_start3A_646, %dma_start3A_647, %dma_start3A_655] : memref<2x2x4x128xi32, #tpu.memory_space<vmem>> -> memref<1x1x1x128xi32, #tpu.memory_space<vmem>>
        %dma_start3A_657 = tpu.memref_squeeze %dma_start3A_656 : memref<1x1x1x128xi32, #tpu.memory_space<vmem>> -> memref<128xi32, #tpu.memory_space<vmem>>
        %dma_start3A_658 = arith.constant 0 : i32
        %dma_start3A_659 = arith.constant 0 : i32
        %dma_start3A_660 = tpu.memref_slice %arg6[%dma_start3A_658, %dma_start3A_659] : memref<100001x32xf32, #tpu.memory_space<hbm>> -> memref<100001x32xf32, #tpu.memory_space<hbm>>
        tpu.enqueue_indirect_dma source(%dma_start3A_660 : memref<100001x32xf32, #tpu.memory_space<hbm>>) target(%dma_start3A_654 : memref<128x32xf32, #tpu.memory_space<vmem>>) offsets(%dma_start3A_657 : memref<128xi32, #tpu.memory_space<vmem>>) semaphore(%arg11 : memref<!tpu.dma_semaphore, #tpu.memory_space<semaphore_mem>>)
        %dma_start3A_661 = arith.constant 0 : i32
        %dma_start3A_662 = arith.constant 1 : i32
        %dma_start3A_663 = arith.constant 0 : i32
        %dma_start3A_664 = arith.constant 0 : i32
        %dma_start3A_665 = arith.constant 1 : i32
        %dma_start3A_666 = arith.constant 0 : i32
        %dma_start3A_667 = arith.constant 0 : i32
        %dma_start3A_668 = arith.constant 0 : i32
        %dma_start3A_669 = tpu.memref_slice %arg9[%dma_start3A_664, %dma_start3A_665, %dma_start3A_666, %dma_start3A_667, %dma_start3A_668] : memref<2x2x4x128x32xf32, #tpu.memory_space<vmem>> -> memref<1x1x1x128x32xf32, #tpu.memory_space<vmem>>
        %dma_start3A_670 = tpu.memref_squeeze %dma_start3A_669 : memref<1x1x1x128x32xf32, #tpu.memory_space<vmem>> -> memref<128x32xf32, #tpu.memory_space<vmem>>
        %dma_start3A_671 = arith.constant 0 : i32
        %dma_start3A_672 = tpu.memref_slice %arg8[%dma_start3A_661, %dma_start3A_662, %dma_start3A_663, %dma_start3A_671] : memref<2x2x4x128xi32, #tpu.memory_space<vmem>> -> memref<1x1x1x128xi32, #tpu.memory_space<vmem>>
        %dma_start3A_673 = tpu.memref_squeeze %dma_start3A_672 : memref<1x1x1x128xi32, #tpu.memory_space<vmem>> -> memref<128xi32, #tpu.memory_space<vmem>>
        %dma_start3A_674 = arith.constant 0 : i32
        %dma_start3A_675 = arith.constant 0 : i32
        %dma_start3A_676 = tpu.memref_slice %arg3[%dma_start3A_674, %dma_start3A_675] : memref<100001x32xf32, #tpu.memory_space<hbm>> -> memref<100001x32xf32, #tpu.memory_space<hbm>>
        tpu.enqueue_indirect_dma source(%dma_start3A_676 : memref<100001x32xf32, #tpu.memory_space<hbm>>) target(%dma_start3A_670 : memref<128x32xf32, #tpu.memory_space<vmem>>) offsets(%dma_start3A_673 : memref<128xi32, #tpu.memory_space<vmem>>) semaphore(%arg11 : memref<!tpu.dma_semaphore, #tpu.memory_space<semaphore_mem>>)
        %dma_start3A_677 = arith.constant 0 : i32
        %dma_start3A_678 = arith.constant 1 : i32
        %dma_start3A_679 = arith.constant 1 : i32
        %dma_start3A_680 = arith.constant 0 : i32
        %dma_start3A_681 = arith.constant 1 : i32
        %dma_start3A_682 = arith.constant 1 : i32
        %dma_start3A_683 = arith.constant 0 : i32
        %dma_start3A_684 = arith.constant 0 : i32
        %dma_start3A_685 = tpu.memref_slice %arg9[%dma_start3A_680, %dma_start3A_681, %dma_start3A_682, %dma_start3A_683, %dma_start3A_684] : memref<2x2x4x128x32xf32, #tpu.memory_space<vmem>> -> memref<1x1x1x128x32xf32, #tpu.memory_space<vmem>>
        %dma_start3A_686 = tpu.memref_squeeze %dma_start3A_685 : memref<1x1x1x128x32xf32, #tpu.memory_space<vmem>> -> memref<128x32xf32, #tpu.memory_space<vmem>>
        %dma_start3A_687 = arith.constant 0 : i32
        %dma_start3A_688 = tpu.memref_slice %arg8[%dma_start3A_677, %dma_start3A_678, %dma_start3A_679, %dma_start3A_687] : memref<2x2x4x128xi32, #tpu.memory_space<vmem>> -> memref<1x1x1x128xi32, #tpu.memory_space<vmem>>
        %dma_start3A_689 = tpu.memref_squeeze %dma_start3A_688 : memref<1x1x1x128xi32, #tpu.memory_space<vmem>> -> memref<128xi32, #tpu.memory_space<vmem>>
        %dma_start3A_690 = arith.constant 0 : i32
        %dma_start3A_691 = arith.constant 0 : i32
        %dma_start3A_692 = tpu.memref_slice %arg4[%dma_start3A_690, %dma_start3A_691] : memref<100001x32xf32, #tpu.memory_space<hbm>> -> memref<100001x32xf32, #tpu.memory_space<hbm>>
        tpu.enqueue_indirect_dma source(%dma_start3A_692 : memref<100001x32xf32, #tpu.memory_space<hbm>>) target(%dma_start3A_686 : memref<128x32xf32, #tpu.memory_space<vmem>>) offsets(%dma_start3A_689 : memref<128xi32, #tpu.memory_space<vmem>>) semaphore(%arg11 : memref<!tpu.dma_semaphore, #tpu.memory_space<semaphore_mem>>)
        %dma_start3A_693 = arith.constant 0 : i32
        %dma_start3A_694 = arith.constant 1 : i32
        %dma_start3A_695 = arith.constant 2 : i32
        %dma_start3A_696 = arith.constant 0 : i32
        %dma_start3A_697 = arith.constant 1 : i32
        %dma_start3A_698 = arith.constant 2 : i32
        %dma_start3A_699 = arith.constant 0 : i32
        %dma_start3A_700 = arith.constant 0 : i32
        %dma_start3A_701 = tpu.memref_slice %arg9[%dma_start3A_696, %dma_start3A_697, %dma_start3A_698, %dma_start3A_699, %dma_start3A_700] : memref<2x2x4x128x32xf32, #tpu.memory_space<vmem>> -> memref<1x1x1x128x32xf32, #tpu.memory_space<vmem>>
        %dma_start3A_702 = tpu.memref_squeeze %dma_start3A_701 : memref<1x1x1x128x32xf32, #tpu.memory_space<vmem>> -> memref<128x32xf32, #tpu.memory_space<vmem>>
        %dma_start3A_703 = arith.constant 0 : i32
        %dma_start3A_704 = tpu.memref_slice %arg8[%dma_start3A_693, %dma_start3A_694, %dma_start3A_695, %dma_start3A_703] : memref<2x2x4x128xi32, #tpu.memory_space<vmem>> -> memref<1x1x1x128xi32, #tpu.memory_space<vmem>>
        %dma_start3A_705 = tpu.memref_squeeze %dma_start3A_704 : memref<1x1x1x128xi32, #tpu.memory_space<vmem>> -> memref<128xi32, #tpu.memory_space<vmem>>
        %dma_start3A_706 = arith.constant 0 : i32
        %dma_start3A_707 = arith.constant 0 : i32
        %dma_start3A_708 = tpu.memref_slice %arg5[%dma_start3A_706, %dma_start3A_707] : memref<100001x32xf32, #tpu.memory_space<hbm>> -> memref<100001x32xf32, #tpu.memory_space<hbm>>
        tpu.enqueue_indirect_dma source(%dma_start3A_708 : memref<100001x32xf32, #tpu.memory_space<hbm>>) target(%dma_start3A_702 : memref<128x32xf32, #tpu.memory_space<vmem>>) offsets(%dma_start3A_705 : memref<128xi32, #tpu.memory_space<vmem>>) semaphore(%arg11 : memref<!tpu.dma_semaphore, #tpu.memory_space<semaphore_mem>>)
        %dma_start3A_709 = arith.constant 0 : i32
        %dma_start3A_710 = arith.constant 1 : i32
        %dma_start3A_711 = arith.constant 3 : i32
        %dma_start3A_712 = arith.constant 0 : i32
        %dma_start3A_713 = arith.constant 1 : i32
        %dma_start3A_714 = arith.constant 3 : i32
        %dma_start3A_715 = arith.constant 0 : i32
        %dma_start3A_716 = arith.constant 0 : i32
        %dma_start3A_717 = tpu.memref_slice %arg9[%dma_start3A_712, %dma_start3A_713, %dma_start3A_714, %dma_start3A_715, %dma_start3A_716] : memref<2x2x4x128x32xf32, #tpu.memory_space<vmem>> -> memref<1x1x1x128x32xf32, #tpu.memory_space<vmem>>
        %dma_start3A_718 = tpu.memref_squeeze %dma_start3A_717 : memref<1x1x1x128x32xf32, #tpu.memory_space<vmem>> -> memref<128x32xf32, #tpu.memory_space<vmem>>
        %dma_start3A_719 = arith.constant 0 : i32
        %dma_start3A_720 = tpu.memref_slice %arg8[%dma_start3A_709, %dma_start3A_710, %dma_start3A_711, %dma_start3A_719] : memref<2x2x4x128xi32, #tpu.memory_space<vmem>> -> memref<1x1x1x128xi32, #tpu.memory_space<vmem>>
        %dma_start3A_721 = tpu.memref_squeeze %dma_start3A_720 : memref<1x1x1x128xi32, #tpu.memory_space<vmem>> -> memref<128xi32, #tpu.memory_space<vmem>>
        %dma_start3A_722 = arith.constant 0 : i32
        %dma_start3A_723 = arith.constant 0 : i32
        %dma_start3A_724 = tpu.memref_slice %arg6[%dma_start3A_722, %dma_start3A_723] : memref<100001x32xf32, #tpu.memory_space<hbm>> -> memref<100001x32xf32, #tpu.memory_space<hbm>>
        tpu.enqueue_indirect_dma source(%dma_start3A_724 : memref<100001x32xf32, #tpu.memory_space<hbm>>) target(%dma_start3A_718 : memref<128x32xf32, #tpu.memory_space<vmem>>) offsets(%dma_start3A_721 : memref<128xi32, #tpu.memory_space<vmem>>) semaphore(%arg11 : memref<!tpu.dma_semaphore, #tpu.memory_space<semaphore_mem>>)
      } else {
      }
      %ge3A_542 = arith.constant 2 : i32
      %ge3A_543 = arith.cmpi sge, %add3A_399, %ge3A_542 : i32
      %convert_element_type3A_544 = arith.extui %ge3A_543 : i1 to i32
      %cond3A_545 = arith.constant 0 : i32
      %cond3A_546 = arith.cmpi ne, %convert_element_type3A_544, %cond3A_545 : i32
      scf.if %cond3A_546 {
        %sub3A = arith.constant 2 : i32
        %sub3A_576 = arith.subi %add3A_399, %sub3A : i32
        %mul3A_577 = arith.constant 2 : i32
        %mul3A_578 = arith.muli %sub3A_576, %mul3A_577 : i32
        %dma_wait3A_579 = arith.constant 1 : i32
        %dma_wait3A_580 = arith.constant 0 : i32
        %dma_wait3A_581 = arith.constant 0 : i32
        %dma_wait3A_582 = arith.constant 0 : i32
        %dma_wait3A_583 = tpu.memref_slice %arg10[%dma_wait3A_579, %dma_wait3A_580, %dma_wait3A_581, %dma_wait3A_582] : memref<2x2x128x32xf32, #tpu.memory_space<vmem>> -> memref<1x2x128x32xf32, #tpu.memory_space<vmem>>
        %dma_wait3A_584 = tpu.memref_squeeze %dma_wait3A_583 : memref<1x2x128x32xf32, #tpu.memory_space<vmem>> -> memref<2x128x32xf32, #tpu.memory_space<vmem>>
        %dma_wait3A_585 = arith.constant 0 : i32
        %dma_wait3A_586 = tpu.memref_slice %arg7[%mul3A_578, %mul3A_2, %dma_wait3A_585] : memref<200x4096x32xf32, #tpu.memory_space<hbm>> -> memref<2x128x32xf32, #tpu.memory_space<hbm>>
        %dma_wait3A_587 = arith.constant 0 : i32
        %dma_wait3A_588 = tpu.memref_slice %arg7[%mul3A_578, %mul3A_2, %dma_wait3A_587] : memref<200x4096x32xf32, #tpu.memory_space<hbm>> -> memref<2x128x32xf32, #tpu.memory_space<hbm>>
        %dma_wait3A_589 = arith.constant 0 : i32
        %dma_wait3A_590 = arith.constant 0 : i32
        %dma_wait3A_591 = arith.constant 0 : i32
        %dma_wait3A_592 = tpu.memref_slice %arg10[%dma_wait3A_579, %dma_wait3A_589, %dma_wait3A_590, %dma_wait3A_591] : memref<2x2x128x32xf32, #tpu.memory_space<vmem>> -> memref<1x2x128x32xf32, #tpu.memory_space<vmem>>
        %dma_wait3A_593 = tpu.memref_squeeze %dma_wait3A_592 : memref<1x2x128x32xf32, #tpu.memory_space<vmem>> -> memref<2x128x32xf32, #tpu.memory_space<vmem>>
        tpu.wait_dma2 semaphore(%arg16 : memref<!tpu.dma_semaphore, #tpu.memory_space<semaphore_mem>>) src(%dma_wait3A_593 : memref<2x128x32xf32, #tpu.memory_space<vmem>>) dst(%dma_wait3A_588 : memref<2x128x32xf32, #tpu.memory_space<hbm>>)
      } else {
      }
      %scan3A_547 = arith.constant 0 : i32
      %scan3A_548 = arith.constant 0 : i32
      %scan3A_549 = arith.constant 128 : i32
      %scan3A_550 = arith.addi %scan3A_548, %scan3A_549 : i32
      %scan3A_551 = arith.constant 8 : i32
      scf.for %scan3A_576 = %scan3A_548 to %scan3A_550 step %scan3A_551  : i32 {
        %get3A = arith.constant 1 : i32
        %get3A_577 = arith.constant 0 : i32
        %get3A_578 = arith.constant 0 : i32
        %get3A_579 = arith.index_cast %get3A : i32 to index
        %get3A_580 = arith.index_cast %get3A_577 : i32 to index
        %get3A_581 = arith.index_cast %get3A_578 : i32 to index
        %get3A_582 = arith.index_cast %scan3A_576 : i32 to index
        %get3A_583 = arith.constant 0 : index
        %get3A_584 = tpu.vector_load %arg9[%get3A_579, %get3A_580, %get3A_581, %get3A_582, %get3A_583] {strides = array<i32>} : memref<2x2x4x128x32xf32, #tpu.memory_space<vmem>>, vector<16xf32>,
        %get3A_585 = arith.constant 1 : i32
        %get3A_586 = arith.constant 0 : i32
        %get3A_587 = arith.constant 1 : i32
        %get3A_588 = arith.index_cast %get3A_585 : i32 to index
        %get3A_589 = arith.index_cast %get3A_586 : i32 to index
        %get3A_590 = arith.index_cast %get3A_587 : i32 to index
        %get3A_591 = arith.index_cast %scan3A_576 : i32 to index
        %get3A_592 = arith.constant 0 : index
        %get3A_593 = tpu.vector_load %arg9[%get3A_588, %get3A_589, %get3A_590, %get3A_591, %get3A_592] {strides = array<i32>} : memref<2x2x4x128x32xf32, #tpu.memory_space<vmem>>, vector<16xf32>,
        %add3A_594 = arith.addf %get3A_584, %get3A_593 : vector<16xf32>
        %get3A_595 = arith.constant 1 : i32
        %get3A_596 = arith.constant 0 : i32
        %get3A_597 = arith.constant 2 : i32
        %get3A_598 = arith.index_cast %get3A_595 : i32 to index
        %get3A_599 = arith.index_cast %get3A_596 : i32 to index
        %get3A_600 = arith.index_cast %get3A_597 : i32 to index
        %get3A_601 = arith.index_cast %scan3A_576 : i32 to index
        %get3A_602 = arith.constant 0 : index
        %get3A_603 = tpu.vector_load %arg9[%get3A_598, %get3A_599, %get3A_600, %get3A_601, %get3A_602] {strides = array<i32>} : memref<2x2x4x128x32xf32, #tpu.memory_space<vmem>>, vector<16xf32>,
        %get3A_604 = arith.constant 1 : i32
        %get3A_605 = arith.constant 0 : i32
        %get3A_606 = arith.constant 3 : i32
        %get3A_607 = arith.index_cast %get3A_604 : i32 to index
        %get3A_608 = arith.index_cast %get3A_605 : i32 to index
        %get3A_609 = arith.index_cast %get3A_606 : i32 to index
        %get3A_610 = arith.index_cast %scan3A_576 : i32 to index
        %get3A_611 = arith.constant 0 : index
        %get3A_612 = tpu.vector_load %arg9[%get3A_607, %get3A_608, %get3A_609, %get3A_610, %get3A_611] {strides = array<i32>} : memref<2x2x4x128x32xf32, #tpu.memory_space<vmem>>, vector<16xf32>,
        %add3A_613 = arith.addf %get3A_603, %get3A_612 : vector<16xf32>
        %add3A_614 = arith.addf %add3A_594, %add3A_613 : vector<16xf32>
        %mul3A_615 = arith.constant 2.500000e-01 : f32
        %mul3A_616 = vector.broadcast %mul3A_615 : f32 to vector<16xf32>
        %mul3A_617 = arith.mulf %add3A_614, %mul3A_616 : vector<16xf32>
        %swap3A = arith.constant 1 : i32
        %swap3A_618 = arith.constant 0 : i32
        %swap3A_619 = arith.index_cast %swap3A : i32 to index
        %swap3A_620 = arith.index_cast %swap3A_618 : i32 to index
        %swap3A_621 = arith.index_cast %scan3A_576 : i32 to index
        %swap3A_622 = arith.constant 0 : index
        %swap3A_623 = tpu.vector_load %arg10[%swap3A_619, %swap3A_620, %swap3A_621, %swap3A_622] {strides = array<i32>} : memref<2x2x128x32xf32, #tpu.memory_space<vmem>>, vector<16xf32>,
        tpu.vector_store %arg10[%swap3A_619, %swap3A_620, %swap3A_621, %swap3A_622], %mul3A_617 {strides = array<i32>} : memref<2x2x128x32xf32, #tpu.memory_space<vmem>>, vector<16xf32>,
        %get3A_624 = arith.constant 1 : i32
        %get3A_625 = arith.constant 0 : i32
        %get3A_626 = arith.constant 0 : i32
        %get3A_627 = arith.index_cast %get3A_624 : i32 to index
        %get3A_628 = arith.index_cast %get3A_625 : i32 to index
        %get3A_629 = arith.index_cast %get3A_626 : i32 to index
        %get3A_630 = arith.index_cast %scan3A_576 : i32 to index
        %get3A_631 = arith.constant 16 : index
        %get3A_632 = tpu.vector_load %arg9[%get3A_627, %get3A_628, %get3A_629, %get3A_630, %get3A_631] {strides = array<i32>} : memref<2x2x4x128x32xf32, #tpu.memory_space<vmem>>, vector<16xf32>,
        %get3A_633 = arith.constant 1 : i32
        %get3A_634 = arith.constant 0 : i32
        %get3A_635 = arith.constant 1 : i32
        %get3A_636 = arith.index_cast %get3A_633 : i32 to index
        %get3A_637 = arith.index_cast %get3A_634 : i32 to index
        %get3A_638 = arith.index_cast %get3A_635 : i32 to index
        %get3A_639 = arith.index_cast %scan3A_576 : i32 to index
        %get3A_640 = arith.constant 16 : index
        %get3A_641 = tpu.vector_load %arg9[%get3A_636, %get3A_637, %get3A_638, %get3A_639, %get3A_640] {strides = array<i32>} : memref<2x2x4x128x32xf32, #tpu.memory_space<vmem>>, vector<16xf32>,
        %add3A_642 = arith.addf %get3A_632, %get3A_641 : vector<16xf32>
        %get3A_643 = arith.constant 1 : i32
        %get3A_644 = arith.constant 0 : i32
        %get3A_645 = arith.constant 2 : i32
        %get3A_646 = arith.index_cast %get3A_643 : i32 to index
        %get3A_647 = arith.index_cast %get3A_644 : i32 to index
        %get3A_648 = arith.index_cast %get3A_645 : i32 to index
        %get3A_649 = arith.index_cast %scan3A_576 : i32 to index
        %get3A_650 = arith.constant 16 : index
        %get3A_651 = tpu.vector_load %arg9[%get3A_646, %get3A_647, %get3A_648, %get3A_649, %get3A_650] {strides = array<i32>} : memref<2x2x4x128x32xf32, #tpu.memory_space<vmem>>, vector<16xf32>,
        %get3A_652 = arith.constant 1 : i32
        %get3A_653 = arith.constant 0 : i32
        %get3A_654 = arith.constant 3 : i32
        %get3A_655 = arith.index_cast %get3A_652 : i32 to index
        %get3A_656 = arith.index_cast %get3A_653 : i32 to index
        %get3A_657 = arith.index_cast %get3A_654 : i32 to index
        %get3A_658 = arith.index_cast %scan3A_576 : i32 to index
        %get3A_659 = arith.constant 16 : index
        %get3A_660 = tpu.vector_load %arg9[%get3A_655, %get3A_656, %get3A_657, %get3A_658, %get3A_659] {strides = array<i32>} : memref<2x2x4x128x32xf32, #tpu.memory_space<vmem>>, vector<16xf32>,
        %add3A_661 = arith.addf %get3A_651, %get3A_660 : vector<16xf32>
        %add3A_662 = arith.addf %add3A_642, %add3A_661 : vector<16xf32>
        %mul3A_663 = arith.constant 2.500000e-01 : f32
        %mul3A_664 = vector.broadcast %mul3A_663 : f32 to vector<16xf32>
        %mul3A_665 = arith.mulf %add3A_662, %mul3A_664 : vector<16xf32>
        %swap3A_666 = arith.constant 1 : i32
        %swap3A_667 = arith.constant 0 : i32
        %swap3A_668 = arith.index_cast %swap3A_666 : i32 to index
        %swap3A_669 = arith.index_cast %swap3A_667 : i32 to index
        %swap3A_670 = arith.index_cast %scan3A_576 : i32 to index
        %swap3A_671 = arith.constant 16 : index
        %swap3A_672 = tpu.vector_load %arg10[%swap3A_668, %swap3A_669, %swap3A_670, %swap3A_671] {strides = array<i32>} : memref<2x2x128x32xf32, #tpu.memory_space<vmem>>, vector<16xf32>,
        tpu.vector_store %arg10[%swap3A_668, %swap3A_669, %swap3A_670, %swap3A_671], %mul3A_665 {strides = array<i32>} : memref<2x2x128x32xf32, #tpu.memory_space<vmem>>, vector<16xf32>,
        %scan3A_673 = arith.constant 1 : i32
        %scan3A_674 = arith.addi %scan3A_576, %scan3A_673 : i32
        %get3A_675 = arith.constant 1 : i32
        %get3A_676 = arith.constant 0 : i32
        %get3A_677 = arith.constant 0 : i32
        %get3A_678 = arith.index_cast %get3A_675 : i32 to index
        %get3A_679 = arith.index_cast %get3A_676 : i32 to index
        %get3A_680 = arith.index_cast %get3A_677 : i32 to index
        %get3A_681 = arith.index_cast %scan3A_674 : i32 to index
        %get3A_682 = arith.constant 0 : index
        %get3A_683 = tpu.vector_load %arg9[%get3A_678, %get3A_679, %get3A_680, %get3A_681, %get3A_682] {strides = array<i32>} : memref<2x2x4x128x32xf32, #tpu.memory_space<vmem>>, vector<16xf32>,
        %get3A_684 = arith.constant 1 : i32
        %get3A_685 = arith.constant 0 : i32
        %get3A_686 = arith.constant 1 : i32
        %get3A_687 = arith.index_cast %get3A_684 : i32 to index
        %get3A_688 = arith.index_cast %get3A_685 : i32 to index
        %get3A_689 = arith.index_cast %get3A_686 : i32 to index
        %get3A_690 = arith.index_cast %scan3A_674 : i32 to index
        %get3A_691 = arith.constant 0 : index
        %get3A_692 = tpu.vector_load %arg9[%get3A_687, %get3A_688, %get3A_689, %get3A_690, %get3A_691] {strides = array<i32>} : memref<2x2x4x128x32xf32, #tpu.memory_space<vmem>>, vector<16xf32>,
        %add3A_693 = arith.addf %get3A_683, %get3A_692 : vector<16xf32>
        %get3A_694 = arith.constant 1 : i32
        %get3A_695 = arith.constant 0 : i32
        %get3A_696 = arith.constant 2 : i32
        %get3A_697 = arith.index_cast %get3A_694 : i32 to index
        %get3A_698 = arith.index_cast %get3A_695 : i32 to index
        %get3A_699 = arith.index_cast %get3A_696 : i32 to index
        %get3A_700 = arith.index_cast %scan3A_674 : i32 to index
        %get3A_701 = arith.constant 0 : index
        %get3A_702 = tpu.vector_load %arg9[%get3A_697, %get3A_698, %get3A_699, %get3A_700, %get3A_701] {strides = array<i32>} : memref<2x2x4x128x32xf32, #tpu.memory_space<vmem>>, vector<16xf32>,
        %get3A_703 = arith.constant 1 : i32
        %get3A_704 = arith.constant 0 : i32
        %get3A_705 = arith.constant 3 : i32
        %get3A_706 = arith.index_cast %get3A_703 : i32 to index
        %get3A_707 = arith.index_cast %get3A_704 : i32 to index
        %get3A_708 = arith.index_cast %get3A_705 : i32 to index
        %get3A_709 = arith.index_cast %scan3A_674 : i32 to index
        %get3A_710 = arith.constant 0 : index
        %get3A_711 = tpu.vector_load %arg9[%get3A_706, %get3A_707, %get3A_708, %get3A_709, %get3A_710] {strides = array<i32>} : memref<2x2x4x128x32xf32, #tpu.memory_space<vmem>>, vector<16xf32>,
        %add3A_712 = arith.addf %get3A_702, %get3A_711 : vector<16xf32>
        %add3A_713 = arith.addf %add3A_693, %add3A_712 : vector<16xf32>
        %mul3A_714 = arith.constant 2.500000e-01 : f32
        %mul3A_715 = vector.broadcast %mul3A_714 : f32 to vector<16xf32>
        %mul3A_716 = arith.mulf %add3A_713, %mul3A_715 : vector<16xf32>
        %swap3A_717 = arith.constant 1 : i32
        %swap3A_718 = arith.constant 0 : i32
        %swap3A_719 = arith.index_cast %swap3A_717 : i32 to index
        %swap3A_720 = arith.index_cast %swap3A_718 : i32 to index
        %swap3A_721 = arith.index_cast %scan3A_674 : i32 to index
        %swap3A_722 = arith.constant 0 : index
        %swap3A_723 = tpu.vector_load %arg10[%swap3A_719, %swap3A_720, %swap3A_721, %swap3A_722] {strides = array<i32>} : memref<2x2x128x32xf32, #tpu.memory_space<vmem>>, vector<16xf32>,
        tpu.vector_store %arg10[%swap3A_719, %swap3A_720, %swap3A_721, %swap3A_722], %mul3A_716 {strides = array<i32>} : memref<2x2x128x32xf32, #tpu.memory_space<vmem>>, vector<16xf32>,
        %get3A_724 = arith.constant 1 : i32
        %get3A_725 = arith.constant 0 : i32
        %get3A_726 = arith.constant 0 : i32
        %get3A_727 = arith.index_cast %get3A_724 : i32 to index
        %get3A_728 = arith.index_cast %get3A_725 : i32 to index
        %get3A_729 = arith.index_cast %get3A_726 : i32 to index
        %get3A_730 = arith.index_cast %scan3A_674 : i32 to index
        %get3A_731 = arith.constant 16 : index
        %get3A_732 = tpu.vector_load %arg9[%get3A_727, %get3A_728, %get3A_729, %get3A_730, %get3A_731] {strides = array<i32>} : memref<2x2x4x128x32xf32, #tpu.memory_space<vmem>>, vector<16xf32>,
        %get3A_733 = arith.constant 1 : i32
        %get3A_734 = arith.constant 0 : i32
        %get3A_735 = arith.constant 1 : i32
        %get3A_736 = arith.index_cast %get3A_733 : i32 to index
        %get3A_737 = arith.index_cast %get3A_734 : i32 to index
        %get3A_738 = arith.index_cast %get3A_735 : i32 to index
        %get3A_739 = arith.index_cast %scan3A_674 : i32 to index
        %get3A_740 = arith.constant 16 : index
        %get3A_741 = tpu.vector_load %arg9[%get3A_736, %get3A_737, %get3A_738, %get3A_739, %get3A_740] {strides = array<i32>} : memref<2x2x4x128x32xf32, #tpu.memory_space<vmem>>, vector<16xf32>,
        %add3A_742 = arith.addf %get3A_732, %get3A_741 : vector<16xf32>
        %get3A_743 = arith.constant 1 : i32
        %get3A_744 = arith.constant 0 : i32
        %get3A_745 = arith.constant 2 : i32
        %get3A_746 = arith.index_cast %get3A_743 : i32 to index
        %get3A_747 = arith.index_cast %get3A_744 : i32 to index
        %get3A_748 = arith.index_cast %get3A_745 : i32 to index
        %get3A_749 = arith.index_cast %scan3A_674 : i32 to index
        %get3A_750 = arith.constant 16 : index
        %get3A_751 = tpu.vector_load %arg9[%get3A_746, %get3A_747, %get3A_748, %get3A_749, %get3A_750] {strides = array<i32>} : memref<2x2x4x128x32xf32, #tpu.memory_space<vmem>>, vector<16xf32>,
        %get3A_752 = arith.constant 1 : i32
        %get3A_753 = arith.constant 0 : i32
        %get3A_754 = arith.constant 3 : i32
        %get3A_755 = arith.index_cast %get3A_752 : i32 to index
        %get3A_756 = arith.index_cast %get3A_753 : i32 to index
        %get3A_757 = arith.index_cast %get3A_754 : i32 to index
        %get3A_758 = arith.index_cast %scan3A_674 : i32 to index
        %get3A_759 = arith.constant 16 : index
        %get3A_760 = tpu.vector_load %arg9[%get3A_755, %get3A_756, %get3A_757, %get3A_758, %get3A_759] {strides = array<i32>} : memref<2x2x4x128x32xf32, #tpu.memory_space<vmem>>, vector<16xf32>,
        %add3A_761 = arith.addf %get3A_751, %get3A_760 : vector<16xf32>
        %add3A_762 = arith.addf %add3A_742, %add3A_761 : vector<16xf32>
        %mul3A_763 = arith.constant 2.500000e-01 : f32
        %mul3A_764 = vector.broadcast %mul3A_763 : f32 to vector<16xf32>
        %mul3A_765 = arith.mulf %add3A_762, %mul3A_764 : vector<16xf32>
        %swap3A_766 = arith.constant 1 : i32
        %swap3A_767 = arith.constant 0 : i32
        %swap3A_768 = arith.index_cast %swap3A_766 : i32 to index
        %swap3A_769 = arith.index_cast %swap3A_767 : i32 to index
        %swap3A_770 = arith.index_cast %scan3A_674 : i32 to index
        %swap3A_771 = arith.constant 16 : index
        %swap3A_772 = tpu.vector_load %arg10[%swap3A_768, %swap3A_769, %swap3A_770, %swap3A_771] {strides = array<i32>} : memref<2x2x128x32xf32, #tpu.memory_space<vmem>>, vector<16xf32>,
        tpu.vector_store %arg10[%swap3A_768, %swap3A_769, %swap3A_770, %swap3A_771], %mul3A_765 {strides = array<i32>} : memref<2x2x128x32xf32, #tpu.memory_space<vmem>>, vector<16xf32>,
        %scan3A_773 = arith.constant 2 : i32
        %scan3A_774 = arith.addi %scan3A_576, %scan3A_773 : i32
        %get3A_775 = arith.constant 1 : i32
        %get3A_776 = arith.constant 0 : i32
        %get3A_777 = arith.constant 0 : i32
        %get3A_778 = arith.index_cast %get3A_775 : i32 to index
        %get3A_779 = arith.index_cast %get3A_776 : i32 to index
        %get3A_780 = arith.index_cast %get3A_777 : i32 to index
        %get3A_781 = arith.index_cast %scan3A_774 : i32 to index
        %get3A_782 = arith.constant 0 : index
        %get3A_783 = tpu.vector_load %arg9[%get3A_778, %get3A_779, %get3A_780, %get3A_781, %get3A_782] {strides = array<i32>} : memref<2x2x4x128x32xf32, #tpu.memory_space<vmem>>, vector<16xf32>,
        %get3A_784 = arith.constant 1 : i32
        %get3A_785 = arith.constant 0 : i32
        %get3A_786 = arith.constant 1 : i32
        %get3A_787 = arith.index_cast %get3A_784 : i32 to index
        %get3A_788 = arith.index_cast %get3A_785 : i32 to index
        %get3A_789 = arith.index_cast %get3A_786 : i32 to index
        %get3A_790 = arith.index_cast %scan3A_774 : i32 to index
        %get3A_791 = arith.constant 0 : index
        %get3A_792 = tpu.vector_load %arg9[%get3A_787, %get3A_788, %get3A_789, %get3A_790, %get3A_791] {strides = array<i32>} : memref<2x2x4x128x32xf32, #tpu.memory_space<vmem>>, vector<16xf32>,
        %add3A_793 = arith.addf %get3A_783, %get3A_792 : vector<16xf32>
        %get3A_794 = arith.constant 1 : i32
        %get3A_795 = arith.constant 0 : i32
        %get3A_796 = arith.constant 2 : i32
        %get3A_797 = arith.index_cast %get3A_794 : i32 to index
        %get3A_798 = arith.index_cast %get3A_795 : i32 to index
        %get3A_799 = arith.index_cast %get3A_796 : i32 to index
        %get3A_800 = arith.index_cast %scan3A_774 : i32 to index
        %get3A_801 = arith.constant 0 : index
        %get3A_802 = tpu.vector_load %arg9[%get3A_797, %get3A_798, %get3A_799, %get3A_800, %get3A_801] {strides = array<i32>} : memref<2x2x4x128x32xf32, #tpu.memory_space<vmem>>, vector<16xf32>,
        %get3A_803 = arith.constant 1 : i32
        %get3A_804 = arith.constant 0 : i32
        %get3A_805 = arith.constant 3 : i32
        %get3A_806 = arith.index_cast %get3A_803 : i32 to index
        %get3A_807 = arith.index_cast %get3A_804 : i32 to index
        %get3A_808 = arith.index_cast %get3A_805 : i32 to index
        %get3A_809 = arith.index_cast %scan3A_774 : i32 to index
        %get3A_810 = arith.constant 0 : index
        %get3A_811 = tpu.vector_load %arg9[%get3A_806, %get3A_807, %get3A_808, %get3A_809, %get3A_810] {strides = array<i32>} : memref<2x2x4x128x32xf32, #tpu.memory_space<vmem>>, vector<16xf32>,
        %add3A_812 = arith.addf %get3A_802, %get3A_811 : vector<16xf32>
        %add3A_813 = arith.addf %add3A_793, %add3A_812 : vector<16xf32>
        %mul3A_814 = arith.constant 2.500000e-01 : f32
        %mul3A_815 = vector.broadcast %mul3A_814 : f32 to vector<16xf32>
        %mul3A_816 = arith.mulf %add3A_813, %mul3A_815 : vector<16xf32>
        %swap3A_817 = arith.constant 1 : i32
        %swap3A_818 = arith.constant 0 : i32
        %swap3A_819 = arith.index_cast %swap3A_817 : i32 to index
        %swap3A_820 = arith.index_cast %swap3A_818 : i32 to index
        %swap3A_821 = arith.index_cast %scan3A_774 : i32 to index
        %swap3A_822 = arith.constant 0 : index
        %swap3A_823 = tpu.vector_load %arg10[%swap3A_819, %swap3A_820, %swap3A_821, %swap3A_822] {strides = array<i32>} : memref<2x2x128x32xf32, #tpu.memory_space<vmem>>, vector<16xf32>,
        tpu.vector_store %arg10[%swap3A_819, %swap3A_820, %swap3A_821, %swap3A_822], %mul3A_816 {strides = array<i32>} : memref<2x2x128x32xf32, #tpu.memory_space<vmem>>, vector<16xf32>,
        %get3A_824 = arith.constant 1 : i32
        %get3A_825 = arith.constant 0 : i32
        %get3A_826 = arith.constant 0 : i32
        %get3A_827 = arith.index_cast %get3A_824 : i32 to index
        %get3A_828 = arith.index_cast %get3A_825 : i32 to index
        %get3A_829 = arith.index_cast %get3A_826 : i32 to index
        %get3A_830 = arith.index_cast %scan3A_774 : i32 to index
        %get3A_831 = arith.constant 16 : index
        %get3A_832 = tpu.vector_load %arg9[%get3A_827, %get3A_828, %get3A_829, %get3A_830, %get3A_831] {strides = array<i32>} : memref<2x2x4x128x32xf32, #tpu.memory_space<vmem>>, vector<16xf32>,
        %get3A_833 = arith.constant 1 : i32
        %get3A_834 = arith.constant 0 : i32
        %get3A_835 = arith.constant 1 : i32
        %get3A_836 = arith.index_cast %get3A_833 : i32 to index
        %get3A_837 = arith.index_cast %get3A_834 : i32 to index
        %get3A_838 = arith.index_cast %get3A_835 : i32 to index
        %get3A_839 = arith.index_cast %scan3A_774 : i32 to index
        %get3A_840 = arith.constant 16 : index
        %get3A_841 = tpu.vector_load %arg9[%get3A_836, %get3A_837, %get3A_838, %get3A_839, %get3A_840] {strides = array<i32>} : memref<2x2x4x128x32xf32, #tpu.memory_space<vmem>>, vector<16xf32>,
        %add3A_842 = arith.addf %get3A_832, %get3A_841 : vector<16xf32>
        %get3A_843 = arith.constant 1 : i32
        %get3A_844 = arith.constant 0 : i32
        %get3A_845 = arith.constant 2 : i32
        %get3A_846 = arith.index_cast %get3A_843 : i32 to index
        %get3A_847 = arith.index_cast %get3A_844 : i32 to index
        %get3A_848 = arith.index_cast %get3A_845 : i32 to index
        %get3A_849 = arith.index_cast %scan3A_774 : i32 to index
        %get3A_850 = arith.constant 16 : index
        %get3A_851 = tpu.vector_load %arg9[%get3A_846, %get3A_847, %get3A_848, %get3A_849, %get3A_850] {strides = array<i32>} : memref<2x2x4x128x32xf32, #tpu.memory_space<vmem>>, vector<16xf32>,
        %get3A_852 = arith.constant 1 : i32
        %get3A_853 = arith.constant 0 : i32
        %get3A_854 = arith.constant 3 : i32
        %get3A_855 = arith.index_cast %get3A_852 : i32 to index
        %get3A_856 = arith.index_cast %get3A_853 : i32 to index
        %get3A_857 = arith.index_cast %get3A_854 : i32 to index
        %get3A_858 = arith.index_cast %scan3A_774 : i32 to index
        %get3A_859 = arith.constant 16 : index
        %get3A_860 = tpu.vector_load %arg9[%get3A_855, %get3A_856, %get3A_857, %get3A_858, %get3A_859] {strides = array<i32>} : memref<2x2x4x128x32xf32, #tpu.memory_space<vmem>>, vector<16xf32>,
        %add3A_861 = arith.addf %get3A_851, %get3A_860 : vector<16xf32>
        %add3A_862 = arith.addf %add3A_842, %add3A_861 : vector<16xf32>
        %mul3A_863 = arith.constant 2.500000e-01 : f32
        %mul3A_864 = vector.broadcast %mul3A_863 : f32 to vector<16xf32>
        %mul3A_865 = arith.mulf %add3A_862, %mul3A_864 : vector<16xf32>
        %swap3A_866 = arith.constant 1 : i32
        %swap3A_867 = arith.constant 0 : i32
        %swap3A_868 = arith.index_cast %swap3A_866 : i32 to index
        %swap3A_869 = arith.index_cast %swap3A_867 : i32 to index
        %swap3A_870 = arith.index_cast %scan3A_774 : i32 to index
        %swap3A_871 = arith.constant 16 : index
        %swap3A_872 = tpu.vector_load %arg10[%swap3A_868, %swap3A_869, %swap3A_870, %swap3A_871] {strides = array<i32>} : memref<2x2x128x32xf32, #tpu.memory_space<vmem>>, vector<16xf32>,
        tpu.vector_store %arg10[%swap3A_868, %swap3A_869, %swap3A_870, %swap3A_871], %mul3A_865 {strides = array<i32>} : memref<2x2x128x32xf32, #tpu.memory_space<vmem>>, vector<16xf32>,
        %scan3A_873 = arith.constant 3 : i32
        %scan3A_874 = arith.addi %scan3A_576, %scan3A_873 : i32
        %get3A_875 = arith.constant 1 : i32
        %get3A_876 = arith.constant 0 : i32
        %get3A_877 = arith.constant 0 : i32
        %get3A_878 = arith.index_cast %get3A_875 : i32 to index
        %get3A_879 = arith.index_cast %get3A_876 : i32 to index
        %get3A_880 = arith.index_cast %get3A_877 : i32 to index
        %get3A_881 = arith.index_cast %scan3A_874 : i32 to index
        %get3A_882 = arith.constant 0 : index
        %get3A_883 = tpu.vector_load %arg9[%get3A_878, %get3A_879, %get3A_880, %get3A_881, %get3A_882] {strides = array<i32>} : memref<2x2x4x128x32xf32, #tpu.memory_space<vmem>>, vector<16xf32>,
        %get3A_884 = arith.constant 1 : i32
        %get3A_885 = arith.constant 0 : i32
        %get3A_886 = arith.constant 1 : i32
        %get3A_887 = arith.index_cast %get3A_884 : i32 to index
        %get3A_888 = arith.index_cast %get3A_885 : i32 to index
        %get3A_889 = arith.index_cast %get3A_886 : i32 to index
        %get3A_890 = arith.index_cast %scan3A_874 : i32 to index
        %get3A_891 = arith.constant 0 : index
        %get3A_892 = tpu.vector_load %arg9[%get3A_887, %get3A_888, %get3A_889, %get3A_890, %get3A_891] {strides = array<i32>} : memref<2x2x4x128x32xf32, #tpu.memory_space<vmem>>, vector<16xf32>,
        %add3A_893 = arith.addf %get3A_883, %get3A_892 : vector<16xf32>
        %get3A_894 = arith.constant 1 : i32
        %get3A_895 = arith.constant 0 : i32
        %get3A_896 = arith.constant 2 : i32
        %get3A_897 = arith.index_cast %get3A_894 : i32 to index
        %get3A_898 = arith.index_cast %get3A_895 : i32 to index
        %get3A_899 = arith.index_cast %get3A_896 : i32 to index
        %get3A_900 = arith.index_cast %scan3A_874 : i32 to index
        %get3A_901 = arith.constant 0 : index
        %get3A_902 = tpu.vector_load %arg9[%get3A_897, %get3A_898, %get3A_899, %get3A_900, %get3A_901] {strides = array<i32>} : memref<2x2x4x128x32xf32, #tpu.memory_space<vmem>>, vector<16xf32>,
        %get3A_903 = arith.constant 1 : i32
        %get3A_904 = arith.constant 0 : i32
        %get3A_905 = arith.constant 3 : i32
        %get3A_906 = arith.index_cast %get3A_903 : i32 to index
        %get3A_907 = arith.index_cast %get3A_904 : i32 to index
        %get3A_908 = arith.index_cast %get3A_905 : i32 to index
        %get3A_909 = arith.index_cast %scan3A_874 : i32 to index
        %get3A_910 = arith.constant 0 : index
        %get3A_911 = tpu.vector_load %arg9[%get3A_906, %get3A_907, %get3A_908, %get3A_909, %get3A_910] {strides = array<i32>} : memref<2x2x4x128x32xf32, #tpu.memory_space<vmem>>, vector<16xf32>,
        %add3A_912 = arith.addf %get3A_902, %get3A_911 : vector<16xf32>
        %add3A_913 = arith.addf %add3A_893, %add3A_912 : vector<16xf32>
        %mul3A_914 = arith.constant 2.500000e-01 : f32
        %mul3A_915 = vector.broadcast %mul3A_914 : f32 to vector<16xf32>
        %mul3A_916 = arith.mulf %add3A_913, %mul3A_915 : vector<16xf32>
        %swap3A_917 = arith.constant 1 : i32
        %swap3A_918 = arith.constant 0 : i32
        %swap3A_919 = arith.index_cast %swap3A_917 : i32 to index
        %swap3A_920 = arith.index_cast %swap3A_918 : i32 to index
        %swap3A_921 = arith.index_cast %scan3A_874 : i32 to index
        %swap3A_922 = arith.constant 0 : index
        %swap3A_923 = tpu.vector_load %arg10[%swap3A_919, %swap3A_920, %swap3A_921, %swap3A_922] {strides = array<i32>} : memref<2x2x128x32xf32, #tpu.memory_space<vmem>>, vector<16xf32>,
        tpu.vector_store %arg10[%swap3A_919, %swap3A_920, %swap3A_921, %swap3A_922], %mul3A_916 {strides = array<i32>} : memref<2x2x128x32xf32, #tpu.memory_space<vmem>>, vector<16xf32>,
        %get3A_924 = arith.constant 1 : i32
        %get3A_925 = arith.constant 0 : i32
        %get3A_926 = arith.constant 0 : i32
        %get3A_927 = arith.index_cast %get3A_924 : i32 to index
        %get3A_928 = arith.index_cast %get3A_925 : i32 to index
        %get3A_929 = arith.index_cast %get3A_926 : i32 to index
        %get3A_930 = arith.index_cast %scan3A_874 : i32 to index
        %get3A_931 = arith.constant 16 : index
        %get3A_932 = tpu.vector_load %arg9[%get3A_927, %get3A_928, %get3A_929, %get3A_930, %get3A_931] {strides = array<i32>} : memref<2x2x4x128x32xf32, #tpu.memory_space<vmem>>, vector<16xf32>,
        %get3A_933 = arith.constant 1 : i32
        %get3A_934 = arith.constant 0 : i32
        %get3A_935 = arith.constant 1 : i32
        %get3A_936 = arith.index_cast %get3A_933 : i32 to index
        %get3A_937 = arith.index_cast %get3A_934 : i32 to index
        %get3A_938 = arith.index_cast %get3A_935 : i32 to index
        %get3A_939 = arith.index_cast %scan3A_874 : i32 to index
        %get3A_940 = arith.constant 16 : index
        %get3A_941 = tpu.vector_load %arg9[%get3A_936, %get3A_937, %get3A_938, %get3A_939, %get3A_940] {strides = array<i32>} : memref<2x2x4x128x32xf32, #tpu.memory_space<vmem>>, vector<16xf32>,
        %add3A_942 = arith.addf %get3A_932, %get3A_941 : vector<16xf32>
        %get3A_943 = arith.constant 1 : i32
        %get3A_944 = arith.constant 0 : i32
        %get3A_945 = arith.constant 2 : i32
        %get3A_946 = arith.index_cast %get3A_943 : i32 to index
        %get3A_947 = arith.index_cast %get3A_944 : i32 to index
        %get3A_948 = arith.index_cast %get3A_945 : i32 to index
        %get3A_949 = arith.index_cast %scan3A_874 : i32 to index
        %get3A_950 = arith.constant 16 : index
        %get3A_951 = tpu.vector_load %arg9[%get3A_946, %get3A_947, %get3A_948, %get3A_949, %get3A_950] {strides = array<i32>} : memref<2x2x4x128x32xf32, #tpu.memory_space<vmem>>, vector<16xf32>,
        %get3A_952 = arith.constant 1 : i32
        %get3A_953 = arith.constant 0 : i32
        %get3A_954 = arith.constant 3 : i32
        %get3A_955 = arith.index_cast %get3A_952 : i32 to index
        %get3A_956 = arith.index_cast %get3A_953 : i32 to index
        %get3A_957 = arith.index_cast %get3A_954 : i32 to index
        %get3A_958 = arith.index_cast %scan3A_874 : i32 to index
        %get3A_959 = arith.constant 16 : index
        %get3A_960 = tpu.vector_load %arg9[%get3A_955, %get3A_956, %get3A_957, %get3A_958, %get3A_959] {strides = array<i32>} : memref<2x2x4x128x32xf32, #tpu.memory_space<vmem>>, vector<16xf32>,
        %add3A_961 = arith.addf %get3A_951, %get3A_960 : vector<16xf32>
        %add3A_962 = arith.addf %add3A_942, %add3A_961 : vector<16xf32>
        %mul3A_963 = arith.constant 2.500000e-01 : f32
        %mul3A_964 = vector.broadcast %mul3A_963 : f32 to vector<16xf32>
        %mul3A_965 = arith.mulf %add3A_962, %mul3A_964 : vector<16xf32>
        %swap3A_966 = arith.constant 1 : i32
        %swap3A_967 = arith.constant 0 : i32
        %swap3A_968 = arith.index_cast %swap3A_966 : i32 to index
        %swap3A_969 = arith.index_cast %swap3A_967 : i32 to index
        %swap3A_970 = arith.index_cast %scan3A_874 : i32 to index
        %swap3A_971 = arith.constant 16 : index
        %swap3A_972 = tpu.vector_load %arg10[%swap3A_968, %swap3A_969, %swap3A_970, %swap3A_971] {strides = array<i32>} : memref<2x2x128x32xf32, #tpu.memory_space<vmem>>, vector<16xf32>,
        tpu.vector_store %arg10[%swap3A_968, %swap3A_969, %swap3A_970, %swap3A_971], %mul3A_965 {strides = array<i32>} : memref<2x2x128x32xf32, #tpu.memory_space<vmem>>, vector<16xf32>,
        %scan3A_973 = arith.constant 4 : i32
        %scan3A_974 = arith.addi %scan3A_576, %scan3A_973 : i32
        %get3A_975 = arith.constant 1 : i32
        %get3A_976 = arith.constant 0 : i32
        %get3A_977 = arith.constant 0 : i32
        %get3A_978 = arith.index_cast %get3A_975 : i32 to index
        %get3A_979 = arith.index_cast %get3A_976 : i32 to index
        %get3A_980 = arith.index_cast %get3A_977 : i32 to index
        %get3A_981 = arith.index_cast %scan3A_974 : i32 to index
        %get3A_982 = arith.constant 0 : index
        %get3A_983 = tpu.vector_load %arg9[%get3A_978, %get3A_979, %get3A_980, %get3A_981, %get3A_982] {strides = array<i32>} : memref<2x2x4x128x32xf32, #tpu.memory_space<vmem>>, vector<16xf32>,
        %get3A_984 = arith.constant 1 : i32
        %get3A_985 = arith.constant 0 : i32
        %get3A_986 = arith.constant 1 : i32
        %get3A_987 = arith.index_cast %get3A_984 : i32 to index
        %get3A_988 = arith.index_cast %get3A_985 : i32 to index
        %get3A_989 = arith.index_cast %get3A_986 : i32 to index
        %get3A_990 = arith.index_cast %scan3A_974 : i32 to index
        %get3A_991 = arith.constant 0 : index
        %get3A_992 = tpu.vector_load %arg9[%get3A_987, %get3A_988, %get3A_989, %get3A_990, %get3A_991] {strides = array<i32>} : memref<2x2x4x128x32xf32, #tpu.memory_space<vmem>>, vector<16xf32>,
        %add3A_993 = arith.addf %get3A_983, %get3A_992 : vector<16xf32>
        %get3A_994 = arith.constant 1 : i32
        %get3A_995 = arith.constant 0 : i32
        %get3A_996 = arith.constant 2 : i32
        %get3A_997 = arith.index_cast %get3A_994 : i32 to index
        %get3A_998 = arith.index_cast %get3A_995 : i32 to index
        %get3A_999 = arith.index_cast %get3A_996 : i32 to index
        %get3A_1000 = arith.index_cast %scan3A_974 : i32 to index
        %get3A_1001 = arith.constant 0 : index
        %get3A_1002 = tpu.vector_load %arg9[%get3A_997, %get3A_998, %get3A_999, %get3A_1000, %get3A_1001] {strides = array<i32>} : memref<2x2x4x128x32xf32, #tpu.memory_space<vmem>>, vector<16xf32>,
        %get3A_1003 = arith.constant 1 : i32
        %get3A_1004 = arith.constant 0 : i32
        %get3A_1005 = arith.constant 3 : i32
        %get3A_1006 = arith.index_cast %get3A_1003 : i32 to index
        %get3A_1007 = arith.index_cast %get3A_1004 : i32 to index
        %get3A_1008 = arith.index_cast %get3A_1005 : i32 to index
        %get3A_1009 = arith.index_cast %scan3A_974 : i32 to index
        %get3A_1010 = arith.constant 0 : index
        %get3A_1011 = tpu.vector_load %arg9[%get3A_1006, %get3A_1007, %get3A_1008, %get3A_1009, %get3A_1010] {strides = array<i32>} : memref<2x2x4x128x32xf32, #tpu.memory_space<vmem>>, vector<16xf32>,
        %add3A_1012 = arith.addf %get3A_1002, %get3A_1011 : vector<16xf32>
        %add3A_1013 = arith.addf %add3A_993, %add3A_1012 : vector<16xf32>
        %mul3A_1014 = arith.constant 2.500000e-01 : f32
        %mul3A_1015 = vector.broadcast %mul3A_1014 : f32 to vector<16xf32>
        %mul3A_1016 = arith.mulf %add3A_1013, %mul3A_1015 : vector<16xf32>
        %swap3A_1017 = arith.constant 1 : i32
        %swap3A_1018 = arith.constant 0 : i32
        %swap3A_1019 = arith.index_cast %swap3A_1017 : i32 to index
        %swap3A_1020 = arith.index_cast %swap3A_1018 : i32 to index
        %swap3A_1021 = arith.index_cast %scan3A_974 : i32 to index
        %swap3A_1022 = arith.constant 0 : index
        %swap3A_1023 = tpu.vector_load %arg10[%swap3A_1019, %swap3A_1020, %swap3A_1021, %swap3A_1022] {strides = array<i32>} : memref<2x2x128x32xf32, #tpu.memory_space<vmem>>, vector<16xf32>,
        tpu.vector_store %arg10[%swap3A_1019, %swap3A_1020, %swap3A_1021, %swap3A_1022], %mul3A_1016 {strides = array<i32>} : memref<2x2x128x32xf32, #tpu.memory_space<vmem>>, vector<16xf32>,
        %get3A_1024 = arith.constant 1 : i32
        %get3A_1025 = arith.constant 0 : i32
        %get3A_1026 = arith.constant 0 : i32
        %get3A_1027 = arith.index_cast %get3A_1024 : i32 to index
        %get3A_1028 = arith.index_cast %get3A_1025 : i32 to index
        %get3A_1029 = arith.index_cast %get3A_1026 : i32 to index
        %get3A_1030 = arith.index_cast %scan3A_974 : i32 to index
        %get3A_1031 = arith.constant 16 : index
        %get3A_1032 = tpu.vector_load %arg9[%get3A_1027, %get3A_1028, %get3A_1029, %get3A_1030, %get3A_1031] {strides = array<i32>} : memref<2x2x4x128x32xf32, #tpu.memory_space<vmem>>, vector<16xf32>,
        %get3A_1033 = arith.constant 1 : i32
        %get3A_1034 = arith.constant 0 : i32
        %get3A_1035 = arith.constant 1 : i32
        %get3A_1036 = arith.index_cast %get3A_1033 : i32 to index
        %get3A_1037 = arith.index_cast %get3A_1034 : i32 to index
        %get3A_1038 = arith.index_cast %get3A_1035 : i32 to index
        %get3A_1039 = arith.index_cast %scan3A_974 : i32 to index
        %get3A_1040 = arith.constant 16 : index
        %get3A_1041 = tpu.vector_load %arg9[%get3A_1036, %get3A_1037, %get3A_1038, %get3A_1039, %get3A_1040] {strides = array<i32>} : memref<2x2x4x128x32xf32, #tpu.memory_space<vmem>>, vector<16xf32>,
        %add3A_1042 = arith.addf %get3A_1032, %get3A_1041 : vector<16xf32>
        %get3A_1043 = arith.constant 1 : i32
        %get3A_1044 = arith.constant 0 : i32
        %get3A_1045 = arith.constant 2 : i32
        %get3A_1046 = arith.index_cast %get3A_1043 : i32 to index
        %get3A_1047 = arith.index_cast %get3A_1044 : i32 to index
        %get3A_1048 = arith.index_cast %get3A_1045 : i32 to index
        %get3A_1049 = arith.index_cast %scan3A_974 : i32 to index
        %get3A_1050 = arith.constant 16 : index
        %get3A_1051 = tpu.vector_load %arg9[%get3A_1046, %get3A_1047, %get3A_1048, %get3A_1049, %get3A_1050] {strides = array<i32>} : memref<2x2x4x128x32xf32, #tpu.memory_space<vmem>>, vector<16xf32>,
        %get3A_1052 = arith.constant 1 : i32
        %get3A_1053 = arith.constant 0 : i32
        %get3A_1054 = arith.constant 3 : i32
        %get3A_1055 = arith.index_cast %get3A_1052 : i32 to index
        %get3A_1056 = arith.index_cast %get3A_1053 : i32 to index
        %get3A_1057 = arith.index_cast %get3A_1054 : i32 to index
        %get3A_1058 = arith.index_cast %scan3A_974 : i32 to index
        %get3A_1059 = arith.constant 16 : index
        %get3A_1060 = tpu.vector_load %arg9[%get3A_1055, %get3A_1056, %get3A_1057, %get3A_1058, %get3A_1059] {strides = array<i32>} : memref<2x2x4x128x32xf32, #tpu.memory_space<vmem>>, vector<16xf32>,
        %add3A_1061 = arith.addf %get3A_1051, %get3A_1060 : vector<16xf32>
        %add3A_1062 = arith.addf %add3A_1042, %add3A_1061 : vector<16xf32>
        %mul3A_1063 = arith.constant 2.500000e-01 : f32
        %mul3A_1064 = vector.broadcast %mul3A_1063 : f32 to vector<16xf32>
        %mul3A_1065 = arith.mulf %add3A_1062, %mul3A_1064 : vector<16xf32>
        %swap3A_1066 = arith.constant 1 : i32
        %swap3A_1067 = arith.constant 0 : i32
        %swap3A_1068 = arith.index_cast %swap3A_1066 : i32 to index
        %swap3A_1069 = arith.index_cast %swap3A_1067 : i32 to index
        %swap3A_1070 = arith.index_cast %scan3A_974 : i32 to index
        %swap3A_1071 = arith.constant 16 : index
        %swap3A_1072 = tpu.vector_load %arg10[%swap3A_1068, %swap3A_1069, %swap3A_1070, %swap3A_1071] {strides = array<i32>} : memref<2x2x128x32xf32, #tpu.memory_space<vmem>>, vector<16xf32>,
        tpu.vector_store %arg10[%swap3A_1068, %swap3A_1069, %swap3A_1070, %swap3A_1071], %mul3A_1065 {strides = array<i32>} : memref<2x2x128x32xf32, #tpu.memory_space<vmem>>, vector<16xf32>,
        %scan3A_1073 = arith.constant 5 : i32
        %scan3A_1074 = arith.addi %scan3A_576, %scan3A_1073 : i32
        %get3A_1075 = arith.constant 1 : i32
        %get3A_1076 = arith.constant 0 : i32
        %get3A_1077 = arith.constant 0 : i32
        %get3A_1078 = arith.index_cast %get3A_1075 : i32 to index
        %get3A_1079 = arith.index_cast %get3A_1076 : i32 to index
        %get3A_1080 = arith.index_cast %get3A_1077 : i32 to index
        %get3A_1081 = arith.index_cast %scan3A_1074 : i32 to index
        %get3A_1082 = arith.constant 0 : index
        %get3A_1083 = tpu.vector_load %arg9[%get3A_1078, %get3A_1079, %get3A_1080, %get3A_1081, %get3A_1082] {strides = array<i32>} : memref<2x2x4x128x32xf32, #tpu.memory_space<vmem>>, vector<16xf32>,
        %get3A_1084 = arith.constant 1 : i32
        %get3A_1085 = arith.constant 0 : i32
        %get3A_1086 = arith.constant 1 : i32
        %get3A_1087 = arith.index_cast %get3A_1084 : i32 to index
        %get3A_1088 = arith.index_cast %get3A_1085 : i32 to index
        %get3A_1089 = arith.index_cast %get3A_1086 : i32 to index
        %get3A_1090 = arith.index_cast %scan3A_1074 : i32 to index
        %get3A_1091 = arith.constant 0 : index
        %get3A_1092 = tpu.vector_load %arg9[%get3A_1087, %get3A_1088, %get3A_1089, %get3A_1090, %get3A_1091] {strides = array<i32>} : memref<2x2x4x128x32xf32, #tpu.memory_space<vmem>>, vector<16xf32>,
        %add3A_1093 = arith.addf %get3A_1083, %get3A_1092 : vector<16xf32>
        %get3A_1094 = arith.constant 1 : i32
        %get3A_1095 = arith.constant 0 : i32
        %get3A_1096 = arith.constant 2 : i32
        %get3A_1097 = arith.index_cast %get3A_1094 : i32 to index
        %get3A_1098 = arith.index_cast %get3A_1095 : i32 to index
        %get3A_1099 = arith.index_cast %get3A_1096 : i32 to index
        %get3A_1100 = arith.index_cast %scan3A_1074 : i32 to index
        %get3A_1101 = arith.constant 0 : index
        %get3A_1102 = tpu.vector_load %arg9[%get3A_1097, %get3A_1098, %get3A_1099, %get3A_1100, %get3A_1101] {strides = array<i32>} : memref<2x2x4x128x32xf32, #tpu.memory_space<vmem>>, vector<16xf32>,
        %get3A_1103 = arith.constant 1 : i32
        %get3A_1104 = arith.constant 0 : i32
        %get3A_1105 = arith.constant 3 : i32
        %get3A_1106 = arith.index_cast %get3A_1103 : i32 to index
        %get3A_1107 = arith.index_cast %get3A_1104 : i32 to index
        %get3A_1108 = arith.index_cast %get3A_1105 : i32 to index
        %get3A_1109 = arith.index_cast %scan3A_1074 : i32 to index
        %get3A_1110 = arith.constant 0 : index
        %get3A_1111 = tpu.vector_load %arg9[%get3A_1106, %get3A_1107, %get3A_1108, %get3A_1109, %get3A_1110] {strides = array<i32>} : memref<2x2x4x128x32xf32, #tpu.memory_space<vmem>>, vector<16xf32>,
        %add3A_1112 = arith.addf %get3A_1102, %get3A_1111 : vector<16xf32>
        %add3A_1113 = arith.addf %add3A_1093, %add3A_1112 : vector<16xf32>
        %mul3A_1114 = arith.constant 2.500000e-01 : f32
        %mul3A_1115 = vector.broadcast %mul3A_1114 : f32 to vector<16xf32>
        %mul3A_1116 = arith.mulf %add3A_1113, %mul3A_1115 : vector<16xf32>
        %swap3A_1117 = arith.constant 1 : i32
        %swap3A_1118 = arith.constant 0 : i32
        %swap3A_1119 = arith.index_cast %swap3A_1117 : i32 to index
        %swap3A_1120 = arith.index_cast %swap3A_1118 : i32 to index
        %swap3A_1121 = arith.index_cast %scan3A_1074 : i32 to index
        %swap3A_1122 = arith.constant 0 : index
        %swap3A_1123 = tpu.vector_load %arg10[%swap3A_1119, %swap3A_1120, %swap3A_1121, %swap3A_1122] {strides = array<i32>} : memref<2x2x128x32xf32, #tpu.memory_space<vmem>>, vector<16xf32>,
        tpu.vector_store %arg10[%swap3A_1119, %swap3A_1120, %swap3A_1121, %swap3A_1122], %mul3A_1116 {strides = array<i32>} : memref<2x2x128x32xf32, #tpu.memory_space<vmem>>, vector<16xf32>,
        %get3A_1124 = arith.constant 1 : i32
        %get3A_1125 = arith.constant 0 : i32
        %get3A_1126 = arith.constant 0 : i32
        %get3A_1127 = arith.index_cast %get3A_1124 : i32 to index
        %get3A_1128 = arith.index_cast %get3A_1125 : i32 to index
        %get3A_1129 = arith.index_cast %get3A_1126 : i32 to index
        %get3A_1130 = arith.index_cast %scan3A_1074 : i32 to index
        %get3A_1131 = arith.constant 16 : index
        %get3A_1132 = tpu.vector_load %arg9[%get3A_1127, %get3A_1128, %get3A_1129, %get3A_1130, %get3A_1131] {strides = array<i32>} : memref<2x2x4x128x32xf32, #tpu.memory_space<vmem>>, vector<16xf32>,
        %get3A_1133 = arith.constant 1 : i32
        %get3A_1134 = arith.constant 0 : i32
        %get3A_1135 = arith.constant 1 : i32
        %get3A_1136 = arith.index_cast %get3A_1133 : i32 to index
        %get3A_1137 = arith.index_cast %get3A_1134 : i32 to index
        %get3A_1138 = arith.index_cast %get3A_1135 : i32 to index
        %get3A_1139 = arith.index_cast %scan3A_1074 : i32 to index
        %get3A_1140 = arith.constant 16 : index
        %get3A_1141 = tpu.vector_load %arg9[%get3A_1136, %get3A_1137, %get3A_1138, %get3A_1139, %get3A_1140] {strides = array<i32>} : memref<2x2x4x128x32xf32, #tpu.memory_space<vmem>>, vector<16xf32>,
        %add3A_1142 = arith.addf %get3A_1132, %get3A_1141 : vector<16xf32>
        %get3A_1143 = arith.constant 1 : i32
        %get3A_1144 = arith.constant 0 : i32
        %get3A_1145 = arith.constant 2 : i32
        %get3A_1146 = arith.index_cast %get3A_1143 : i32 to index
        %get3A_1147 = arith.index_cast %get3A_1144 : i32 to index
        %get3A_1148 = arith.index_cast %get3A_1145 : i32 to index
        %get3A_1149 = arith.index_cast %scan3A_1074 : i32 to index
        %get3A_1150 = arith.constant 16 : index
        %get3A_1151 = tpu.vector_load %arg9[%get3A_1146, %get3A_1147, %get3A_1148, %get3A_1149, %get3A_1150] {strides = array<i32>} : memref<2x2x4x128x32xf32, #tpu.memory_space<vmem>>, vector<16xf32>,
        %get3A_1152 = arith.constant 1 : i32
        %get3A_1153 = arith.constant 0 : i32
        %get3A_1154 = arith.constant 3 : i32
        %get3A_1155 = arith.index_cast %get3A_1152 : i32 to index
        %get3A_1156 = arith.index_cast %get3A_1153 : i32 to index
        %get3A_1157 = arith.index_cast %get3A_1154 : i32 to index
        %get3A_1158 = arith.index_cast %scan3A_1074 : i32 to index
        %get3A_1159 = arith.constant 16 : index
        %get3A_1160 = tpu.vector_load %arg9[%get3A_1155, %get3A_1156, %get3A_1157, %get3A_1158, %get3A_1159] {strides = array<i32>} : memref<2x2x4x128x32xf32, #tpu.memory_space<vmem>>, vector<16xf32>,
        %add3A_1161 = arith.addf %get3A_1151, %get3A_1160 : vector<16xf32>
        %add3A_1162 = arith.addf %add3A_1142, %add3A_1161 : vector<16xf32>
        %mul3A_1163 = arith.constant 2.500000e-01 : f32
        %mul3A_1164 = vector.broadcast %mul3A_1163 : f32 to vector<16xf32>
        %mul3A_1165 = arith.mulf %add3A_1162, %mul3A_1164 : vector<16xf32>
        %swap3A_1166 = arith.constant 1 : i32
        %swap3A_1167 = arith.constant 0 : i32
        %swap3A_1168 = arith.index_cast %swap3A_1166 : i32 to index
        %swap3A_1169 = arith.index_cast %swap3A_1167 : i32 to index
        %swap3A_1170 = arith.index_cast %scan3A_1074 : i32 to index
        %swap3A_1171 = arith.constant 16 : index
        %swap3A_1172 = tpu.vector_load %arg10[%swap3A_1168, %swap3A_1169, %swap3A_1170, %swap3A_1171] {strides = array<i32>} : memref<2x2x128x32xf32, #tpu.memory_space<vmem>>, vector<16xf32>,
        tpu.vector_store %arg10[%swap3A_1168, %swap3A_1169, %swap3A_1170, %swap3A_1171], %mul3A_1165 {strides = array<i32>} : memref<2x2x128x32xf32, #tpu.memory_space<vmem>>, vector<16xf32>,
        %scan3A_1173 = arith.constant 6 : i32
        %scan3A_1174 = arith.addi %scan3A_576, %scan3A_1173 : i32
        %get3A_1175 = arith.constant 1 : i32
        %get3A_1176 = arith.constant 0 : i32
        %get3A_1177 = arith.constant 0 : i32
        %get3A_1178 = arith.index_cast %get3A_1175 : i32 to index
        %get3A_1179 = arith.index_cast %get3A_1176 : i32 to index
        %get3A_1180 = arith.index_cast %get3A_1177 : i32 to index
        %get3A_1181 = arith.index_cast %scan3A_1174 : i32 to index
        %get3A_1182 = arith.constant 0 : index
        %get3A_1183 = tpu.vector_load %arg9[%get3A_1178, %get3A_1179, %get3A_1180, %get3A_1181, %get3A_1182] {strides = array<i32>} : memref<2x2x4x128x32xf32, #tpu.memory_space<vmem>>, vector<16xf32>,
        %get3A_1184 = arith.constant 1 : i32
        %get3A_1185 = arith.constant 0 : i32
        %get3A_1186 = arith.constant 1 : i32
        %get3A_1187 = arith.index_cast %get3A_1184 : i32 to index
        %get3A_1188 = arith.index_cast %get3A_1185 : i32 to index
        %get3A_1189 = arith.index_cast %get3A_1186 : i32 to index
        %get3A_1190 = arith.index_cast %scan3A_1174 : i32 to index
        %get3A_1191 = arith.constant 0 : index
        %get3A_1192 = tpu.vector_load %arg9[%get3A_1187, %get3A_1188, %get3A_1189, %get3A_1190, %get3A_1191] {strides = array<i32>} : memref<2x2x4x128x32xf32, #tpu.memory_space<vmem>>, vector<16xf32>,
        %add3A_1193 = arith.addf %get3A_1183, %get3A_1192 : vector<16xf32>
        %get3A_1194 = arith.constant 1 : i32
        %get3A_1195 = arith.constant 0 : i32
        %get3A_1196 = arith.constant 2 : i32
        %get3A_1197 = arith.index_cast %get3A_1194 : i32 to index
        %get3A_1198 = arith.index_cast %get3A_1195 : i32 to index
        %get3A_1199 = arith.index_cast %get3A_1196 : i32 to index
        %get3A_1200 = arith.index_cast %scan3A_1174 : i32 to index
        %get3A_1201 = arith.constant 0 : index
        %get3A_1202 = tpu.vector_load %arg9[%get3A_1197, %get3A_1198, %get3A_1199, %get3A_1200, %get3A_1201] {strides = array<i32>} : memref<2x2x4x128x32xf32, #tpu.memory_space<vmem>>, vector<16xf32>,
        %get3A_1203 = arith.constant 1 : i32
        %get3A_1204 = arith.constant 0 : i32
        %get3A_1205 = arith.constant 3 : i32
        %get3A_1206 = arith.index_cast %get3A_1203 : i32 to index
        %get3A_1207 = arith.index_cast %get3A_1204 : i32 to index
        %get3A_1208 = arith.index_cast %get3A_1205 : i32 to index
        %get3A_1209 = arith.index_cast %scan3A_1174 : i32 to index
        %get3A_1210 = arith.constant 0 : index
        %get3A_1211 = tpu.vector_load %arg9[%get3A_1206, %get3A_1207, %get3A_1208, %get3A_1209, %get3A_1210] {strides = array<i32>} : memref<2x2x4x128x32xf32, #tpu.memory_space<vmem>>, vector<16xf32>,
        %add3A_1212 = arith.addf %get3A_1202, %get3A_1211 : vector<16xf32>
        %add3A_1213 = arith.addf %add3A_1193, %add3A_1212 : vector<16xf32>
        %mul3A_1214 = arith.constant 2.500000e-01 : f32
        %mul3A_1215 = vector.broadcast %mul3A_1214 : f32 to vector<16xf32>
        %mul3A_1216 = arith.mulf %add3A_1213, %mul3A_1215 : vector<16xf32>
        %swap3A_1217 = arith.constant 1 : i32
        %swap3A_1218 = arith.constant 0 : i32
        %swap3A_1219 = arith.index_cast %swap3A_1217 : i32 to index
        %swap3A_1220 = arith.index_cast %swap3A_1218 : i32 to index
        %swap3A_1221 = arith.index_cast %scan3A_1174 : i32 to index
        %swap3A_1222 = arith.constant 0 : index
        %swap3A_1223 = tpu.vector_load %arg10[%swap3A_1219, %swap3A_1220, %swap3A_1221, %swap3A_1222] {strides = array<i32>} : memref<2x2x128x32xf32, #tpu.memory_space<vmem>>, vector<16xf32>,
        tpu.vector_store %arg10[%swap3A_1219, %swap3A_1220, %swap3A_1221, %swap3A_1222], %mul3A_1216 {strides = array<i32>} : memref<2x2x128x32xf32, #tpu.memory_space<vmem>>, vector<16xf32>,
        %get3A_1224 = arith.constant 1 : i32
        %get3A_1225 = arith.constant 0 : i32
        %get3A_1226 = arith.constant 0 : i32
        %get3A_1227 = arith.index_cast %get3A_1224 : i32 to index
        %get3A_1228 = arith.index_cast %get3A_1225 : i32 to index
        %get3A_1229 = arith.index_cast %get3A_1226 : i32 to index
        %get3A_1230 = arith.index_cast %scan3A_1174 : i32 to index
        %get3A_1231 = arith.constant 16 : index
        %get3A_1232 = tpu.vector_load %arg9[%get3A_1227, %get3A_1228, %get3A_1229, %get3A_1230, %get3A_1231] {strides = array<i32>} : memref<2x2x4x128x32xf32, #tpu.memory_space<vmem>>, vector<16xf32>,
        %get3A_1233 = arith.constant 1 : i32
        %get3A_1234 = arith.constant 0 : i32
        %get3A_1235 = arith.constant 1 : i32
        %get3A_1236 = arith.index_cast %get3A_1233 : i32 to index
        %get3A_1237 = arith.index_cast %get3A_1234 : i32 to index
        %get3A_1238 = arith.index_cast %get3A_1235 : i32 to index
        %get3A_1239 = arith.index_cast %scan3A_1174 : i32 to index
        %get3A_1240 = arith.constant 16 : index
        %get3A_1241 = tpu.vector_load %arg9[%get3A_1236, %get3A_1237, %get3A_1238, %get3A_1239, %get3A_1240] {strides = array<i32>} : memref<2x2x4x128x32xf32, #tpu.memory_space<vmem>>, vector<16xf32>,
        %add3A_1242 = arith.addf %get3A_1232, %get3A_1241 : vector<16xf32>
        %get3A_1243 = arith.constant 1 : i32
        %get3A_1244 = arith.constant 0 : i32
        %get3A_1245 = arith.constant 2 : i32
        %get3A_1246 = arith.index_cast %get3A_1243 : i32 to index
        %get3A_1247 = arith.index_cast %get3A_1244 : i32 to index
        %get3A_1248 = arith.index_cast %get3A_1245 : i32 to index
        %get3A_1249 = arith.index_cast %scan3A_1174 : i32 to index
        %get3A_1250 = arith.constant 16 : index
        %get3A_1251 = tpu.vector_load %arg9[%get3A_1246, %get3A_1247, %get3A_1248, %get3A_1249, %get3A_1250] {strides = array<i32>} : memref<2x2x4x128x32xf32, #tpu.memory_space<vmem>>, vector<16xf32>,
        %get3A_1252 = arith.constant 1 : i32
        %get3A_1253 = arith.constant 0 : i32
        %get3A_1254 = arith.constant 3 : i32
        %get3A_1255 = arith.index_cast %get3A_1252 : i32 to index
        %get3A_1256 = arith.index_cast %get3A_1253 : i32 to index
        %get3A_1257 = arith.index_cast %get3A_1254 : i32 to index
        %get3A_1258 = arith.index_cast %scan3A_1174 : i32 to index
        %get3A_1259 = arith.constant 16 : index
        %get3A_1260 = tpu.vector_load %arg9[%get3A_1255, %get3A_1256, %get3A_1257, %get3A_1258, %get3A_1259] {strides = array<i32>} : memref<2x2x4x128x32xf32, #tpu.memory_space<vmem>>, vector<16xf32>,
        %add3A_1261 = arith.addf %get3A_1251, %get3A_1260 : vector<16xf32>
        %add3A_1262 = arith.addf %add3A_1242, %add3A_1261 : vector<16xf32>
        %mul3A_1263 = arith.constant 2.500000e-01 : f32
        %mul3A_1264 = vector.broadcast %mul3A_1263 : f32 to vector<16xf32>
        %mul3A_1265 = arith.mulf %add3A_1262, %mul3A_1264 : vector<16xf32>
        %swap3A_1266 = arith.constant 1 : i32
        %swap3A_1267 = arith.constant 0 : i32
        %swap3A_1268 = arith.index_cast %swap3A_1266 : i32 to index
        %swap3A_1269 = arith.index_cast %swap3A_1267 : i32 to index
        %swap3A_1270 = arith.index_cast %scan3A_1174 : i32 to index
        %swap3A_1271 = arith.constant 16 : index
        %swap3A_1272 = tpu.vector_load %arg10[%swap3A_1268, %swap3A_1269, %swap3A_1270, %swap3A_1271] {strides = array<i32>} : memref<2x2x128x32xf32, #tpu.memory_space<vmem>>, vector<16xf32>,
        tpu.vector_store %arg10[%swap3A_1268, %swap3A_1269, %swap3A_1270, %swap3A_1271], %mul3A_1265 {strides = array<i32>} : memref<2x2x128x32xf32, #tpu.memory_space<vmem>>, vector<16xf32>,
        %scan3A_1273 = arith.constant 7 : i32
        %scan3A_1274 = arith.addi %scan3A_576, %scan3A_1273 : i32
        %get3A_1275 = arith.constant 1 : i32
        %get3A_1276 = arith.constant 0 : i32
        %get3A_1277 = arith.constant 0 : i32
        %get3A_1278 = arith.index_cast %get3A_1275 : i32 to index
        %get3A_1279 = arith.index_cast %get3A_1276 : i32 to index
        %get3A_1280 = arith.index_cast %get3A_1277 : i32 to index
        %get3A_1281 = arith.index_cast %scan3A_1274 : i32 to index
        %get3A_1282 = arith.constant 0 : index
        %get3A_1283 = tpu.vector_load %arg9[%get3A_1278, %get3A_1279, %get3A_1280, %get3A_1281, %get3A_1282] {strides = array<i32>} : memref<2x2x4x128x32xf32, #tpu.memory_space<vmem>>, vector<16xf32>,
        %get3A_1284 = arith.constant 1 : i32
        %get3A_1285 = arith.constant 0 : i32
        %get3A_1286 = arith.constant 1 : i32
        %get3A_1287 = arith.index_cast %get3A_1284 : i32 to index
        %get3A_1288 = arith.index_cast %get3A_1285 : i32 to index
        %get3A_1289 = arith.index_cast %get3A_1286 : i32 to index
        %get3A_1290 = arith.index_cast %scan3A_1274 : i32 to index
        %get3A_1291 = arith.constant 0 : index
        %get3A_1292 = tpu.vector_load %arg9[%get3A_1287, %get3A_1288, %get3A_1289, %get3A_1290, %get3A_1291] {strides = array<i32>} : memref<2x2x4x128x32xf32, #tpu.memory_space<vmem>>, vector<16xf32>,
        %add3A_1293 = arith.addf %get3A_1283, %get3A_1292 : vector<16xf32>
        %get3A_1294 = arith.constant 1 : i32
        %get3A_1295 = arith.constant 0 : i32
        %get3A_1296 = arith.constant 2 : i32
        %get3A_1297 = arith.index_cast %get3A_1294 : i32 to index
        %get3A_1298 = arith.index_cast %get3A_1295 : i32 to index
        %get3A_1299 = arith.index_cast %get3A_1296 : i32 to index
        %get3A_1300 = arith.index_cast %scan3A_1274 : i32 to index
        %get3A_1301 = arith.constant 0 : index
        %get3A_1302 = tpu.vector_load %arg9[%get3A_1297, %get3A_1298, %get3A_1299, %get3A_1300, %get3A_1301] {strides = array<i32>} : memref<2x2x4x128x32xf32, #tpu.memory_space<vmem>>, vector<16xf32>,
        %get3A_1303 = arith.constant 1 : i32
        %get3A_1304 = arith.constant 0 : i32
        %get3A_1305 = arith.constant 3 : i32
        %get3A_1306 = arith.index_cast %get3A_1303 : i32 to index
        %get3A_1307 = arith.index_cast %get3A_1304 : i32 to index
        %get3A_1308 = arith.index_cast %get3A_1305 : i32 to index
        %get3A_1309 = arith.index_cast %scan3A_1274 : i32 to index
        %get3A_1310 = arith.constant 0 : index
        %get3A_1311 = tpu.vector_load %arg9[%get3A_1306, %get3A_1307, %get3A_1308, %get3A_1309, %get3A_1310] {strides = array<i32>} : memref<2x2x4x128x32xf32, #tpu.memory_space<vmem>>, vector<16xf32>,
        %add3A_1312 = arith.addf %get3A_1302, %get3A_1311 : vector<16xf32>
        %add3A_1313 = arith.addf %add3A_1293, %add3A_1312 : vector<16xf32>
        %mul3A_1314 = arith.constant 2.500000e-01 : f32
        %mul3A_1315 = vector.broadcast %mul3A_1314 : f32 to vector<16xf32>
        %mul3A_1316 = arith.mulf %add3A_1313, %mul3A_1315 : vector<16xf32>
        %swap3A_1317 = arith.constant 1 : i32
        %swap3A_1318 = arith.constant 0 : i32
        %swap3A_1319 = arith.index_cast %swap3A_1317 : i32 to index
        %swap3A_1320 = arith.index_cast %swap3A_1318 : i32 to index
        %swap3A_1321 = arith.index_cast %scan3A_1274 : i32 to index
        %swap3A_1322 = arith.constant 0 : index
        %swap3A_1323 = tpu.vector_load %arg10[%swap3A_1319, %swap3A_1320, %swap3A_1321, %swap3A_1322] {strides = array<i32>} : memref<2x2x128x32xf32, #tpu.memory_space<vmem>>, vector<16xf32>,
        tpu.vector_store %arg10[%swap3A_1319, %swap3A_1320, %swap3A_1321, %swap3A_1322], %mul3A_1316 {strides = array<i32>} : memref<2x2x128x32xf32, #tpu.memory_space<vmem>>, vector<16xf32>,
        %get3A_1324 = arith.constant 1 : i32
        %get3A_1325 = arith.constant 0 : i32
        %get3A_1326 = arith.constant 0 : i32
        %get3A_1327 = arith.index_cast %get3A_1324 : i32 to index
        %get3A_1328 = arith.index_cast %get3A_1325 : i32 to index
        %get3A_1329 = arith.index_cast %get3A_1326 : i32 to index
        %get3A_1330 = arith.index_cast %scan3A_1274 : i32 to index
        %get3A_1331 = arith.constant 16 : index
        %get3A_1332 = tpu.vector_load %arg9[%get3A_1327, %get3A_1328, %get3A_1329, %get3A_1330, %get3A_1331] {strides = array<i32>} : memref<2x2x4x128x32xf32, #tpu.memory_space<vmem>>, vector<16xf32>,
        %get3A_1333 = arith.constant 1 : i32
        %get3A_1334 = arith.constant 0 : i32
        %get3A_1335 = arith.constant 1 : i32
        %get3A_1336 = arith.index_cast %get3A_1333 : i32 to index
        %get3A_1337 = arith.index_cast %get3A_1334 : i32 to index
        %get3A_1338 = arith.index_cast %get3A_1335 : i32 to index
        %get3A_1339 = arith.index_cast %scan3A_1274 : i32 to index
        %get3A_1340 = arith.constant 16 : index
        %get3A_1341 = tpu.vector_load %arg9[%get3A_1336, %get3A_1337, %get3A_1338, %get3A_1339, %get3A_1340] {strides = array<i32>} : memref<2x2x4x128x32xf32, #tpu.memory_space<vmem>>, vector<16xf32>,
        %add3A_1342 = arith.addf %get3A_1332, %get3A_1341 : vector<16xf32>
        %get3A_1343 = arith.constant 1 : i32
        %get3A_1344 = arith.constant 0 : i32
        %get3A_1345 = arith.constant 2 : i32
        %get3A_1346 = arith.index_cast %get3A_1343 : i32 to index
        %get3A_1347 = arith.index_cast %get3A_1344 : i32 to index
        %get3A_1348 = arith.index_cast %get3A_1345 : i32 to index
        %get3A_1349 = arith.index_cast %scan3A_1274 : i32 to index
        %get3A_1350 = arith.constant 16 : index
        %get3A_1351 = tpu.vector_load %arg9[%get3A_1346, %get3A_1347, %get3A_1348, %get3A_1349, %get3A_1350] {strides = array<i32>} : memref<2x2x4x128x32xf32, #tpu.memory_space<vmem>>, vector<16xf32>,
        %get3A_1352 = arith.constant 1 : i32
        %get3A_1353 = arith.constant 0 : i32
        %get3A_1354 = arith.constant 3 : i32
        %get3A_1355 = arith.index_cast %get3A_1352 : i32 to index
        %get3A_1356 = arith.index_cast %get3A_1353 : i32 to index
        %get3A_1357 = arith.index_cast %get3A_1354 : i32 to index
        %get3A_1358 = arith.index_cast %scan3A_1274 : i32 to index
        %get3A_1359 = arith.constant 16 : index
        %get3A_1360 = tpu.vector_load %arg9[%get3A_1355, %get3A_1356, %get3A_1357, %get3A_1358, %get3A_1359] {strides = array<i32>} : memref<2x2x4x128x32xf32, #tpu.memory_space<vmem>>, vector<16xf32>,
        %add3A_1361 = arith.addf %get3A_1351, %get3A_1360 : vector<16xf32>
        %add3A_1362 = arith.addf %add3A_1342, %add3A_1361 : vector<16xf32>
        %mul3A_1363 = arith.constant 2.500000e-01 : f32
        %mul3A_1364 = vector.broadcast %mul3A_1363 : f32 to vector<16xf32>
        %mul3A_1365 = arith.mulf %add3A_1362, %mul3A_1364 : vector<16xf32>
        %swap3A_1366 = arith.constant 1 : i32
        %swap3A_1367 = arith.constant 0 : i32
        %swap3A_1368 = arith.index_cast %swap3A_1366 : i32 to index
        %swap3A_1369 = arith.index_cast %swap3A_1367 : i32 to index
        %swap3A_1370 = arith.index_cast %scan3A_1274 : i32 to index
        %swap3A_1371 = arith.constant 16 : index
        %swap3A_1372 = tpu.vector_load %arg10[%swap3A_1368, %swap3A_1369, %swap3A_1370, %swap3A_1371] {strides = array<i32>} : memref<2x2x128x32xf32, #tpu.memory_space<vmem>>, vector<16xf32>,
        tpu.vector_store %arg10[%swap3A_1368, %swap3A_1369, %swap3A_1370, %swap3A_1371], %mul3A_1365 {strides = array<i32>} : memref<2x2x128x32xf32, #tpu.memory_space<vmem>>, vector<16xf32>,
      }
      %scan3A_552 = arith.constant 128 : i32
      %scan3A_553 = arith.constant 0 : i32
      %scan3A_554 = arith.constant 0 : i32
      %scan3A_555 = arith.constant 128 : i32
      %scan3A_556 = arith.addi %scan3A_554, %scan3A_555 : i32
      %scan3A_557 = arith.constant 8 : i32
      scf.for %scan3A_576 = %scan3A_554 to %scan3A_556 step %scan3A_557  : i32 {
        %get3A = arith.constant 1 : i32
        %get3A_577 = arith.constant 1 : i32
        %get3A_578 = arith.constant 0 : i32
        %get3A_579 = arith.index_cast %get3A : i32 to index
        %get3A_580 = arith.index_cast %get3A_577 : i32 to index
        %get3A_581 = arith.index_cast %get3A_578 : i32 to index
        %get3A_582 = arith.index_cast %scan3A_576 : i32 to index
        %get3A_583 = arith.constant 0 : index
        %get3A_584 = tpu.vector_load %arg9[%get3A_579, %get3A_580, %get3A_581, %get3A_582, %get3A_583] {strides = array<i32>} : memref<2x2x4x128x32xf32, #tpu.memory_space<vmem>>, vector<16xf32>,
        %get3A_585 = arith.constant 1 : i32
        %get3A_586 = arith.constant 1 : i32
        %get3A_587 = arith.constant 1 : i32
        %get3A_588 = arith.index_cast %get3A_585 : i32 to index
        %get3A_589 = arith.index_cast %get3A_586 : i32 to index
        %get3A_590 = arith.index_cast %get3A_587 : i32 to index
        %get3A_591 = arith.index_cast %scan3A_576 : i32 to index
        %get3A_592 = arith.constant 0 : index
        %get3A_593 = tpu.vector_load %arg9[%get3A_588, %get3A_589, %get3A_590, %get3A_591, %get3A_592] {strides = array<i32>} : memref<2x2x4x128x32xf32, #tpu.memory_space<vmem>>, vector<16xf32>,
        %add3A_594 = arith.addf %get3A_584, %get3A_593 : vector<16xf32>
        %get3A_595 = arith.constant 1 : i32
        %get3A_596 = arith.constant 1 : i32
        %get3A_597 = arith.constant 2 : i32
        %get3A_598 = arith.index_cast %get3A_595 : i32 to index
        %get3A_599 = arith.index_cast %get3A_596 : i32 to index
        %get3A_600 = arith.index_cast %get3A_597 : i32 to index
        %get3A_601 = arith.index_cast %scan3A_576 : i32 to index
        %get3A_602 = arith.constant 0 : index
        %get3A_603 = tpu.vector_load %arg9[%get3A_598, %get3A_599, %get3A_600, %get3A_601, %get3A_602] {strides = array<i32>} : memref<2x2x4x128x32xf32, #tpu.memory_space<vmem>>, vector<16xf32>,
        %get3A_604 = arith.constant 1 : i32
        %get3A_605 = arith.constant 1 : i32
        %get3A_606 = arith.constant 3 : i32
        %get3A_607 = arith.index_cast %get3A_604 : i32 to index
        %get3A_608 = arith.index_cast %get3A_605 : i32 to index
        %get3A_609 = arith.index_cast %get3A_606 : i32 to index
        %get3A_610 = arith.index_cast %scan3A_576 : i32 to index
        %get3A_611 = arith.constant 0 : index
        %get3A_612 = tpu.vector_load %arg9[%get3A_607, %get3A_608, %get3A_609, %get3A_610, %get3A_611] {strides = array<i32>} : memref<2x2x4x128x32xf32, #tpu.memory_space<vmem>>, vector<16xf32>,
        %add3A_613 = arith.addf %get3A_603, %get3A_612 : vector<16xf32>
        %add3A_614 = arith.addf %add3A_594, %add3A_613 : vector<16xf32>
        %mul3A_615 = arith.constant 2.500000e-01 : f32
        %mul3A_616 = vector.broadcast %mul3A_615 : f32 to vector<16xf32>
        %mul3A_617 = arith.mulf %add3A_614, %mul3A_616 : vector<16xf32>
        %swap3A = arith.constant 1 : i32
        %swap3A_618 = arith.constant 1 : i32
        %swap3A_619 = arith.index_cast %swap3A : i32 to index
        %swap3A_620 = arith.index_cast %swap3A_618 : i32 to index
        %swap3A_621 = arith.index_cast %scan3A_576 : i32 to index
        %swap3A_622 = arith.constant 0 : index
        %swap3A_623 = tpu.vector_load %arg10[%swap3A_619, %swap3A_620, %swap3A_621, %swap3A_622] {strides = array<i32>} : memref<2x2x128x32xf32, #tpu.memory_space<vmem>>, vector<16xf32>,
        tpu.vector_store %arg10[%swap3A_619, %swap3A_620, %swap3A_621, %swap3A_622], %mul3A_617 {strides = array<i32>} : memref<2x2x128x32xf32, #tpu.memory_space<vmem>>, vector<16xf32>,
        %get3A_624 = arith.constant 1 : i32
        %get3A_625 = arith.constant 1 : i32
        %get3A_626 = arith.constant 0 : i32
        %get3A_627 = arith.index_cast %get3A_624 : i32 to index
        %get3A_628 = arith.index_cast %get3A_625 : i32 to index
        %get3A_629 = arith.index_cast %get3A_626 : i32 to index
        %get3A_630 = arith.index_cast %scan3A_576 : i32 to index
        %get3A_631 = arith.constant 16 : index
        %get3A_632 = tpu.vector_load %arg9[%get3A_627, %get3A_628, %get3A_629, %get3A_630, %get3A_631] {strides = array<i32>} : memref<2x2x4x128x32xf32, #tpu.memory_space<vmem>>, vector<16xf32>,
        %get3A_633 = arith.constant 1 : i32
        %get3A_634 = arith.constant 1 : i32
        %get3A_635 = arith.constant 1 : i32
        %get3A_636 = arith.index_cast %get3A_633 : i32 to index
        %get3A_637 = arith.index_cast %get3A_634 : i32 to index
        %get3A_638 = arith.index_cast %get3A_635 : i32 to index
        %get3A_639 = arith.index_cast %scan3A_576 : i32 to index
        %get3A_640 = arith.constant 16 : index
        %get3A_641 = tpu.vector_load %arg9[%get3A_636, %get3A_637, %get3A_638, %get3A_639, %get3A_640] {strides = array<i32>} : memref<2x2x4x128x32xf32, #tpu.memory_space<vmem>>, vector<16xf32>,
        %add3A_642 = arith.addf %get3A_632, %get3A_641 : vector<16xf32>
        %get3A_643 = arith.constant 1 : i32
        %get3A_644 = arith.constant 1 : i32
        %get3A_645 = arith.constant 2 : i32
        %get3A_646 = arith.index_cast %get3A_643 : i32 to index
        %get3A_647 = arith.index_cast %get3A_644 : i32 to index
        %get3A_648 = arith.index_cast %get3A_645 : i32 to index
        %get3A_649 = arith.index_cast %scan3A_576 : i32 to index
        %get3A_650 = arith.constant 16 : index
        %get3A_651 = tpu.vector_load %arg9[%get3A_646, %get3A_647, %get3A_648, %get3A_649, %get3A_650] {strides = array<i32>} : memref<2x2x4x128x32xf32, #tpu.memory_space<vmem>>, vector<16xf32>,
        %get3A_652 = arith.constant 1 : i32
        %get3A_653 = arith.constant 1 : i32
        %get3A_654 = arith.constant 3 : i32
        %get3A_655 = arith.index_cast %get3A_652 : i32 to index
        %get3A_656 = arith.index_cast %get3A_653 : i32 to index
        %get3A_657 = arith.index_cast %get3A_654 : i32 to index
        %get3A_658 = arith.index_cast %scan3A_576 : i32 to index
        %get3A_659 = arith.constant 16 : index
        %get3A_660 = tpu.vector_load %arg9[%get3A_655, %get3A_656, %get3A_657, %get3A_658, %get3A_659] {strides = array<i32>} : memref<2x2x4x128x32xf32, #tpu.memory_space<vmem>>, vector<16xf32>,
        %add3A_661 = arith.addf %get3A_651, %get3A_660 : vector<16xf32>
        %add3A_662 = arith.addf %add3A_642, %add3A_661 : vector<16xf32>
        %mul3A_663 = arith.constant 2.500000e-01 : f32
        %mul3A_664 = vector.broadcast %mul3A_663 : f32 to vector<16xf32>
        %mul3A_665 = arith.mulf %add3A_662, %mul3A_664 : vector<16xf32>
        %swap3A_666 = arith.constant 1 : i32
        %swap3A_667 = arith.constant 1 : i32
        %swap3A_668 = arith.index_cast %swap3A_666 : i32 to index
        %swap3A_669 = arith.index_cast %swap3A_667 : i32 to index
        %swap3A_670 = arith.index_cast %scan3A_576 : i32 to index
        %swap3A_671 = arith.constant 16 : index
        %swap3A_672 = tpu.vector_load %arg10[%swap3A_668, %swap3A_669, %swap3A_670, %swap3A_671] {strides = array<i32>} : memref<2x2x128x32xf32, #tpu.memory_space<vmem>>, vector<16xf32>,
        tpu.vector_store %arg10[%swap3A_668, %swap3A_669, %swap3A_670, %swap3A_671], %mul3A_665 {strides = array<i32>} : memref<2x2x128x32xf32, #tpu.memory_space<vmem>>, vector<16xf32>,
        %scan3A_673 = arith.constant 1 : i32
        %scan3A_674 = arith.addi %scan3A_576, %scan3A_673 : i32
        %get3A_675 = arith.constant 1 : i32
        %get3A_676 = arith.constant 1 : i32
        %get3A_677 = arith.constant 0 : i32
        %get3A_678 = arith.index_cast %get3A_675 : i32 to index
        %get3A_679 = arith.index_cast %get3A_676 : i32 to index
        %get3A_680 = arith.index_cast %get3A_677 : i32 to index
        %get3A_681 = arith.index_cast %scan3A_674 : i32 to index
        %get3A_682 = arith.constant 0 : index
        %get3A_683 = tpu.vector_load %arg9[%get3A_678, %get3A_679, %get3A_680, %get3A_681, %get3A_682] {strides = array<i32>} : memref<2x2x4x128x32xf32, #tpu.memory_space<vmem>>, vector<16xf32>,
        %get3A_684 = arith.constant 1 : i32
        %get3A_685 = arith.constant 1 : i32
        %get3A_686 = arith.constant 1 : i32
        %get3A_687 = arith.index_cast %get3A_684 : i32 to index
        %get3A_688 = arith.index_cast %get3A_685 : i32 to index
        %get3A_689 = arith.index_cast %get3A_686 : i32 to index
        %get3A_690 = arith.index_cast %scan3A_674 : i32 to index
        %get3A_691 = arith.constant 0 : index
        %get3A_692 = tpu.vector_load %arg9[%get3A_687, %get3A_688, %get3A_689, %get3A_690, %get3A_691] {strides = array<i32>} : memref<2x2x4x128x32xf32, #tpu.memory_space<vmem>>, vector<16xf32>,
        %add3A_693 = arith.addf %get3A_683, %get3A_692 : vector<16xf32>
        %get3A_694 = arith.constant 1 : i32
        %get3A_695 = arith.constant 1 : i32
        %get3A_696 = arith.constant 2 : i32
        %get3A_697 = arith.index_cast %get3A_694 : i32 to index
        %get3A_698 = arith.index_cast %get3A_695 : i32 to index
        %get3A_699 = arith.index_cast %get3A_696 : i32 to index
        %get3A_700 = arith.index_cast %scan3A_674 : i32 to index
        %get3A_701 = arith.constant 0 : index
        %get3A_702 = tpu.vector_load %arg9[%get3A_697, %get3A_698, %get3A_699, %get3A_700, %get3A_701] {strides = array<i32>} : memref<2x2x4x128x32xf32, #tpu.memory_space<vmem>>, vector<16xf32>,
        %get3A_703 = arith.constant 1 : i32
        %get3A_704 = arith.constant 1 : i32
        %get3A_705 = arith.constant 3 : i32
        %get3A_706 = arith.index_cast %get3A_703 : i32 to index
        %get3A_707 = arith.index_cast %get3A_704 : i32 to index
        %get3A_708 = arith.index_cast %get3A_705 : i32 to index
        %get3A_709 = arith.index_cast %scan3A_674 : i32 to index
        %get3A_710 = arith.constant 0 : index
        %get3A_711 = tpu.vector_load %arg9[%get3A_706, %get3A_707, %get3A_708, %get3A_709, %get3A_710] {strides = array<i32>} : memref<2x2x4x128x32xf32, #tpu.memory_space<vmem>>, vector<16xf32>,
        %add3A_712 = arith.addf %get3A_702, %get3A_711 : vector<16xf32>
        %add3A_713 = arith.addf %add3A_693, %add3A_712 : vector<16xf32>
        %mul3A_714 = arith.constant 2.500000e-01 : f32
        %mul3A_715 = vector.broadcast %mul3A_714 : f32 to vector<16xf32>
        %mul3A_716 = arith.mulf %add3A_713, %mul3A_715 : vector<16xf32>
        %swap3A_717 = arith.constant 1 : i32
        %swap3A_718 = arith.constant 1 : i32
        %swap3A_719 = arith.index_cast %swap3A_717 : i32 to index
        %swap3A_720 = arith.index_cast %swap3A_718 : i32 to index
        %swap3A_721 = arith.index_cast %scan3A_674 : i32 to index
        %swap3A_722 = arith.constant 0 : index
        %swap3A_723 = tpu.vector_load %arg10[%swap3A_719, %swap3A_720, %swap3A_721, %swap3A_722] {strides = array<i32>} : memref<2x2x128x32xf32, #tpu.memory_space<vmem>>, vector<16xf32>,
        tpu.vector_store %arg10[%swap3A_719, %swap3A_720, %swap3A_721, %swap3A_722], %mul3A_716 {strides = array<i32>} : memref<2x2x128x32xf32, #tpu.memory_space<vmem>>, vector<16xf32>,
        %get3A_724 = arith.constant 1 : i32
        %get3A_725 = arith.constant 1 : i32
        %get3A_726 = arith.constant 0 : i32
        %get3A_727 = arith.index_cast %get3A_724 : i32 to index
        %get3A_728 = arith.index_cast %get3A_725 : i32 to index
        %get3A_729 = arith.index_cast %get3A_726 : i32 to index
        %get3A_730 = arith.index_cast %scan3A_674 : i32 to index
        %get3A_731 = arith.constant 16 : index
        %get3A_732 = tpu.vector_load %arg9[%get3A_727, %get3A_728, %get3A_729, %get3A_730, %get3A_731] {strides = array<i32>} : memref<2x2x4x128x32xf32, #tpu.memory_space<vmem>>, vector<16xf32>,
        %get3A_733 = arith.constant 1 : i32
        %get3A_734 = arith.constant 1 : i32
        %get3A_735 = arith.constant 1 : i32
        %get3A_736 = arith.index_cast %get3A_733 : i32 to index
        %get3A_737 = arith.index_cast %get3A_734 : i32 to index
        %get3A_738 = arith.index_cast %get3A_735 : i32 to index
        %get3A_739 = arith.index_cast %scan3A_674 : i32 to index
        %get3A_740 = arith.constant 16 : index
        %get3A_741 = tpu.vector_load %arg9[%get3A_736, %get3A_737, %get3A_738, %get3A_739, %get3A_740] {strides = array<i32>} : memref<2x2x4x128x32xf32, #tpu.memory_space<vmem>>, vector<16xf32>,
        %add3A_742 = arith.addf %get3A_732, %get3A_741 : vector<16xf32>
        %get3A_743 = arith.constant 1 : i32
        %get3A_744 = arith.constant 1 : i32
        %get3A_745 = arith.constant 2 : i32
        %get3A_746 = arith.index_cast %get3A_743 : i32 to index
        %get3A_747 = arith.index_cast %get3A_744 : i32 to index
        %get3A_748 = arith.index_cast %get3A_745 : i32 to index
        %get3A_749 = arith.index_cast %scan3A_674 : i32 to index
        %get3A_750 = arith.constant 16 : index
        %get3A_751 = tpu.vector_load %arg9[%get3A_746, %get3A_747, %get3A_748, %get3A_749, %get3A_750] {strides = array<i32>} : memref<2x2x4x128x32xf32, #tpu.memory_space<vmem>>, vector<16xf32>,
        %get3A_752 = arith.constant 1 : i32
        %get3A_753 = arith.constant 1 : i32
        %get3A_754 = arith.constant 3 : i32
        %get3A_755 = arith.index_cast %get3A_752 : i32 to index
        %get3A_756 = arith.index_cast %get3A_753 : i32 to index
        %get3A_757 = arith.index_cast %get3A_754 : i32 to index
        %get3A_758 = arith.index_cast %scan3A_674 : i32 to index
        %get3A_759 = arith.constant 16 : index
        %get3A_760 = tpu.vector_load %arg9[%get3A_755, %get3A_756, %get3A_757, %get3A_758, %get3A_759] {strides = array<i32>} : memref<2x2x4x128x32xf32, #tpu.memory_space<vmem>>, vector<16xf32>,
        %add3A_761 = arith.addf %get3A_751, %get3A_760 : vector<16xf32>
        %add3A_762 = arith.addf %add3A_742, %add3A_761 : vector<16xf32>
        %mul3A_763 = arith.constant 2.500000e-01 : f32
        %mul3A_764 = vector.broadcast %mul3A_763 : f32 to vector<16xf32>
        %mul3A_765 = arith.mulf %add3A_762, %mul3A_764 : vector<16xf32>
        %swap3A_766 = arith.constant 1 : i32
        %swap3A_767 = arith.constant 1 : i32
        %swap3A_768 = arith.index_cast %swap3A_766 : i32 to index
        %swap3A_769 = arith.index_cast %swap3A_767 : i32 to index
        %swap3A_770 = arith.index_cast %scan3A_674 : i32 to index
        %swap3A_771 = arith.constant 16 : index
        %swap3A_772 = tpu.vector_load %arg10[%swap3A_768, %swap3A_769, %swap3A_770, %swap3A_771] {strides = array<i32>} : memref<2x2x128x32xf32, #tpu.memory_space<vmem>>, vector<16xf32>,
        tpu.vector_store %arg10[%swap3A_768, %swap3A_769, %swap3A_770, %swap3A_771], %mul3A_765 {strides = array<i32>} : memref<2x2x128x32xf32, #tpu.memory_space<vmem>>, vector<16xf32>,
        %scan3A_773 = arith.constant 2 : i32
        %scan3A_774 = arith.addi %scan3A_576, %scan3A_773 : i32
        %get3A_775 = arith.constant 1 : i32
        %get3A_776 = arith.constant 1 : i32
        %get3A_777 = arith.constant 0 : i32
        %get3A_778 = arith.index_cast %get3A_775 : i32 to index
        %get3A_779 = arith.index_cast %get3A_776 : i32 to index
        %get3A_780 = arith.index_cast %get3A_777 : i32 to index
        %get3A_781 = arith.index_cast %scan3A_774 : i32 to index
        %get3A_782 = arith.constant 0 : index
        %get3A_783 = tpu.vector_load %arg9[%get3A_778, %get3A_779, %get3A_780, %get3A_781, %get3A_782] {strides = array<i32>} : memref<2x2x4x128x32xf32, #tpu.memory_space<vmem>>, vector<16xf32>,
        %get3A_784 = arith.constant 1 : i32
        %get3A_785 = arith.constant 1 : i32
        %get3A_786 = arith.constant 1 : i32
        %get3A_787 = arith.index_cast %get3A_784 : i32 to index
        %get3A_788 = arith.index_cast %get3A_785 : i32 to index
        %get3A_789 = arith.index_cast %get3A_786 : i32 to index
        %get3A_790 = arith.index_cast %scan3A_774 : i32 to index
        %get3A_791 = arith.constant 0 : index
        %get3A_792 = tpu.vector_load %arg9[%get3A_787, %get3A_788, %get3A_789, %get3A_790, %get3A_791] {strides = array<i32>} : memref<2x2x4x128x32xf32, #tpu.memory_space<vmem>>, vector<16xf32>,
        %add3A_793 = arith.addf %get3A_783, %get3A_792 : vector<16xf32>
        %get3A_794 = arith.constant 1 : i32
        %get3A_795 = arith.constant 1 : i32
        %get3A_796 = arith.constant 2 : i32
        %get3A_797 = arith.index_cast %get3A_794 : i32 to index
        %get3A_798 = arith.index_cast %get3A_795 : i32 to index
        %get3A_799 = arith.index_cast %get3A_796 : i32 to index
        %get3A_800 = arith.index_cast %scan3A_774 : i32 to index
        %get3A_801 = arith.constant 0 : index
        %get3A_802 = tpu.vector_load %arg9[%get3A_797, %get3A_798, %get3A_799, %get3A_800, %get3A_801] {strides = array<i32>} : memref<2x2x4x128x32xf32, #tpu.memory_space<vmem>>, vector<16xf32>,
        %get3A_803 = arith.constant 1 : i32
        %get3A_804 = arith.constant 1 : i32
        %get3A_805 = arith.constant 3 : i32
        %get3A_806 = arith.index_cast %get3A_803 : i32 to index
        %get3A_807 = arith.index_cast %get3A_804 : i32 to index
        %get3A_808 = arith.index_cast %get3A_805 : i32 to index
        %get3A_809 = arith.index_cast %scan3A_774 : i32 to index
        %get3A_810 = arith.constant 0 : index
        %get3A_811 = tpu.vector_load %arg9[%get3A_806, %get3A_807, %get3A_808, %get3A_809, %get3A_810] {strides = array<i32>} : memref<2x2x4x128x32xf32, #tpu.memory_space<vmem>>, vector<16xf32>,
        %add3A_812 = arith.addf %get3A_802, %get3A_811 : vector<16xf32>
        %add3A_813 = arith.addf %add3A_793, %add3A_812 : vector<16xf32>
        %mul3A_814 = arith.constant 2.500000e-01 : f32
        %mul3A_815 = vector.broadcast %mul3A_814 : f32 to vector<16xf32>
        %mul3A_816 = arith.mulf %add3A_813, %mul3A_815 : vector<16xf32>
        %swap3A_817 = arith.constant 1 : i32
        %swap3A_818 = arith.constant 1 : i32
        %swap3A_819 = arith.index_cast %swap3A_817 : i32 to index
        %swap3A_820 = arith.index_cast %swap3A_818 : i32 to index
        %swap3A_821 = arith.index_cast %scan3A_774 : i32 to index
        %swap3A_822 = arith.constant 0 : index
        %swap3A_823 = tpu.vector_load %arg10[%swap3A_819, %swap3A_820, %swap3A_821, %swap3A_822] {strides = array<i32>} : memref<2x2x128x32xf32, #tpu.memory_space<vmem>>, vector<16xf32>,
        tpu.vector_store %arg10[%swap3A_819, %swap3A_820, %swap3A_821, %swap3A_822], %mul3A_816 {strides = array<i32>} : memref<2x2x128x32xf32, #tpu.memory_space<vmem>>, vector<16xf32>,
        %get3A_824 = arith.constant 1 : i32
        %get3A_825 = arith.constant 1 : i32
        %get3A_826 = arith.constant 0 : i32
        %get3A_827 = arith.index_cast %get3A_824 : i32 to index
        %get3A_828 = arith.index_cast %get3A_825 : i32 to index
        %get3A_829 = arith.index_cast %get3A_826 : i32 to index
        %get3A_830 = arith.index_cast %scan3A_774 : i32 to index
        %get3A_831 = arith.constant 16 : index
        %get3A_832 = tpu.vector_load %arg9[%get3A_827, %get3A_828, %get3A_829, %get3A_830, %get3A_831] {strides = array<i32>} : memref<2x2x4x128x32xf32, #tpu.memory_space<vmem>>, vector<16xf32>,
        %get3A_833 = arith.constant 1 : i32
        %get3A_834 = arith.constant 1 : i32
        %get3A_835 = arith.constant 1 : i32
        %get3A_836 = arith.index_cast %get3A_833 : i32 to index
        %get3A_837 = arith.index_cast %get3A_834 : i32 to index
        %get3A_838 = arith.index_cast %get3A_835 : i32 to index
        %get3A_839 = arith.index_cast %scan3A_774 : i32 to index
        %get3A_840 = arith.constant 16 : index
        %get3A_841 = tpu.vector_load %arg9[%get3A_836, %get3A_837, %get3A_838, %get3A_839, %get3A_840] {strides = array<i32>} : memref<2x2x4x128x32xf32, #tpu.memory_space<vmem>>, vector<16xf32>,
        %add3A_842 = arith.addf %get3A_832, %get3A_841 : vector<16xf32>
        %get3A_843 = arith.constant 1 : i32
        %get3A_844 = arith.constant 1 : i32
        %get3A_845 = arith.constant 2 : i32
        %get3A_846 = arith.index_cast %get3A_843 : i32 to index
        %get3A_847 = arith.index_cast %get3A_844 : i32 to index
        %get3A_848 = arith.index_cast %get3A_845 : i32 to index
        %get3A_849 = arith.index_cast %scan3A_774 : i32 to index
        %get3A_850 = arith.constant 16 : index
        %get3A_851 = tpu.vector_load %arg9[%get3A_846, %get3A_847, %get3A_848, %get3A_849, %get3A_850] {strides = array<i32>} : memref<2x2x4x128x32xf32, #tpu.memory_space<vmem>>, vector<16xf32>,
        %get3A_852 = arith.constant 1 : i32
        %get3A_853 = arith.constant 1 : i32
        %get3A_854 = arith.constant 3 : i32
        %get3A_855 = arith.index_cast %get3A_852 : i32 to index
        %get3A_856 = arith.index_cast %get3A_853 : i32 to index
        %get3A_857 = arith.index_cast %get3A_854 : i32 to index
        %get3A_858 = arith.index_cast %scan3A_774 : i32 to index
        %get3A_859 = arith.constant 16 : index
        %get3A_860 = tpu.vector_load %arg9[%get3A_855, %get3A_856, %get3A_857, %get3A_858, %get3A_859] {strides = array<i32>} : memref<2x2x4x128x32xf32, #tpu.memory_space<vmem>>, vector<16xf32>,
        %add3A_861 = arith.addf %get3A_851, %get3A_860 : vector<16xf32>
        %add3A_862 = arith.addf %add3A_842, %add3A_861 : vector<16xf32>
        %mul3A_863 = arith.constant 2.500000e-01 : f32
        %mul3A_864 = vector.broadcast %mul3A_863 : f32 to vector<16xf32>
        %mul3A_865 = arith.mulf %add3A_862, %mul3A_864 : vector<16xf32>
        %swap3A_866 = arith.constant 1 : i32
        %swap3A_867 = arith.constant 1 : i32
        %swap3A_868 = arith.index_cast %swap3A_866 : i32 to index
        %swap3A_869 = arith.index_cast %swap3A_867 : i32 to index
        %swap3A_870 = arith.index_cast %scan3A_774 : i32 to index
        %swap3A_871 = arith.constant 16 : index
        %swap3A_872 = tpu.vector_load %arg10[%swap3A_868, %swap3A_869, %swap3A_870, %swap3A_871] {strides = array<i32>} : memref<2x2x128x32xf32, #tpu.memory_space<vmem>>, vector<16xf32>,
        tpu.vector_store %arg10[%swap3A_868, %swap3A_869, %swap3A_870, %swap3A_871], %mul3A_865 {strides = array<i32>} : memref<2x2x128x32xf32, #tpu.memory_space<vmem>>, vector<16xf32>,
        %scan3A_873 = arith.constant 3 : i32
        %scan3A_874 = arith.addi %scan3A_576, %scan3A_873 : i32
        %get3A_875 = arith.constant 1 : i32
        %get3A_876 = arith.constant 1 : i32
        %get3A_877 = arith.constant 0 : i32
        %get3A_878 = arith.index_cast %get3A_875 : i32 to index
        %get3A_879 = arith.index_cast %get3A_876 : i32 to index
        %get3A_880 = arith.index_cast %get3A_877 : i32 to index
        %get3A_881 = arith.index_cast %scan3A_874 : i32 to index
        %get3A_882 = arith.constant 0 : index
        %get3A_883 = tpu.vector_load %arg9[%get3A_878, %get3A_879, %get3A_880, %get3A_881, %get3A_882] {strides = array<i32>} : memref<2x2x4x128x32xf32, #tpu.memory_space<vmem>>, vector<16xf32>,
        %get3A_884 = arith.constant 1 : i32
        %get3A_885 = arith.constant 1 : i32
        %get3A_886 = arith.constant 1 : i32
        %get3A_887 = arith.index_cast %get3A_884 : i32 to index
        %get3A_888 = arith.index_cast %get3A_885 : i32 to index
        %get3A_889 = arith.index_cast %get3A_886 : i32 to index
        %get3A_890 = arith.index_cast %scan3A_874 : i32 to index
        %get3A_891 = arith.constant 0 : index
        %get3A_892 = tpu.vector_load %arg9[%get3A_887, %get3A_888, %get3A_889, %get3A_890, %get3A_891] {strides = array<i32>} : memref<2x2x4x128x32xf32, #tpu.memory_space<vmem>>, vector<16xf32>,
        %add3A_893 = arith.addf %get3A_883, %get3A_892 : vector<16xf32>
        %get3A_894 = arith.constant 1 : i32
        %get3A_895 = arith.constant 1 : i32
        %get3A_896 = arith.constant 2 : i32
        %get3A_897 = arith.index_cast %get3A_894 : i32 to index
        %get3A_898 = arith.index_cast %get3A_895 : i32 to index
        %get3A_899 = arith.index_cast %get3A_896 : i32 to index
        %get3A_900 = arith.index_cast %scan3A_874 : i32 to index
        %get3A_901 = arith.constant 0 : index
        %get3A_902 = tpu.vector_load %arg9[%get3A_897, %get3A_898, %get3A_899, %get3A_900, %get3A_901] {strides = array<i32>} : memref<2x2x4x128x32xf32, #tpu.memory_space<vmem>>, vector<16xf32>,
        %get3A_903 = arith.constant 1 : i32
        %get3A_904 = arith.constant 1 : i32
        %get3A_905 = arith.constant 3 : i32
        %get3A_906 = arith.index_cast %get3A_903 : i32 to index
        %get3A_907 = arith.index_cast %get3A_904 : i32 to index
        %get3A_908 = arith.index_cast %get3A_905 : i32 to index
        %get3A_909 = arith.index_cast %scan3A_874 : i32 to index
        %get3A_910 = arith.constant 0 : index
        %get3A_911 = tpu.vector_load %arg9[%get3A_906, %get3A_907, %get3A_908, %get3A_909, %get3A_910] {strides = array<i32>} : memref<2x2x4x128x32xf32, #tpu.memory_space<vmem>>, vector<16xf32>,
        %add3A_912 = arith.addf %get3A_902, %get3A_911 : vector<16xf32>
        %add3A_913 = arith.addf %add3A_893, %add3A_912 : vector<16xf32>
        %mul3A_914 = arith.constant 2.500000e-01 : f32
        %mul3A_915 = vector.broadcast %mul3A_914 : f32 to vector<16xf32>
        %mul3A_916 = arith.mulf %add3A_913, %mul3A_915 : vector<16xf32>
        %swap3A_917 = arith.constant 1 : i32
        %swap3A_918 = arith.constant 1 : i32
        %swap3A_919 = arith.index_cast %swap3A_917 : i32 to index
        %swap3A_920 = arith.index_cast %swap3A_918 : i32 to index
        %swap3A_921 = arith.index_cast %scan3A_874 : i32 to index
        %swap3A_922 = arith.constant 0 : index
        %swap3A_923 = tpu.vector_load %arg10[%swap3A_919, %swap3A_920, %swap3A_921, %swap3A_922] {strides = array<i32>} : memref<2x2x128x32xf32, #tpu.memory_space<vmem>>, vector<16xf32>,
        tpu.vector_store %arg10[%swap3A_919, %swap3A_920, %swap3A_921, %swap3A_922], %mul3A_916 {strides = array<i32>} : memref<2x2x128x32xf32, #tpu.memory_space<vmem>>, vector<16xf32>,
        %get3A_924 = arith.constant 1 : i32
        %get3A_925 = arith.constant 1 : i32
        %get3A_926 = arith.constant 0 : i32
        %get3A_927 = arith.index_cast %get3A_924 : i32 to index
        %get3A_928 = arith.index_cast %get3A_925 : i32 to index
        %get3A_929 = arith.index_cast %get3A_926 : i32 to index
        %get3A_930 = arith.index_cast %scan3A_874 : i32 to index
        %get3A_931 = arith.constant 16 : index
        %get3A_932 = tpu.vector_load %arg9[%get3A_927, %get3A_928, %get3A_929, %get3A_930, %get3A_931] {strides = array<i32>} : memref<2x2x4x128x32xf32, #tpu.memory_space<vmem>>, vector<16xf32>,
        %get3A_933 = arith.constant 1 : i32
        %get3A_934 = arith.constant 1 : i32
        %get3A_935 = arith.constant 1 : i32
        %get3A_936 = arith.index_cast %get3A_933 : i32 to index
        %get3A_937 = arith.index_cast %get3A_934 : i32 to index
        %get3A_938 = arith.index_cast %get3A_935 : i32 to index
        %get3A_939 = arith.index_cast %scan3A_874 : i32 to index
        %get3A_940 = arith.constant 16 : index
        %get3A_941 = tpu.vector_load %arg9[%get3A_936, %get3A_937, %get3A_938, %get3A_939, %get3A_940] {strides = array<i32>} : memref<2x2x4x128x32xf32, #tpu.memory_space<vmem>>, vector<16xf32>,
        %add3A_942 = arith.addf %get3A_932, %get3A_941 : vector<16xf32>
        %get3A_943 = arith.constant 1 : i32
        %get3A_944 = arith.constant 1 : i32
        %get3A_945 = arith.constant 2 : i32
        %get3A_946 = arith.index_cast %get3A_943 : i32 to index
        %get3A_947 = arith.index_cast %get3A_944 : i32 to index
        %get3A_948 = arith.index_cast %get3A_945 : i32 to index
        %get3A_949 = arith.index_cast %scan3A_874 : i32 to index
        %get3A_950 = arith.constant 16 : index
        %get3A_951 = tpu.vector_load %arg9[%get3A_946, %get3A_947, %get3A_948, %get3A_949, %get3A_950] {strides = array<i32>} : memref<2x2x4x128x32xf32, #tpu.memory_space<vmem>>, vector<16xf32>,
        %get3A_952 = arith.constant 1 : i32
        %get3A_953 = arith.constant 1 : i32
        %get3A_954 = arith.constant 3 : i32
        %get3A_955 = arith.index_cast %get3A_952 : i32 to index
        %get3A_956 = arith.index_cast %get3A_953 : i32 to index
        %get3A_957 = arith.index_cast %get3A_954 : i32 to index
        %get3A_958 = arith.index_cast %scan3A_874 : i32 to index
        %get3A_959 = arith.constant 16 : index
        %get3A_960 = tpu.vector_load %arg9[%get3A_955, %get3A_956, %get3A_957, %get3A_958, %get3A_959] {strides = array<i32>} : memref<2x2x4x128x32xf32, #tpu.memory_space<vmem>>, vector<16xf32>,
        %add3A_961 = arith.addf %get3A_951, %get3A_960 : vector<16xf32>
        %add3A_962 = arith.addf %add3A_942, %add3A_961 : vector<16xf32>
        %mul3A_963 = arith.constant 2.500000e-01 : f32
        %mul3A_964 = vector.broadcast %mul3A_963 : f32 to vector<16xf32>
        %mul3A_965 = arith.mulf %add3A_962, %mul3A_964 : vector<16xf32>
        %swap3A_966 = arith.constant 1 : i32
        %swap3A_967 = arith.constant 1 : i32
        %swap3A_968 = arith.index_cast %swap3A_966 : i32 to index
        %swap3A_969 = arith.index_cast %swap3A_967 : i32 to index
        %swap3A_970 = arith.index_cast %scan3A_874 : i32 to index
        %swap3A_971 = arith.constant 16 : index
        %swap3A_972 = tpu.vector_load %arg10[%swap3A_968, %swap3A_969, %swap3A_970, %swap3A_971] {strides = array<i32>} : memref<2x2x128x32xf32, #tpu.memory_space<vmem>>, vector<16xf32>,
        tpu.vector_store %arg10[%swap3A_968, %swap3A_969, %swap3A_970, %swap3A_971], %mul3A_965 {strides = array<i32>} : memref<2x2x128x32xf32, #tpu.memory_space<vmem>>, vector<16xf32>,
        %scan3A_973 = arith.constant 4 : i32
        %scan3A_974 = arith.addi %scan3A_576, %scan3A_973 : i32
        %get3A_975 = arith.constant 1 : i32
        %get3A_976 = arith.constant 1 : i32
        %get3A_977 = arith.constant 0 : i32
        %get3A_978 = arith.index_cast %get3A_975 : i32 to index
        %get3A_979 = arith.index_cast %get3A_976 : i32 to index
        %get3A_980 = arith.index_cast %get3A_977 : i32 to index
        %get3A_981 = arith.index_cast %scan3A_974 : i32 to index
        %get3A_982 = arith.constant 0 : index
        %get3A_983 = tpu.vector_load %arg9[%get3A_978, %get3A_979, %get3A_980, %get3A_981, %get3A_982] {strides = array<i32>} : memref<2x2x4x128x32xf32, #tpu.memory_space<vmem>>, vector<16xf32>,
        %get3A_984 = arith.constant 1 : i32
        %get3A_985 = arith.constant 1 : i32
        %get3A_986 = arith.constant 1 : i32
        %get3A_987 = arith.index_cast %get3A_984 : i32 to index
        %get3A_988 = arith.index_cast %get3A_985 : i32 to index
        %get3A_989 = arith.index_cast %get3A_986 : i32 to index
        %get3A_990 = arith.index_cast %scan3A_974 : i32 to index
        %get3A_991 = arith.constant 0 : index
        %get3A_992 = tpu.vector_load %arg9[%get3A_987, %get3A_988, %get3A_989, %get3A_990, %get3A_991] {strides = array<i32>} : memref<2x2x4x128x32xf32, #tpu.memory_space<vmem>>, vector<16xf32>,
        %add3A_993 = arith.addf %get3A_983, %get3A_992 : vector<16xf32>
        %get3A_994 = arith.constant 1 : i32
        %get3A_995 = arith.constant 1 : i32
        %get3A_996 = arith.constant 2 : i32
        %get3A_997 = arith.index_cast %get3A_994 : i32 to index
        %get3A_998 = arith.index_cast %get3A_995 : i32 to index
        %get3A_999 = arith.index_cast %get3A_996 : i32 to index
        %get3A_1000 = arith.index_cast %scan3A_974 : i32 to index
        %get3A_1001 = arith.constant 0 : index
        %get3A_1002 = tpu.vector_load %arg9[%get3A_997, %get3A_998, %get3A_999, %get3A_1000, %get3A_1001] {strides = array<i32>} : memref<2x2x4x128x32xf32, #tpu.memory_space<vmem>>, vector<16xf32>,
        %get3A_1003 = arith.constant 1 : i32
        %get3A_1004 = arith.constant 1 : i32
        %get3A_1005 = arith.constant 3 : i32
        %get3A_1006 = arith.index_cast %get3A_1003 : i32 to index
        %get3A_1007 = arith.index_cast %get3A_1004 : i32 to index
        %get3A_1008 = arith.index_cast %get3A_1005 : i32 to index
        %get3A_1009 = arith.index_cast %scan3A_974 : i32 to index
        %get3A_1010 = arith.constant 0 : index
        %get3A_1011 = tpu.vector_load %arg9[%get3A_1006, %get3A_1007, %get3A_1008, %get3A_1009, %get3A_1010] {strides = array<i32>} : memref<2x2x4x128x32xf32, #tpu.memory_space<vmem>>, vector<16xf32>,
        %add3A_1012 = arith.addf %get3A_1002, %get3A_1011 : vector<16xf32>
        %add3A_1013 = arith.addf %add3A_993, %add3A_1012 : vector<16xf32>
        %mul3A_1014 = arith.constant 2.500000e-01 : f32
        %mul3A_1015 = vector.broadcast %mul3A_1014 : f32 to vector<16xf32>
        %mul3A_1016 = arith.mulf %add3A_1013, %mul3A_1015 : vector<16xf32>
        %swap3A_1017 = arith.constant 1 : i32
        %swap3A_1018 = arith.constant 1 : i32
        %swap3A_1019 = arith.index_cast %swap3A_1017 : i32 to index
        %swap3A_1020 = arith.index_cast %swap3A_1018 : i32 to index
        %swap3A_1021 = arith.index_cast %scan3A_974 : i32 to index
        %swap3A_1022 = arith.constant 0 : index
        %swap3A_1023 = tpu.vector_load %arg10[%swap3A_1019, %swap3A_1020, %swap3A_1021, %swap3A_1022] {strides = array<i32>} : memref<2x2x128x32xf32, #tpu.memory_space<vmem>>, vector<16xf32>,
        tpu.vector_store %arg10[%swap3A_1019, %swap3A_1020, %swap3A_1021, %swap3A_1022], %mul3A_1016 {strides = array<i32>} : memref<2x2x128x32xf32, #tpu.memory_space<vmem>>, vector<16xf32>,
        %get3A_1024 = arith.constant 1 : i32
        %get3A_1025 = arith.constant 1 : i32
        %get3A_1026 = arith.constant 0 : i32
        %get3A_1027 = arith.index_cast %get3A_1024 : i32 to index
        %get3A_1028 = arith.index_cast %get3A_1025 : i32 to index
        %get3A_1029 = arith.index_cast %get3A_1026 : i32 to index
        %get3A_1030 = arith.index_cast %scan3A_974 : i32 to index
        %get3A_1031 = arith.constant 16 : index
        %get3A_1032 = tpu.vector_load %arg9[%get3A_1027, %get3A_1028, %get3A_1029, %get3A_1030, %get3A_1031] {strides = array<i32>} : memref<2x2x4x128x32xf32, #tpu.memory_space<vmem>>, vector<16xf32>,
        %get3A_1033 = arith.constant 1 : i32
        %get3A_1034 = arith.constant 1 : i32
        %get3A_1035 = arith.constant 1 : i32
        %get3A_1036 = arith.index_cast %get3A_1033 : i32 to index
        %get3A_1037 = arith.index_cast %get3A_1034 : i32 to index
        %get3A_1038 = arith.index_cast %get3A_1035 : i32 to index
        %get3A_1039 = arith.index_cast %scan3A_974 : i32 to index
        %get3A_1040 = arith.constant 16 : index
        %get3A_1041 = tpu.vector_load %arg9[%get3A_1036, %get3A_1037, %get3A_1038, %get3A_1039, %get3A_1040] {strides = array<i32>} : memref<2x2x4x128x32xf32, #tpu.memory_space<vmem>>, vector<16xf32>,
        %add3A_1042 = arith.addf %get3A_1032, %get3A_1041 : vector<16xf32>
        %get3A_1043 = arith.constant 1 : i32
        %get3A_1044 = arith.constant 1 : i32
        %get3A_1045 = arith.constant 2 : i32
        %get3A_1046 = arith.index_cast %get3A_1043 : i32 to index
        %get3A_1047 = arith.index_cast %get3A_1044 : i32 to index
        %get3A_1048 = arith.index_cast %get3A_1045 : i32 to index
        %get3A_1049 = arith.index_cast %scan3A_974 : i32 to index
        %get3A_1050 = arith.constant 16 : index
        %get3A_1051 = tpu.vector_load %arg9[%get3A_1046, %get3A_1047, %get3A_1048, %get3A_1049, %get3A_1050] {strides = array<i32>} : memref<2x2x4x128x32xf32, #tpu.memory_space<vmem>>, vector<16xf32>,
        %get3A_1052 = arith.constant 1 : i32
        %get3A_1053 = arith.constant 1 : i32
        %get3A_1054 = arith.constant 3 : i32
        %get3A_1055 = arith.index_cast %get3A_1052 : i32 to index
        %get3A_1056 = arith.index_cast %get3A_1053 : i32 to index
        %get3A_1057 = arith.index_cast %get3A_1054 : i32 to index
        %get3A_1058 = arith.index_cast %scan3A_974 : i32 to index
        %get3A_1059 = arith.constant 16 : index
        %get3A_1060 = tpu.vector_load %arg9[%get3A_1055, %get3A_1056, %get3A_1057, %get3A_1058, %get3A_1059] {strides = array<i32>} : memref<2x2x4x128x32xf32, #tpu.memory_space<vmem>>, vector<16xf32>,
        %add3A_1061 = arith.addf %get3A_1051, %get3A_1060 : vector<16xf32>
        %add3A_1062 = arith.addf %add3A_1042, %add3A_1061 : vector<16xf32>
        %mul3A_1063 = arith.constant 2.500000e-01 : f32
        %mul3A_1064 = vector.broadcast %mul3A_1063 : f32 to vector<16xf32>
        %mul3A_1065 = arith.mulf %add3A_1062, %mul3A_1064 : vector<16xf32>
        %swap3A_1066 = arith.constant 1 : i32
        %swap3A_1067 = arith.constant 1 : i32
        %swap3A_1068 = arith.index_cast %swap3A_1066 : i32 to index
        %swap3A_1069 = arith.index_cast %swap3A_1067 : i32 to index
        %swap3A_1070 = arith.index_cast %scan3A_974 : i32 to index
        %swap3A_1071 = arith.constant 16 : index
        %swap3A_1072 = tpu.vector_load %arg10[%swap3A_1068, %swap3A_1069, %swap3A_1070, %swap3A_1071] {strides = array<i32>} : memref<2x2x128x32xf32, #tpu.memory_space<vmem>>, vector<16xf32>,
        tpu.vector_store %arg10[%swap3A_1068, %swap3A_1069, %swap3A_1070, %swap3A_1071], %mul3A_1065 {strides = array<i32>} : memref<2x2x128x32xf32, #tpu.memory_space<vmem>>, vector<16xf32>,
        %scan3A_1073 = arith.constant 5 : i32
        %scan3A_1074 = arith.addi %scan3A_576, %scan3A_1073 : i32
        %get3A_1075 = arith.constant 1 : i32
        %get3A_1076 = arith.constant 1 : i32
        %get3A_1077 = arith.constant 0 : i32
        %get3A_1078 = arith.index_cast %get3A_1075 : i32 to index
        %get3A_1079 = arith.index_cast %get3A_1076 : i32 to index
        %get3A_1080 = arith.index_cast %get3A_1077 : i32 to index
        %get3A_1081 = arith.index_cast %scan3A_1074 : i32 to index
        %get3A_1082 = arith.constant 0 : index
        %get3A_1083 = tpu.vector_load %arg9[%get3A_1078, %get3A_1079, %get3A_1080, %get3A_1081, %get3A_1082] {strides = array<i32>} : memref<2x2x4x128x32xf32, #tpu.memory_space<vmem>>, vector<16xf32>,
        %get3A_1084 = arith.constant 1 : i32
        %get3A_1085 = arith.constant 1 : i32
        %get3A_1086 = arith.constant 1 : i32
        %get3A_1087 = arith.index_cast %get3A_1084 : i32 to index
        %get3A_1088 = arith.index_cast %get3A_1085 : i32 to index
        %get3A_1089 = arith.index_cast %get3A_1086 : i32 to index
        %get3A_1090 = arith.index_cast %scan3A_1074 : i32 to index
        %get3A_1091 = arith.constant 0 : index
        %get3A_1092 = tpu.vector_load %arg9[%get3A_1087, %get3A_1088, %get3A_1089, %get3A_1090, %get3A_1091] {strides = array<i32>} : memref<2x2x4x128x32xf32, #tpu.memory_space<vmem>>, vector<16xf32>,
        %add3A_1093 = arith.addf %get3A_1083, %get3A_1092 : vector<16xf32>
        %get3A_1094 = arith.constant 1 : i32
        %get3A_1095 = arith.constant 1 : i32
        %get3A_1096 = arith.constant 2 : i32
        %get3A_1097 = arith.index_cast %get3A_1094 : i32 to index
        %get3A_1098 = arith.index_cast %get3A_1095 : i32 to index
        %get3A_1099 = arith.index_cast %get3A_1096 : i32 to index
        %get3A_1100 = arith.index_cast %scan3A_1074 : i32 to index
        %get3A_1101 = arith.constant 0 : index
        %get3A_1102 = tpu.vector_load %arg9[%get3A_1097, %get3A_1098, %get3A_1099, %get3A_1100, %get3A_1101] {strides = array<i32>} : memref<2x2x4x128x32xf32, #tpu.memory_space<vmem>>, vector<16xf32>,
        %get3A_1103 = arith.constant 1 : i32
        %get3A_1104 = arith.constant 1 : i32
        %get3A_1105 = arith.constant 3 : i32
        %get3A_1106 = arith.index_cast %get3A_1103 : i32 to index
        %get3A_1107 = arith.index_cast %get3A_1104 : i32 to index
        %get3A_1108 = arith.index_cast %get3A_1105 : i32 to index
        %get3A_1109 = arith.index_cast %scan3A_1074 : i32 to index
        %get3A_1110 = arith.constant 0 : index
        %get3A_1111 = tpu.vector_load %arg9[%get3A_1106, %get3A_1107, %get3A_1108, %get3A_1109, %get3A_1110] {strides = array<i32>} : memref<2x2x4x128x32xf32, #tpu.memory_space<vmem>>, vector<16xf32>,
        %add3A_1112 = arith.addf %get3A_1102, %get3A_1111 : vector<16xf32>
        %add3A_1113 = arith.addf %add3A_1093, %add3A_1112 : vector<16xf32>
        %mul3A_1114 = arith.constant 2.500000e-01 : f32
        %mul3A_1115 = vector.broadcast %mul3A_1114 : f32 to vector<16xf32>
        %mul3A_1116 = arith.mulf %add3A_1113, %mul3A_1115 : vector<16xf32>
        %swap3A_1117 = arith.constant 1 : i32
        %swap3A_1118 = arith.constant 1 : i32
        %swap3A_1119 = arith.index_cast %swap3A_1117 : i32 to index
        %swap3A_1120 = arith.index_cast %swap3A_1118 : i32 to index
        %swap3A_1121 = arith.index_cast %scan3A_1074 : i32 to index
        %swap3A_1122 = arith.constant 0 : index
        %swap3A_1123 = tpu.vector_load %arg10[%swap3A_1119, %swap3A_1120, %swap3A_1121, %swap3A_1122] {strides = array<i32>} : memref<2x2x128x32xf32, #tpu.memory_space<vmem>>, vector<16xf32>,
        tpu.vector_store %arg10[%swap3A_1119, %swap3A_1120, %swap3A_1121, %swap3A_1122], %mul3A_1116 {strides = array<i32>} : memref<2x2x128x32xf32, #tpu.memory_space<vmem>>, vector<16xf32>,
        %get3A_1124 = arith.constant 1 : i32
        %get3A_1125 = arith.constant 1 : i32
        %get3A_1126 = arith.constant 0 : i32
        %get3A_1127 = arith.index_cast %get3A_1124 : i32 to index
        %get3A_1128 = arith.index_cast %get3A_1125 : i32 to index
        %get3A_1129 = arith.index_cast %get3A_1126 : i32 to index
        %get3A_1130 = arith.index_cast %scan3A_1074 : i32 to index
        %get3A_1131 = arith.constant 16 : index
        %get3A_1132 = tpu.vector_load %arg9[%get3A_1127, %get3A_1128, %get3A_1129, %get3A_1130, %get3A_1131] {strides = array<i32>} : memref<2x2x4x128x32xf32, #tpu.memory_space<vmem>>, vector<16xf32>,
        %get3A_1133 = arith.constant 1 : i32
        %get3A_1134 = arith.constant 1 : i32
        %get3A_1135 = arith.constant 1 : i32
        %get3A_1136 = arith.index_cast %get3A_1133 : i32 to index
        %get3A_1137 = arith.index_cast %get3A_1134 : i32 to index
        %get3A_1138 = arith.index_cast %get3A_1135 : i32 to index
        %get3A_1139 = arith.index_cast %scan3A_1074 : i32 to index
        %get3A_1140 = arith.constant 16 : index
        %get3A_1141 = tpu.vector_load %arg9[%get3A_1136, %get3A_1137, %get3A_1138, %get3A_1139, %get3A_1140] {strides = array<i32>} : memref<2x2x4x128x32xf32, #tpu.memory_space<vmem>>, vector<16xf32>,
        %add3A_1142 = arith.addf %get3A_1132, %get3A_1141 : vector<16xf32>
        %get3A_1143 = arith.constant 1 : i32
        %get3A_1144 = arith.constant 1 : i32
        %get3A_1145 = arith.constant 2 : i32
        %get3A_1146 = arith.index_cast %get3A_1143 : i32 to index
        %get3A_1147 = arith.index_cast %get3A_1144 : i32 to index
        %get3A_1148 = arith.index_cast %get3A_1145 : i32 to index
        %get3A_1149 = arith.index_cast %scan3A_1074 : i32 to index
        %get3A_1150 = arith.constant 16 : index
        %get3A_1151 = tpu.vector_load %arg9[%get3A_1146, %get3A_1147, %get3A_1148, %get3A_1149, %get3A_1150] {strides = array<i32>} : memref<2x2x4x128x32xf32, #tpu.memory_space<vmem>>, vector<16xf32>,
        %get3A_1152 = arith.constant 1 : i32
        %get3A_1153 = arith.constant 1 : i32
        %get3A_1154 = arith.constant 3 : i32
        %get3A_1155 = arith.index_cast %get3A_1152 : i32 to index
        %get3A_1156 = arith.index_cast %get3A_1153 : i32 to index
        %get3A_1157 = arith.index_cast %get3A_1154 : i32 to index
        %get3A_1158 = arith.index_cast %scan3A_1074 : i32 to index
        %get3A_1159 = arith.constant 16 : index
        %get3A_1160 = tpu.vector_load %arg9[%get3A_1155, %get3A_1156, %get3A_1157, %get3A_1158, %get3A_1159] {strides = array<i32>} : memref<2x2x4x128x32xf32, #tpu.memory_space<vmem>>, vector<16xf32>,
        %add3A_1161 = arith.addf %get3A_1151, %get3A_1160 : vector<16xf32>
        %add3A_1162 = arith.addf %add3A_1142, %add3A_1161 : vector<16xf32>
        %mul3A_1163 = arith.constant 2.500000e-01 : f32
        %mul3A_1164 = vector.broadcast %mul3A_1163 : f32 to vector<16xf32>
        %mul3A_1165 = arith.mulf %add3A_1162, %mul3A_1164 : vector<16xf32>
        %swap3A_1166 = arith.constant 1 : i32
        %swap3A_1167 = arith.constant 1 : i32
        %swap3A_1168 = arith.index_cast %swap3A_1166 : i32 to index
        %swap3A_1169 = arith.index_cast %swap3A_1167 : i32 to index
        %swap3A_1170 = arith.index_cast %scan3A_1074 : i32 to index
        %swap3A_1171 = arith.constant 16 : index
        %swap3A_1172 = tpu.vector_load %arg10[%swap3A_1168, %swap3A_1169, %swap3A_1170, %swap3A_1171] {strides = array<i32>} : memref<2x2x128x32xf32, #tpu.memory_space<vmem>>, vector<16xf32>,
        tpu.vector_store %arg10[%swap3A_1168, %swap3A_1169, %swap3A_1170, %swap3A_1171], %mul3A_1165 {strides = array<i32>} : memref<2x2x128x32xf32, #tpu.memory_space<vmem>>, vector<16xf32>,
        %scan3A_1173 = arith.constant 6 : i32
        %scan3A_1174 = arith.addi %scan3A_576, %scan3A_1173 : i32
        %get3A_1175 = arith.constant 1 : i32
        %get3A_1176 = arith.constant 1 : i32
        %get3A_1177 = arith.constant 0 : i32
        %get3A_1178 = arith.index_cast %get3A_1175 : i32 to index
        %get3A_1179 = arith.index_cast %get3A_1176 : i32 to index
        %get3A_1180 = arith.index_cast %get3A_1177 : i32 to index
        %get3A_1181 = arith.index_cast %scan3A_1174 : i32 to index
        %get3A_1182 = arith.constant 0 : index
        %get3A_1183 = tpu.vector_load %arg9[%get3A_1178, %get3A_1179, %get3A_1180, %get3A_1181, %get3A_1182] {strides = array<i32>} : memref<2x2x4x128x32xf32, #tpu.memory_space<vmem>>, vector<16xf32>,
        %get3A_1184 = arith.constant 1 : i32
        %get3A_1185 = arith.constant 1 : i32
        %get3A_1186 = arith.constant 1 : i32
        %get3A_1187 = arith.index_cast %get3A_1184 : i32 to index
        %get3A_1188 = arith.index_cast %get3A_1185 : i32 to index
        %get3A_1189 = arith.index_cast %get3A_1186 : i32 to index
        %get3A_1190 = arith.index_cast %scan3A_1174 : i32 to index
        %get3A_1191 = arith.constant 0 : index
        %get3A_1192 = tpu.vector_load %arg9[%get3A_1187, %get3A_1188, %get3A_1189, %get3A_1190, %get3A_1191] {strides = array<i32>} : memref<2x2x4x128x32xf32, #tpu.memory_space<vmem>>, vector<16xf32>,
        %add3A_1193 = arith.addf %get3A_1183, %get3A_1192 : vector<16xf32>
        %get3A_1194 = arith.constant 1 : i32
        %get3A_1195 = arith.constant 1 : i32
        %get3A_1196 = arith.constant 2 : i32
        %get3A_1197 = arith.index_cast %get3A_1194 : i32 to index
        %get3A_1198 = arith.index_cast %get3A_1195 : i32 to index
        %get3A_1199 = arith.index_cast %get3A_1196 : i32 to index
        %get3A_1200 = arith.index_cast %scan3A_1174 : i32 to index
        %get3A_1201 = arith.constant 0 : index
        %get3A_1202 = tpu.vector_load %arg9[%get3A_1197, %get3A_1198, %get3A_1199, %get3A_1200, %get3A_1201] {strides = array<i32>} : memref<2x2x4x128x32xf32, #tpu.memory_space<vmem>>, vector<16xf32>,
        %get3A_1203 = arith.constant 1 : i32
        %get3A_1204 = arith.constant 1 : i32
        %get3A_1205 = arith.constant 3 : i32
        %get3A_1206 = arith.index_cast %get3A_1203 : i32 to index
        %get3A_1207 = arith.index_cast %get3A_1204 : i32 to index
        %get3A_1208 = arith.index_cast %get3A_1205 : i32 to index
        %get3A_1209 = arith.index_cast %scan3A_1174 : i32 to index
        %get3A_1210 = arith.constant 0 : index
        %get3A_1211 = tpu.vector_load %arg9[%get3A_1206, %get3A_1207, %get3A_1208, %get3A_1209, %get3A_1210] {strides = array<i32>} : memref<2x2x4x128x32xf32, #tpu.memory_space<vmem>>, vector<16xf32>,
        %add3A_1212 = arith.addf %get3A_1202, %get3A_1211 : vector<16xf32>
        %add3A_1213 = arith.addf %add3A_1193, %add3A_1212 : vector<16xf32>
        %mul3A_1214 = arith.constant 2.500000e-01 : f32
        %mul3A_1215 = vector.broadcast %mul3A_1214 : f32 to vector<16xf32>
        %mul3A_1216 = arith.mulf %add3A_1213, %mul3A_1215 : vector<16xf32>
        %swap3A_1217 = arith.constant 1 : i32
        %swap3A_1218 = arith.constant 1 : i32
        %swap3A_1219 = arith.index_cast %swap3A_1217 : i32 to index
        %swap3A_1220 = arith.index_cast %swap3A_1218 : i32 to index
        %swap3A_1221 = arith.index_cast %scan3A_1174 : i32 to index
        %swap3A_1222 = arith.constant 0 : index
        %swap3A_1223 = tpu.vector_load %arg10[%swap3A_1219, %swap3A_1220, %swap3A_1221, %swap3A_1222] {strides = array<i32>} : memref<2x2x128x32xf32, #tpu.memory_space<vmem>>, vector<16xf32>,
        tpu.vector_store %arg10[%swap3A_1219, %swap3A_1220, %swap3A_1221, %swap3A_1222], %mul3A_1216 {strides = array<i32>} : memref<2x2x128x32xf32, #tpu.memory_space<vmem>>, vector<16xf32>,
        %get3A_1224 = arith.constant 1 : i32
        %get3A_1225 = arith.constant 1 : i32
        %get3A_1226 = arith.constant 0 : i32
        %get3A_1227 = arith.index_cast %get3A_1224 : i32 to index
        %get3A_1228 = arith.index_cast %get3A_1225 : i32 to index
        %get3A_1229 = arith.index_cast %get3A_1226 : i32 to index
        %get3A_1230 = arith.index_cast %scan3A_1174 : i32 to index
        %get3A_1231 = arith.constant 16 : index
        %get3A_1232 = tpu.vector_load %arg9[%get3A_1227, %get3A_1228, %get3A_1229, %get3A_1230, %get3A_1231] {strides = array<i32>} : memref<2x2x4x128x32xf32, #tpu.memory_space<vmem>>, vector<16xf32>,
        %get3A_1233 = arith.constant 1 : i32
        %get3A_1234 = arith.constant 1 : i32
        %get3A_1235 = arith.constant 1 : i32
        %get3A_1236 = arith.index_cast %get3A_1233 : i32 to index
        %get3A_1237 = arith.index_cast %get3A_1234 : i32 to index
        %get3A_1238 = arith.index_cast %get3A_1235 : i32 to index
        %get3A_1239 = arith.index_cast %scan3A_1174 : i32 to index
        %get3A_1240 = arith.constant 16 : index
        %get3A_1241 = tpu.vector_load %arg9[%get3A_1236, %get3A_1237, %get3A_1238, %get3A_1239, %get3A_1240] {strides = array<i32>} : memref<2x2x4x128x32xf32, #tpu.memory_space<vmem>>, vector<16xf32>,
        %add3A_1242 = arith.addf %get3A_1232, %get3A_1241 : vector<16xf32>
        %get3A_1243 = arith.constant 1 : i32
        %get3A_1244 = arith.constant 1 : i32
        %get3A_1245 = arith.constant 2 : i32
        %get3A_1246 = arith.index_cast %get3A_1243 : i32 to index
        %get3A_1247 = arith.index_cast %get3A_1244 : i32 to index
        %get3A_1248 = arith.index_cast %get3A_1245 : i32 to index
        %get3A_1249 = arith.index_cast %scan3A_1174 : i32 to index
        %get3A_1250 = arith.constant 16 : index
        %get3A_1251 = tpu.vector_load %arg9[%get3A_1246, %get3A_1247, %get3A_1248, %get3A_1249, %get3A_1250] {strides = array<i32>} : memref<2x2x4x128x32xf32, #tpu.memory_space<vmem>>, vector<16xf32>,
        %get3A_1252 = arith.constant 1 : i32
        %get3A_1253 = arith.constant 1 : i32
        %get3A_1254 = arith.constant 3 : i32
        %get3A_1255 = arith.index_cast %get3A_1252 : i32 to index
        %get3A_1256 = arith.index_cast %get3A_1253 : i32 to index
        %get3A_1257 = arith.index_cast %get3A_1254 : i32 to index
        %get3A_1258 = arith.index_cast %scan3A_1174 : i32 to index
        %get3A_1259 = arith.constant 16 : index
        %get3A_1260 = tpu.vector_load %arg9[%get3A_1255, %get3A_1256, %get3A_1257, %get3A_1258, %get3A_1259] {strides = array<i32>} : memref<2x2x4x128x32xf32, #tpu.memory_space<vmem>>, vector<16xf32>,
        %add3A_1261 = arith.addf %get3A_1251, %get3A_1260 : vector<16xf32>
        %add3A_1262 = arith.addf %add3A_1242, %add3A_1261 : vector<16xf32>
        %mul3A_1263 = arith.constant 2.500000e-01 : f32
        %mul3A_1264 = vector.broadcast %mul3A_1263 : f32 to vector<16xf32>
        %mul3A_1265 = arith.mulf %add3A_1262, %mul3A_1264 : vector<16xf32>
        %swap3A_1266 = arith.constant 1 : i32
        %swap3A_1267 = arith.constant 1 : i32
        %swap3A_1268 = arith.index_cast %swap3A_1266 : i32 to index
        %swap3A_1269 = arith.index_cast %swap3A_1267 : i32 to index
        %swap3A_1270 = arith.index_cast %scan3A_1174 : i32 to index
        %swap3A_1271 = arith.constant 16 : index
        %swap3A_1272 = tpu.vector_load %arg10[%swap3A_1268, %swap3A_1269, %swap3A_1270, %swap3A_1271] {strides = array<i32>} : memref<2x2x128x32xf32, #tpu.memory_space<vmem>>, vector<16xf32>,
        tpu.vector_store %arg10[%swap3A_1268, %swap3A_1269, %swap3A_1270, %swap3A_1271], %mul3A_1265 {strides = array<i32>} : memref<2x2x128x32xf32, #tpu.memory_space<vmem>>, vector<16xf32>,
        %scan3A_1273 = arith.constant 7 : i32
        %scan3A_1274 = arith.addi %scan3A_576, %scan3A_1273 : i32
        %get3A_1275 = arith.constant 1 : i32
        %get3A_1276 = arith.constant 1 : i32
        %get3A_1277 = arith.constant 0 : i32
        %get3A_1278 = arith.index_cast %get3A_1275 : i32 to index
        %get3A_1279 = arith.index_cast %get3A_1276 : i32 to index
        %get3A_1280 = arith.index_cast %get3A_1277 : i32 to index
        %get3A_1281 = arith.index_cast %scan3A_1274 : i32 to index
        %get3A_1282 = arith.constant 0 : index
        %get3A_1283 = tpu.vector_load %arg9[%get3A_1278, %get3A_1279, %get3A_1280, %get3A_1281, %get3A_1282] {strides = array<i32>} : memref<2x2x4x128x32xf32, #tpu.memory_space<vmem>>, vector<16xf32>,
        %get3A_1284 = arith.constant 1 : i32
        %get3A_1285 = arith.constant 1 : i32
        %get3A_1286 = arith.constant 1 : i32
        %get3A_1287 = arith.index_cast %get3A_1284 : i32 to index
        %get3A_1288 = arith.index_cast %get3A_1285 : i32 to index
        %get3A_1289 = arith.index_cast %get3A_1286 : i32 to index
        %get3A_1290 = arith.index_cast %scan3A_1274 : i32 to index
        %get3A_1291 = arith.constant 0 : index
        %get3A_1292 = tpu.vector_load %arg9[%get3A_1287, %get3A_1288, %get3A_1289, %get3A_1290, %get3A_1291] {strides = array<i32>} : memref<2x2x4x128x32xf32, #tpu.memory_space<vmem>>, vector<16xf32>,
        %add3A_1293 = arith.addf %get3A_1283, %get3A_1292 : vector<16xf32>
        %get3A_1294 = arith.constant 1 : i32
        %get3A_1295 = arith.constant 1 : i32
        %get3A_1296 = arith.constant 2 : i32
        %get3A_1297 = arith.index_cast %get3A_1294 : i32 to index
        %get3A_1298 = arith.index_cast %get3A_1295 : i32 to index
        %get3A_1299 = arith.index_cast %get3A_1296 : i32 to index
        %get3A_1300 = arith.index_cast %scan3A_1274 : i32 to index
        %get3A_1301 = arith.constant 0 : index
        %get3A_1302 = tpu.vector_load %arg9[%get3A_1297, %get3A_1298, %get3A_1299, %get3A_1300, %get3A_1301] {strides = array<i32>} : memref<2x2x4x128x32xf32, #tpu.memory_space<vmem>>, vector<16xf32>,
        %get3A_1303 = arith.constant 1 : i32
        %get3A_1304 = arith.constant 1 : i32
        %get3A_1305 = arith.constant 3 : i32
        %get3A_1306 = arith.index_cast %get3A_1303 : i32 to index
        %get3A_1307 = arith.index_cast %get3A_1304 : i32 to index
        %get3A_1308 = arith.index_cast %get3A_1305 : i32 to index
        %get3A_1309 = arith.index_cast %scan3A_1274 : i32 to index
        %get3A_1310 = arith.constant 0 : index
        %get3A_1311 = tpu.vector_load %arg9[%get3A_1306, %get3A_1307, %get3A_1308, %get3A_1309, %get3A_1310] {strides = array<i32>} : memref<2x2x4x128x32xf32, #tpu.memory_space<vmem>>, vector<16xf32>,
        %add3A_1312 = arith.addf %get3A_1302, %get3A_1311 : vector<16xf32>
        %add3A_1313 = arith.addf %add3A_1293, %add3A_1312 : vector<16xf32>
        %mul3A_1314 = arith.constant 2.500000e-01 : f32
        %mul3A_1315 = vector.broadcast %mul3A_1314 : f32 to vector<16xf32>
        %mul3A_1316 = arith.mulf %add3A_1313, %mul3A_1315 : vector<16xf32>
        %swap3A_1317 = arith.constant 1 : i32
        %swap3A_1318 = arith.constant 1 : i32
        %swap3A_1319 = arith.index_cast %swap3A_1317 : i32 to index
        %swap3A_1320 = arith.index_cast %swap3A_1318 : i32 to index
        %swap3A_1321 = arith.index_cast %scan3A_1274 : i32 to index
        %swap3A_1322 = arith.constant 0 : index
        %swap3A_1323 = tpu.vector_load %arg10[%swap3A_1319, %swap3A_1320, %swap3A_1321, %swap3A_1322] {strides = array<i32>} : memref<2x2x128x32xf32, #tpu.memory_space<vmem>>, vector<16xf32>,
        tpu.vector_store %arg10[%swap3A_1319, %swap3A_1320, %swap3A_1321, %swap3A_1322], %mul3A_1316 {strides = array<i32>} : memref<2x2x128x32xf32, #tpu.memory_space<vmem>>, vector<16xf32>,
        %get3A_1324 = arith.constant 1 : i32
        %get3A_1325 = arith.constant 1 : i32
        %get3A_1326 = arith.constant 0 : i32
        %get3A_1327 = arith.index_cast %get3A_1324 : i32 to index
        %get3A_1328 = arith.index_cast %get3A_1325 : i32 to index
        %get3A_1329 = arith.index_cast %get3A_1326 : i32 to index
        %get3A_1330 = arith.index_cast %scan3A_1274 : i32 to index
        %get3A_1331 = arith.constant 16 : index
        %get3A_1332 = tpu.vector_load %arg9[%get3A_1327, %get3A_1328, %get3A_1329, %get3A_1330, %get3A_1331] {strides = array<i32>} : memref<2x2x4x128x32xf32, #tpu.memory_space<vmem>>, vector<16xf32>,
        %get3A_1333 = arith.constant 1 : i32
        %get3A_1334 = arith.constant 1 : i32
        %get3A_1335 = arith.constant 1 : i32
        %get3A_1336 = arith.index_cast %get3A_1333 : i32 to index
        %get3A_1337 = arith.index_cast %get3A_1334 : i32 to index
        %get3A_1338 = arith.index_cast %get3A_1335 : i32 to index
        %get3A_1339 = arith.index_cast %scan3A_1274 : i32 to index
        %get3A_1340 = arith.constant 16 : index
        %get3A_1341 = tpu.vector_load %arg9[%get3A_1336, %get3A_1337, %get3A_1338, %get3A_1339, %get3A_1340] {strides = array<i32>} : memref<2x2x4x128x32xf32, #tpu.memory_space<vmem>>, vector<16xf32>,
        %add3A_1342 = arith.addf %get3A_1332, %get3A_1341 : vector<16xf32>
        %get3A_1343 = arith.constant 1 : i32
        %get3A_1344 = arith.constant 1 : i32
        %get3A_1345 = arith.constant 2 : i32
        %get3A_1346 = arith.index_cast %get3A_1343 : i32 to index
        %get3A_1347 = arith.index_cast %get3A_1344 : i32 to index
        %get3A_1348 = arith.index_cast %get3A_1345 : i32 to index
        %get3A_1349 = arith.index_cast %scan3A_1274 : i32 to index
        %get3A_1350 = arith.constant 16 : index
        %get3A_1351 = tpu.vector_load %arg9[%get3A_1346, %get3A_1347, %get3A_1348, %get3A_1349, %get3A_1350] {strides = array<i32>} : memref<2x2x4x128x32xf32, #tpu.memory_space<vmem>>, vector<16xf32>,
        %get3A_1352 = arith.constant 1 : i32
        %get3A_1353 = arith.constant 1 : i32
        %get3A_1354 = arith.constant 3 : i32
        %get3A_1355 = arith.index_cast %get3A_1352 : i32 to index
        %get3A_1356 = arith.index_cast %get3A_1353 : i32 to index
        %get3A_1357 = arith.index_cast %get3A_1354 : i32 to index
        %get3A_1358 = arith.index_cast %scan3A_1274 : i32 to index
        %get3A_1359 = arith.constant 16 : index
        %get3A_1360 = tpu.vector_load %arg9[%get3A_1355, %get3A_1356, %get3A_1357, %get3A_1358, %get3A_1359] {strides = array<i32>} : memref<2x2x4x128x32xf32, #tpu.memory_space<vmem>>, vector<16xf32>,
        %add3A_1361 = arith.addf %get3A_1351, %get3A_1360 : vector<16xf32>
        %add3A_1362 = arith.addf %add3A_1342, %add3A_1361 : vector<16xf32>
        %mul3A_1363 = arith.constant 2.500000e-01 : f32
        %mul3A_1364 = vector.broadcast %mul3A_1363 : f32 to vector<16xf32>
        %mul3A_1365 = arith.mulf %add3A_1362, %mul3A_1364 : vector<16xf32>
        %swap3A_1366 = arith.constant 1 : i32
        %swap3A_1367 = arith.constant 1 : i32
        %swap3A_1368 = arith.index_cast %swap3A_1366 : i32 to index
        %swap3A_1369 = arith.index_cast %swap3A_1367 : i32 to index
        %swap3A_1370 = arith.index_cast %scan3A_1274 : i32 to index
        %swap3A_1371 = arith.constant 16 : index
        %swap3A_1372 = tpu.vector_load %arg10[%swap3A_1368, %swap3A_1369, %swap3A_1370, %swap3A_1371] {strides = array<i32>} : memref<2x2x128x32xf32, #tpu.memory_space<vmem>>, vector<16xf32>,
        tpu.vector_store %arg10[%swap3A_1368, %swap3A_1369, %swap3A_1370, %swap3A_1371], %mul3A_1365 {strides = array<i32>} : memref<2x2x128x32xf32, #tpu.memory_space<vmem>>, vector<16xf32>,
      }
      %scan3A_558 = arith.constant 128 : i32
      %mul3A_559 = arith.constant 2 : i32
      %mul3A_560 = arith.muli %add3A_399, %mul3A_559 : i32
      %dma_start3A_561 = arith.constant 1 : i32
      %dma_start3A_562 = arith.constant 0 : i32
      %dma_start3A_563 = arith.constant 0 : i32
      %dma_start3A_564 = arith.constant 0 : i32
      %dma_start3A_565 = tpu.memref_slice %arg10[%dma_start3A_561, %dma_start3A_562, %dma_start3A_563, %dma_start3A_564] : memref<2x2x128x32xf32, #tpu.memory_space<vmem>> -> memref<1x2x128x32xf32, #tpu.memory_space<vmem>>
      %dma_start3A_566 = tpu.memref_squeeze %dma_start3A_565 : memref<1x2x128x32xf32, #tpu.memory_space<vmem>> -> memref<2x128x32xf32, #tpu.memory_space<vmem>>
      %dma_start3A_567 = arith.constant 0 : i32
      %dma_start3A_568 = tpu.memref_slice %arg7[%mul3A_560, %mul3A_2, %dma_start3A_567] : memref<200x4096x32xf32, #tpu.memory_space<hbm>> -> memref<2x128x32xf32, #tpu.memory_space<hbm>>
      %dma_start3A_569 = arith.constant 0 : i32
      %dma_start3A_570 = tpu.memref_slice %arg7[%mul3A_560, %mul3A_2, %dma_start3A_569] : memref<200x4096x32xf32, #tpu.memory_space<hbm>> -> memref<2x128x32xf32, #tpu.memory_space<hbm>>
      %dma_start3A_571 = arith.constant 0 : i32
      %dma_start3A_572 = arith.constant 0 : i32
      %dma_start3A_573 = arith.constant 0 : i32
      %dma_start3A_574 = tpu.memref_slice %arg10[%dma_start3A_561, %dma_start3A_571, %dma_start3A_572, %dma_start3A_573] : memref<2x2x128x32xf32, #tpu.memory_space<vmem>> -> memref<1x2x128x32xf32, #tpu.memory_space<vmem>>
      %dma_start3A_575 = tpu.memref_squeeze %dma_start3A_574 : memref<1x2x128x32xf32, #tpu.memory_space<vmem>> -> memref<2x128x32xf32, #tpu.memory_space<vmem>>
      tpu.enqueue_dma source(%dma_start3A_575 : memref<2x128x32xf32, #tpu.memory_space<vmem>>) target(%dma_start3A_570 : memref<2x128x32xf32, #tpu.memory_space<hbm>>) target_semaphore(%arg16 : memref<!tpu.dma_semaphore, #tpu.memory_space<semaphore_mem>>)
    }
    %scan3A_184 = arith.constant 50 : i32
    %dma_wait3A_185 = arith.constant 0 : i32
    %dma_wait3A_186 = arith.constant 0 : i32
    %dma_wait3A_187 = arith.constant 0 : i32
    %dma_wait3A_188 = arith.constant 0 : i32
    %dma_wait3A_189 = tpu.memref_slice %arg10[%dma_wait3A_185, %dma_wait3A_186, %dma_wait3A_187, %dma_wait3A_188] : memref<2x2x128x32xf32, #tpu.memory_space<vmem>> -> memref<1x2x128x32xf32, #tpu.memory_space<vmem>>
    %dma_wait3A_190 = tpu.memref_squeeze %dma_wait3A_189 : memref<1x2x128x32xf32, #tpu.memory_space<vmem>> -> memref<2x128x32xf32, #tpu.memory_space<vmem>>
    %dma_wait3A_191 = arith.constant 196 : i32
    %dma_wait3A_192 = arith.constant 0 : i32
    %dma_wait3A_193 = tpu.memref_slice %arg7[%dma_wait3A_191, %mul3A_2, %dma_wait3A_192] : memref<200x4096x32xf32, #tpu.memory_space<hbm>> -> memref<2x128x32xf32, #tpu.memory_space<hbm>>
    %dma_wait3A_194 = arith.constant 196 : i32
    %dma_wait3A_195 = arith.constant 0 : i32
    %dma_wait3A_196 = tpu.memref_slice %arg7[%dma_wait3A_194, %mul3A_2, %dma_wait3A_195] : memref<200x4096x32xf32, #tpu.memory_space<hbm>> -> memref<2x128x32xf32, #tpu.memory_space<hbm>>
    %dma_wait3A_197 = arith.constant 0 : i32
    %dma_wait3A_198 = arith.constant 0 : i32
    %dma_wait3A_199 = arith.constant 0 : i32
    %dma_wait3A_200 = tpu.memref_slice %arg10[%dma_wait3A_185, %dma_wait3A_197, %dma_wait3A_198, %dma_wait3A_199] : memref<2x2x128x32xf32, #tpu.memory_space<vmem>> -> memref<1x2x128x32xf32, #tpu.memory_space<vmem>>
    %dma_wait3A_201 = tpu.memref_squeeze %dma_wait3A_200 : memref<1x2x128x32xf32, #tpu.memory_space<vmem>> -> memref<2x128x32xf32, #tpu.memory_space<vmem>>
    tpu.wait_dma2 semaphore(%arg15 : memref<!tpu.dma_semaphore, #tpu.memory_space<semaphore_mem>>) src(%dma_wait3A_201 : memref<2x128x32xf32, #tpu.memory_space<vmem>>) dst(%dma_wait3A_196 : memref<2x128x32xf32, #tpu.memory_space<hbm>>)
    %dma_wait3A_202 = arith.constant 1 : i32
    %dma_wait3A_203 = arith.constant 0 : i32
    %dma_wait3A_204 = arith.constant 0 : i32
    %dma_wait3A_205 = arith.constant 0 : i32
    %dma_wait3A_206 = tpu.memref_slice %arg10[%dma_wait3A_202, %dma_wait3A_203, %dma_wait3A_204, %dma_wait3A_205] : memref<2x2x128x32xf32, #tpu.memory_space<vmem>> -> memref<1x2x128x32xf32, #tpu.memory_space<vmem>>
    %dma_wait3A_207 = tpu.memref_squeeze %dma_wait3A_206 : memref<1x2x128x32xf32, #tpu.memory_space<vmem>> -> memref<2x128x32xf32, #tpu.memory_space<vmem>>
    %dma_wait3A_208 = arith.constant 198 : i32
    %dma_wait3A_209 = arith.constant 0 : i32
    %dma_wait3A_210 = tpu.memref_slice %arg7[%dma_wait3A_208, %mul3A_2, %dma_wait3A_209] : memref<200x4096x32xf32, #tpu.memory_space<hbm>> -> memref<2x128x32xf32, #tpu.memory_space<hbm>>
    %dma_wait3A_211 = arith.constant 198 : i32
    %dma_wait3A_212 = arith.constant 0 : i32
    %dma_wait3A_213 = tpu.memref_slice %arg7[%dma_wait3A_211, %mul3A_2, %dma_wait3A_212] : memref<200x4096x32xf32, #tpu.memory_space<hbm>> -> memref<2x128x32xf32, #tpu.memory_space<hbm>>
    %dma_wait3A_214 = arith.constant 0 : i32
    %dma_wait3A_215 = arith.constant 0 : i32
    %dma_wait3A_216 = arith.constant 0 : i32
    %dma_wait3A_217 = tpu.memref_slice %arg10[%dma_wait3A_202, %dma_wait3A_214, %dma_wait3A_215, %dma_wait3A_216] : memref<2x2x128x32xf32, #tpu.memory_space<vmem>> -> memref<1x2x128x32xf32, #tpu.memory_space<vmem>>
    %dma_wait3A_218 = tpu.memref_squeeze %dma_wait3A_217 : memref<1x2x128x32xf32, #tpu.memory_space<vmem>> -> memref<2x128x32xf32, #tpu.memory_space<vmem>>
    tpu.wait_dma2 semaphore(%arg16 : memref<!tpu.dma_semaphore, #tpu.memory_space<semaphore_mem>>) src(%dma_wait3A_218 : memref<2x128x32xf32, #tpu.memory_space<vmem>>) dst(%dma_wait3A_213 : memref<2x128x32xf32, #tpu.memory_space<hbm>>)
    return
  }
}

</mosaic_0001>

<sc_bundles>
// kernel: kernel.3.cloned.1.call-start
scs
__scs_entry_jumppad:
0x0: {  	(pc) =	sbr.rel $0x88, $3  }
0x1: {  	(tag) =	ssettag $0x0;
	lr =	simm.s32 $0x1  }
0x2: {  	[smem:$0x3F9C] =	sst lr;
	_ =	strace $0xD0000000  }
0x3: {  	_ = 	snop  }
0x4: {  	_ = 	snop  }
0x5: {  	_ = 	snop  }
0x6: {  	_ = 	snop  }
0x7: {  	_ = 	snop  }
__scs_overlays_trampoline_lowered:
0x8: {  	[smem:$0x3FAB] =	sst s0  }
0x9: {  	[smem:$0x3FAC] =	sst s1  }
0xa: {  	[smem:$0x3FAD] =	sst s2  }
0xb: {  	[smem:$0x3FAE] =	sst s3  }
0xc: {  	[smem:$0x3FAF] =	sst s4  }
0xd: {  	[smem:$0x3FB0] =	sst s5  }
0xe: {  	[smem:$0x3FB1] =	sst s6  }
0xf: {  	[smem:$0x3FB2] =	sst s7  }
0x10: {  	[smem:$0x3FB3] =	sst s8  }
0x11: {  	[smem:$0x3FB4] =	sst s9;
	s0 =	simm.s32 @!p0 $0x0  }
0x12: {  	s1 =	sld [smem:$0x3F9A];
	s0 =	simm.s32 @p0 $0x1  }
0x13: {  	[smem:$0x3FB5] =	sst s0;
	s0 =	simm.s32 @!p1 $0x0  }
0x14: {  	s2 =	sld [smem:$0x3F99];
	s0 =	simm.s32 @p1 $0x1  }
0x15: {  	[smem:$0x3FB6] =	sst s0;
	s0 =	simm.s32 @!p2 $0x0  }
0x16: {  	s3 =	sld [smem:$0x3FDB];
	s0 =	simm.s32 @p2 $0x1  }
0x17: {  	s4 =	simm.s32 $0x1BF5;
	[smem:$0x3FB8] =	sst s0  }
0x18: {  	s0 =	sld [smem:$0x3F9B];
	_ =	swait.ge [sflag:s4], $0x0  }
0x19: {  	s7 =	sld [smem:$0x3F9C]  }
0x1a: {  	s8 =	sadd.s32 $0xFFFFE003, lr  }
0x1b: {  	s9 =	sadd.s32 $0xFFFFFEF7, lr;
	s5 =	simm.s32 $0xFFFFFFFF;
	p2 =	slt.u32 s8, $0xFFFFF086  }
0x1c: {  	p1 =	slt.u32 s9, $0xF7A;
	s5 =	simm.s32 @!p2 $0x0  }
0x1d: {  	s5 =	simm.s32 @p1 $0x1;
	p0 =	seq.s32 s7, s2  }
0x1e: {  	s7 =	smul.u32 @!p0 $0xF7A, s2;
	p2 =	seq.s32 @!p0 s5, $0x0  }
0x1f: {  	s9 =	smul.u32 $0xF7A, s1;
	s8 =	simm.s32 @!p0 $0x1BF5;
	p2 =	por !p2, p0  }
0x20: {  	[sflag:s8] =	ssyncset.s32 @!p0 $0xFFFFF086;
	s6 =	sadd.s32 @!p0 s3, s7;
	s7 =	simm.s32 @!p0 $0x108  }
0x21: {  	s3 =	sadd.s32 s3, s9;
	s6 =	sadd.s32 @!p0 $0x88, s6;
	s7 =	simm.s32 @p2 $0x1082  }
0x22: {  	[simem:s7], [sflag:s8] =	dma.local @!p0 [hbm:s6], $0xF7A  }
0x23: {  	s9 =	sor.u32 $0xD0000000, s2;
	s6 =	simm.s32 $0x108;
	_ =	swait.ge @!p0 [sflag:s8], $0x0  }
0x24: {  	s3 =	sadd.s32 $0x88, s3;
	s6 =	simm.s32 @!p1 $0x1082;
	[sflag:s4] =	ssyncset.s32 $0xFFFFF086  }
0x25: {  	[simem:s6], [sflag:s4] =	dma.local [hbm:s3], $0xF7A  }
0x26: {  	[smem:$0x3F9C] =	sst s1;
	(tag) =	ssettag s2;
	_ =	strace s9  }
0x27: {  	s1 =	sld [smem:$0x3FAC]  }
0x28: {  	s2 =	sld [smem:$0x3FAD]  }
0x29: {  	s4 =	sld [smem:$0x3FAF]  }
0x2a: {  	p0 =	seq.s32 s5, $0x0;
	s5 =	sld [smem:$0x3FB0]  }
0x2b: {  	s6 =	sld [smem:$0x3FB1]  }
0x2c: {  	s7 =	sld [smem:$0x3FB2]  }
0x2d: {  	s3 =	simm.s32 $0x108;
	s8 =	sld [smem:$0x3FB3]  }
0x2e: {  	s3 =	simm.s32 @!p0 $0x1082;
	s9 =	sld [smem:$0x3FB4]  }
0x2f: {  	lr =	sadd.s32 s0, s3;
	s0 =	sld [smem:$0x3FAB]  }
0x30: {  	s3 =	sld [smem:$0x3FAE]  }
0x31: {  	[smem:$0x3FB7] =	sst s10  }
0x32: {  	s10 =	sld [smem:$0x3FB5];
	_ =	sdelay $0x3  }
0x33: {  	p0 =	seq.s32 s10, $0x1;
	s10 =	sld [smem:$0x3FB7];
	_ =	sdelay $0x3  }
0x34: {  	[smem:$0x3FB7] =	sst s10  }
0x35: {  	s10 =	sld [smem:$0x3FB6];
	_ =	sdelay $0x3  }
0x36: {  	p1 =	seq.s32 s10, $0x1;
	s10 =	sld [smem:$0x3FB7];
	_ =	sdelay $0x3  }
0x37: {  	[smem:$0x3FB7] =	sst s10  }
0x38: {  	s10 =	sld [smem:$0x3FB8]  }
0x39: {  	_ = 	snop;
	(pc) =	sbr.ind lr, $3  }
0x3a: {  	_ = 	snop  }
0x3b: {  	_ = 	snop  }
0x3c: {  	p2 =	seq.s32 s10, $0x1;
	s10 =	sld [smem:$0x3FB7]  }
0x3d: {  	_ =	shalt  }
0x3e: {  	_ =	shalt  }
0x3f: {  	_ =	shalt  }
0x40: {  	_ =	shalt  }
0x41: {  	_ =	shalt  }
0x42: {  	_ =	shalt  }
0x43: {  	_ =	shalt  }
0x44: {  	_ =	shalt  }
0x45: {  	_ =	shalt  }
0x46: {  	_ =	shalt  }
0x47: {  	_ =	shalt  }
0x48: {  	_ =	shalt  }
0x49: {  	_ =	shalt  }
0x4a: {  	_ =	shalt  }
0x4b: {  	_ =	shalt  }
0x4c: {  	_ =	shalt  }
0x4d: {  	_ =	shalt  }
0x4e: {  	_ =	shalt  }
0x4f: {  	_ =	shalt  }
0x50: {  	_ =	shalt  }
0x51: {  	_ =	shalt  }
0x52: {  	_ =	shalt  }
0x53: {  	_ =	shalt  }
0x54: {  	_ =	shalt  }
0x55: {  	_ =	shalt  }
0x56: {  	_ =	shalt  }
0x57: {  	_ =	shalt  }
0x58: {  	_ =	shalt  }
0x59: {  	_ =	shalt  }
0x5a: {  	_ =	shalt  }
0x5b: {  	_ =	shalt  }
0x5c: {  	_ =	shalt  }
0x5d: {  	_ =	shalt  }
0x5e: {  	_ =	shalt  }
0x5f: {  	_ =	shalt  }
0x60: {  	_ =	shalt  }
0x61: {  	_ =	shalt  }
0x62: {  	_ =	shalt  }
0x63: {  	_ =	shalt  }
0x64: {  	_ =	shalt  }
0x65: {  	_ =	shalt  }
0x66: {  	_ =	shalt  }
0x67: {  	_ =	shalt  }
0x68: {  	_ =	shalt  }
0x69: {  	_ =	shalt  }
0x6a: {  	_ =	shalt  }
0x6b: {  	_ =	shalt  }
0x6c: {  	_ =	shalt  }
0x6d: {  	_ =	shalt  }
0x6e: {  	_ =	shalt  }
0x6f: {  	_ =	shalt  }
0x70: {  	_ =	shalt  }
0x71: {  	_ =	shalt  }
0x72: {  	_ =	shalt  }
0x73: {  	_ =	shalt  }
0x74: {  	_ =	shalt  }
0x75: {  	_ =	shalt  }
0x76: {  	_ =	shalt  }
0x77: {  	_ =	shalt  }
0x78: {  	_ =	shalt  }
0x79: {  	_ =	shalt  }
0x7a: {  	_ =	shalt  }
0x7b: {  	_ =	shalt  }
0x7c: {  	_ =	shalt  }
0x7d: {  	_ =	shalt  }
0x7e: {  	_ =	shalt  }
0x7f: {  	_ =	shalt  }
0x80: {  	_ =	shalt  }
0x81: {  	_ =	shalt  }
0x82: {  	_ =	shalt  }
0x83: {  	_ =	shalt  }
0x84: {  	_ =	shalt  }
0x85: {  	_ =	shalt  }
0x86: {  	_ =	shalt  }
0x87: {  	_ =	shalt  }
.Lfunc_end0:
.L_simem_size_0:
called_computation.1_lowered:
.L_overlay_start_0:
0x88: {  	s2 =	sld [smem:$0x3FD9]  }
0x89: {  	s3 =	sld [smem:$0x3FFE];
	_ =	sdelay $0x1  }
0x8a: {  	s1 =	srdreg.scid  }
0x8b: {  	s0 =	sand.u32 $0x1, s1  }
0x8c: {  	s17 =	sshll.u32 s0, $0xA;
	s2 =	sadd.s32 s3, s2  }
0x8d: {  	s2 =	sadd.s32 s2, s17  }
0x8e: {  	[smem:$0x3FC3] =	sst s2  }
0x8f: {  	_ = 	snop  }
0x90: {  	s2 =	sld [smem:$0x3FD0];
	(tm) =	ssettm $0x1  }
0x91: {  	s18 =	sld [smem:$0x3FFB];
	_ =	sdelay $0x3  }
0x92: {  	_ =	strace s18  }
0x93: {  	s3 =	sld [smem:$0x3FFC];
	_ =	sdelay $0x3  }
0x94: {  	_ =	strace s3  }
0x95: {  	s3 =	sld [smem:$0x3FFD];
	_ =	sdelay $0x3  }
0x96: {  	_ =	strace s3  }
0x97: {  	_ =	strace $0x8FFFFFFF  }
0x98: {  	s19 =	sld [smem:$0x3FDB];
	_ =	sdelay $0x1  }
0x99: {  	s4 =	simm.s32 $_scs_section_size  }
0x9a: {  	s5 =	simm.s32 $_size__tile_overlayer_lowered;
	s6 =	simm.s32 $_tile_overlayer_lowered  }
0x9b: {  	s22 =	simm.s32 $0x1BFF;
	s21 =	sshll.u32 s6, $0x1;
	s3 =	sadd.s32 s4, s19  }
0x9c: {  	s7 =	simm.s32 $0x0;
	s20 =	sshll.u32 s5, $0x1;
	s5 =	sadd.s32 s21, s3  }
0x9d: {  	[timem:s7], [sflag:s22] =	dma.local [hbm:s5], s20  }
0x9e: {  	_ =	swait.ge [sflag:s22], s20  }
0x9f: {  	s4 =	ssub.s32 $0x0, s20;
	[sflag:s22] =	ssyncset.done $0x0  }
0xa0: {  	[sflag:s22] =	ssyncadd.s32 s4;
	_ =	sdelay $0x1  }
0xa1: {  	s23 =	simm.s32 $0x1B8B  }
0xa2: {  	_ =	swait.ge [sflag:s23], $0x1  }
0xa3: {  	[sflag:s23] =	ssyncset.done $0x0  }
0xa4: {  	s25 =	simm.s32 $0x1B8E;
	s24 =	sld [smem:$0x3FFE];
	[sflag:s23] =	ssyncadd.s32 $0xFFFFFFFF  }
0xa5: {  	s26 =	simm.s32 $execute0_lowered;
	[smem:$0x3FD2] =	sst s25  }
0xa6: {  	s5 =	sshll.u32 s26, $0x1;
	_ =	strace $0x80000046;
	[dreg:$0x1] =	wrdreg $0xFFFFFFFF  }
0xa7: {  	s28 =	simm.s32 $_size_execute0_lowered;
	s3 =	sadd.s32 s3, s5;
	[dreg:$0x0] =	wrdreg $0x0  }
0xa8: {  	s5 =	sshll.u32 s28, $0x1;
	[dreg:$0x2] =	wrdreg s3  }
0xa9: {  	[dreg:$0x3] =	wrdreg s5  }
0xaa: {  	[dreg:$0x4] =	wrdreg $0xC0  }
0xab: {  	_ =	task [dreg:s7], $0x5FFFF  }
0xac: {  	[dreg:$0x1] =	wrdreg $0xFFFFFFFF  }
0xad: {  	[dreg:$0x0] =	wrdreg $0x60  }
0xae: {  	[dreg:$0x2] =	wrdreg s24  }
0xaf: {  	[dreg:$0x3] =	wrdreg s2  }
0xb0: {  	[dreg:$0x4] =	wrdreg $0x9  }
0xb1: {  	_ =	task.clear_ibuf [dreg:s7], $0x5FFFF;
	_ =	strace $0x90000046  }
0xb2: {  	s29 =	simm.s32 $0x9;
	_ =	strace $0x80000048  }
0xb3: {  	_ =	swait.ge [sflag:s29], $0x1  }
0xb4: {  	[sflag:s29] =	ssyncadd.s32 $0xFFFFFFFF  }
0xb5: {  	_ =	strace $0x90000048  }
0xb6: {  	_ =	sfence  }
0xb7: {  	s30 =	sld [smem:$0x0];
	_ =	sdelay $0x2  }
0xb8: {  	s31 =	sshll.u32 s1, $0xD;
	s1 =	sshrl.u32 s1, $0x2  }
0xb9: {  	s3 =	sand.u32 $0x4000, s31;
	s1 =	sadd.s32 s1, s30  }
0xba: {  	s0 =	sor.u32 s3, s0;
	s1 =	sshll.u32 s1, $0x11  }
0xbb: {  	s0 =	sor.u32 s1, s0  }
0xbc: {  	s0 =	sadd.s32 $0x8F2B, s0  }
0xbd: {  	[sflag:s0] =	ssyncadd.remote.s32 $0x1  }
0xbe: {  	_ =	sfence.sel $0xFFFF  }
0xbf: {  	[dreg:$0x0] =	wrdreg $0xFFFFFFFF;
	(pc) =	sbr.abs _section_cstart, $3  }
0xc0: {  	[dreg:$0x1] =	wrdreg $0xFFFFFFFF  }
0xc1: {  	_ =	task.clear_ibuf [dreg:s7], $0x2FFFF;
	_ =	strace $0x9FFFFFFF  }
0xc2: {  	(tm) =	ssettm $0x7FFFFFFF  }
0xc3: {  	_ =	shalt  }
tec
execute0_lowered:
.L_overlay_start_1:
0x0: {  	(tag) =	ssettag $0x1  }
0x1: {  	s0 =	rddreg [dreg:$0x0]  }
0x2: {  	s10 =	rddreg [dreg:$0x1];
	s1 =	simm.s32 $0x0;
	s28 =	srdreg.scid  }
0x3: {  	s2 =	stileid.u32;
	s16 =	simm.s32 $0x80;
	s17 =	simm.s32 $0x1000  }
0x4: {  	s19 =	simm.s32 $0x400;
	s20 =	simm.s32 $0x1;
	s21 =	simm.s32 $0x4  }
0x5: {  	s15 =	simm.s32 $0x780;
	s18 =	simm.s32 $0x20000;
	s22 =	simm.s32 $0x2  }
0x6: {  	s23 =	simm.s32 $0x12800;
	s24 =	simm.s32 $0x6;
	s25 =	simm.s32 $0x0  }
0x7: {  	[smem:$0x7FF] =	sst s1;
	s4 =	sadd.s32 $0x3A00, s0;
	s1 =	sand.u32 $0x1, s28  }
0x8: {  	s5 =	sadd.s32 $0x67A00, s0;
	s2 =	sshll.u32 s2, $0x8;
	s7 =	sadd.s32 $0x12B200, s0  }
0x9: {  	s6 =	sadd.s32 $0xC9600, s0;
	s8 =	sadd.s32 $0x18CE00, s0;
	s14 =	sadd.s32 $0x8000, s10  }
0xa: {  	s10 =	simm.s32 $0xE800;
	s3 =	sshll.u32 s1, $0x7;
	s1 =	ssub.s32 $0x2, s1  }
0xb: {  	_ =	strace $0x80000047;
	s2 =	sor.u32 s3, s2;
	s29 =	sshrl.u32 s1, $0x1  }
0xc: {  	s3 =	simm.s32 $0xD800;
	s9 =	sshrl.u32 s2, $0x3;
	s30 =	ssub.s32 s1, s29  }
0xd: {  	s11 =	sor.u32 $0x10000, s2;
	s12 =	sor.u32 $0x18000, s2;
	s31 =	sadd.s32 s4, s9  }
0xe: {  	s13 =	sshll.u32 s2, $0x2;
	s0 =	smax.u32 s30, $0x1;
	[dreg:$0x3] =	wrdreg s31  }
0xf: {  	s2 =	simm.s32 $0x700;
	s1 =	sadd.s32 $0x1000, s31;
	[dreg:$0x5] =	wrdreg s0  }
0x10: {  	s9 =	simm.s32 $0xF800;
	[dreg:$0x4] =	wrdreg s1;
	s1 =	simm.s32 $0x10800  }
.LBB2_1:
0x11: {  	[dreg:$0x6] =	wrdreg s25  }
0x12: {  	s0 =	simm.s32 $0x0;
	s31 =	rddreg [dreg:$0x3];
	s26 =	simm.s32 $0x3  }
0x13: {  	[tilespmem:s0], [sflag:$0x3] =	stream.strided.gather [hbm4b:s31+s16], $0x400, s17, s16, $0x38;
	[tilespmem:$0x14800] =	vst v63  }
0x14: {  	_ =	swait.ge [sflag:s26], $0x400  }
0x15: {  	[sflag:s26] =	ssyncset.done $0x0  }
0x16: {  	s28 =	simm.s32 $0x800;
	[sflag:s26] =	ssyncadd.s32 $0xFFFFFC00  }
0x17: {  	[tilespmem:s28], [sflag:$0x1] =	stream.indirect.gather [hbm4b:s5+s16], $0x20, s0, s16, $0xb8;
	[tilespmem:$0x14800] =	vst v63  }
0x18: {  	s29 =	simm.s32 $0x1800  }
0x19: {  	[tilespmem:s29], [sflag:$0x1] =	stream.indirect.gather [hbm4b:s6+s16], $0x20, s16, s16, $0xb8;
	[tilespmem:$0x14800] =	vst v63  }
0x1a: {  	s30 =	simm.s32 $0x100;
	s31 =	simm.s32 $0x2800  }
0x1b: {  	[tilespmem:s31], [sflag:$0x1] =	stream.indirect.gather [hbm4b:s7+s16], $0x20, s30, s16, $0xb8;
	[tilespmem:$0x14800] =	vst v63  }
0x1c: {  	s25 =	simm.s32 $0x180;
	s26 =	simm.s32 $0x3800  }
0x1d: {  	[tilespmem:s26], [sflag:$0x1] =	stream.indirect.gather [hbm4b:s8+s16], $0x20, s25, s16, $0xb8;
	[tilespmem:$0x14800] =	vst v63  }
0x1e: {  	s28 =	simm.s32 $0x200;
	s29 =	simm.s32 $0x4800  }
0x1f: {  	[tilespmem:s29], [sflag:$0x1] =	stream.indirect.gather [hbm4b:s5+s16], $0x20, s28, s16, $0xb8;
	[tilespmem:$0x14800] =	vst v63  }
0x20: {  	s30 =	simm.s32 $0x280;
	s31 =	simm.s32 $0x5800  }
0x21: {  	[tilespmem:s31], [sflag:$0x1] =	stream.indirect.gather [hbm4b:s6+s16], $0x20, s30, s16, $0xb8;
	[tilespmem:$0x14800] =	vst v63  }
0x22: {  	s26 =	simm.s32 $0x300;
	s28 =	simm.s32 $0x6800  }
0x23: {  	[tilespmem:s28], [sflag:$0x1] =	stream.indirect.gather [hbm4b:s7+s16], $0x20, s26, s16, $0xb8;
	[tilespmem:$0x14800] =	vst v63  }
0x24: {  	s29 =	simm.s32 $0x380;
	s30 =	simm.s32 $0x7800  }
0x25: {  	[tilespmem:s30], [sflag:$0x1] =	stream.indirect.gather [hbm4b:s8+s16], $0x20, s29, s16, $0xb8;
	[tilespmem:$0x14800] =	vst v63  }
0x26: {  	s25 =	simm.s32 $0x0;
	s31 =	rddreg [dreg:$0x4]  }
0x27: {  	[tilespmem:s19], [sflag:$0x4] =	stream.strided.gather [hbm4b:s31+s16], $0x400, s17, s16, $0x38;
	[tilespmem:$0x14800] =	vst v63  }
.LBB2_2:
0x28: {  	_ =	swait.ge [sflag:s20], $0x1000  }
0x29: {  	[sflag:s20] =	ssyncset.done $0x0  }
0x2a: {  	[sflag:s20] =	ssyncadd.s32 $0xFFFFF000  }
0x2b: {  	_ =	swait.ge [sflag:s20], $0x1000  }
0x2c: {  	[sflag:s20] =	ssyncset.done $0x0  }
0x2d: {  	[sflag:s20] =	ssyncadd.s32 $0xFFFFF000  }
0x2e: {  	_ =	swait.ge [sflag:s20], $0x1000  }
0x2f: {  	[sflag:s20] =	ssyncset.done $0x0  }
0x30: {  	[sflag:s20] =	ssyncadd.s32 $0xFFFFF000  }
0x31: {  	_ =	swait.ge [sflag:s20], $0x1000  }
0x32: {  	[sflag:s20] =	ssyncset.done $0x0  }
0x33: {  	[sflag:s20] =	ssyncadd.s32 $0xFFFFF000  }
0x34: {  	_ =	swait.ge [sflag:s20], $0x1000  }
0x35: {  	[sflag:s20] =	ssyncset.done $0x0  }
0x36: {  	[sflag:s20] =	ssyncadd.s32 $0xFFFFF000  }
0x37: {  	_ =	swait.ge [sflag:s20], $0x1000  }
0x38: {  	[sflag:s20] =	ssyncset.done $0x0  }
0x39: {  	[sflag:s20] =	ssyncadd.s32 $0xFFFFF000  }
0x3a: {  	_ =	swait.ge [sflag:s20], $0x1000  }
0x3b: {  	[sflag:s20] =	ssyncset.done $0x0  }
0x3c: {  	s28 =	sshll.u32 s25, $0x10;
	p0 =	seq.s32 s25, $0x31;
	[sflag:s20] =	ssyncadd.s32 $0xFFFFF000  }
0x3d: {  	s26 =	sadd.s32 @!p0 s11, s28;
	s29 =	simm.s32 @!p0 $0x80;
	_ =	swait.ge [sflag:s20], $0x1000  }
0x3e: {  	s30 =	simm.s32 @!p0 $0x1000;
	s26 =	sshrl.u32 @!p0 s26, $0x3;
	[sflag:s20] =	ssyncset.done $0x0  }
0x3f: {  	s31 =	simm.s32 @!p0 $0x0;
	s26 =	sadd.s32 @!p0 s4, s26;
	[sflag:s20] =	ssyncadd.s32 $0xFFFFF000  }
0x40: {  	[tilespmem:s31], [sflag:$0x3] =	stream.strided.gather @!p0 [hbm4b:s26+s29], $0x400, s30, s29, $0x38;
	[tilespmem:$0x14800] =	vst v63  }
0x41: {  	_ =	swait.ge [sflag:s21], $0x400  }
0x42: {  	[sflag:s21] =	ssyncset.done $0x0  }
0x43: {  	s0 =	simm.s32 $0x8800;
	[sflag:s21] =	ssyncadd.s32 $0xFFFFFC00  }
0x44: {  	[tilespmem:s0], [sflag:$0x2] =	stream.indirect.gather [hbm4b:s5+s16], $0x20, s19, s16, $0xb8;
	[tilespmem:$0x14800] =	vst v63  }
0x45: {  	s26 =	simm.s32 $0x480;
	s31 =	simm.s32 $0x9800  }
0x46: {  	[tilespmem:s31], [sflag:$0x2] =	stream.indirect.gather [hbm4b:s6+s16], $0x20, s26, s16, $0xb8;
	[tilespmem:$0x14800] =	vst v63  }
0x47: {  	s26 =	simm.s32 $0x500;
	s31 =	simm.s32 $0xA800  }
0x48: {  	[tilespmem:s31], [sflag:$0x2] =	stream.indirect.gather [hbm4b:s7+s16], $0x20, s26, s16, $0xb8;
	[tilespmem:$0x14800] =	vst v63  }
0x49: {  	s26 =	simm.s32 $0x580;
	s31 =	simm.s32 $0xB800  }
0x4a: {  	[tilespmem:s31], [sflag:$0x2] =	stream.indirect.gather [hbm4b:s8+s16], $0x20, s26, s16, $0xb8;
	[tilespmem:$0x14800] =	vst v63  }
0x4b: {  	s26 =	simm.s32 $0x600;
	s31 =	simm.s32 $0xC800  }
0x4c: {  	[tilespmem:s31], [sflag:$0x2] =	stream.indirect.gather [hbm4b:s5+s16], $0x20, s26, s16, $0xb8;
	[tilespmem:$0x14800] =	vst v63  }
0x4d: {  	s31 =	simm.s32 $0x680  }
0x4e: {  	[tilespmem:s3], [sflag:$0x2] =	stream.indirect.gather [hbm4b:s6+s16], $0x20, s31, s16, $0xb8;
	[tilespmem:$0x14800] =	vst v63  }
0x4f: {  	p1 =	seq.s32 s25, $0x0  }
0x50: {  	[tilespmem:s10], [sflag:$0x2] =	stream.indirect.gather [hbm4b:s7+s16], $0x20, s2, s16, $0xb8;
	[tilespmem:$0x14800] =	vst v63  }
0x51: {  	s26 =	simm.s32 @!p1 $0x5  }
0x52: {  	[tilespmem:s9], [sflag:$0x2] =	stream.indirect.gather [hbm4b:s8+s16], $0x20, s15, s16, $0xb8;
	[tilespmem:$0x14800] =	vst v63  }
0x53: {  	_ =	swait.ge @!p1 [sflag:s26], $0x2000  }
0x54: {  	s29 =	simm.s32 $0x2800;
	[sflag:s26] =	ssyncset.done @!p1 $0x0  }
0x55: {  	s30 =	simm.s32 $0x10880;
	[sflag:s26] =	ssyncadd.s32 @!p1 $0xFFFFE000;
	s26 =	simm.s32 $0xFFFFFFF8  }
.LBB2_3:
0x56: {  	v0 =	vld [tilespmem:s29+$0xFFFFE000]  }
0x57: {  	v1 =	vld [tilespmem:s29+$0xFFFFF000]  }
0x58: {  	v2 =	vld [tilespmem:s29+$0x0]  }
0x59: {  	v3 =	vld [tilespmem:s29+$0x1000];
	_ =	sdelay $0x4  }
0x5a: {  	v0 =	vadd.f32 v1, v0;
	v61 =	vadd.f32 v3, v2;
	_ =	sdelay $0x1  }
0x5b: {  	v0 =	vadd.f32 v61, v0;
	_ =	sdelay $0x1  }
0x5c: {  	v0 =	vmul.f32 $2.500000000e-01, v0;
	_ =	sdelay $0x1  }
0x5d: {  	[tilespmem:s30+$0xFFFFFF80] =	vst v0  }
0x5e: {  	v0 =	vld [tilespmem:s29+$0xFFFFE010]  }
0x5f: {  	v62 =	vld [tilespmem:s29+$0xFFFFF010]  }
0x60: {  	v63 =	vld [tilespmem:s29+$0x10]  }
0x61: {  	v6 =	vld [tilespmem:s29+$0x1010];
	_ =	sdelay $0x4  }
0x62: {  	v0 =	vadd.f32 v62, v0;
	v7 =	vadd.f32 v6, v63;
	_ =	sdelay $0x1  }
0x63: {  	v0 =	vadd.f32 v7, v0;
	_ =	sdelay $0x1  }
0x64: {  	v0 =	vmul.f32 $2.500000000e-01, v0;
	_ =	sdelay $0x1  }
0x65: {  	[tilespmem:s30+$0xFFFFFF90] =	vst v0  }
0x66: {  	v0 =	vld [tilespmem:s29+$0xFFFFE020]  }
0x67: {  	v8 =	vld [tilespmem:s29+$0xFFFFF020]  }
0x68: {  	v9 =	vld [tilespmem:s29+$0x20]  }
0x69: {  	v10 =	vld [tilespmem:s29+$0x1020];
	_ =	sdelay $0x4  }
0x6a: {  	v0 =	vadd.f32 v8, v0;
	v11 =	vadd.f32 v10, v9;
	_ =	sdelay $0x1  }
0x6b: {  	v0 =	vadd.f32 v11, v0;
	_ =	sdelay $0x1  }
0x6c: {  	v0 =	vmul.f32 $2.500000000e-01, v0;
	_ =	sdelay $0x1  }
0x6d: {  	[tilespmem:s30+$0xFFFFFFA0] =	vst v0  }
0x6e: {  	v0 =	vld [tilespmem:s29+$0xFFFFE030]  }
0x6f: {  	v12 =	vld [tilespmem:s29+$0xFFFFF030]  }
0x70: {  	v13 =	vld [tilespmem:s29+$0x30]  }
0x71: {  	v14 =	vld [tilespmem:s29+$0x1030];
	_ =	sdelay $0x4  }
0x72: {  	v0 =	vadd.f32 v12, v0;
	v15 =	vadd.f32 v14, v13;
	_ =	sdelay $0x1  }
0x73: {  	v0 =	vadd.f32 v15, v0;
	_ =	sdelay $0x1  }
0x74: {  	v0 =	vmul.f32 $2.500000000e-01, v0;
	_ =	sdelay $0x1  }
0x75: {  	[tilespmem:s30+$0xFFFFFFB0] =	vst v0  }
0x76: {  	v0 =	vld [tilespmem:s29+$0xFFFFE040]  }
0x77: {  	v16 =	vld [tilespmem:s29+$0xFFFFF040]  }
0x78: {  	v17 =	vld [tilespmem:s29+$0x40]  }
0x79: {  	v18 =	vld [tilespmem:s29+$0x1040];
	_ =	sdelay $0x4  }
0x7a: {  	v0 =	vadd.f32 v16, v0;
	v19 =	vadd.f32 v18, v17;
	_ =	sdelay $0x1  }
0x7b: {  	v0 =	vadd.f32 v19, v0;
	_ =	sdelay $0x1  }
0x7c: {  	v0 =	vmul.f32 $2.500000000e-01, v0;
	_ =	sdelay $0x1  }
0x7d: {  	[tilespmem:s30+$0xFFFFFFC0] =	vst v0  }
0x7e: {  	v0 =	vld [tilespmem:s29+$0xFFFFE050]  }
0x7f: {  	v20 =	vld [tilespmem:s29+$0xFFFFF050]  }
0x80: {  	v21 =	vld [tilespmem:s29+$0x50]  }
0x81: {  	v22 =	vld [tilespmem:s29+$0x1050];
	_ =	sdelay $0x4  }
0x82: {  	v0 =	vadd.f32 v20, v0;
	v23 =	vadd.f32 v22, v21;
	_ =	sdelay $0x1  }
0x83: {  	v0 =	vadd.f32 v23, v0;
	_ =	sdelay $0x1  }
0x84: {  	v0 =	vmul.f32 $2.500000000e-01, v0;
	_ =	sdelay $0x1  }
0x85: {  	[tilespmem:s30+$0xFFFFFFD0] =	vst v0  }
0x86: {  	v0 =	vld [tilespmem:s29+$0xFFFFE060]  }
0x87: {  	v24 =	vld [tilespmem:s29+$0xFFFFF060]  }
0x88: {  	v25 =	vld [tilespmem:s29+$0x60]  }
0x89: {  	v26 =	vld [tilespmem:s29+$0x1060];
	_ =	sdelay $0x4  }
0x8a: {  	v0 =	vadd.f32 v24, v0;
	v27 =	vadd.f32 v26, v25;
	_ =	sdelay $0x1  }
0x8b: {  	v0 =	vadd.f32 v27, v0;
	_ =	sdelay $0x1  }
0x8c: {  	v0 =	vmul.f32 $2.500000000e-01, v0;
	_ =	sdelay $0x1  }
0x8d: {  	[tilespmem:s30+$0xFFFFFFE0] =	vst v0  }
0x8e: {  	v0 =	vld [tilespmem:s29+$0xFFFFE070]  }
0x8f: {  	v28 =	vld [tilespmem:s29+$0xFFFFF070]  }
0x90: {  	v29 =	vld [tilespmem:s29+$0x70]  }
0x91: {  	v30 =	vld [tilespmem:s29+$0x1070];
	_ =	sdelay $0x4  }
0x92: {  	v0 =	vadd.f32 v28, v0;
	v31 =	vadd.f32 v30, v29;
	_ =	sdelay $0x1  }
0x93: {  	v0 =	vadd.f32 v31, v0;
	_ =	sdelay $0x1  }
0x94: {  	v0 =	vmul.f32 $2.500000000e-01, v0;
	_ =	sdelay $0x1  }
0x95: {  	[tilespmem:s30+$0xFFFFFFF0] =	vst v0  }
0x96: {  	v0 =	vld [tilespmem:s29+$0xFFFFE080]  }
0x97: {  	v32 =	vld [tilespmem:s29+$0xFFFFF080]  }
0x98: {  	v33 =	vld [tilespmem:s29+$0x80]  }
0x99: {  	v34 =	vld [tilespmem:s29+$0x1080];
	_ =	sdelay $0x4  }
0x9a: {  	v0 =	vadd.f32 v32, v0;
	v35 =	vadd.f32 v34, v33;
	_ =	sdelay $0x1  }
0x9b: {  	v0 =	vadd.f32 v35, v0;
	_ =	sdelay $0x1  }
0x9c: {  	v0 =	vmul.f32 $2.500000000e-01, v0;
	_ =	sdelay $0x1  }
0x9d: {  	[tilespmem:s30+$0x0] =	vst v0  }
0x9e: {  	v0 =	vld [tilespmem:s29+$0xFFFFE090]  }
0x9f: {  	v36 =	vld [tilespmem:s29+$0xFFFFF090]  }
0xa0: {  	v37 =	vld [tilespmem:s29+$0x90]  }
0xa1: {  	v38 =	vld [tilespmem:s29+$0x1090];
	_ =	sdelay $0x4  }
0xa2: {  	v0 =	vadd.f32 v36, v0;
	v39 =	vadd.f32 v38, v37;
	_ =	sdelay $0x1  }
0xa3: {  	v0 =	vadd.f32 v39, v0;
	_ =	sdelay $0x1  }
0xa4: {  	v0 =	vmul.f32 $2.500000000e-01, v0;
	_ =	sdelay $0x1  }
0xa5: {  	[tilespmem:s30+$0x10] =	vst v0  }
0xa6: {  	v0 =	vld [tilespmem:s29+$0xFFFFE0A0]  }
0xa7: {  	v40 =	vld [tilespmem:s29+$0xFFFFF0A0]  }
0xa8: {  	v41 =	vld [tilespmem:s29+$0xA0]  }
0xa9: {  	v42 =	vld [tilespmem:s29+$0x10A0];
	_ =	sdelay $0x4  }
0xaa: {  	v0 =	vadd.f32 v40, v0;
	v43 =	vadd.f32 v42, v41;
	_ =	sdelay $0x1  }
0xab: {  	v0 =	vadd.f32 v43, v0;
	_ =	sdelay $0x1  }
0xac: {  	v0 =	vmul.f32 $2.500000000e-01, v0;
	_ =	sdelay $0x1  }
0xad: {  	[tilespmem:s30+$0x20] =	vst v0  }
0xae: {  	v0 =	vld [tilespmem:s29+$0xFFFFE0B0]  }
0xaf: {  	v44 =	vld [tilespmem:s29+$0xFFFFF0B0]  }
0xb0: {  	v45 =	vld [tilespmem:s29+$0xB0]  }
0xb1: {  	v46 =	vld [tilespmem:s29+$0x10B0];
	_ =	sdelay $0x4  }
0xb2: {  	v0 =	vadd.f32 v44, v0;
	v47 =	vadd.f32 v46, v45;
	_ =	sdelay $0x1  }
0xb3: {  	v0 =	vadd.f32 v47, v0;
	_ =	sdelay $0x1  }
0xb4: {  	v0 =	vmul.f32 $2.500000000e-01, v0;
	_ =	sdelay $0x1  }
0xb5: {  	[tilespmem:s30+$0x30] =	vst v0  }
0xb6: {  	v0 =	vld [tilespmem:s29+$0xFFFFE0C0]  }
0xb7: {  	v48 =	vld [tilespmem:s29+$0xFFFFF0C0]  }
0xb8: {  	v49 =	vld [tilespmem:s29+$0xC0]  }
0xb9: {  	v50 =	vld [tilespmem:s29+$0x10C0];
	_ =	sdelay $0x4  }
0xba: {  	v0 =	vadd.f32 v48, v0;
	v51 =	vadd.f32 v50, v49;
	_ =	sdelay $0x1  }
0xbb: {  	v0 =	vadd.f32 v51, v0;
	_ =	sdelay $0x1  }
0xbc: {  	v0 =	vmul.f32 $2.500000000e-01, v0;
	_ =	sdelay $0x1  }
0xbd: {  	[tilespmem:s30+$0x40] =	vst v0  }
0xbe: {  	v0 =	vld [tilespmem:s29+$0xFFFFE0D0]  }
0xbf: {  	v52 =	vld [tilespmem:s29+$0xFFFFF0D0]  }
0xc0: {  	v53 =	vld [tilespmem:s29+$0xD0]  }
0xc1: {  	v54 =	vld [tilespmem:s29+$0x10D0];
	_ =	sdelay $0x4  }
0xc2: {  	v0 =	vadd.f32 v52, v0;
	v55 =	vadd.f32 v54, v53;
	_ =	sdelay $0x1  }
0xc3: {  	v0 =	vadd.f32 v55, v0;
	_ =	sdelay $0x1  }
0xc4: {  	v0 =	vmul.f32 $2.500000000e-01, v0;
	_ =	sdelay $0x1  }
0xc5: {  	[tilespmem:s30+$0x50] =	vst v0  }
0xc6: {  	v0 =	vld [tilespmem:s29+$0xFFFFE0E0]  }
0xc7: {  	v56 =	vld [tilespmem:s29+$0xFFFFF0E0]  }
0xc8: {  	v57 =	vld [tilespmem:s29+$0xE0]  }
0xc9: {  	v58 =	vld [tilespmem:s29+$0x10E0];
	_ =	sdelay $0x4  }
0xca: {  	v0 =	vadd.f32 v56, v0;
	v59 =	vadd.f32 v58, v57;
	_ =	sdelay $0x1  }
0xcb: {  	v0 =	vadd.f32 v59, v0;
	_ =	sdelay $0x1  }
0xcc: {  	v0 =	vmul.f32 $2.500000000e-01, v0;
	_ =	sdelay $0x1  }
0xcd: {  	[tilespmem:s30+$0x60] =	vst v0  }
0xce: {  	v0 =	vld [tilespmem:s29+$0xFFFFE0F0]  }
0xcf: {  	v60 =	vld [tilespmem:s29+$0xFFFFF0F0]  }
0xd0: {  	v61 =	vld [tilespmem:s29+$0xF0]  }
0xd1: {  	v62 =	vld [tilespmem:s29+$0x10F0];
	_ =	sdelay $0x4  }
0xd2: {  	s26 =	sadd.s32 $0x8, s26;
	v0 =	vadd.f32 v60, v0;
	v63 =	vadd.f32 v62, v61  }
0xd3: {  	p1 =	slt.u32 s26, $0x78  }
.Ltmp0:
0xd4: {  	v0 =	vadd.f32 v63, v0;
	(pc) =	sbr.rel @p1 .LBB2_3-.Ltmp0, $3  }
0xd5: {  	_ = 	snop  }
0xd6: {  	v0 =	vmul.f32 $2.500000000e-01, v0;
	_ =	sdelay $0x1  }
0xd7: {  	s29 =	sadd.s32 $0x100, s29;
	[tilespmem:s30+$0x70] =	vst v0;
	s30 =	sadd.s32 $0x100, s30  }
0xd8: {  	s29 =	simm.s32 $0x0  }
0xd9: {  	v0 =	vld [tilespmem:s29+$0x48F0]  }
0xda: {  	v1 =	vld [tilespmem:s29+$0x58F0]  }
0xdb: {  	v2 =	vld [tilespmem:s29+$0x68F0]  }
0xdc: {  	v3 =	vld [tilespmem:s29+$0x78F0]  }
0xdd: {  	v4 =	vld [tilespmem:s29+$0x4800]  }
0xde: {  	v5 =	vld [tilespmem:s29+$0x5800]  }
0xdf: {  	v6 =	vld [tilespmem:s29+$0x6800]  }
0xe0: {  	v7 =	vld [tilespmem:s29+$0x7800];
	_ =	sdelay $0x1  }
0xe1: {  	v8 =	vld [tilespmem:s29+$0x4810]  }
0xe2: {  	v0 =	vadd.f32 v1, v0;
	v1 =	vadd.f32 v3, v2;
	v2 =	vld [tilespmem:s29+$0x5810]  }
0xe3: {  	v3 =	vld [tilespmem:s29+$0x6810];
	v4 =	vadd.f32 v5, v4  }
0xe4: {  	v5 =	vadd.f32 v7, v6;
	v0 =	vadd.f32 v1, v0;
	v1 =	vld [tilespmem:s29+$0x7810]  }
0xe5: {  	v9 =	vld [tilespmem:s29+$0x4820]  }
0xe6: {  	v6 =	vld [tilespmem:s29+$0x5820];
	v4 =	vadd.f32 v5, v4;
	v0 =	vmul.f32 $2.500000000e-01, v0  }
0xe7: {  	v7 =	vld [tilespmem:s29+$0x6820]  }
0xe8: {  	v4 =	vmul.f32 $2.500000000e-01, v4;
	[tilespmem:s29+$0x118F0] =	vst v0;
	v0 =	vld [tilespmem:s29+$0x7820]  }
0xe9: {  	v5 =	vld [tilespmem:s29+$0x4830];
	v2 =	vadd.f32 v2, v8;
	v1 =	vadd.f32 v1, v3  }
0xea: {  	[tilespmem:s29+$0x11800] =	vst v4;
	v4 =	vld [tilespmem:s29+$0x7830]  }
0xeb: {  	v3 =	vld [tilespmem:s29+$0x5830];
	v1 =	vadd.f32 v1, v2  }
0xec: {  	v2 =	vld [tilespmem:s29+$0x6830]  }
0xed: {  	v8 =	vld [tilespmem:s29+$0x4840];
	v6 =	vadd.f32 v6, v9;
	v1 =	vmul.f32 $2.500000000e-01, v1;
	v0 =	vadd.f32 v0, v7  }
0xee: {  	v7 =	vld [tilespmem:s29+$0x5840]  }
0xef: {  	[tilespmem:s29+$0x11810] =	vst v1;
	v0 =	vadd.f32 v0, v6;
	v1 =	vld [tilespmem:s29+$0x6840]  }
0xf0: {  	v6 =	vld [tilespmem:s29+$0x7840]  }
0xf1: {  	v60 =	vld [tilespmem:s29+$0x4850];
	v3 =	vadd.f32 v3, v5;
	v2 =	vadd.f32 v4, v2;
	v0 =	vmul.f32 $2.500000000e-01, v0  }
0xf2: {  	v4 =	vld [tilespmem:s29+$0x5850]  }
0xf3: {  	[tilespmem:s29+$0x11820] =	vst v0;
	v0 =	vadd.f32 v2, v3;
	v2 =	vld [tilespmem:s29+$0x6850]  }
0xf4: {  	v3 =	vld [tilespmem:s29+$0x7850]  }
0xf5: {  	v5 =	vld [tilespmem:s29+$0x4860];
	v7 =	vadd.f32 v7, v8;
	v1 =	vadd.f32 v6, v1;
	v0 =	vmul.f32 $2.500000000e-01, v0  }
0xf6: {  	v6 =	vld [tilespmem:s29+$0x5860]  }
0xf7: {  	[tilespmem:s29+$0x11830] =	vst v0;
	v0 =	vadd.f32 v1, v7;
	v1 =	vld [tilespmem:s29+$0x6860]  }
0xf8: {  	v7 =	vld [tilespmem:s29+$0x7860]  }
0xf9: {  	v8 =	vld [tilespmem:s29+$0x4870];
	v4 =	vadd.f32 v4, v60;
	v2 =	vadd.f32 v3, v2;
	v0 =	vmul.f32 $2.500000000e-01, v0  }
0xfa: {  	v3 =	vld [tilespmem:s29+$0x5870]  }
0xfb: {  	[tilespmem:s29+$0x11840] =	vst v0;
	v0 =	vadd.f32 v2, v4;
	v2 =	vld [tilespmem:s29+$0x6870]  }
0xfc: {  	v4 =	vld [tilespmem:s29+$0x7870]  }
0xfd: {  	v61 =	vld [tilespmem:s29+$0x4880];
	v5 =	vadd.f32 v6, v5;
	v1 =	vadd.f32 v7, v1;
	v0 =	vmul.f32 $2.500000000e-01, v0  }
0xfe: {  	v6 =	vld [tilespmem:s29+$0x5880]  }
0xff: {  	[tilespmem:s29+$0x11850] =	vst v0;
	v0 =	vadd.f32 v1, v5;
	v1 =	vld [tilespmem:s29+$0x6880]  }
0x100: {  	v5 =	vld [tilespmem:s29+$0x7880]  }
0x101: {  	v7 =	vld [tilespmem:s29+$0x4890];
	v3 =	vadd.f32 v3, v8;
	v2 =	vadd.f32 v4, v2;
	v0 =	vmul.f32 $2.500000000e-01, v0  }
0x102: {  	v4 =	vld [tilespmem:s29+$0x5890]  }
0x103: {  	[tilespmem:s29+$0x11860] =	vst v0;
	v0 =	vadd.f32 v2, v3;
	v2 =	vld [tilespmem:s29+$0x6890]  }
0x104: {  	v3 =	vld [tilespmem:s29+$0x7890]  }
0x105: {  	v62 =	vld [tilespmem:s29+$0x48B0];
	v6 =	vadd.f32 v6, v61;
	v1 =	vadd.f32 v5, v1;
	v0 =	vmul.f32 $2.500000000e-01, v0  }
0x106: {  	v8 =	vld [tilespmem:s29+$0x48A0]  }
0x107: {  	v5 =	vld [tilespmem:s29+$0x58A0];
	[tilespmem:s29+$0x11870] =	vst v0;
	v0 =	vadd.f32 v1, v6  }
0x108: {  	v1 =	vld [tilespmem:s29+$0x68A0]  }
0x109: {  	v4 =	vadd.f32 v4, v7;
	v6 =	vld [tilespmem:s29+$0x78A0];
	v2 =	vadd.f32 v3, v2;
	v0 =	vmul.f32 $2.500000000e-01, v0  }
0x10a: {  	v3 =	vld [tilespmem:s29+$0x58B0]  }
0x10b: {  	[tilespmem:s29+$0x11880] =	vst v0;
	v0 =	vadd.f32 v2, v4;
	v2 =	vld [tilespmem:s29+$0x68B0]  }
0x10c: {  	v4 =	vld [tilespmem:s29+$0x78B0]  }
0x10d: {  	v7 =	vld [tilespmem:s29+$0x48C0]  }
0x10e: {  	v5 =	vadd.f32 v5, v8;
	v8 =	vld [tilespmem:s29+$0x78C0];
	v1 =	vadd.f32 v6, v1;
	v0 =	vmul.f32 $2.500000000e-01, v0  }
0x10f: {  	v6 =	vld [tilespmem:s29+$0x58C0]  }
0x110: {  	[tilespmem:s29+$0x11890] =	vst v0;
	v0 =	vadd.f32 v1, v5;
	v5 =	vld [tilespmem:s29+$0x68C0]  }
0x111: {  	v10 =	vld [tilespmem:s29+$0x48D0];
	v1 =	vadd.f32 v3, v62;
	v2 =	vadd.f32 v4, v2  }
0x112: {  	v4 =	vld [tilespmem:s29+$0x58D0];
	v0 =	vmul.f32 $2.500000000e-01, v0  }
0x113: {  	v1 =	vadd.f32 v2, v1;
	v2 =	vld [tilespmem:s29+$0x78D0]  }
0x114: {  	[tilespmem:s29+$0x118A0] =	vst v0;
	v0 =	vld [tilespmem:s29+$0x68D0]  }
0x115: {  	v3 =	vld [tilespmem:s29+$0x58E0];
	v6 =	vadd.f32 v6, v7;
	v63 =	vmul.f32 $2.500000000e-01, v1;
	v5 =	vadd.f32 v8, v5  }
0x116: {  	v1 =	vld [tilespmem:s29+$0x48E0]  }
0x117: {  	s26 =	simm.s32 $0x0;
	s30 =	simm.s32 $0x400;
	[tilespmem:s29+$0x118B0] =	vst v63;
	v6 =	vadd.f32 v5, v6;
	v5 =	vadd.f32 v4, v10;
	v4 =	vld [tilespmem:s29+$0x68E0]  }
.LBB2_5:
0x118: {  	s31 =	sshra.s32 s30, $0x2;
	v7 =	vld [tilespmem:s29+$0x78E0]  }
0x119: {  	v8 =	vld [tilespmem:s31+$0x48F0];
	v6 =	vmul.f32 $2.500000000e-01, v6;
	v0 =	vadd.f32 v2, v0  }
0x11a: {  	v2 =	vld [tilespmem:s31+$0x58F0]  }
0x11b: {  	s26 =	sadd.s32 $0x8, s26;
	v9 =	vld [tilespmem:s31+$0x68F0];
	[tilespmem:s29+$0x118C0] =	vst v6;
	v0 =	vadd.f32 v0, v5;
	v1 =	vadd.f32 v3, v1  }
0x11c: {  	p1 =	slt.u32 s26, $0x78;
	v3 =	vld [tilespmem:s31+$0x78F0]  }
0x11d: {  	v5 =	vld [tilespmem:s31+$0x4800];
	v0 =	vmul.f32 $2.500000000e-01, v0;
	v4 =	vadd.f32 v7, v4  }
0x11e: {  	v6 =	vld [tilespmem:s31+$0x5800]  }
0x11f: {  	v7 =	vld [tilespmem:s31+$0x6800];
	[tilespmem:s29+$0x118D0] =	vst v0;
	v0 =	vadd.f32 v4, v1  }
0x120: {  	v1 =	vld [tilespmem:s31+$0x7800]  }
0x121: {  	v2 =	vadd.f32 v2, v8;
	v4 =	vld [tilespmem:s31+$0x4810];
	v3 =	vadd.f32 v3, v9;
	v0 =	vmul.f32 $2.500000000e-01, v0  }
0x122: {  	v8 =	vld [tilespmem:s31+$0x5810]  }
0x123: {  	v5 =	vadd.f32 v6, v5;
	v6 =	vld [tilespmem:s31+$0x6810];
	v2 =	vadd.f32 v3, v2;
	[tilespmem:s29+$0x118E0] =	vst v0;
	s29 =	smov.u32 s31  }
0x124: {  	v0 =	vld [tilespmem:s29+$0x7810]  }
0x125: {  	v1 =	vadd.f32 v1, v7;
	v3 =	vld [tilespmem:s29+$0x4820];
	v2 =	vmul.f32 $2.500000000e-01, v2  }
0x126: {  	v7 =	vld [tilespmem:s29+$0x5820]  }
0x127: {  	v1 =	vadd.f32 v1, v5;
	v4 =	vadd.f32 v8, v4;
	v5 =	vld [tilespmem:s29+$0x6820];
	[tilespmem:s29+$0x118F0] =	vst v2  }
0x128: {  	v2 =	vld [tilespmem:s29+$0x7820]  }
0x129: {  	v1 =	vmul.f32 $2.500000000e-01, v1;
	v0 =	vadd.f32 v0, v6;
	v6 =	vld [tilespmem:s29+$0x4830]  }
0x12a: {  	v8 =	vld [tilespmem:s29+$0x5830]  }
0x12b: {  	[tilespmem:s29+$0x11800] =	vst v1;
	v0 =	vadd.f32 v0, v4;
	v1 =	vadd.f32 v7, v3;
	v3 =	vld [tilespmem:s29+$0x6830]  }
0x12c: {  	v4 =	vld [tilespmem:s29+$0x7830]  }
0x12d: {  	v0 =	vmul.f32 $2.500000000e-01, v0;
	v2 =	vadd.f32 v2, v5;
	v5 =	vld [tilespmem:s29+$0x4840]  }
0x12e: {  	v7 =	vld [tilespmem:s29+$0x5840]  }
0x12f: {  	[tilespmem:s29+$0x11810] =	vst v0;
	v0 =	vadd.f32 v2, v1;
	v1 =	vadd.f32 v8, v6;
	v2 =	vld [tilespmem:s29+$0x6840]  }
0x130: {  	v6 =	vld [tilespmem:s29+$0x7840]  }
0x131: {  	v0 =	vmul.f32 $2.500000000e-01, v0;
	v3 =	vadd.f32 v4, v3;
	v4 =	vld [tilespmem:s29+$0x4850]  }
0x132: {  	v8 =	vld [tilespmem:s29+$0x5850]  }
0x133: {  	[tilespmem:s29+$0x11820] =	vst v0;
	v0 =	vadd.f32 v3, v1;
	v1 =	vadd.f32 v7, v5;
	v3 =	vld [tilespmem:s29+$0x6850]  }
0x134: {  	v5 =	vld [tilespmem:s29+$0x7850]  }
0x135: {  	v0 =	vmul.f32 $2.500000000e-01, v0;
	v2 =	vadd.f32 v6, v2;
	v6 =	vld [tilespmem:s29+$0x4860]  }
0x136: {  	v7 =	vld [tilespmem:s29+$0x5860]  }
0x137: {  	[tilespmem:s29+$0x11830] =	vst v0;
	v0 =	vadd.f32 v2, v1;
	v1 =	vadd.f32 v8, v4;
	v2 =	vld [tilespmem:s29+$0x6860]  }
0x138: {  	v4 =	vld [tilespmem:s29+$0x7860]  }
0x139: {  	v0 =	vmul.f32 $2.500000000e-01, v0;
	v3 =	vadd.f32 v5, v3;
	v5 =	vld [tilespmem:s29+$0x4870]  }
0x13a: {  	v8 =	vld [tilespmem:s29+$0x5870]  }
0x13b: {  	[tilespmem:s29+$0x11840] =	vst v0;
	v0 =	vadd.f32 v3, v1;
	v1 =	vadd.f32 v7, v6;
	v3 =	vld [tilespmem:s29+$0x6870]  }
0x13c: {  	v6 =	vld [tilespmem:s29+$0x7870]  }
0x13d: {  	v0 =	vmul.f32 $2.500000000e-01, v0;
	v2 =	vadd.f32 v4, v2;
	v4 =	vld [tilespmem:s29+$0x4880]  }
0x13e: {  	v7 =	vld [tilespmem:s29+$0x5880]  }
0x13f: {  	[tilespmem:s29+$0x11850] =	vst v0;
	v0 =	vadd.f32 v2, v1;
	v1 =	vadd.f32 v8, v5;
	v2 =	vld [tilespmem:s29+$0x6880]  }
0x140: {  	v5 =	vld [tilespmem:s29+$0x7880]  }
0x141: {  	v0 =	vmul.f32 $2.500000000e-01, v0;
	v3 =	vadd.f32 v6, v3;
	v6 =	vld [tilespmem:s29+$0x4890]  }
0x142: {  	v8 =	vld [tilespmem:s29+$0x5890]  }
0x143: {  	[tilespmem:s29+$0x11860] =	vst v0;
	v0 =	vadd.f32 v3, v1;
	v1 =	vadd.f32 v7, v4;
	v3 =	vld [tilespmem:s29+$0x6890]  }
0x144: {  	v4 =	vld [tilespmem:s29+$0x7890]  }
0x145: {  	v0 =	vmul.f32 $2.500000000e-01, v0;
	v2 =	vadd.f32 v5, v2;
	v5 =	vld [tilespmem:s29+$0x48A0]  }
0x146: {  	v7 =	vld [tilespmem:s29+$0x58A0]  }
0x147: {  	[tilespmem:s29+$0x11870] =	vst v0;
	v0 =	vadd.f32 v2, v1;
	v1 =	vadd.f32 v8, v6;
	v2 =	vld [tilespmem:s29+$0x68A0]  }
0x148: {  	v6 =	vld [tilespmem:s29+$0x78A0]  }
0x149: {  	v0 =	vmul.f32 $2.500000000e-01, v0;
	v3 =	vadd.f32 v4, v3;
	v4 =	vld [tilespmem:s29+$0x48B0]  }
0x14a: {  	v8 =	vld [tilespmem:s29+$0x58B0]  }
0x14b: {  	[tilespmem:s29+$0x11880] =	vst v0;
	v0 =	vadd.f32 v3, v1;
	v1 =	vadd.f32 v7, v5;
	v3 =	vld [tilespmem:s29+$0x68B0]  }
0x14c: {  	v5 =	vld [tilespmem:s29+$0x78B0]  }
0x14d: {  	v0 =	vmul.f32 $2.500000000e-01, v0;
	v2 =	vadd.f32 v6, v2;
	v6 =	vld [tilespmem:s29+$0x48C0]  }
0x14e: {  	v7 =	vld [tilespmem:s29+$0x58C0]  }
0x14f: {  	[tilespmem:s29+$0x11890] =	vst v0;
	v0 =	vadd.f32 v2, v1;
	v1 =	vadd.f32 v8, v4;
	v4 =	vld [tilespmem:s29+$0x68C0]  }
0x150: {  	v8 =	vld [tilespmem:s29+$0x78C0]  }
0x151: {  	v0 =	vmul.f32 $2.500000000e-01, v0;
	v2 =	vadd.f32 v5, v3;
	v5 =	vld [tilespmem:s29+$0x48D0]  }
0x152: {  	v9 =	vld [tilespmem:s29+$0x58D0]  }
.Ltmp1:
0x153: {  	[tilespmem:s29+$0x118A0] =	vst v0;
	v1 =	vadd.f32 v2, v1;
	v6 =	vadd.f32 v7, v6;
	v0 =	vld [tilespmem:s29+$0x68D0];
	(pc) =	sbr.rel @p1 .LBB2_5-.Ltmp1, $4  }
0x154: {  	v2 =	vld [tilespmem:s29+$0x78D0]  }
0x155: {  	v7 =	vmul.f32 $2.500000000e-01, v1;
	v4 =	vadd.f32 v8, v4;
	v1 =	vld [tilespmem:s29+$0x48E0]  }
0x156: {  	v3 =	vld [tilespmem:s29+$0x58E0]  }
0x157: {  	s30 =	sadd.s32 $0x400, s30;
	[tilespmem:s29+$0x118B0] =	vst v7;
	v6 =	vadd.f32 v4, v6;
	v5 =	vadd.f32 v9, v5;
	v4 =	vld [tilespmem:s29+$0x68E0]  }
0x158: {  	v7 =	vld [tilespmem:s29+$0x78E0];
	_ =	sdelay $0x3  }
0x159: {  	v0 =	vadd.f32 v2, v0  }
0x15a: {  	v1 =	vadd.f32 v3, v1;
	v2 =	vadd.f32 v7, v4  }
0x15b: {  	v0 =	vadd.f32 v0, v5  }
0x15c: {  	v3 =	vmul.f32 $2.500000000e-01, v6;
	v1 =	vadd.f32 v2, v1  }
0x15d: {  	v0 =	vmul.f32 $2.500000000e-01, v0  }
0x15e: {  	[tilespmem:s29+$0x118C0] =	vst v3;
	v1 =	vmul.f32 $2.500000000e-01, v1  }
0x15f: {  	s26 =	sor.u32 s13, s28;
	s0 =	rddreg [dreg:$0x1];
	[tilespmem:s29+$0x118D0] =	vst v0  }
0x160: {  	[tilespmem:s29+$0x118E0] =	vst v1;
	s29 =	sadd.s32 s0, s26  }
0x161: {  	[hbm4b:s29+s17] =	stream.strided.scatter [tilespmem:s1], [sflag:$0x5], $0x2000, s18, s17, $0x38;
	[tilespmem:$0x14800] =	vst v63  }
0x162: {  	_ =	swait.ge [sflag:s22], $0x1000  }
0x163: {  	[sflag:s22] =	ssyncset.done $0x0  }
0x164: {  	[sflag:s22] =	ssyncadd.s32 $0xFFFFF000  }
0x165: {  	_ =	swait.ge [sflag:s22], $0x1000  }
0x166: {  	[sflag:s22] =	ssyncset.done $0x0  }
0x167: {  	[sflag:s22] =	ssyncadd.s32 $0xFFFFF000  }
0x168: {  	_ =	swait.ge [sflag:s22], $0x1000  }
0x169: {  	[sflag:s22] =	ssyncset.done $0x0  }
0x16a: {  	[sflag:s22] =	ssyncadd.s32 $0xFFFFF000  }
0x16b: {  	_ =	swait.ge [sflag:s22], $0x1000  }
0x16c: {  	[sflag:s22] =	ssyncset.done $0x0  }
0x16d: {  	[sflag:s22] =	ssyncadd.s32 $0xFFFFF000  }
0x16e: {  	_ =	swait.ge [sflag:s22], $0x1000  }
0x16f: {  	[sflag:s22] =	ssyncset.done $0x0  }
0x170: {  	[sflag:s22] =	ssyncadd.s32 $0xFFFFF000  }
0x171: {  	_ =	swait.ge [sflag:s22], $0x1000  }
0x172: {  	[sflag:s22] =	ssyncset.done $0x0  }
0x173: {  	[sflag:s22] =	ssyncadd.s32 $0xFFFFF000  }
0x174: {  	_ =	swait.ge [sflag:s22], $0x1000  }
0x175: {  	[sflag:s22] =	ssyncset.done $0x0  }
0x176: {  	[sflag:s22] =	ssyncadd.s32 $0xFFFFF000  }
0x177: {  	s28 =	sadd.s32 @!p0 s12, s28;
	s30 =	simm.s32 @!p0 $0x1000;
	_ =	swait.ge [sflag:s22], $0x1000  }
0x178: {  	s31 =	simm.s32 @!p0 $0x400;
	s28 =	sshrl.u32 @!p0 s28, $0x3;
	[sflag:s22] =	ssyncset.done $0x0  }
0x179: {  	s28 =	sadd.s32 @!p0 s4, s28;
	s29 =	simm.s32 @!p0 $0x80;
	[sflag:s22] =	ssyncadd.s32 $0xFFFFF000  }
0x17a: {  	[tilespmem:s31], [sflag:$0x4] =	stream.strided.gather @!p0 [hbm4b:s28+s29], $0x400, s30, s29, $0x38;
	[tilespmem:$0x14800] =	vst v63  }
0x17b: {  	s28 =	simm.s32 @!p0 $0x3  }
0x17c: {  	_ =	swait.ge @!p0 [sflag:s28], $0x400  }
0x17d: {  	[sflag:s28] =	ssyncset.done @!p0 $0x0  }
0x17e: {  	s30 =	simm.s32 @!p0 $0x800;
	[sflag:s28] =	ssyncadd.s32 @!p0 $0xFFFFFC00;
	s28 =	simm.s32 @!p0 $0x0  }
0x17f: {  	[tilespmem:s30], [sflag:$0x1] =	stream.indirect.gather @!p0 [hbm4b:s5+s29], $0x20, s28, s29, $0xb8;
	[tilespmem:$0x14800] =	vst v63  }
0x180: {  	s28 =	simm.s32 @!p0 $0x1800  }
0x181: {  	[tilespmem:s28], [sflag:$0x1] =	stream.indirect.gather @!p0 [hbm4b:s6+s29], $0x20, s29, s29, $0xb8;
	[tilespmem:$0x14800] =	vst v63  }
0x182: {  	s30 =	simm.s32 @!p0 $0x2800;
	s28 =	simm.s32 @!p0 $0x100  }
0x183: {  	[tilespmem:s30], [sflag:$0x1] =	stream.indirect.gather @!p0 [hbm4b:s7+s29], $0x20, s28, s29, $0xb8;
	[tilespmem:$0x14800] =	vst v63  }
0x184: {  	s28 =	simm.s32 @!p0 $0x180;
	s30 =	simm.s32 @!p0 $0x3800  }
0x185: {  	[tilespmem:s30], [sflag:$0x1] =	stream.indirect.gather @!p0 [hbm4b:s8+s29], $0x20, s28, s29, $0xb8;
	[tilespmem:$0x14800] =	vst v63  }
0x186: {  	s28 =	simm.s32 @!p0 $0x200;
	s30 =	simm.s32 @!p0 $0x4800  }
0x187: {  	[tilespmem:s30], [sflag:$0x1] =	stream.indirect.gather @!p0 [hbm4b:s5+s29], $0x20, s28, s29, $0xb8;
	[tilespmem:$0x14800] =	vst v63  }
0x188: {  	s28 =	simm.s32 @!p0 $0x280;
	s30 =	simm.s32 @!p0 $0x5800  }
0x189: {  	[tilespmem:s30], [sflag:$0x1] =	stream.indirect.gather @!p0 [hbm4b:s6+s29], $0x20, s28, s29, $0xb8;
	[tilespmem:$0x14800] =	vst v63  }
0x18a: {  	s28 =	simm.s32 @!p0 $0x300;
	s30 =	simm.s32 @!p0 $0x6800  }
0x18b: {  	[tilespmem:s30], [sflag:$0x1] =	stream.indirect.gather @!p0 [hbm4b:s7+s29], $0x20, s28, s29, $0xb8;
	[tilespmem:$0x14800] =	vst v63  }
0x18c: {  	p1 =	seq.s32 @!p0 s25, $0x0;
	s28 =	simm.s32 @!p0 $0x380;
	s30 =	simm.s32 @!p0 $0x7800  }
0x18d: {  	[tilespmem:s30], [sflag:$0x1] =	stream.indirect.gather @!p0 [hbm4b:s8+s29], $0x20, s28, s29, $0xb8;
	[tilespmem:$0x14800] =	vst v63  }
0x18e: {  	p0 =	por p0, !p1  }
0x18f: {  	_ =	swait.ge @p0 [sflag:s24], $0x2000  }
0x190: {  	[sflag:s24] =	ssyncset.done @p0 $0x0  }
0x191: {  	s28 =	simm.s32 $0x0;
	[sflag:s24] =	ssyncadd.s32 @p0 $0xFFFFE000  }
0x192: {  	v0 =	vld [tilespmem:s28+$0x88F0]  }
0x193: {  	v1 =	vld [tilespmem:s28+$0x98F0]  }
0x194: {  	v2 =	vld [tilespmem:s28+$0xA8F0]  }
0x195: {  	v3 =	vld [tilespmem:s28+$0xB8F0]  }
0x196: {  	v4 =	vld [tilespmem:s28+$0x8800]  }
0x197: {  	v5 =	vld [tilespmem:s28+$0x9800]  }
0x198: {  	v6 =	vld [tilespmem:s28+$0xA800]  }
0x199: {  	v7 =	vld [tilespmem:s28+$0xB800];
	_ =	sdelay $0x1  }
0x19a: {  	v8 =	vld [tilespmem:s28+$0x8810]  }
0x19b: {  	v0 =	vadd.f32 v1, v0;
	v1 =	vadd.f32 v3, v2;
	v2 =	vld [tilespmem:s28+$0x9810]  }
0x19c: {  	v3 =	vld [tilespmem:s28+$0xA810];
	v4 =	vadd.f32 v5, v4  }
0x19d: {  	v5 =	vadd.f32 v7, v6;
	v0 =	vadd.f32 v1, v0;
	v1 =	vld [tilespmem:s28+$0xB810]  }
0x19e: {  	v9 =	vld [tilespmem:s28+$0x8820]  }
0x19f: {  	v6 =	vld [tilespmem:s28+$0x9820];
	v4 =	vadd.f32 v5, v4;
	v0 =	vmul.f32 $2.500000000e-01, v0  }
0x1a0: {  	v7 =	vld [tilespmem:s28+$0xA820]  }
0x1a1: {  	v4 =	vmul.f32 $2.500000000e-01, v4;
	[tilespmem:s28+$0x128F0] =	vst v0;
	v0 =	vld [tilespmem:s28+$0xB820]  }
0x1a2: {  	v5 =	vld [tilespmem:s28+$0x8830];
	v2 =	vadd.f32 v2, v8;
	v1 =	vadd.f32 v1, v3  }
0x1a3: {  	[tilespmem:s28+$0x12800] =	vst v4;
	v4 =	vld [tilespmem:s28+$0xB830]  }
0x1a4: {  	v3 =	vld [tilespmem:s28+$0x9830];
	v1 =	vadd.f32 v1, v2  }
0x1a5: {  	v2 =	vld [tilespmem:s28+$0xA830]  }
0x1a6: {  	v8 =	vld [tilespmem:s28+$0x8840];
	v6 =	vadd.f32 v6, v9;
	v1 =	vmul.f32 $2.500000000e-01, v1;
	v0 =	vadd.f32 v0, v7  }
0x1a7: {  	v7 =	vld [tilespmem:s28+$0x9840]  }
0x1a8: {  	[tilespmem:s28+$0x12810] =	vst v1;
	v0 =	vadd.f32 v0, v6;
	v1 =	vld [tilespmem:s28+$0xA840]  }
0x1a9: {  	v6 =	vld [tilespmem:s28+$0xB840]  }
0x1aa: {  	v60 =	vld [tilespmem:s28+$0x8850];
	v3 =	vadd.f32 v3, v5;
	v2 =	vadd.f32 v4, v2;
	v0 =	vmul.f32 $2.500000000e-01, v0  }
0x1ab: {  	v4 =	vld [tilespmem:s28+$0x9850]  }
0x1ac: {  	[tilespmem:s28+$0x12820] =	vst v0;
	v0 =	vadd.f32 v2, v3;
	v2 =	vld [tilespmem:s28+$0xA850]  }
0x1ad: {  	v3 =	vld [tilespmem:s28+$0xB850]  }
0x1ae: {  	v5 =	vld [tilespmem:s28+$0x8860];
	v7 =	vadd.f32 v7, v8;
	v1 =	vadd.f32 v6, v1;
	v0 =	vmul.f32 $2.500000000e-01, v0  }
0x1af: {  	v6 =	vld [tilespmem:s28+$0x9860]  }
0x1b0: {  	[tilespmem:s28+$0x12830] =	vst v0;
	v0 =	vadd.f32 v1, v7;
	v1 =	vld [tilespmem:s28+$0xA860]  }
0x1b1: {  	v7 =	vld [tilespmem:s28+$0xB860]  }
0x1b2: {  	v8 =	vld [tilespmem:s28+$0x8870];
	v4 =	vadd.f32 v4, v60;
	v2 =	vadd.f32 v3, v2;
	v0 =	vmul.f32 $2.500000000e-01, v0  }
0x1b3: {  	v3 =	vld [tilespmem:s28+$0x9870]  }
0x1b4: {  	[tilespmem:s28+$0x12840] =	vst v0;
	v0 =	vadd.f32 v2, v4;
	v2 =	vld [tilespmem:s28+$0xA870]  }
0x1b5: {  	v4 =	vld [tilespmem:s28+$0xB870]  }
0x1b6: {  	v61 =	vld [tilespmem:s28+$0x8880];
	v5 =	vadd.f32 v6, v5;
	v1 =	vadd.f32 v7, v1;
	v0 =	vmul.f32 $2.500000000e-01, v0  }
0x1b7: {  	v6 =	vld [tilespmem:s28+$0x9880]  }
0x1b8: {  	[tilespmem:s28+$0x12850] =	vst v0;
	v0 =	vadd.f32 v1, v5;
	v1 =	vld [tilespmem:s28+$0xA880]  }
0x1b9: {  	v5 =	vld [tilespmem:s28+$0xB880]  }
0x1ba: {  	v7 =	vld [tilespmem:s28+$0x8890];
	v3 =	vadd.f32 v3, v8;
	v2 =	vadd.f32 v4, v2;
	v0 =	vmul.f32 $2.500000000e-01, v0  }
0x1bb: {  	v4 =	vld [tilespmem:s28+$0x9890]  }
0x1bc: {  	[tilespmem:s28+$0x12860] =	vst v0;
	v0 =	vadd.f32 v2, v3;
	v2 =	vld [tilespmem:s28+$0xA890]  }
0x1bd: {  	v3 =	vld [tilespmem:s28+$0xB890]  }
0x1be: {  	v62 =	vld [tilespmem:s28+$0x88B0];
	v6 =	vadd.f32 v6, v61;
	v1 =	vadd.f32 v5, v1;
	v0 =	vmul.f32 $2.500000000e-01, v0  }
0x1bf: {  	v8 =	vld [tilespmem:s28+$0x88A0]  }
0x1c0: {  	v5 =	vld [tilespmem:s28+$0x98A0];
	[tilespmem:s28+$0x12870] =	vst v0;
	v0 =	vadd.f32 v1, v6  }
0x1c1: {  	v1 =	vld [tilespmem:s28+$0xA8A0]  }
0x1c2: {  	v4 =	vadd.f32 v4, v7;
	v6 =	vld [tilespmem:s28+$0xB8A0];
	v2 =	vadd.f32 v3, v2;
	v0 =	vmul.f32 $2.500000000e-01, v0  }
0x1c3: {  	v3 =	vld [tilespmem:s28+$0x98B0]  }
0x1c4: {  	[tilespmem:s28+$0x12880] =	vst v0;
	v0 =	vadd.f32 v2, v4;
	v2 =	vld [tilespmem:s28+$0xA8B0]  }
0x1c5: {  	v4 =	vld [tilespmem:s28+$0xB8B0]  }
0x1c6: {  	v7 =	vld [tilespmem:s28+$0x88C0]  }
0x1c7: {  	v5 =	vadd.f32 v5, v8;
	v8 =	vld [tilespmem:s28+$0xB8C0];
	v1 =	vadd.f32 v6, v1;
	v0 =	vmul.f32 $2.500000000e-01, v0  }
0x1c8: {  	v6 =	vld [tilespmem:s28+$0x98C0]  }
0x1c9: {  	[tilespmem:s28+$0x12890] =	vst v0;
	v0 =	vadd.f32 v1, v5;
	v5 =	vld [tilespmem:s28+$0xA8C0]  }
0x1ca: {  	v10 =	vld [tilespmem:s28+$0x88D0];
	v1 =	vadd.f32 v3, v62;
	v2 =	vadd.f32 v4, v2  }
0x1cb: {  	v4 =	vld [tilespmem:s28+$0x98D0];
	v0 =	vmul.f32 $2.500000000e-01, v0  }
0x1cc: {  	v1 =	vadd.f32 v2, v1;
	v2 =	vld [tilespmem:s28+$0xB8D0]  }
0x1cd: {  	[tilespmem:s28+$0x128A0] =	vst v0;
	v0 =	vld [tilespmem:s28+$0xA8D0]  }
0x1ce: {  	v3 =	vld [tilespmem:s28+$0x98E0];
	v6 =	vadd.f32 v6, v7;
	v63 =	vmul.f32 $2.500000000e-01, v1;
	v5 =	vadd.f32 v8, v5  }
0x1cf: {  	v1 =	vld [tilespmem:s28+$0x88E0]  }
0x1d0: {  	s31 =	simm.s32 $0x400;
	s30 =	simm.s32 $0x0;
	s29 =	simm.s32 $0x0;
	[tilespmem:s28+$0x128B0] =	vst v63;
	v6 =	vadd.f32 v5, v6;
	v5 =	vadd.f32 v4, v10;
	v4 =	vld [tilespmem:s28+$0xA8E0]  }
.LBB2_7:
0x1d1: {  	s0 =	sshra.s32 s31, $0x2;
	v7 =	vld [tilespmem:s29+$0xB8E0]  }
0x1d2: {  	v8 =	vld [tilespmem:s0+$0x88F0];
	v6 =	vmul.f32 $2.500000000e-01, v6;
	v0 =	vadd.f32 v2, v0  }
0x1d3: {  	v2 =	vld [tilespmem:s0+$0x98F0]  }
0x1d4: {  	s30 =	sadd.s32 $0x8, s30;
	v9 =	vld [tilespmem:s0+$0xA8F0];
	[tilespmem:s29+$0x128C0] =	vst v6;
	v0 =	vadd.f32 v0, v5;
	v1 =	vadd.f32 v3, v1  }
0x1d5: {  	p0 =	slt.u32 s30, $0x78;
	v3 =	vld [tilespmem:s0+$0xB8F0]  }
0x1d6: {  	v5 =	vld [tilespmem:s0+$0x8800];
	v0 =	vmul.f32 $2.500000000e-01, v0;
	v4 =	vadd.f32 v7, v4  }
0x1d7: {  	v6 =	vld [tilespmem:s0+$0x9800]  }
0x1d8: {  	v7 =	vld [tilespmem:s0+$0xA800];
	[tilespmem:s29+$0x128D0] =	vst v0;
	v0 =	vadd.f32 v4, v1  }
0x1d9: {  	v1 =	vld [tilespmem:s0+$0xB800]  }
0x1da: {  	v2 =	vadd.f32 v2, v8;
	v4 =	vld [tilespmem:s0+$0x8810];
	v3 =	vadd.f32 v3, v9;
	v0 =	vmul.f32 $2.500000000e-01, v0  }
0x1db: {  	v8 =	vld [tilespmem:s0+$0x9810]  }
0x1dc: {  	v5 =	vadd.f32 v6, v5;
	v6 =	vld [tilespmem:s0+$0xA810];
	v2 =	vadd.f32 v3, v2;
	[tilespmem:s29+$0x128E0] =	vst v0;
	s29 =	smov.u32 s0  }
0x1dd: {  	v0 =	vld [tilespmem:s29+$0xB810]  }
0x1de: {  	v1 =	vadd.f32 v1, v7;
	v3 =	vld [tilespmem:s29+$0x8820];
	v2 =	vmul.f32 $2.500000000e-01, v2  }
0x1df: {  	v7 =	vld [tilespmem:s29+$0x9820]  }
0x1e0: {  	v1 =	vadd.f32 v1, v5;
	v4 =	vadd.f32 v8, v4;
	v5 =	vld [tilespmem:s29+$0xA820];
	[tilespmem:s29+$0x128F0] =	vst v2  }
0x1e1: {  	v2 =	vld [tilespmem:s29+$0xB820]  }
0x1e2: {  	v1 =	vmul.f32 $2.500000000e-01, v1;
	v0 =	vadd.f32 v0, v6;
	v6 =	vld [tilespmem:s29+$0x8830]  }
0x1e3: {  	v8 =	vld [tilespmem:s29+$0x9830]  }
0x1e4: {  	[tilespmem:s29+$0x12800] =	vst v1;
	v0 =	vadd.f32 v0, v4;
	v1 =	vadd.f32 v7, v3;
	v3 =	vld [tilespmem:s29+$0xA830]  }
0x1e5: {  	v4 =	vld [tilespmem:s29+$0xB830]  }
0x1e6: {  	v0 =	vmul.f32 $2.500000000e-01, v0;
	v2 =	vadd.f32 v2, v5;
	v5 =	vld [tilespmem:s29+$0x8840]  }
0x1e7: {  	v7 =	vld [tilespmem:s29+$0x9840]  }
0x1e8: {  	[tilespmem:s29+$0x12810] =	vst v0;
	v0 =	vadd.f32 v2, v1;
	v1 =	vadd.f32 v8, v6;
	v2 =	vld [tilespmem:s29+$0xA840]  }
0x1e9: {  	v6 =	vld [tilespmem:s29+$0xB840]  }
0x1ea: {  	v0 =	vmul.f32 $2.500000000e-01, v0;
	v3 =	vadd.f32 v4, v3;
	v4 =	vld [tilespmem:s29+$0x8850]  }
0x1eb: {  	v8 =	vld [tilespmem:s29+$0x9850]  }
0x1ec: {  	[tilespmem:s29+$0x12820] =	vst v0;
	v0 =	vadd.f32 v3, v1;
	v1 =	vadd.f32 v7, v5;
	v3 =	vld [tilespmem:s29+$0xA850]  }
0x1ed: {  	v5 =	vld [tilespmem:s29+$0xB850]  }
0x1ee: {  	v0 =	vmul.f32 $2.500000000e-01, v0;
	v2 =	vadd.f32 v6, v2;
	v6 =	vld [tilespmem:s29+$0x8860]  }
0x1ef: {  	v7 =	vld [tilespmem:s29+$0x9860]  }
0x1f0: {  	[tilespmem:s29+$0x12830] =	vst v0;
	v0 =	vadd.f32 v2, v1;
	v1 =	vadd.f32 v8, v4;
	v2 =	vld [tilespmem:s29+$0xA860]  }
0x1f1: {  	v4 =	vld [tilespmem:s29+$0xB860]  }
0x1f2: {  	v0 =	vmul.f32 $2.500000000e-01, v0;
	v3 =	vadd.f32 v5, v3;
	v5 =	vld [tilespmem:s29+$0x8870]  }
0x1f3: {  	v8 =	vld [tilespmem:s29+$0x9870]  }
0x1f4: {  	[tilespmem:s29+$0x12840] =	vst v0;
	v0 =	vadd.f32 v3, v1;
	v1 =	vadd.f32 v7, v6;
	v3 =	vld [tilespmem:s29+$0xA870]  }
0x1f5: {  	v6 =	vld [tilespmem:s29+$0xB870]  }
0x1f6: {  	v0 =	vmul.f32 $2.500000000e-01, v0;
	v2 =	vadd.f32 v4, v2;
	v4 =	vld [tilespmem:s29+$0x8880]  }
0x1f7: {  	v7 =	vld [tilespmem:s29+$0x9880]  }
0x1f8: {  	[tilespmem:s29+$0x12850] =	vst v0;
	v0 =	vadd.f32 v2, v1;
	v1 =	vadd.f32 v8, v5;
	v2 =	vld [tilespmem:s29+$0xA880]  }
0x1f9: {  	v5 =	vld [tilespmem:s29+$0xB880]  }
0x1fa: {  	v0 =	vmul.f32 $2.500000000e-01, v0;
	v3 =	vadd.f32 v6, v3;
	v6 =	vld [tilespmem:s29+$0x8890]  }
0x1fb: {  	v8 =	vld [tilespmem:s29+$0x9890]  }
0x1fc: {  	[tilespmem:s29+$0x12860] =	vst v0;
	v0 =	vadd.f32 v3, v1;
	v1 =	vadd.f32 v7, v4;
	v3 =	vld [tilespmem:s29+$0xA890]  }
0x1fd: {  	v4 =	vld [tilespmem:s29+$0xB890]  }
0x1fe: {  	v0 =	vmul.f32 $2.500000000e-01, v0;
	v2 =	vadd.f32 v5, v2;
	v5 =	vld [tilespmem:s29+$0x88A0]  }
0x1ff: {  	v7 =	vld [tilespmem:s29+$0x98A0]  }
0x200: {  	[tilespmem:s29+$0x12870] =	vst v0;
	v0 =	vadd.f32 v2, v1;
	v1 =	vadd.f32 v8, v6;
	v2 =	vld [tilespmem:s29+$0xA8A0]  }
0x201: {  	v6 =	vld [tilespmem:s29+$0xB8A0]  }
0x202: {  	v0 =	vmul.f32 $2.500000000e-01, v0;
	v3 =	vadd.f32 v4, v3;
	v4 =	vld [tilespmem:s29+$0x88B0]  }
0x203: {  	v8 =	vld [tilespmem:s29+$0x98B0]  }
0x204: {  	[tilespmem:s29+$0x12880] =	vst v0;
	v0 =	vadd.f32 v3, v1;
	v1 =	vadd.f32 v7, v5;
	v3 =	vld [tilespmem:s29+$0xA8B0]  }
0x205: {  	v5 =	vld [tilespmem:s29+$0xB8B0]  }
0x206: {  	v0 =	vmul.f32 $2.500000000e-01, v0;
	v2 =	vadd.f32 v6, v2;
	v6 =	vld [tilespmem:s29+$0x88C0]  }
0x207: {  	v7 =	vld [tilespmem:s29+$0x98C0]  }
0x208: {  	[tilespmem:s29+$0x12890] =	vst v0;
	v0 =	vadd.f32 v2, v1;
	v1 =	vadd.f32 v8, v4;
	v4 =	vld [tilespmem:s29+$0xA8C0]  }
0x209: {  	v8 =	vld [tilespmem:s29+$0xB8C0]  }
0x20a: {  	v0 =	vmul.f32 $2.500000000e-01, v0;
	v2 =	vadd.f32 v5, v3;
	v5 =	vld [tilespmem:s29+$0x88D0]  }
0x20b: {  	v9 =	vld [tilespmem:s29+$0x98D0]  }
.Ltmp2:
0x20c: {  	[tilespmem:s29+$0x128A0] =	vst v0;
	v1 =	vadd.f32 v2, v1;
	v6 =	vadd.f32 v7, v6;
	v0 =	vld [tilespmem:s29+$0xA8D0];
	(pc) =	sbr.rel @p0 .LBB2_7-.Ltmp2, $4  }
0x20d: {  	v2 =	vld [tilespmem:s29+$0xB8D0]  }
0x20e: {  	v7 =	vmul.f32 $2.500000000e-01, v1;
	v4 =	vadd.f32 v8, v4;
	v1 =	vld [tilespmem:s29+$0x88E0]  }
0x20f: {  	v3 =	vld [tilespmem:s29+$0x98E0]  }
0x210: {  	s31 =	sadd.s32 $0x400, s31;
	[tilespmem:s29+$0x128B0] =	vst v7;
	v6 =	vadd.f32 v4, v6;
	v5 =	vadd.f32 v9, v5;
	v4 =	vld [tilespmem:s29+$0xA8E0]  }
0x211: {  	v7 =	vld [tilespmem:s29+$0xB8E0];
	_ =	sdelay $0x3  }
0x212: {  	v0 =	vadd.f32 v2, v0  }
0x213: {  	v1 =	vadd.f32 v3, v1;
	v2 =	vadd.f32 v7, v4  }
0x214: {  	v0 =	vadd.f32 v0, v5  }
0x215: {  	v3 =	vmul.f32 $2.500000000e-01, v6;
	v1 =	vadd.f32 v2, v1  }
0x216: {  	v0 =	vmul.f32 $2.500000000e-01, v0  }
0x217: {  	[tilespmem:s29+$0x128C0] =	vst v3;
	v1 =	vmul.f32 $2.500000000e-01, v1  }
0x218: {  	[tilespmem:s29+$0x128D0] =	vst v0  }
0x219: {  	[tilespmem:s29+$0x128E0] =	vst v1  }
0x21a: {  	v0 =	vld [tilespmem:s28+$0xC8F0]  }
0x21b: {  	v1 =	vld [tilespmem:s28+$0xD8F0]  }
0x21c: {  	v2 =	vld [tilespmem:s28+$0xE8F0]  }
0x21d: {  	v3 =	vld [tilespmem:s28+$0xF8F0]  }
0x21e: {  	v4 =	vld [tilespmem:s28+$0xC800]  }
0x21f: {  	v5 =	vld [tilespmem:s28+$0xD800]  }
0x220: {  	v6 =	vld [tilespmem:s28+$0xE800]  }
0x221: {  	v7 =	vld [tilespmem:s28+$0xF800];
	_ =	sdelay $0x1  }
0x222: {  	v8 =	vld [tilespmem:s28+$0xC810]  }
0x223: {  	v0 =	vadd.f32 v1, v0;
	v1 =	vadd.f32 v3, v2;
	v2 =	vld [tilespmem:s28+$0xD810]  }
0x224: {  	v3 =	vld [tilespmem:s28+$0xE810];
	v4 =	vadd.f32 v5, v4  }
0x225: {  	v5 =	vadd.f32 v7, v6;
	v0 =	vadd.f32 v1, v0;
	v1 =	vld [tilespmem:s28+$0xF810]  }
0x226: {  	v9 =	vld [tilespmem:s28+$0xC820]  }
0x227: {  	v6 =	vld [tilespmem:s28+$0xD820];
	v4 =	vadd.f32 v5, v4;
	v0 =	vmul.f32 $2.500000000e-01, v0  }
0x228: {  	v7 =	vld [tilespmem:s28+$0xE820]  }
0x229: {  	v4 =	vmul.f32 $2.500000000e-01, v4;
	[tilespmem:s28+$0x138F0] =	vst v0;
	v0 =	vld [tilespmem:s28+$0xF820]  }
0x22a: {  	v5 =	vld [tilespmem:s28+$0xC830];
	v2 =	vadd.f32 v2, v8;
	v1 =	vadd.f32 v1, v3  }
0x22b: {  	[tilespmem:s28+$0x13800] =	vst v4;
	v4 =	vld [tilespmem:s28+$0xF830]  }
0x22c: {  	v3 =	vld [tilespmem:s28+$0xD830];
	v1 =	vadd.f32 v1, v2  }
0x22d: {  	v2 =	vld [tilespmem:s28+$0xE830]  }
0x22e: {  	v8 =	vld [tilespmem:s28+$0xC840];
	v6 =	vadd.f32 v6, v9;
	v1 =	vmul.f32 $2.500000000e-01, v1;
	v0 =	vadd.f32 v0, v7  }
0x22f: {  	v7 =	vld [tilespmem:s28+$0xD840]  }
0x230: {  	[tilespmem:s28+$0x13810] =	vst v1;
	v0 =	vadd.f32 v0, v6;
	v1 =	vld [tilespmem:s28+$0xE840]  }
0x231: {  	v6 =	vld [tilespmem:s28+$0xF840]  }
0x232: {  	v60 =	vld [tilespmem:s28+$0xC850];
	v3 =	vadd.f32 v3, v5;
	v2 =	vadd.f32 v4, v2;
	v0 =	vmul.f32 $2.500000000e-01, v0  }
0x233: {  	v4 =	vld [tilespmem:s28+$0xD850]  }
0x234: {  	[tilespmem:s28+$0x13820] =	vst v0;
	v0 =	vadd.f32 v2, v3;
	v2 =	vld [tilespmem:s28+$0xE850]  }
0x235: {  	v3 =	vld [tilespmem:s28+$0xF850]  }
0x236: {  	v5 =	vld [tilespmem:s28+$0xC860];
	v7 =	vadd.f32 v7, v8;
	v1 =	vadd.f32 v6, v1;
	v0 =	vmul.f32 $2.500000000e-01, v0  }
0x237: {  	v6 =	vld [tilespmem:s28+$0xD860]  }
0x238: {  	[tilespmem:s28+$0x13830] =	vst v0;
	v0 =	vadd.f32 v1, v7;
	v1 =	vld [tilespmem:s28+$0xE860]  }
0x239: {  	v7 =	vld [tilespmem:s28+$0xF860]  }
0x23a: {  	v8 =	vld [tilespmem:s28+$0xC870];
	v4 =	vadd.f32 v4, v60;
	v2 =	vadd.f32 v3, v2;
	v0 =	vmul.f32 $2.500000000e-01, v0  }
0x23b: {  	v3 =	vld [tilespmem:s28+$0xD870]  }
0x23c: {  	[tilespmem:s28+$0x13840] =	vst v0;
	v0 =	vadd.f32 v2, v4;
	v2 =	vld [tilespmem:s28+$0xE870]  }
0x23d: {  	v4 =	vld [tilespmem:s28+$0xF870]  }
0x23e: {  	v61 =	vld [tilespmem:s28+$0xC880];
	v5 =	vadd.f32 v6, v5;
	v1 =	vadd.f32 v7, v1;
	v0 =	vmul.f32 $2.500000000e-01, v0  }
0x23f: {  	v6 =	vld [tilespmem:s28+$0xD880]  }
0x240: {  	[tilespmem:s28+$0x13850] =	vst v0;
	v0 =	vadd.f32 v1, v5;
	v1 =	vld [tilespmem:s28+$0xE880]  }
0x241: {  	v5 =	vld [tilespmem:s28+$0xF880]  }
0x242: {  	v7 =	vld [tilespmem:s28+$0xC890];
	v3 =	vadd.f32 v3, v8;
	v2 =	vadd.f32 v4, v2;
	v0 =	vmul.f32 $2.500000000e-01, v0  }
0x243: {  	v4 =	vld [tilespmem:s28+$0xD890]  }
0x244: {  	[tilespmem:s28+$0x13860] =	vst v0;
	v0 =	vadd.f32 v2, v3;
	v2 =	vld [tilespmem:s28+$0xE890]  }
0x245: {  	v3 =	vld [tilespmem:s28+$0xF890]  }
0x246: {  	v62 =	vld [tilespmem:s28+$0xC8B0];
	v6 =	vadd.f32 v6, v61;
	v1 =	vadd.f32 v5, v1;
	v0 =	vmul.f32 $2.500000000e-01, v0  }
0x247: {  	v8 =	vld [tilespmem:s28+$0xC8A0]  }
0x248: {  	v5 =	vld [tilespmem:s28+$0xD8A0];
	[tilespmem:s28+$0x13870] =	vst v0;
	v0 =	vadd.f32 v1, v6  }
0x249: {  	v1 =	vld [tilespmem:s28+$0xE8A0]  }
0x24a: {  	v4 =	vadd.f32 v4, v7;
	v6 =	vld [tilespmem:s28+$0xF8A0];
	v2 =	vadd.f32 v3, v2;
	v0 =	vmul.f32 $2.500000000e-01, v0  }
0x24b: {  	v3 =	vld [tilespmem:s28+$0xD8B0]  }
0x24c: {  	[tilespmem:s28+$0x13880] =	vst v0;
	v0 =	vadd.f32 v2, v4;
	v2 =	vld [tilespmem:s28+$0xE8B0]  }
0x24d: {  	v4 =	vld [tilespmem:s28+$0xF8B0]  }
0x24e: {  	v7 =	vld [tilespmem:s28+$0xC8C0]  }
0x24f: {  	v5 =	vadd.f32 v5, v8;
	v8 =	vld [tilespmem:s28+$0xF8C0];
	v1 =	vadd.f32 v6, v1;
	v0 =	vmul.f32 $2.500000000e-01, v0  }
0x250: {  	v6 =	vld [tilespmem:s28+$0xD8C0]  }
0x251: {  	[tilespmem:s28+$0x13890] =	vst v0;
	v0 =	vadd.f32 v1, v5;
	v5 =	vld [tilespmem:s28+$0xE8C0]  }
0x252: {  	v10 =	vld [tilespmem:s28+$0xC8D0];
	v1 =	vadd.f32 v3, v62;
	v2 =	vadd.f32 v4, v2  }
0x253: {  	v4 =	vld [tilespmem:s28+$0xD8D0];
	v0 =	vmul.f32 $2.500000000e-01, v0  }
0x254: {  	v1 =	vadd.f32 v2, v1;
	v2 =	vld [tilespmem:s28+$0xF8D0]  }
0x255: {  	[tilespmem:s28+$0x138A0] =	vst v0;
	v0 =	vld [tilespmem:s28+$0xE8D0]  }
0x256: {  	v3 =	vld [tilespmem:s28+$0xD8E0];
	v6 =	vadd.f32 v6, v7;
	v63 =	vmul.f32 $2.500000000e-01, v1;
	v5 =	vadd.f32 v8, v5  }
0x257: {  	v1 =	vld [tilespmem:s28+$0xC8E0]  }
0x258: {  	s30 =	simm.s32 $0x400;
	s29 =	simm.s32 $0x0;
	[tilespmem:s28+$0x138B0] =	vst v63;
	v6 =	vadd.f32 v5, v6;
	v5 =	vadd.f32 v4, v10;
	v4 =	vld [tilespmem:s28+$0xE8E0]  }
.LBB2_9:
0x259: {  	s0 =	sshra.s32 s30, $0x2;
	v7 =	vld [tilespmem:s28+$0xF8E0]  }
0x25a: {  	v8 =	vld [tilespmem:s0+$0xC8F0];
	v6 =	vmul.f32 $2.500000000e-01, v6;
	v0 =	vadd.f32 v2, v0  }
0x25b: {  	v2 =	vld [tilespmem:s0+$0xD8F0]  }
0x25c: {  	s29 =	sadd.s32 $0x8, s29;
	v9 =	vld [tilespmem:s0+$0xE8F0];
	[tilespmem:s28+$0x138C0] =	vst v6;
	v0 =	vadd.f32 v0, v5;
	v1 =	vadd.f32 v3, v1  }
0x25d: {  	p0 =	slt.u32 s29, $0x78;
	v3 =	vld [tilespmem:s0+$0xF8F0]  }
0x25e: {  	v5 =	vld [tilespmem:s0+$0xC800];
	v0 =	vmul.f32 $2.500000000e-01, v0;
	v4 =	vadd.f32 v7, v4  }
0x25f: {  	v6 =	vld [tilespmem:s0+$0xD800]  }
0x260: {  	v7 =	vld [tilespmem:s0+$0xE800];
	[tilespmem:s28+$0x138D0] =	vst v0;
	v0 =	vadd.f32 v4, v1  }
0x261: {  	v1 =	vld [tilespmem:s0+$0xF800]  }
0x262: {  	v2 =	vadd.f32 v2, v8;
	v4 =	vld [tilespmem:s0+$0xC810];
	v3 =	vadd.f32 v3, v9;
	v0 =	vmul.f32 $2.500000000e-01, v0  }
0x263: {  	v8 =	vld [tilespmem:s0+$0xD810]  }
0x264: {  	v5 =	vadd.f32 v6, v5;
	v6 =	vld [tilespmem:s0+$0xE810];
	v2 =	vadd.f32 v3, v2;
	[tilespmem:s28+$0x138E0] =	vst v0;
	s28 =	smov.u32 s0  }
0x265: {  	v0 =	vld [tilespmem:s28+$0xF810]  }
0x266: {  	v1 =	vadd.f32 v1, v7;
	v3 =	vld [tilespmem:s28+$0xC820];
	v2 =	vmul.f32 $2.500000000e-01, v2  }
0x267: {  	v7 =	vld [tilespmem:s28+$0xD820]  }
0x268: {  	v1 =	vadd.f32 v1, v5;
	v4 =	vadd.f32 v8, v4;
	v5 =	vld [tilespmem:s28+$0xE820];
	[tilespmem:s28+$0x138F0] =	vst v2  }
0x269: {  	v2 =	vld [tilespmem:s28+$0xF820]  }
0x26a: {  	v1 =	vmul.f32 $2.500000000e-01, v1;
	v0 =	vadd.f32 v0, v6;
	v6 =	vld [tilespmem:s28+$0xC830]  }
0x26b: {  	v8 =	vld [tilespmem:s28+$0xD830]  }
0x26c: {  	[tilespmem:s28+$0x13800] =	vst v1;
	v0 =	vadd.f32 v0, v4;
	v1 =	vadd.f32 v7, v3;
	v3 =	vld [tilespmem:s28+$0xE830]  }
0x26d: {  	v4 =	vld [tilespmem:s28+$0xF830]  }
0x26e: {  	v0 =	vmul.f32 $2.500000000e-01, v0;
	v2 =	vadd.f32 v2, v5;
	v5 =	vld [tilespmem:s28+$0xC840]  }
0x26f: {  	v7 =	vld [tilespmem:s28+$0xD840]  }
0x270: {  	[tilespmem:s28+$0x13810] =	vst v0;
	v0 =	vadd.f32 v2, v1;
	v1 =	vadd.f32 v8, v6;
	v2 =	vld [tilespmem:s28+$0xE840]  }
0x271: {  	v6 =	vld [tilespmem:s28+$0xF840]  }
0x272: {  	v0 =	vmul.f32 $2.500000000e-01, v0;
	v3 =	vadd.f32 v4, v3;
	v4 =	vld [tilespmem:s28+$0xC850]  }
0x273: {  	v8 =	vld [tilespmem:s28+$0xD850]  }
0x274: {  	[tilespmem:s28+$0x13820] =	vst v0;
	v0 =	vadd.f32 v3, v1;
	v1 =	vadd.f32 v7, v5;
	v3 =	vld [tilespmem:s28+$0xE850]  }
0x275: {  	v5 =	vld [tilespmem:s28+$0xF850]  }
0x276: {  	v0 =	vmul.f32 $2.500000000e-01, v0;
	v2 =	vadd.f32 v6, v2;
	v6 =	vld [tilespmem:s28+$0xC860]  }
0x277: {  	v7 =	vld [tilespmem:s28+$0xD860]  }
0x278: {  	[tilespmem:s28+$0x13830] =	vst v0;
	v0 =	vadd.f32 v2, v1;
	v1 =	vadd.f32 v8, v4;
	v2 =	vld [tilespmem:s28+$0xE860]  }
0x279: {  	v4 =	vld [tilespmem:s28+$0xF860]  }
0x27a: {  	v0 =	vmul.f32 $2.500000000e-01, v0;
	v3 =	vadd.f32 v5, v3;
	v5 =	vld [tilespmem:s28+$0xC870]  }
0x27b: {  	v8 =	vld [tilespmem:s28+$0xD870]  }
0x27c: {  	[tilespmem:s28+$0x13840] =	vst v0;
	v0 =	vadd.f32 v3, v1;
	v1 =	vadd.f32 v7, v6;
	v3 =	vld [tilespmem:s28+$0xE870]  }
0x27d: {  	v6 =	vld [tilespmem:s28+$0xF870]  }
0x27e: {  	v0 =	vmul.f32 $2.500000000e-01, v0;
	v2 =	vadd.f32 v4, v2;
	v4 =	vld [tilespmem:s28+$0xC880]  }
0x27f: {  	v7 =	vld [tilespmem:s28+$0xD880]  }
0x280: {  	[tilespmem:s28+$0x13850] =	vst v0;
	v0 =	vadd.f32 v2, v1;
	v1 =	vadd.f32 v8, v5;
	v2 =	vld [tilespmem:s28+$0xE880]  }
0x281: {  	v5 =	vld [tilespmem:s28+$0xF880]  }
0x282: {  	v0 =	vmul.f32 $2.500000000e-01, v0;
	v3 =	vadd.f32 v6, v3;
	v6 =	vld [tilespmem:s28+$0xC890]  }
0x283: {  	v8 =	vld [tilespmem:s28+$0xD890]  }
0x284: {  	[tilespmem:s28+$0x13860] =	vst v0;
	v0 =	vadd.f32 v3, v1;
	v1 =	vadd.f32 v7, v4;
	v3 =	vld [tilespmem:s28+$0xE890]  }
0x285: {  	v4 =	vld [tilespmem:s28+$0xF890]  }
0x286: {  	v0 =	vmul.f32 $2.500000000e-01, v0;
	v2 =	vadd.f32 v5, v2;
	v5 =	vld [tilespmem:s28+$0xC8A0]  }
0x287: {  	v7 =	vld [tilespmem:s28+$0xD8A0]  }
0x288: {  	[tilespmem:s28+$0x13870] =	vst v0;
	v0 =	vadd.f32 v2, v1;
	v1 =	vadd.f32 v8, v6;
	v2 =	vld [tilespmem:s28+$0xE8A0]  }
0x289: {  	v6 =	vld [tilespmem:s28+$0xF8A0]  }
0x28a: {  	v0 =	vmul.f32 $2.500000000e-01, v0;
	v3 =	vadd.f32 v4, v3;
	v4 =	vld [tilespmem:s28+$0xC8B0]  }
0x28b: {  	v8 =	vld [tilespmem:s28+$0xD8B0]  }
0x28c: {  	[tilespmem:s28+$0x13880] =	vst v0;
	v0 =	vadd.f32 v3, v1;
	v1 =	vadd.f32 v7, v5;
	v3 =	vld [tilespmem:s28+$0xE8B0]  }
0x28d: {  	v5 =	vld [tilespmem:s28+$0xF8B0]  }
0x28e: {  	v0 =	vmul.f32 $2.500000000e-01, v0;
	v2 =	vadd.f32 v6, v2;
	v6 =	vld [tilespmem:s28+$0xC8C0]  }
0x28f: {  	v7 =	vld [tilespmem:s28+$0xD8C0]  }
0x290: {  	[tilespmem:s28+$0x13890] =	vst v0;
	v0 =	vadd.f32 v2, v1;
	v1 =	vadd.f32 v8, v4;
	v4 =	vld [tilespmem:s28+$0xE8C0]  }
0x291: {  	v8 =	vld [tilespmem:s28+$0xF8C0]  }
0x292: {  	v0 =	vmul.f32 $2.500000000e-01, v0;
	v2 =	vadd.f32 v5, v3;
	v5 =	vld [tilespmem:s28+$0xC8D0]  }
0x293: {  	v9 =	vld [tilespmem:s28+$0xD8D0]  }
.Ltmp3:
0x294: {  	[tilespmem:s28+$0x138A0] =	vst v0;
	v1 =	vadd.f32 v2, v1;
	v6 =	vadd.f32 v7, v6;
	v0 =	vld [tilespmem:s28+$0xE8D0];
	(pc) =	sbr.rel @p0 .LBB2_9-.Ltmp3, $4  }
0x295: {  	v2 =	vld [tilespmem:s28+$0xF8D0]  }
0x296: {  	v7 =	vmul.f32 $2.500000000e-01, v1;
	v4 =	vadd.f32 v8, v4;
	v1 =	vld [tilespmem:s28+$0xC8E0]  }
0x297: {  	v3 =	vld [tilespmem:s28+$0xD8E0]  }
0x298: {  	s30 =	sadd.s32 $0x400, s30;
	[tilespmem:s28+$0x138B0] =	vst v7;
	v6 =	vadd.f32 v4, v6;
	v5 =	vadd.f32 v9, v5;
	v4 =	vld [tilespmem:s28+$0xE8E0]  }
0x299: {  	v7 =	vld [tilespmem:s28+$0xF8E0];
	_ =	sdelay $0x3  }
0x29a: {  	v0 =	vadd.f32 v2, v0  }
0x29b: {  	v1 =	vadd.f32 v3, v1;
	v62 =	vadd.f32 v7, v4  }
0x29c: {  	s25 =	sadd.s32 $0x1, s25;
	v0 =	vadd.f32 v0, v5  }
0x29d: {  	v63 =	vmul.f32 $2.500000000e-01, v6;
	p0 =	sne.s32 s25, $0x32;
	v1 =	vadd.f32 v62, v1  }
.Ltmp4:
0x29e: {  	v0 =	vmul.f32 $2.500000000e-01, v0;
	(pc) =	sbr.rel @p0 .LBB2_2-.Ltmp4, $4  }
0x29f: {  	[tilespmem:s28+$0x138C0] =	vst v63;
	v1 =	vmul.f32 $2.500000000e-01, v1  }
0x2a0: {  	[tilespmem:s28+$0x138D0] =	vst v0  }
0x2a1: {  	s0 =	sadd.s32 s26, s14;
	[tilespmem:s28+$0x138E0] =	vst v1  }
0x2a2: {  	[hbm4b:s0+s17] =	stream.strided.scatter [tilespmem:s23], [sflag:$0x6], $0x2000, s18, s17, $0x38;
	[tilespmem:$0x14800] =	vst v63  }
0x2a3: {  	s0 =	simm.s32 $0x5  }
0x2a4: {  	_ =	swait.ge [sflag:s0], $0x2000  }
0x2a5: {  	[sflag:s0] =	ssyncset.done $0x0  }
0x2a6: {  	[sflag:s0] =	ssyncadd.s32 $0xFFFFE000  }
0x2a7: {  	_ =	swait.ge [sflag:s24], $0x2000  }
0x2a8: {  	s25 =	rddreg [dreg:$0x6]  }
0x2a9: {  	s31 =	rddreg [dreg:$0x5];
	s25 =	sadd.s32 $0x1, s25  }
0x2aa: {  	p0 =	sne.s32 s25, s31  }
.Ltmp5:
0x2ab: {  	_ = 	snop;
	(pc) =	sbr.rel @p0 .LBB2_1-.Ltmp5, $3  }
0x2ac: {  	_ =	sdelay $0x1  }
0x2ad: {  	[sflag:s24] =	ssyncset.done $0x0  }
0x2ae: {  	[sflag:s24] =	ssyncadd.s32 $0xFFFFE000  }
0x2af: {  	_ =	sfence.sel $0x180000  }
0x2b0: {  	[bflag:$0x0] =	sbarrier.arrive $0xFFFF  }
0x2b1: {  	_ =	strace $0x90000047  }
0x2b2: {  	s0 =	stileid.u32;
	[bflag:$0x2] =	sbarrier.arrive $0xFFFF  }
0x2b3: {  	p0 =	sne.s32 s0, $0x0;
	s0 =	rddreg [dreg:$0x2]  }
0x2b4: {  	s0 =	sadd.s32 @!p0 $0x100000, s0  }
0x2b5: {  	[sflag:s0] =	ssyncadd.tile.s32 @!p0 $0x1;
	_ =	shalt  }
.Lfunc_end2:
_tile_overlayer_lowered:
.L_overlay_start_2:
0x2b6: {  	(tag) =	ssettag $0x2  }
0x2b7: {  	s0 =	rddreg [dreg:$0x0];
	s2 =	stileid.u32  }
0x2b8: {  	s1 =	rddreg [dreg:$0x1];
	p0 =	sne.s32 s2, $0x0  }
0x2b9: {  	s3 =	rddreg [dreg:$0x2];
	[bflag:$0x3] =	sbarrier.arrive $0xFFFF;
	s2 =	simm.s32 @!p0 $0x1C07  }
0x2ba: {  	[timem:s3], [sflag:s2] =	dma.local @!p0 [hbm:s0], s1  }
0x2bb: {  	s0 =	simm.s32 @!p0 $0x7  }
0x2bc: {  	_ =	swait.ge @!p0 [sflag:s0], s1  }
0x2bd: {  	s1 =	ssub.s32 @!p0 $0x0, s1;
	[sflag:s0] =	ssyncset.done @!p0 $0x0  }
0x2be: {  	[sflag:s0] =	ssyncadd.s32 @!p0 s1  }
0x2bf: {  	[bflag:$0x3] =	sbarrier.arrive $0xFFFF  }
0x2c0: {  	_ =	shalt  }

// kernel: sparse-core-data-format-call.cloned.1.call-start
scs
called_computation_lowered:
.L_overlay_start_0:
0x0: {  	s2 =	sld [smem:$0x3FD9]  }
0x1: {  	s3 =	sld [smem:$0x3FFE];
	_ =	sdelay $0x1  }
0x2: {  	s1 =	srdreg.scid  }
0x3: {  	s0 =	sand.u32 $0x1, s1  }
0x4: {  	s18 =	sshll.u32 s0, $0xA;
	s2 =	sadd.s32 s3, s2  }
0x5: {  	s2 =	sadd.s32 s2, s18  }
0x6: {  	[smem:$0x3FC3] =	sst s2  }
0x7: {  	_ = 	snop  }
0x8: {  	s2 =	sld [smem:$0x3FD0];
	(tm) =	ssettm $0x1  }
0x9: {  	s19 =	sld [smem:$0x3FFB];
	_ =	sdelay $0x3  }
0xa: {  	_ =	strace s19  }
0xb: {  	s3 =	sld [smem:$0x3FFC];
	_ =	sdelay $0x3  }
0xc: {  	_ =	strace s3  }
0xd: {  	s3 =	sld [smem:$0x3FFD];
	_ =	sdelay $0x3  }
0xe: {  	_ =	strace s3  }
0xf: {  	_ =	strace $0x8FFFFFFF  }
0x10: {  	s20 =	sld [smem:$0x3FDB];
	_ =	sdelay $0x1  }
0x11: {  	s4 =	simm.s32 $_scs_section_size  }
0x12: {  	s5 =	simm.s32 $_size__tile_overlayer_lowered;
	s6 =	simm.s32 $_tile_overlayer_lowered  }
0x13: {  	s23 =	simm.s32 $0x1BFF;
	s22 =	sshll.u32 s6, $0x1;
	s3 =	sadd.s32 s4, s20  }
0x14: {  	s7 =	simm.s32 $0x0;
	s21 =	sshll.u32 s5, $0x1;
	s5 =	sadd.s32 s22, s3  }
0x15: {  	[timem:s7], [sflag:s23] =	dma.local [hbm:s5], s21  }
0x16: {  	_ =	swait.ge [sflag:s23], s21  }
0x17: {  	s4 =	ssub.s32 $0x0, s21;
	[sflag:s23] =	ssyncset.done $0x0  }
0x18: {  	[sflag:s23] =	ssyncadd.s32 s4;
	_ =	sdelay $0x1  }
0x19: {  	s24 =	simm.s32 $0x1B8B  }
0x1a: {  	_ =	swait.ge [sflag:s24], $0x1  }
0x1b: {  	[sflag:s24] =	ssyncset.done $0x0  }
0x1c: {  	s26 =	simm.s32 $0x1B8E;
	s25 =	sld [smem:$0x3FFE];
	[sflag:s24] =	ssyncadd.s32 $0xFFFFFFFF  }
0x1d: {  	s27 =	simm.s32 $execute0_lowered;
	[smem:$0x3FD2] =	sst s26  }
0x1e: {  	s5 =	sshll.u32 s27, $0x1;
	_ =	strace $0x80000049;
	[dreg:$0x1] =	wrdreg $0xFFFFFFFF  }
0x1f: {  	s28 =	simm.s32 $_size_execute0_lowered;
	s3 =	sadd.s32 s3, s5;
	[dreg:$0x0] =	wrdreg $0x0  }
0x20: {  	s5 =	sshll.u32 s28, $0x1;
	[dreg:$0x2] =	wrdreg s3  }
0x21: {  	[dreg:$0x3] =	wrdreg s5  }
0x22: {  	[dreg:$0x4] =	wrdreg $0xC0  }
0x23: {  	_ =	task [dreg:s7], $0x5FFFF  }
0x24: {  	[dreg:$0x1] =	wrdreg $0xFFFFFFFF  }
0x25: {  	[dreg:$0x0] =	wrdreg $0x60  }
0x26: {  	[dreg:$0x2] =	wrdreg s25  }
0x27: {  	[dreg:$0x3] =	wrdreg s2  }
0x28: {  	[dreg:$0x4] =	wrdreg $0x9  }
0x29: {  	_ =	task.clear_ibuf [dreg:s7], $0x5FFFF;
	_ =	strace $0x90000049  }
0x2a: {  	s29 =	simm.s32 $0x9;
	_ =	strace $0x8000004B  }
0x2b: {  	_ =	swait.ge [sflag:s29], $0x1  }
0x2c: {  	[sflag:s29] =	ssyncadd.s32 $0xFFFFFFFF  }
0x2d: {  	_ =	strace $0x9000004B  }
0x2e: {  	_ =	sfence  }
0x2f: {  	s30 =	sld [smem:$0x0];
	_ =	sdelay $0x2  }
0x30: {  	s31 =	sshll.u32 s1, $0xD;
	s1 =	sshrl.u32 s1, $0x2  }
0x31: {  	s3 =	sand.u32 $0x4000, s31;
	s1 =	sadd.s32 s1, s30  }
0x32: {  	s0 =	sor.u32 s3, s0;
	s1 =	sshll.u32 s1, $0x11  }
0x33: {  	s0 =	sor.u32 s1, s0  }
0x34: {  	s0 =	sadd.s32 $0x8F2B, s0  }
0x35: {  	[sflag:s0] =	ssyncadd.remote.s32 $0x1  }
0x36: {  	_ =	sfence.sel $0xFFFF  }
0x37: {  	[dreg:$0x0] =	wrdreg $0xFFFFFFFF;
	(pc) =	sbr.abs _section_cstart, $3  }
0x38: {  	[dreg:$0x1] =	wrdreg $0xFFFFFFFF  }
0x39: {  	_ =	task.clear_ibuf [dreg:s7], $0x2FFFF;
	_ =	strace $0x9FFFFFFF  }
0x3a: {  	(tm) =	ssettm $0x7FFFFFFF  }
0x3b: {  	_ =	shalt  }
tec
execute0_lowered:
.L_overlay_start_1:
0x0: {  	(tag) =	ssettag $0x1  }
0x1: {  	s0 =	srdreg.scid;
	s5 =	rddreg [dreg:$0x0]  }
0x2: {  	s2 =	rddreg [dreg:$0x1];
	s1 =	sshll.u32 s0, $0x4  }
0x3: {  	s9 =	simm.s32 $0x2;
	s0 =	stileid.u32;
	s1 =	sand.u32 $0x10, s1  }
0x4: {  	s15 =	simm.s32 $0x0;
	s11 =	simm.s32 $0x400;
	s4 =	sor.u32 s0, s1  }
0x5: {  	s12 =	simm.s32 $0x8000;
	s16 =	simm.s32 $0x0;
	s3 =	sshll.u32 s4, $0x7  }
0x6: {  	s13 =	simm.s32 $0x0;
	s1 =	rddreg [dreg:$0x2];
	s6 =	ssub.s32 $0x1000, s3  }
0x7: {  	_ =	strace $0x8000004A;
	s8 =	sshll.u32 s4, $0xB;
	s7 =	sand.u32 $0xF80, s6  }
0x8: {  	s4 =	simm.s32 $0x1;
	p0 =	sne.s32 s7, $0x0;
	s7 =	simm.s32 $0x1  }
.Ltmp0:
0x9: {  	s6 =	sshrl.u32 s6, $0xC;
	s7 =	simm.s32 @!p0 $0x0;
	(pc) =	sbr.rel .LBB1_1-.Ltmp0, $4  }
0xa: {  	s14 =	simm.s32 $0x0;
	[sflag:s4] =	ssyncpa.u1 $0x0;
	s6 =	sadd.s32 s7, s6  }
0xb: {  	s10 =	sadd.s32 s8, s5;
	[sflag:s9] =	ssyncpa.u1 $0x0;
	s5 =	smul.u32 $0x32, s6  }
0xc: {  	s8 =	sadd.s32 $0x23A00, s10;
	s9 =	sadd.s32 $0x33A00, s10;
	p0 =	por $0x0, $0x0  }
0xd: {  	s7 =	sadd.s32 $0x13A00, s10;
	s6 =	sadd.s32 $0x3A00, s10;
	s10 =	sor.u32 $0x1, s5  }
.LBB1_7:
0xe: {  	s17 =	sadd.s32 $0x4, s13  }
0xf: {  	p2 =	sgt.s32 s17, $0xC7  }
0x10: {  	s17 =	simm.s32 @p2 $0x0;
	p2 =	sne.s32 s14, s10  }
.Ltmp1:
0x11: {  	p1 =	slt.u32 s14, $0x2;
	(pc) =	sbr.rel @!p2 .LBB1_8-.Ltmp1, $4  }
0x12: {  	s15 =	simm.s32 @!p1 $0x2  }
0x13: {  	s18 =	sadd.s32 $0x1, s14;
	s16 =	smov.u32 s13;
	_ =	swait.ge @!p1 [sflag:s15], $0x4000  }
0x14: {  	p0 =	por !p0, !p0;
	s14 =	smov.u32 s18;
	[sflag:s15] =	ssyncset.done @!p1 $0x0  }
0x15: {  	s13 =	smov.u32 s17;
	[sflag:s15] =	ssyncadd.s32 @!p1 $0xFFFFC000;
	s15 =	smov.u32 s3  }
.LBB1_1:
0x16: {  	p1 =	sge.u32 s14, s5  }
0x17: {  	s17 =	sxor.u32 @!p1 $0xFFFFFFFF, s14  }
0x18: {  	s18 =	sshll.u32 @!p1 s13, $0x10;
	s20 =	simm.s32 @!p1 $0x20;
	s17 =	sshll.u32 @!p1 s17, $0xE  }
0x19: {  	s21 =	simm.s32 @!p1 $0x80;
	s19 =	sadd.s32 @!p1 s18, s6;
	s17 =	sand.u32 @!p1 $0x4000, s17  }
0x1a: {  	[tilespmem:s17], [sflag:$0x1] =	stream.strided.gather @!p1 [hbm4b:s19+s20], $0x1000, s21, s20, $0x38;
	[tilespmem:$0x10100] =	vst v63  }
0x1b: {  	s19 =	sadd.s32 @!p1 s18, s7;
	s22 =	sor.u32 @!p1 $0x1000, s17  }
0x1c: {  	[tilespmem:s22], [sflag:$0x1] =	stream.strided.gather @!p1 [hbm4b:s19+s20], $0x1000, s21, s20, $0x38;
	[tilespmem:$0x10100] =	vst v63  }
0x1d: {  	s19 =	sadd.s32 @!p1 s18, s8;
	s22 =	sor.u32 @!p1 $0x2000, s17  }
0x1e: {  	[tilespmem:s22], [sflag:$0x1] =	stream.strided.gather @!p1 [hbm4b:s19+s20], $0x1000, s21, s20, $0x38;
	[tilespmem:$0x10100] =	vst v63  }
0x1f: {  	s31 =	sadd.s32 $0xFFFFFFFF, s14;
	s18 =	sadd.s32 @!p1 s18, s9;
	s17 =	sor.u32 @!p1 $0x3000, s17  }
0x20: {  	[tilespmem:s17], [sflag:$0x1] =	stream.strided.gather @!p1 [hbm4b:s18+s20], $0x1000, s21, s20, $0x38;
	[tilespmem:$0x10100] =	vst v63  }
0x21: {  	p1 =	sge.u32 s31, s5  }
.Ltmp2:
0x22: {  	_ = 	snop;
	(pc) =	sbr.rel @p1 .LBB1_7-.Ltmp2, $1  }
0x23: {  	_ =	sdelay $0x3  }
0x24: {  	s18 =	simm.s32 $0x1;
	s19 =	sand.u32 $0x1, s14  }
0x25: {  	_ =	swait.ge [sflag:s4], $0x4000;
	s18 =	simm.s32 @!p0 $0x0;
	s20 =	smul.u32 $0x10200, s19  }
0x26: {  	[sflag:s4] =	ssyncset.done $0x0;
	s17 =	smul.u32 $0x10200, s18  }
0x27: {  	s18 =	sshll.u32 s18, $0xE;
	[sflag:s4] =	ssyncadd.s32 $0xFFFFC000  }
0x28: {  	s19 =	sor.u32 $0x10, s18;
	s31 =	sshrl.u32 s20, $0x2;
	s17 =	sshrl.u32 s17, $0x2  }
0x29: {  	s20 =	simm.s32 $0x0;
	s18 =	sor.u32 $0x8000, s31;
	s17 =	sor.u32 $0x8000, s17  }
.LBB1_3:
0x2a: {  	v1 =	vld [tilespmem:s19+$0x0]  }
0x2b: {  	v0 =	vld [tilespmem:s19+$0xFFFFFFF0];
	_ =	sdelay $0x2  }
0x2c: {  	s23 =	sadd.s32 $0x0, s17  }
0x2d: {  	s21 =	simm.s32 $0x4;
	s22 =	sadd.s32 $0x20, s19;
	[tilespmem:s23+$0x810 ss:$0x81] =	vst.msk $0xffff, v1  }
.LBB1_4:
0x2e: {  	v1 =	vld [tilespmem:s22+$0x0];
	p1 =	sne.s32 s21, $0x1FC;
	[tilespmem:s23+$0x0 ss:$0x81] =	vst.msk $0xffff, v0;
	s23 =	smov.u32 s21;
	s21 =	sadd.s32 $0x4, s21  }
.Ltmp3:
0x2f: {  	v0 =	vld [tilespmem:s22+$0xFFFFFFF0];
	(pc) =	sbr.rel @p1 .LBB1_4-.Ltmp3, $4  }
0x30: {  	_ = 	snop  }
0x31: {  	s23 =	sshra.s32 s23, $0x2  }
0x32: {  	s23 =	sadd.s32 s23, s17  }
0x33: {  	s22 =	sadd.s32 $0x20, s22;
	[tilespmem:s23+$0x810 ss:$0x81] =	vst.msk $0xffff, v1  }
0x34: {  	s20 =	sadd.s32 $0x1, s20  }
0x35: {  	p1 =	sne.s32 s20, $0x4  }
.Ltmp4:
0x36: {  	_ = 	snop;
	(pc) =	sbr.rel @p1 .LBB1_3-.Ltmp4, $2  }
0x37: {  	_ =	sdelay $0x2  }
0x38: {  	[tilespmem:s23+$0x0 ss:$0x81] =	vst.msk $0xffff, v0;
	s17 =	sadd.s32 $0x1020, s17;
	s19 =	sadd.s32 $0x1000, s19  }
.Ltmp5:
0x39: {  	(pc) =	sbr.rel .LBB1_7-.Ltmp5, $4  }
0x3a: {  	s16 =	sshll.u32 s16, $0xE  }
0x3b: {  	s16 =	sadd.s32 s2, s16  }
0x3c: {  	s15 =	sadd.s32 s15, s16  }
0x3d: {  	[hbm4b:s15+s11] =	stream.strided.scatter [tilespmem:s18], [sflag:$0x2], $0x4000, s12, s11, $0x20;
	[tilespmem:$0x10100] =	vst v63  }
.LBB1_8:
0x3e: {  	_ =	sfence.sel $0x180000  }
0x3f: {  	s2 =	simm.s32 $0x1;
	[bflag:$0x0] =	sbarrier.arrive $0xFFFF  }
0x40: {  	s31 =	simm.s32 $0x2;
	[sflag:s2] =	ssyncpa.u1 $0x1  }
0x41: {  	[sflag:s31] =	ssyncpa.u1 $0x1  }
0x42: {  	p0 =	sne.s32 s0, $0x0;
	_ =	strace $0x9000004A  }
0x43: {  	s0 =	sadd.s32 @!p0 $0x100000, s1;
	[bflag:$0x2] =	sbarrier.arrive $0xFFFF  }
0x44: {  	[sflag:s0] =	ssyncadd.tile.s32 @!p0 $0x1;
	_ =	shalt  }
.Lfunc_end1:
_tile_overlayer_lowered:
.L_overlay_start_2:
0x45: {  	(tag) =	ssettag $0x2  }
0x46: {  	s0 =	rddreg [dreg:$0x0];
	s2 =	stileid.u32  }
0x47: {  	s1 =	rddreg [dreg:$0x1];
	p0 =	sne.s32 s2, $0x0  }
0x48: {  	s3 =	rddreg [dreg:$0x2];
	[bflag:$0x3] =	sbarrier.arrive $0xFFFF;
	s2 =	simm.s32 @!p0 $0x1C01  }
0x49: {  	[timem:s3], [sflag:s2] =	dma.local @!p0 [hbm:s0], s1  }
0x4a: {  	s0 =	simm.s32 @!p0 $0x1  }
0x4b: {  	_ =	swait.ge @!p0 [sflag:s0], s1  }
0x4c: {  	s1 =	ssub.s32 @!p0 $0x0, s1;
	[sflag:s0] =	ssyncset.done @!p0 $0x0  }
0x4d: {  	[sflag:s0] =	ssyncadd.s32 @!p0 s1  }
0x4e: {  	[bflag:$0x3] =	sbarrier.arrive $0xFFFF  }
0x4f: {  	_ =	shalt  }

</sc_bundles>
